<compile_context>
chip_gen: v7x
topology: tpu7x:2x2x1
jax: 0.10.2.dev20260603
libtpu: 0.0.44.dev20260713+nightly
codegen_flags: <defaults>
</compile_context>

<pallas_src>
import functools

import jax
import jax.numpy as jnp
from jax import lax
from jax.experimental import pallas as pl
from jax.experimental.pallas import tpu as pltpu
from jax.experimental.pallas import tpu_sc as plsc

NC, NS, L = 2, 16, 16
NW = NC * NS
N = 50000
NPAD = 50176
SPAN = NPAD // NW
E = 1600000
GROUPS = 4
TPG = NW // GROUPS
EPT = E // TPG
C = 2000
NCHUNK = EPT // C


def _mesh():
    return plsc.VectorSubcoreMesh(core_axis_name="c", subcore_axis_name="s")


def _wid():
    return lax.axis_index("s") * NC + lax.axis_index("c")


def _prow(par_v, row):
    return par_v[pl.ds(row * L, L)]


def _edge_pass(table, src, dst, attrs, params, grouped_table):

    @functools.partial(
        pl.kernel,
        mesh=_mesh(),
        compiler_params=pltpu.CompilerParams(needs_layout_passes=False),
        out_type=jax.ShapeDtypeStruct((NW * NPAD,), jnp.float32),
        scratch_types=[
            pltpu.VMEM((NPAD,), jnp.float32),
            pltpu.VMEM((NPAD,), jnp.float32),
            pltpu.VMEM((2 * C,), jnp.int32),
            pltpu.VMEM((2 * C,), jnp.int32),
            pltpu.VMEM((2 * 3 * C,), jnp.float32),
            pltpu.VMEM((16 * L,), jnp.float32),
            pltpu.SemaphoreType.DMA,
            pltpu.SemaphoreType.DMA,
        ],
    )
    def body(table_h, src_h, dst_h, a0_h, a1_h, a2_h, par_h, out_h,
             tab_v, acc_v, src_v, dst_v, attr_v, par_v, sem0, sem1):
        wid = _wid()
        g = wid // TPG
        t = wid % TPG
        pltpu.sync_copy(par_h, par_v)
        if grouped_table:
            pltpu.sync_copy(table_h.at[pl.ds(g * NPAD, NPAD)], tab_v)
        else:
            pltpu.sync_copy(table_h, tab_v)

        zeros16 = jnp.zeros((L,), jnp.float32)

        def zero_body(i, c):
            acc_v[pl.ds(i * L, L)] = zeros16
            return c

        lax.fori_loop(0, NPAD // L, zero_body, 0)

        wk0 = _prow(par_v, 3 * g)
        wk1 = _prow(par_v, 3 * g + 1)
        wk2 = _prow(par_v, 3 * g + 2)
        bk = _prow(par_v, 12 + g)
        ebase = t * EPT
        sems = (sem0, sem1)

        def chunk_copies(ci, slot):
            base = ebase + ci * C
            so = slot * C
            ao = slot * 3 * C
            return [
                (src_h.at[pl.ds(base, C)], src_v.at[pl.ds(so, C)]),
                (dst_h.at[pl.ds(base, C)], dst_v.at[pl.ds(so, C)]),
                (a0_h.at[pl.ds(base, C)], attr_v.at[pl.ds(ao, C)]),
                (a1_h.at[pl.ds(base, C)], attr_v.at[pl.ds(ao + C, C)]),
                (a2_h.at[pl.ds(base, C)], attr_v.at[pl.ds(ao + 2 * C, C)]),
            ]

        def start(ci, slot):
            for s, d in chunk_copies(ci, slot):
                pltpu.async_copy(s, d, sems[slot])

        def wait(ci, slot):
            for s, d in chunk_copies(ci, slot):
                pltpu.make_async_copy(s, d, sems[slot]).wait()

        def compute(slot):
            so = slot * C
            ao = slot * 3 * C

            @plsc.parallel_loop(0, C // L, unroll=4)
            def grp_body(gi):
                off = gi * L
                a0 = attr_v[pl.ds(ao + off, L)]
                a1 = attr_v[pl.ds(ao + C + off, L)]
                a2 = attr_v[pl.ds(ao + 2 * C + off, L)]
                w = jnp.maximum(a0 * wk0 + a1 * wk1 + a2 * wk2 + bk, 0.0)
                sv = src_v[pl.ds(so + off, L)]
                dv = dst_v[pl.ds(so + off, L)]
                xs = plsc.load_gather(tab_v, [sv])
                plsc.addupdate_scatter(acc_v, [dv], xs * w)

        start(0, 0)
        start(1, 1)

        def pair_body(j, c):
            c0 = 2 * j
            wait(c0, 0)
            compute(0)
            start(c0 + 2, 0)
            wait(c0 + 1, 1)
            compute(1)
            start(c0 + 3, 1)
            return c

        lax.fori_loop(0, NCHUNK // 2 - 1, pair_body, 0)
        wait(NCHUNK - 2, 0)
        compute(0)
        wait(NCHUNK - 1, 1)
        compute(1)
        pltpu.sync_copy(acc_v, out_h.at[pl.ds(wid * NPAD, NPAD)])

    return body(table, src, dst, attrs[0], attrs[1], attrs[2], params)


def _build_x1(partials, x_pad, params):

    @functools.partial(
        pl.kernel,
        mesh=_mesh(),
        compiler_params=pltpu.CompilerParams(needs_layout_passes=False),
        out_type=jax.ShapeDtypeStruct((GROUPS * NPAD,), jnp.float32),
        scratch_types=[
            pltpu.VMEM((NW * SPAN,), jnp.float32),
            pltpu.VMEM((SPAN,), jnp.float32),
            pltpu.VMEM((GROUPS * SPAN,), jnp.float32),
            pltpu.VMEM((8 * L,), jnp.float32),
            pltpu.SemaphoreType.DMA,
        ],
    )
    def body(par_h, x_h, prm_h, out_h, pbuf_v, xb_v, cb_v, prm_v, sem):
        wid = _wid()
        nb = wid * SPAN
        stage = [(prm_h, prm_v), (x_h.at[pl.ds(nb, SPAN)], xb_v)]
        stage += [(par_h.at[pl.ds(tt * NPAD + nb, SPAN)],
                   pbuf_v.at[pl.ds(tt * SPAN, SPAN)]) for tt in range(NW)]
        for s, dd in stage:
            pltpu.async_copy(s, dd, sem)
        for s, dd in stage:
            pltpu.make_async_copy(s, dd, sem).wait()
        for o in range(GROUPS):
            ro = _prow(prm_v, o)
            bo = _prow(prm_v, 4 + o)

            def strip(j, c, o=o, ro=ro, bo=bo):
                off = j * L
                s = jnp.zeros((L,), jnp.float32)
                for tt in range(o * TPG, (o + 1) * TPG):
                    s = s + pbuf_v[pl.ds(tt * SPAN + off, L)]
                xv = xb_v[pl.ds(off, L)]
                cb_v[pl.ds(o * SPAN + off, L)] = jnp.maximum(s + xv * ro + bo, 0.0)
                return c

            lax.fori_loop(0, SPAN // L, strip, 0)
            pltpu.sync_copy(cb_v.at[pl.ds(o * SPAN, SPAN)],
                            out_h.at[pl.ds(o * NPAD + nb, SPAN)])

    return body(partials, x_pad, params)


def _build_x2(partials, x1t, params):

    @functools.partial(
        pl.kernel,
        mesh=_mesh(),
        compiler_params=pltpu.CompilerParams(needs_layout_passes=False),
        out_type=jax.ShapeDtypeStruct((NPAD,), jnp.float32),
        scratch_types=[
            pltpu.VMEM((NW * SPAN,), jnp.float32),
            pltpu.VMEM((GROUPS * SPAN,), jnp.float32),
            pltpu.VMEM((SPAN,), jnp.float32),
            pltpu.VMEM((5 * L,), jnp.float32),
            pltpu.SemaphoreType.DMA,
        ],
    )
    def body(par_h, x1_h, prm_h, out_h, pbuf_v, x1b_v, cb_v, prm_v, sem):
        wid = _wid()
        nb = wid * SPAN
        stage = [(prm_h, prm_v)]
        stage += [(par_h.at[pl.ds(tt * NPAD + nb, SPAN)],
                   pbuf_v.at[pl.ds(tt * SPAN, SPAN)]) for tt in range(NW)]
        stage += [(x1_h.at[pl.ds(i * NPAD + nb, SPAN)],
                   x1b_v.at[pl.ds(i * SPAN, SPAN)]) for i in range(GROUPS)]
        for s, dd in stage:
            pltpu.async_copy(s, dd, sem)
        for s, dd in stage:
            pltpu.make_async_copy(s, dd, sem).wait()
        rv = [_prow(prm_v, i) for i in range(GROUPS)]
        bv = _prow(prm_v, GROUPS)

        def strip(j, c):
            off = j * L
            s = jnp.zeros((L,), jnp.float32)
            for tt in range(NW):
                s = s + pbuf_v[pl.ds(tt * SPAN + off, L)]
            for i in range(GROUPS):
                s = s + x1b_v[pl.ds(i * SPAN + off, L)] * rv[i]
            z = s + bv
            cb_v[pl.ds(off, L)] = 1.0 / (1.0 + jnp.exp(-z))
            return c

        lax.fori_loop(0, SPAN // L, strip, 0)
        pltpu.sync_copy(cb_v, out_h.at[pl.ds(nb, SPAN)])

    return body(partials, x1t, params)


def kernel(x, edge_index, edge_attr,
           lin1_W, lin1_b, root1, bias1,
           lin2_W, lin2_b, root2, bias2):
    ei = edge_index.astype(jnp.int32)
    src = ei[0]
    dst = ei[1]
    attrs = (edge_attr[:, 0], edge_attr[:, 1], edge_attr[:, 2])
    x_pad = jnp.pad(x, (0, NPAD - N))
    def _rows(v):
        return jnp.broadcast_to(v[:, None], (v.shape[0], L)).reshape(-1)

    p1 = _rows(jnp.concatenate([lin1_W.reshape(-1), lin1_b]))
    p2 = _rows(jnp.concatenate([root1.reshape(-1), bias1]))
    p3 = _rows(jnp.concatenate([lin2_W.reshape(-1), lin2_b]))
    p4 = _rows(jnp.concatenate([root2.reshape(-1), bias2]))
    parts1 = _edge_pass(x_pad, src, dst, attrs, p1, grouped_table=False)
    x1t = _build_x1(parts1, x_pad, p2)
    parts2 = _edge_pass(x1t, src, dst, attrs, p3, grouped_table=True)
    x2 = _build_x2(parts2, x1t, p4)
    return x2[:N].reshape(N, 1)

# --- scband reference (transcript-rebuilt; emitter-appended) ---
"""Pipeline reference for scband-column-weights-network-14035953123591 (READ-ONLY COPY).

The authoritative reference and input builder live on the scoring server;
editing this copy changes nothing except your own understanding.
"""

import jax, jax.numpy as jnp
import numpy as np

N_NODES = 50000
N_EDGES = 1600000

def setup_inputs(seed: int = 0) -> dict:
    key = jax.random.key(seed)
    ks = jax.random.split(key, 12)
    x = jax.random.normal(ks[0], (N_NODES,), dtype=jnp.float32)
    edge_index = jax.random.randint(ks[1], (2, N_EDGES), 0, N_NODES, dtype=jnp.int64)
    edge_attr = jax.random.normal(ks[2], (N_EDGES, 3), dtype=jnp.float32)
    # conv1: NNConv(1 -> 4), edge nn = Linear(3, 4)
    lin1_W = jax.random.normal(ks[3], (4, 3), dtype=jnp.float32) * (1.0 / np.sqrt(3))
    lin1_b = jax.random.normal(ks[4], (4,), dtype=jnp.float32) * 0.05
    root1 = jax.random.normal(ks[5], (1, 4), dtype=jnp.float32) * 1.0
    bias1 = jax.random.normal(ks[6], (4,), dtype=jnp.float32) * 0.05
    # conv2: NNConv(4 -> 1), edge nn = Linear(3, 4)
    lin2_W = jax.random.normal(ks[7], (4, 3), dtype=jnp.float32) * (1.0 / np.sqrt(3))
    lin2_b = jax.random.normal(ks[8], (4,), dtype=jnp.float32) * 0.05
    root2 = jax.random.normal(ks[9], (4, 1), dtype=jnp.float32) * 0.5
    bias2 = jax.random.normal(ks[10], (1,), dtype=jnp.float32) * 0.05
    return {"x": x, "edge_index": edge_index, "edge_attr": edge_attr,
            "lin1_W": lin1_W, "lin1_b": lin1_b, "root1": root1, "bias1": bias1,
            "lin2_W": lin2_W, "lin2_b": lin2_b, "root2": root2, "bias2": bias2}

def _nnconv(x, src, dst, edge_attr, lin_W, lin_b, root, bias, in_ch, out_ch, num_nodes):
    # edge network: reshape(-1,3) -> Linear(3,4) -> ReLU, then view as [E, in_ch, out_ch]
    w = jax.nn.relu(edge_attr.reshape(-1, 3) @ lin_W.T + lin_b)
    w = w.reshape(-1, in_ch, out_ch)
    msg = jnp.einsum('ei,eio->eo', x[src], w)
    agg = jax.ops.segment_sum(msg, dst, num_segments=num_nodes)
    return agg + x @ root + bias

def reference(x, edge_index, edge_attr, lin1_W, lin1_b, root1, bias1, lin2_W, lin2_b, root2, bias2):
    x = x.reshape(-1, 1)
    n = x.shape[0]
    src = edge_index[0]
    dst = edge_index[1]
    x1 = jax.nn.relu(_nnconv(x, src, dst, edge_attr, lin1_W, lin1_b, root1, bias1, 1, 4, n))
    x2 = jax.nn.sigmoid(_nnconv(x1, src, dst, edge_attr, lin2_W, lin2_b, root2, bias2, 4, 1, n))
    return x2

if __name__ == "__main__":
    import jax
    _d = setup_inputs()
    print(jax.jit(kernel)(*tuple(_d.values())))

</pallas_src>

<mosaic_0001>
#map = affine_map<(d0, d1) -> (0)>
module attributes {stable_mosaic.version = 14 : i64} {
  func.func @body(%arg0: i32, %arg1: i32, %arg2: memref<50176xf32, #tpu.memory_space<hbm>>, %arg3: memref<1600000xi32, #tpu.memory_space<hbm>>, %arg4: memref<1600000xi32, #tpu.memory_space<hbm>>, %arg5: memref<1600000xf32, #tpu.memory_space<hbm>>, %arg6: memref<1600000xf32, #tpu.memory_space<hbm>>, %arg7: memref<1600000xf32, #tpu.memory_space<hbm>>, %arg8: memref<256xf32, #tpu.memory_space<hbm>>, %arg9: memref<1605632xf32, #tpu.memory_space<hbm>>, %arg10: memref<50176xf32, #tpu.memory_space<vmem>>, %arg11: memref<50176xf32, #tpu.memory_space<vmem>>, %arg12: memref<4000xi32, #tpu.memory_space<vmem>>, %arg13: memref<4000xi32, #tpu.memory_space<vmem>>, %arg14: memref<12000xf32, #tpu.memory_space<vmem>>, %arg15: memref<256xf32, #tpu.memory_space<vmem>>, %arg16: memref<!tpu.dma_semaphore, #tpu.memory_space<semaphore_mem>>, %arg17: memref<!tpu.dma_semaphore, #tpu.memory_space<semaphore_mem>>) attributes {dimension_semantics = [#tpu.dimension_semantics<core_parallel>, #tpu.dimension_semantics<subcore_parallel>], iteration_bounds = array<i64: 2, 16>, scalar_prefetch = 0 : i64, scratch_operands = 8 : i64, tpu.core_type = #tpu.core_type<sc_vector_subcore>, window_params = [{transform_indices = #map}, {transform_indices = #map}, {transform_indices = #map}, {transform_indices = #map}, {transform_indices = #map}, {transform_indices = #map}, {transform_indices = #map}, {transform_indices = #map}]} {
    %mul3A = arith.constant 2 : i32
    %mul3A_0 = arith.muli %arg1, %mul3A : i32
    %add3A = arith.addi %mul3A_0, %arg0 : i32
    %jit3A = arith.constant 8 : i32
    %div3A = arith.divsi %add3A, %jit3A : i32
    %sign3A = arith.constant 0 : i32
    %sign3A_1 = arith.cmpi sgt, %add3A, %sign3A : i32
    %sign3A_2 = arith.extui %sign3A_1 : i1 to i32
    %sign3A_3 = arith.constant 0 : i32
    %sign3A_4 = arith.cmpi slt, %add3A, %sign3A_3 : i32
    %sign3A_5 = arith.extui %sign3A_4 : i1 to i32
    %sign3A_6 = arith.subi %sign3A_2, %sign3A_5 : i32
    %sign3A_7 = arith.constant 0 : i32
    %sign3A_8 = arith.cmpi sgt, %jit3A, %sign3A_7 : i32
    %sign3A_9 = arith.extui %sign3A_8 : i1 to i32
    %sign3A_10 = arith.constant 0 : i32
    %sign3A_11 = arith.cmpi slt, %jit3A, %sign3A_10 : i32
    %sign3A_12 = arith.extui %sign3A_11 : i1 to i32
    %sign3A_13 = arith.subi %sign3A_9, %sign3A_12 : i32
    %ne3A = arith.cmpi ne, %sign3A_6, %sign3A_13 : i32
    %rem3A = arith.remsi %add3A, %jit3A : i32
    %ne3A_14 = arith.constant 0 : i32
    %ne3A_15 = arith.cmpi ne, %rem3A, %ne3A_14 : i32
    %and3A = arith.andi %ne3A, %ne3A_15 : i1
    %sub3A = arith.constant 1 : i32
    %sub3A_16 = arith.subi %div3A, %sub3A : i32
    %select_n3A = arith.select %and3A, %sub3A_16, %div3A : i32
    %jit3A_17 = arith.constant 8 : i32
    %eq3A = arith.constant 0 : i32
    %eq3A_18 = arith.cmpi eq, %jit3A_17, %eq3A : i32
    %jit3A_19 = arith.constant 1 : i32
    %select_n3A_20 = arith.select %eq3A_18, %jit3A_19, %jit3A_17 : i32
    %rem3A_21 = arith.remsi %add3A, %select_n3A_20 : i32
    %ne3A_22 = arith.constant 0 : i32
    %ne3A_23 = arith.cmpi ne, %rem3A_21, %ne3A_22 : i32
    %lt3A = arith.constant 0 : i32
    %lt3A_24 = arith.cmpi slt, %rem3A_21, %lt3A : i32
    %lt3A_25 = arith.constant 0 : i32
    %lt3A_26 = arith.cmpi slt, %select_n3A_20, %lt3A_25 : i32
    %ne3A_27 = arith.xori %lt3A_24, %lt3A_26 : i1
    %and3A_28 = arith.andi %ne3A_27, %ne3A_23 : i1
    %add3A_29 = arith.addi %rem3A_21, %select_n3A_20 : i32
    %select_n3A_30 = arith.select %and3A_28, %add3A_29, %rem3A_21 : i32
    "tpu.region"() ({
      %run_scoped3A = tpu.sem_alloc : memref<!tpu.dma_semaphore, #tpu.memory_space<semaphore_mem>>
      tpu.enqueue_dma source(%arg8 : memref<256xf32, #tpu.memory_space<hbm>>) target(%arg15 : memref<256xf32, #tpu.memory_space<vmem>>) target_semaphore(%run_scoped3A : memref<!tpu.dma_semaphore, #tpu.memory_space<semaphore_mem>>)
      tpu.wait_dma2 semaphore(%run_scoped3A : memref<!tpu.dma_semaphore, #tpu.memory_space<semaphore_mem>>) src(%arg8 : memref<256xf32, #tpu.memory_space<hbm>>) dst(%arg15 : memref<256xf32, #tpu.memory_space<vmem>>)
      tpu.yield
    }) : () -> ()
    "tpu.region"() ({
      %run_scoped3A = tpu.sem_alloc : memref<!tpu.dma_semaphore, #tpu.memory_space<semaphore_mem>>
      tpu.enqueue_dma source(%arg2 : memref<50176xf32, #tpu.memory_space<hbm>>) target(%arg10 : memref<50176xf32, #tpu.memory_space<vmem>>) target_semaphore(%run_scoped3A : memref<!tpu.dma_semaphore, #tpu.memory_space<semaphore_mem>>)
      tpu.wait_dma2 semaphore(%run_scoped3A : memref<!tpu.dma_semaphore, #tpu.memory_space<semaphore_mem>>) src(%arg2 : memref<50176xf32, #tpu.memory_space<hbm>>) dst(%arg10 : memref<50176xf32, #tpu.memory_space<vmem>>)
      tpu.yield
    }) : () -> ()
    %broadcast_in_dim3A = arith.constant 0.000000e+00 : f32
    %broadcast_in_dim3A_31 = vector.broadcast %broadcast_in_dim3A : f32 to vector<16xf32>
    %scan3A = arith.constant 0 : i32
    %scan3A_32 = arith.constant 0 : i32
    %scan3A_33 = arith.constant 3136 : i32
    %scan3A_34 = arith.addi %scan3A_32, %scan3A_33 : i32
    %scan3A_35 = arith.constant 1 : i32
    scf.for %scan3A_205 = %scan3A_32 to %scan3A_34 step %scan3A_35  : i32 {
      %mul3A_206 = arith.constant 16 : i32
      %mul3A_207 = arith.muli %scan3A_205, %mul3A_206 : i32
      %swap3A = arith.index_cast %mul3A_207 : i32 to index
      %swap3A_208 = tpu.vector_load %arg11[%swap3A] {strides = array<i32>} : memref<50176xf32, #tpu.memory_space<vmem>>, vector<16xf32>,
      tpu.vector_store %arg11[%swap3A], %broadcast_in_dim3A_31 {strides = array<i32>} : memref<50176xf32, #tpu.memory_space<vmem>>, vector<16xf32>,
    }
    %scan3A_36 = arith.constant 3136 : i32
    %mul3A_37 = arith.constant 3 : i32
    %mul3A_38 = arith.muli %mul3A_37, %select_n3A : i32
    %mul3A_39 = arith.constant 16 : i32
    %mul3A_40 = arith.muli %mul3A_38, %mul3A_39 : i32
    %get3A = arith.index_cast %mul3A_40 : i32 to index
    %get3A_41 = tpu.vector_load %arg15[%get3A] {strides = array<i32>} : memref<256xf32, #tpu.memory_space<vmem>>, vector<16xf32>,
    %mul3A_42 = arith.constant 3 : i32
    %mul3A_43 = arith.muli %mul3A_42, %select_n3A : i32
    %add3A_44 = arith.constant 1 : i32
    %add3A_45 = arith.addi %mul3A_43, %add3A_44 : i32
    %mul3A_46 = arith.constant 16 : i32
    %mul3A_47 = arith.muli %add3A_45, %mul3A_46 : i32
    %get3A_48 = arith.index_cast %mul3A_47 : i32 to index
    %get3A_49 = tpu.vector_load %arg15[%get3A_48] {strides = array<i32>} : memref<256xf32, #tpu.memory_space<vmem>>, vector<16xf32>,
    %mul3A_50 = arith.constant 3 : i32
    %mul3A_51 = arith.muli %mul3A_50, %select_n3A : i32
    %add3A_52 = arith.constant 2 : i32
    %add3A_53 = arith.addi %mul3A_51, %add3A_52 : i32
    %mul3A_54 = arith.constant 16 : i32
    %mul3A_55 = arith.muli %add3A_53, %mul3A_54 : i32
    %get3A_56 = arith.index_cast %mul3A_55 : i32 to index
    %get3A_57 = tpu.vector_load %arg15[%get3A_56] {strides = array<i32>} : memref<256xf32, #tpu.memory_space<vmem>>, vector<16xf32>,
    %add3A_58 = arith.constant 12 : i32
    %add3A_59 = arith.addi %add3A_58, %select_n3A : i32
    %mul3A_60 = arith.constant 16 : i32
    %mul3A_61 = arith.muli %add3A_59, %mul3A_60 : i32
    %get3A_62 = arith.index_cast %mul3A_61 : i32 to index
    %get3A_63 = tpu.vector_load %arg15[%get3A_62] {strides = array<i32>} : memref<256xf32, #tpu.memory_space<vmem>>, vector<16xf32>,
    %mul3A_64 = arith.constant 200000 : i32
    %mul3A_65 = arith.muli %select_n3A_30, %mul3A_64 : i32
    %add3A_66 = arith.constant 0 : i32
    %add3A_67 = arith.addi %mul3A_65, %add3A_66 : i32
    %dma_start3A = arith.constant 0 : i32
    %dma_start3A_68 = tpu.memref_slice %arg12[%dma_start3A] : memref<4000xi32, #tpu.memory_space<vmem>> -> memref<2000xi32, #tpu.memory_space<vmem>>
    %dma_start3A_69 = tpu.memref_slice %arg3[%add3A_67] : memref<1600000xi32, #tpu.memory_space<hbm>> -> memref<2000xi32, #tpu.memory_space<hbm>>
    %dma_start3A_70 = arith.constant 0 : i32
    %dma_start3A_71 = tpu.memref_slice %arg12[%dma_start3A_70] : memref<4000xi32, #tpu.memory_space<vmem>> -> memref<2000xi32, #tpu.memory_space<vmem>>
    %dma_start3A_72 = tpu.memref_slice %arg3[%add3A_67] : memref<1600000xi32, #tpu.memory_space<hbm>> -> memref<2000xi32, #tpu.memory_space<hbm>>
    tpu.enqueue_dma source(%dma_start3A_72 : memref<2000xi32, #tpu.memory_space<hbm>>) target(%dma_start3A_71 : memref<2000xi32, #tpu.memory_space<vmem>>) target_semaphore(%arg16 : memref<!tpu.dma_semaphore, #tpu.memory_space<semaphore_mem>>)
    %dma_start3A_73 = arith.constant 0 : i32
    %dma_start3A_74 = tpu.memref_slice %arg13[%dma_start3A_73] : memref<4000xi32, #tpu.memory_space<vmem>> -> memref<2000xi32, #tpu.memory_space<vmem>>
    %dma_start3A_75 = tpu.memref_slice %arg4[%add3A_67] : memref<1600000xi32, #tpu.memory_space<hbm>> -> memref<2000xi32, #tpu.memory_space<hbm>>
    %dma_start3A_76 = arith.constant 0 : i32
    %dma_start3A_77 = tpu.memref_slice %arg13[%dma_start3A_76] : memref<4000xi32, #tpu.memory_space<vmem>> -> memref<2000xi32, #tpu.memory_space<vmem>>
    %dma_start3A_78 = tpu.memref_slice %arg4[%add3A_67] : memref<1600000xi32, #tpu.memory_space<hbm>> -> memref<2000xi32, #tpu.memory_space<hbm>>
    tpu.enqueue_dma source(%dma_start3A_78 : memref<2000xi32, #tpu.memory_space<hbm>>) target(%dma_start3A_77 : memref<2000xi32, #tpu.memory_space<vmem>>) target_semaphore(%arg16 : memref<!tpu.dma_semaphore, #tpu.memory_space<semaphore_mem>>)
    %dma_start3A_79 = arith.constant 0 : i32
    %dma_start3A_80 = tpu.memref_slice %arg14[%dma_start3A_79] : memref<12000xf32, #tpu.memory_space<vmem>> -> memref<2000xf32, #tpu.memory_space<vmem>>
    %dma_start3A_81 = tpu.memref_slice %arg5[%add3A_67] : memref<1600000xf32, #tpu.memory_space<hbm>> -> memref<2000xf32, #tpu.memory_space<hbm>>
    %dma_start3A_82 = arith.constant 0 : i32
    %dma_start3A_83 = tpu.memref_slice %arg14[%dma_start3A_82] : memref<12000xf32, #tpu.memory_space<vmem>> -> memref<2000xf32, #tpu.memory_space<vmem>>
    %dma_start3A_84 = tpu.memref_slice %arg5[%add3A_67] : memref<1600000xf32, #tpu.memory_space<hbm>> -> memref<2000xf32, #tpu.memory_space<hbm>>
    tpu.enqueue_dma source(%dma_start3A_84 : memref<2000xf32, #tpu.memory_space<hbm>>) target(%dma_start3A_83 : memref<2000xf32, #tpu.memory_space<vmem>>) target_semaphore(%arg16 : memref<!tpu.dma_semaphore, #tpu.memory_space<semaphore_mem>>)
    %dma_start3A_85 = arith.constant 2000 : i32
    %dma_start3A_86 = tpu.memref_slice %arg14[%dma_start3A_85] : memref<12000xf32, #tpu.memory_space<vmem>> -> memref<2000xf32, #tpu.memory_space<vmem>>
    %dma_start3A_87 = tpu.memref_slice %arg6[%add3A_67] : memref<1600000xf32, #tpu.memory_space<hbm>> -> memref<2000xf32, #tpu.memory_space<hbm>>
    %dma_start3A_88 = arith.constant 2000 : i32
    %dma_start3A_89 = tpu.memref_slice %arg14[%dma_start3A_88] : memref<12000xf32, #tpu.memory_space<vmem>> -> memref<2000xf32, #tpu.memory_space<vmem>>
    %dma_start3A_90 = tpu.memref_slice %arg6[%add3A_67] : memref<1600000xf32, #tpu.memory_space<hbm>> -> memref<2000xf32, #tpu.memory_space<hbm>>
    tpu.enqueue_dma source(%dma_start3A_90 : memref<2000xf32, #tpu.memory_space<hbm>>) target(%dma_start3A_89 : memref<2000xf32, #tpu.memory_space<vmem>>) target_semaphore(%arg16 : memref<!tpu.dma_semaphore, #tpu.memory_space<semaphore_mem>>)
    %dma_start3A_91 = arith.constant 4000 : i32
    %dma_start3A_92 = tpu.memref_slice %arg14[%dma_start3A_91] : memref<12000xf32, #tpu.memory_space<vmem>> -> memref<2000xf32, #tpu.memory_space<vmem>>
    %dma_start3A_93 = tpu.memref_slice %arg7[%add3A_67] : memref<1600000xf32, #tpu.memory_space<hbm>> -> memref<2000xf32, #tpu.memory_space<hbm>>
    %dma_start3A_94 = arith.constant 4000 : i32
    %dma_start3A_95 = tpu.memref_slice %arg14[%dma_start3A_94] : memref<12000xf32, #tpu.memory_space<vmem>> -> memref<2000xf32, #tpu.memory_space<vmem>>
    %dma_start3A_96 = tpu.memref_slice %arg7[%add3A_67] : memref<1600000xf32, #tpu.memory_space<hbm>> -> memref<2000xf32, #tpu.memory_space<hbm>>
    tpu.enqueue_dma source(%dma_start3A_96 : memref<2000xf32, #tpu.memory_space<hbm>>) target(%dma_start3A_95 : memref<2000xf32, #tpu.memory_space<vmem>>) target_semaphore(%arg16 : memref<!tpu.dma_semaphore, #tpu.memory_space<semaphore_mem>>)
    %add3A_97 = arith.constant 2000 : i32
    %add3A_98 = arith.addi %mul3A_65, %add3A_97 : i32
    %dma_start3A_99 = arith.constant 2000 : i32
    %dma_start3A_100 = tpu.memref_slice %arg12[%dma_start3A_99] : memref<4000xi32, #tpu.memory_space<vmem>> -> memref<2000xi32, #tpu.memory_space<vmem>>
    %dma_start3A_101 = tpu.memref_slice %arg3[%add3A_98] : memref<1600000xi32, #tpu.memory_space<hbm>> -> memref<2000xi32, #tpu.memory_space<hbm>>
    %dma_start3A_102 = arith.constant 2000 : i32
    %dma_start3A_103 = tpu.memref_slice %arg12[%dma_start3A_102] : memref<4000xi32, #tpu.memory_space<vmem>> -> memref<2000xi32, #tpu.memory_space<vmem>>
    %dma_start3A_104 = tpu.memref_slice %arg3[%add3A_98] : memref<1600000xi32, #tpu.memory_space<hbm>> -> memref<2000xi32, #tpu.memory_space<hbm>>
    tpu.enqueue_dma source(%dma_start3A_104 : memref<2000xi32, #tpu.memory_space<hbm>>) target(%dma_start3A_103 : memref<2000xi32, #tpu.memory_space<vmem>>) target_semaphore(%arg17 : memref<!tpu.dma_semaphore, #tpu.memory_space<semaphore_mem>>)
    %dma_start3A_105 = arith.constant 2000 : i32
    %dma_start3A_106 = tpu.memref_slice %arg13[%dma_start3A_105] : memref<4000xi32, #tpu.memory_space<vmem>> -> memref<2000xi32, #tpu.memory_space<vmem>>
    %dma_start3A_107 = tpu.memref_slice %arg4[%add3A_98] : memref<1600000xi32, #tpu.memory_space<hbm>> -> memref<2000xi32, #tpu.memory_space<hbm>>
    %dma_start3A_108 = arith.constant 2000 : i32
    %dma_start3A_109 = tpu.memref_slice %arg13[%dma_start3A_108] : memref<4000xi32, #tpu.memory_space<vmem>> -> memref<2000xi32, #tpu.memory_space<vmem>>
    %dma_start3A_110 = tpu.memref_slice %arg4[%add3A_98] : memref<1600000xi32, #tpu.memory_space<hbm>> -> memref<2000xi32, #tpu.memory_space<hbm>>
    tpu.enqueue_dma source(%dma_start3A_110 : memref<2000xi32, #tpu.memory_space<hbm>>) target(%dma_start3A_109 : memref<2000xi32, #tpu.memory_space<vmem>>) target_semaphore(%arg17 : memref<!tpu.dma_semaphore, #tpu.memory_space<semaphore_mem>>)
    %dma_start3A_111 = arith.constant 6000 : i32
    %dma_start3A_112 = tpu.memref_slice %arg14[%dma_start3A_111] : memref<12000xf32, #tpu.memory_space<vmem>> -> memref<2000xf32, #tpu.memory_space<vmem>>
    %dma_start3A_113 = tpu.memref_slice %arg5[%add3A_98] : memref<1600000xf32, #tpu.memory_space<hbm>> -> memref<2000xf32, #tpu.memory_space<hbm>>
    %dma_start3A_114 = arith.constant 6000 : i32
    %dma_start3A_115 = tpu.memref_slice %arg14[%dma_start3A_114] : memref<12000xf32, #tpu.memory_space<vmem>> -> memref<2000xf32, #tpu.memory_space<vmem>>
    %dma_start3A_116 = tpu.memref_slice %arg5[%add3A_98] : memref<1600000xf32, #tpu.memory_space<hbm>> -> memref<2000xf32, #tpu.memory_space<hbm>>
    tpu.enqueue_dma source(%dma_start3A_116 : memref<2000xf32, #tpu.memory_space<hbm>>) target(%dma_start3A_115 : memref<2000xf32, #tpu.memory_space<vmem>>) target_semaphore(%arg17 : memref<!tpu.dma_semaphore, #tpu.memory_space<semaphore_mem>>)
    %dma_start3A_117 = arith.constant 8000 : i32
    %dma_start3A_118 = tpu.memref_slice %arg14[%dma_start3A_117] : memref<12000xf32, #tpu.memory_space<vmem>> -> memref<2000xf32, #tpu.memory_space<vmem>>
    %dma_start3A_119 = tpu.memref_slice %arg6[%add3A_98] : memref<1600000xf32, #tpu.memory_space<hbm>> -> memref<2000xf32, #tpu.memory_space<hbm>>
    %dma_start3A_120 = arith.constant 8000 : i32
    %dma_start3A_121 = tpu.memref_slice %arg14[%dma_start3A_120] : memref<12000xf32, #tpu.memory_space<vmem>> -> memref<2000xf32, #tpu.memory_space<vmem>>
    %dma_start3A_122 = tpu.memref_slice %arg6[%add3A_98] : memref<1600000xf32, #tpu.memory_space<hbm>> -> memref<2000xf32, #tpu.memory_space<hbm>>
    tpu.enqueue_dma source(%dma_start3A_122 : memref<2000xf32, #tpu.memory_space<hbm>>) target(%dma_start3A_121 : memref<2000xf32, #tpu.memory_space<vmem>>) target_semaphore(%arg17 : memref<!tpu.dma_semaphore, #tpu.memory_space<semaphore_mem>>)
    %dma_start3A_123 = arith.constant 10000 : i32
    %dma_start3A_124 = tpu.memref_slice %arg14[%dma_start3A_123] : memref<12000xf32, #tpu.memory_space<vmem>> -> memref<2000xf32, #tpu.memory_space<vmem>>
    %dma_start3A_125 = tpu.memref_slice %arg7[%add3A_98] : memref<1600000xf32, #tpu.memory_space<hbm>> -> memref<2000xf32, #tpu.memory_space<hbm>>
    %dma_start3A_126 = arith.constant 10000 : i32
    %dma_start3A_127 = tpu.memref_slice %arg14[%dma_start3A_126] : memref<12000xf32, #tpu.memory_space<vmem>> -> memref<2000xf32, #tpu.memory_space<vmem>>
    %dma_start3A_128 = tpu.memref_slice %arg7[%add3A_98] : memref<1600000xf32, #tpu.memory_space<hbm>> -> memref<2000xf32, #tpu.memory_space<hbm>>
    tpu.enqueue_dma source(%dma_start3A_128 : memref<2000xf32, #tpu.memory_space<hbm>>) target(%dma_start3A_127 : memref<2000xf32, #tpu.memory_space<vmem>>) target_semaphore(%arg17 : memref<!tpu.dma_semaphore, #tpu.memory_space<semaphore_mem>>)
    %scan3A_129 = arith.constant 0 : i32
    %scan3A_130 = arith.constant 0 : i32
    %scan3A_131 = arith.constant 49 : i32
    %scan3A_132 = arith.addi %scan3A_130, %scan3A_131 : i32
    %scan3A_133 = arith.constant 1 : i32
    scf.for %scan3A_205 = %scan3A_130 to %scan3A_132 step %scan3A_133  : i32 {
      %mul3A_206 = arith.constant 2 : i32
      %mul3A_207 = arith.muli %mul3A_206, %scan3A_205 : i32
      %mul3A_208 = arith.constant 2000 : i32
      %mul3A_209 = arith.muli %mul3A_207, %mul3A_208 : i32
      %add3A_210 = arith.addi %mul3A_65, %mul3A_209 : i32
      %dma_wait3A_211 = arith.constant 0 : i32
      %dma_wait3A_212 = tpu.memref_slice %arg12[%dma_wait3A_211] : memref<4000xi32, #tpu.memory_space<vmem>> -> memref<2000xi32, #tpu.memory_space<vmem>>
      %dma_wait3A_213 = tpu.memref_slice %arg3[%add3A_210] : memref<1600000xi32, #tpu.memory_space<hbm>> -> memref<2000xi32, #tpu.memory_space<hbm>>
      %dma_wait3A_214 = arith.constant 0 : i32
      %dma_wait3A_215 = tpu.memref_slice %arg12[%dma_wait3A_214] : memref<4000xi32, #tpu.memory_space<vmem>> -> memref<2000xi32, #tpu.memory_space<vmem>>
      %dma_wait3A_216 = tpu.memref_slice %arg3[%add3A_210] : memref<1600000xi32, #tpu.memory_space<hbm>> -> memref<2000xi32, #tpu.memory_space<hbm>>
      tpu.wait_dma2 semaphore(%arg16 : memref<!tpu.dma_semaphore, #tpu.memory_space<semaphore_mem>>) src(%dma_wait3A_216 : memref<2000xi32, #tpu.memory_space<hbm>>) dst(%dma_wait3A_215 : memref<2000xi32, #tpu.memory_space<vmem>>)
      %dma_wait3A_217 = arith.constant 0 : i32
      %dma_wait3A_218 = tpu.memref_slice %arg13[%dma_wait3A_217] : memref<4000xi32, #tpu.memory_space<vmem>> -> memref<2000xi32, #tpu.memory_space<vmem>>
      %dma_wait3A_219 = tpu.memref_slice %arg4[%add3A_210] : memref<1600000xi32, #tpu.memory_space<hbm>> -> memref<2000xi32, #tpu.memory_space<hbm>>
      %dma_wait3A_220 = arith.constant 0 : i32
      %dma_wait3A_221 = tpu.memref_slice %arg13[%dma_wait3A_220] : memref<4000xi32, #tpu.memory_space<vmem>> -> memref<2000xi32, #tpu.memory_space<vmem>>
      %dma_wait3A_222 = tpu.memref_slice %arg4[%add3A_210] : memref<1600000xi32, #tpu.memory_space<hbm>> -> memref<2000xi32, #tpu.memory_space<hbm>>
      tpu.wait_dma2 semaphore(%arg16 : memref<!tpu.dma_semaphore, #tpu.memory_space<semaphore_mem>>) src(%dma_wait3A_222 : memref<2000xi32, #tpu.memory_space<hbm>>) dst(%dma_wait3A_221 : memref<2000xi32, #tpu.memory_space<vmem>>)
      %dma_wait3A_223 = arith.constant 0 : i32
      %dma_wait3A_224 = tpu.memref_slice %arg14[%dma_wait3A_223] : memref<12000xf32, #tpu.memory_space<vmem>> -> memref<2000xf32, #tpu.memory_space<vmem>>
      %dma_wait3A_225 = tpu.memref_slice %arg5[%add3A_210] : memref<1600000xf32, #tpu.memory_space<hbm>> -> memref<2000xf32, #tpu.memory_space<hbm>>
      %dma_wait3A_226 = arith.constant 0 : i32
      %dma_wait3A_227 = tpu.memref_slice %arg14[%dma_wait3A_226] : memref<12000xf32, #tpu.memory_space<vmem>> -> memref<2000xf32, #tpu.memory_space<vmem>>
      %dma_wait3A_228 = tpu.memref_slice %arg5[%add3A_210] : memref<1600000xf32, #tpu.memory_space<hbm>> -> memref<2000xf32, #tpu.memory_space<hbm>>
      tpu.wait_dma2 semaphore(%arg16 : memref<!tpu.dma_semaphore, #tpu.memory_space<semaphore_mem>>) src(%dma_wait3A_228 : memref<2000xf32, #tpu.memory_space<hbm>>) dst(%dma_wait3A_227 : memref<2000xf32, #tpu.memory_space<vmem>>)
      %dma_wait3A_229 = arith.constant 2000 : i32
      %dma_wait3A_230 = tpu.memref_slice %arg14[%dma_wait3A_229] : memref<12000xf32, #tpu.memory_space<vmem>> -> memref<2000xf32, #tpu.memory_space<vmem>>
      %dma_wait3A_231 = tpu.memref_slice %arg6[%add3A_210] : memref<1600000xf32, #tpu.memory_space<hbm>> -> memref<2000xf32, #tpu.memory_space<hbm>>
      %dma_wait3A_232 = arith.constant 2000 : i32
      %dma_wait3A_233 = tpu.memref_slice %arg14[%dma_wait3A_232] : memref<12000xf32, #tpu.memory_space<vmem>> -> memref<2000xf32, #tpu.memory_space<vmem>>
      %dma_wait3A_234 = tpu.memref_slice %arg6[%add3A_210] : memref<1600000xf32, #tpu.memory_space<hbm>> -> memref<2000xf32, #tpu.memory_space<hbm>>
      tpu.wait_dma2 semaphore(%arg16 : memref<!tpu.dma_semaphore, #tpu.memory_space<semaphore_mem>>) src(%dma_wait3A_234 : memref<2000xf32, #tpu.memory_space<hbm>>) dst(%dma_wait3A_233 : memref<2000xf32, #tpu.memory_space<vmem>>)
      %dma_wait3A_235 = arith.constant 4000 : i32
      %dma_wait3A_236 = tpu.memref_slice %arg14[%dma_wait3A_235] : memref<12000xf32, #tpu.memory_space<vmem>> -> memref<2000xf32, #tpu.memory_space<vmem>>
      %dma_wait3A_237 = tpu.memref_slice %arg7[%add3A_210] : memref<1600000xf32, #tpu.memory_space<hbm>> -> memref<2000xf32, #tpu.memory_space<hbm>>
      %dma_wait3A_238 = arith.constant 4000 : i32
      %dma_wait3A_239 = tpu.memref_slice %arg14[%dma_wait3A_238] : memref<12000xf32, #tpu.memory_space<vmem>> -> memref<2000xf32, #tpu.memory_space<vmem>>
      %dma_wait3A_240 = tpu.memref_slice %arg7[%add3A_210] : memref<1600000xf32, #tpu.memory_space<hbm>> -> memref<2000xf32, #tpu.memory_space<hbm>>
      tpu.wait_dma2 semaphore(%arg16 : memref<!tpu.dma_semaphore, #tpu.memory_space<semaphore_mem>>) src(%dma_wait3A_240 : memref<2000xf32, #tpu.memory_space<hbm>>) dst(%dma_wait3A_239 : memref<2000xf32, #tpu.memory_space<vmem>>)
      %parallel_loop3A_241 = arith.constant 0 : i32
      %parallel_loop3A_242 = arith.constant 125 : i32
      %parallel_loop3A_243 = arith.constant 1 : i32
      scf.for %parallel_loop3A_352 = %parallel_loop3A_241 to %parallel_loop3A_242 step %parallel_loop3A_243  : i32 {
        %parallel_loop3A_353 = arith.constant 16 : i32
        %parallel_loop3A_354 = arith.muli %parallel_loop3A_352, %parallel_loop3A_353 : i32
        %parallel_loop3A_355 = arith.constant 0 : i32
        %parallel_loop3A_356 = arith.addi %parallel_loop3A_355, %parallel_loop3A_354 : i32
        %parallel_loop3A_357 = arith.index_cast %parallel_loop3A_356 : i32 to index
        %parallel_loop3A_358 = tpu.vector_load %arg14[%parallel_loop3A_357] {strides = array<i32>} : memref<12000xf32, #tpu.memory_space<vmem>>, vector<16xf32>,
        %parallel_loop3A_359 = arith.constant 2000 : i32
        %parallel_loop3A_360 = arith.addi %parallel_loop3A_359, %parallel_loop3A_354 : i32
        %parallel_loop3A_361 = arith.index_cast %parallel_loop3A_360 : i32 to index
        %parallel_loop3A_362 = tpu.vector_load %arg14[%parallel_loop3A_361] {strides = array<i32>} : memref<12000xf32, #tpu.memory_space<vmem>>, vector<16xf32>,
        %parallel_loop3A_363 = arith.constant 4000 : i32
        %parallel_loop3A_364 = arith.addi %parallel_loop3A_363, %parallel_loop3A_354 : i32
        %parallel_loop3A_365 = arith.index_cast %parallel_loop3A_364 : i32 to index
        %parallel_loop3A_366 = tpu.vector_load %arg14[%parallel_loop3A_365] {strides = array<i32>} : memref<12000xf32, #tpu.memory_space<vmem>>, vector<16xf32>,
        %parallel_loop3A_367 = arith.mulf %parallel_loop3A_358, %get3A_41 : vector<16xf32>
        %parallel_loop3A_368 = arith.mulf %parallel_loop3A_362, %get3A_49 : vector<16xf32>
        %parallel_loop3A_369 = arith.addf %parallel_loop3A_367, %parallel_loop3A_368 : vector<16xf32>
        %parallel_loop3A_370 = arith.mulf %parallel_loop3A_366, %get3A_57 : vector<16xf32>
        %parallel_loop3A_371 = arith.addf %parallel_loop3A_369, %parallel_loop3A_370 : vector<16xf32>
        %parallel_loop3A_372 = arith.addf %parallel_loop3A_371, %get3A_63 : vector<16xf32>
        %parallel_loop3A_373 = arith.constant 0.000000e+00 : f32
        %parallel_loop3A_374 = vector.broadcast %parallel_loop3A_373 : f32 to vector<16xf32>
        %parallel_loop3A_375 = arith.maximumf %parallel_loop3A_372, %parallel_loop3A_374 : vector<16xf32>
        %parallel_loop3A_376 = arith.constant 0 : i32
        %parallel_loop3A_377 = arith.addi %parallel_loop3A_376, %parallel_loop3A_354 : i32
        %parallel_loop3A_378 = arith.index_cast %parallel_loop3A_377 : i32 to index
        %parallel_loop3A_379 = tpu.vector_load %arg12[%parallel_loop3A_378] {strides = array<i32>} : memref<4000xi32, #tpu.memory_space<vmem>>, vector<16xi32>,
        %parallel_loop3A_380 = arith.constant 0 : i32
        %parallel_loop3A_381 = arith.addi %parallel_loop3A_380, %parallel_loop3A_354 : i32
        %parallel_loop3A_382 = arith.index_cast %parallel_loop3A_381 : i32 to index
        %parallel_loop3A_383 = tpu.vector_load %arg13[%parallel_loop3A_382] {strides = array<i32>} : memref<4000xi32, #tpu.memory_space<vmem>>, vector<16xi32>,
        %parallel_loop3A_384 = tpu.vector_load_idx %arg10[%parallel_loop3A_379] : memref<50176xf32, #tpu.memory_space<vmem>>[vector<16xi32>], vector<16xf32>,
        %parallel_loop3A_385 = arith.mulf %parallel_loop3A_384, %parallel_loop3A_375 : vector<16xf32>
        tpu.vector_store_idx %arg11[%parallel_loop3A_383], %parallel_loop3A_385 {add = true} : memref<50176xf32, #tpu.memory_space<vmem>>[vector<16xi32>], vector<16xf32>,
      } {sc.loop_unroll_factor = 4 : i64, sc.parallel_access}
      %add3A_244 = arith.constant 2 : i32
      %add3A_245 = arith.addi %mul3A_207, %add3A_244 : i32
      %mul3A_246 = arith.constant 2000 : i32
      %mul3A_247 = arith.muli %add3A_245, %mul3A_246 : i32
      %add3A_248 = arith.addi %mul3A_65, %mul3A_247 : i32
      %dma_start3A_249 = arith.constant 0 : i32
      %dma_start3A_250 = tpu.memref_slice %arg12[%dma_start3A_249] : memref<4000xi32, #tpu.memory_space<vmem>> -> memref<2000xi32, #tpu.memory_space<vmem>>
      %dma_start3A_251 = tpu.memref_slice %arg3[%add3A_248] : memref<1600000xi32, #tpu.memory_space<hbm>> -> memref<2000xi32, #tpu.memory_space<hbm>>
      %dma_start3A_252 = arith.constant 0 : i32
      %dma_start3A_253 = tpu.memref_slice %arg12[%dma_start3A_252] : memref<4000xi32, #tpu.memory_space<vmem>> -> memref<2000xi32, #tpu.memory_space<vmem>>
      %dma_start3A_254 = tpu.memref_slice %arg3[%add3A_248] : memref<1600000xi32, #tpu.memory_space<hbm>> -> memref<2000xi32, #tpu.memory_space<hbm>>
      tpu.enqueue_dma source(%dma_start3A_254 : memref<2000xi32, #tpu.memory_space<hbm>>) target(%dma_start3A_253 : memref<2000xi32, #tpu.memory_space<vmem>>) target_semaphore(%arg16 : memref<!tpu.dma_semaphore, #tpu.memory_space<semaphore_mem>>)
      %dma_start3A_255 = arith.constant 0 : i32
      %dma_start3A_256 = tpu.memref_slice %arg13[%dma_start3A_255] : memref<4000xi32, #tpu.memory_space<vmem>> -> memref<2000xi32, #tpu.memory_space<vmem>>
      %dma_start3A_257 = tpu.memref_slice %arg4[%add3A_248] : memref<1600000xi32, #tpu.memory_space<hbm>> -> memref<2000xi32, #tpu.memory_space<hbm>>
      %dma_start3A_258 = arith.constant 0 : i32
      %dma_start3A_259 = tpu.memref_slice %arg13[%dma_start3A_258] : memref<4000xi32, #tpu.memory_space<vmem>> -> memref<2000xi32, #tpu.memory_space<vmem>>
      %dma_start3A_260 = tpu.memref_slice %arg4[%add3A_248] : memref<1600000xi32, #tpu.memory_space<hbm>> -> memref<2000xi32, #tpu.memory_space<hbm>>
      tpu.enqueue_dma source(%dma_start3A_260 : memref<2000xi32, #tpu.memory_space<hbm>>) target(%dma_start3A_259 : memref<2000xi32, #tpu.memory_space<vmem>>) target_semaphore(%arg16 : memref<!tpu.dma_semaphore, #tpu.memory_space<semaphore_mem>>)
      %dma_start3A_261 = arith.constant 0 : i32
      %dma_start3A_262 = tpu.memref_slice %arg14[%dma_start3A_261] : memref<12000xf32, #tpu.memory_space<vmem>> -> memref<2000xf32, #tpu.memory_space<vmem>>
      %dma_start3A_263 = tpu.memref_slice %arg5[%add3A_248] : memref<1600000xf32, #tpu.memory_space<hbm>> -> memref<2000xf32, #tpu.memory_space<hbm>>
      %dma_start3A_264 = arith.constant 0 : i32
      %dma_start3A_265 = tpu.memref_slice %arg14[%dma_start3A_264] : memref<12000xf32, #tpu.memory_space<vmem>> -> memref<2000xf32, #tpu.memory_space<vmem>>
      %dma_start3A_266 = tpu.memref_slice %arg5[%add3A_248] : memref<1600000xf32, #tpu.memory_space<hbm>> -> memref<2000xf32, #tpu.memory_space<hbm>>
      tpu.enqueue_dma source(%dma_start3A_266 : memref<2000xf32, #tpu.memory_space<hbm>>) target(%dma_start3A_265 : memref<2000xf32, #tpu.memory_space<vmem>>) target_semaphore(%arg16 : memref<!tpu.dma_semaphore, #tpu.memory_space<semaphore_mem>>)
      %dma_start3A_267 = arith.constant 2000 : i32
      %dma_start3A_268 = tpu.memref_slice %arg14[%dma_start3A_267] : memref<12000xf32, #tpu.memory_space<vmem>> -> memref<2000xf32, #tpu.memory_space<vmem>>
      %dma_start3A_269 = tpu.memref_slice %arg6[%add3A_248] : memref<1600000xf32, #tpu.memory_space<hbm>> -> memref<2000xf32, #tpu.memory_space<hbm>>
      %dma_start3A_270 = arith.constant 2000 : i32
      %dma_start3A_271 = tpu.memref_slice %arg14[%dma_start3A_270] : memref<12000xf32, #tpu.memory_space<vmem>> -> memref<2000xf32, #tpu.memory_space<vmem>>
      %dma_start3A_272 = tpu.memref_slice %arg6[%add3A_248] : memref<1600000xf32, #tpu.memory_space<hbm>> -> memref<2000xf32, #tpu.memory_space<hbm>>
      tpu.enqueue_dma source(%dma_start3A_272 : memref<2000xf32, #tpu.memory_space<hbm>>) target(%dma_start3A_271 : memref<2000xf32, #tpu.memory_space<vmem>>) target_semaphore(%arg16 : memref<!tpu.dma_semaphore, #tpu.memory_space<semaphore_mem>>)
      %dma_start3A_273 = arith.constant 4000 : i32
      %dma_start3A_274 = tpu.memref_slice %arg14[%dma_start3A_273] : memref<12000xf32, #tpu.memory_space<vmem>> -> memref<2000xf32, #tpu.memory_space<vmem>>
      %dma_start3A_275 = tpu.memref_slice %arg7[%add3A_248] : memref<1600000xf32, #tpu.memory_space<hbm>> -> memref<2000xf32, #tpu.memory_space<hbm>>
      %dma_start3A_276 = arith.constant 4000 : i32
      %dma_start3A_277 = tpu.memref_slice %arg14[%dma_start3A_276] : memref<12000xf32, #tpu.memory_space<vmem>> -> memref<2000xf32, #tpu.memory_space<vmem>>
      %dma_start3A_278 = tpu.memref_slice %arg7[%add3A_248] : memref<1600000xf32, #tpu.memory_space<hbm>> -> memref<2000xf32, #tpu.memory_space<hbm>>
      tpu.enqueue_dma source(%dma_start3A_278 : memref<2000xf32, #tpu.memory_space<hbm>>) target(%dma_start3A_277 : memref<2000xf32, #tpu.memory_space<vmem>>) target_semaphore(%arg16 : memref<!tpu.dma_semaphore, #tpu.memory_space<semaphore_mem>>)
      %add3A_279 = arith.constant 1 : i32
      %add3A_280 = arith.addi %mul3A_207, %add3A_279 : i32
      %mul3A_281 = arith.constant 2000 : i32
      %mul3A_282 = arith.muli %add3A_280, %mul3A_281 : i32
      %add3A_283 = arith.addi %mul3A_65, %mul3A_282 : i32
      %dma_wait3A_284 = arith.constant 2000 : i32
      %dma_wait3A_285 = tpu.memref_slice %arg12[%dma_wait3A_284] : memref<4000xi32, #tpu.memory_space<vmem>> -> memref<2000xi32, #tpu.memory_space<vmem>>
      %dma_wait3A_286 = tpu.memref_slice %arg3[%add3A_283] : memref<1600000xi32, #tpu.memory_space<hbm>> -> memref<2000xi32, #tpu.memory_space<hbm>>
      %dma_wait3A_287 = arith.constant 2000 : i32
      %dma_wait3A_288 = tpu.memref_slice %arg12[%dma_wait3A_287] : memref<4000xi32, #tpu.memory_space<vmem>> -> memref<2000xi32, #tpu.memory_space<vmem>>
      %dma_wait3A_289 = tpu.memref_slice %arg3[%add3A_283] : memref<1600000xi32, #tpu.memory_space<hbm>> -> memref<2000xi32, #tpu.memory_space<hbm>>
      tpu.wait_dma2 semaphore(%arg17 : memref<!tpu.dma_semaphore, #tpu.memory_space<semaphore_mem>>) src(%dma_wait3A_289 : memref<2000xi32, #tpu.memory_space<hbm>>) dst(%dma_wait3A_288 : memref<2000xi32, #tpu.memory_space<vmem>>)
      %dma_wait3A_290 = arith.constant 2000 : i32
      %dma_wait3A_291 = tpu.memref_slice %arg13[%dma_wait3A_290] : memref<4000xi32, #tpu.memory_space<vmem>> -> memref<2000xi32, #tpu.memory_space<vmem>>
      %dma_wait3A_292 = tpu.memref_slice %arg4[%add3A_283] : memref<1600000xi32, #tpu.memory_space<hbm>> -> memref<2000xi32, #tpu.memory_space<hbm>>
      %dma_wait3A_293 = arith.constant 2000 : i32
      %dma_wait3A_294 = tpu.memref_slice %arg13[%dma_wait3A_293] : memref<4000xi32, #tpu.memory_space<vmem>> -> memref<2000xi32, #tpu.memory_space<vmem>>
      %dma_wait3A_295 = tpu.memref_slice %arg4[%add3A_283] : memref<1600000xi32, #tpu.memory_space<hbm>> -> memref<2000xi32, #tpu.memory_space<hbm>>
      tpu.wait_dma2 semaphore(%arg17 : memref<!tpu.dma_semaphore, #tpu.memory_space<semaphore_mem>>) src(%dma_wait3A_295 : memref<2000xi32, #tpu.memory_space<hbm>>) dst(%dma_wait3A_294 : memref<2000xi32, #tpu.memory_space<vmem>>)
      %dma_wait3A_296 = arith.constant 6000 : i32
      %dma_wait3A_297 = tpu.memref_slice %arg14[%dma_wait3A_296] : memref<12000xf32, #tpu.memory_space<vmem>> -> memref<2000xf32, #tpu.memory_space<vmem>>
      %dma_wait3A_298 = tpu.memref_slice %arg5[%add3A_283] : memref<1600000xf32, #tpu.memory_space<hbm>> -> memref<2000xf32, #tpu.memory_space<hbm>>
      %dma_wait3A_299 = arith.constant 6000 : i32
      %dma_wait3A_300 = tpu.memref_slice %arg14[%dma_wait3A_299] : memref<12000xf32, #tpu.memory_space<vmem>> -> memref<2000xf32, #tpu.memory_space<vmem>>
      %dma_wait3A_301 = tpu.memref_slice %arg5[%add3A_283] : memref<1600000xf32, #tpu.memory_space<hbm>> -> memref<2000xf32, #tpu.memory_space<hbm>>
      tpu.wait_dma2 semaphore(%arg17 : memref<!tpu.dma_semaphore, #tpu.memory_space<semaphore_mem>>) src(%dma_wait3A_301 : memref<2000xf32, #tpu.memory_space<hbm>>) dst(%dma_wait3A_300 : memref<2000xf32, #tpu.memory_space<vmem>>)
      %dma_wait3A_302 = arith.constant 8000 : i32
      %dma_wait3A_303 = tpu.memref_slice %arg14[%dma_wait3A_302] : memref<12000xf32, #tpu.memory_space<vmem>> -> memref<2000xf32, #tpu.memory_space<vmem>>
      %dma_wait3A_304 = tpu.memref_slice %arg6[%add3A_283] : memref<1600000xf32, #tpu.memory_space<hbm>> -> memref<2000xf32, #tpu.memory_space<hbm>>
      %dma_wait3A_305 = arith.constant 8000 : i32
      %dma_wait3A_306 = tpu.memref_slice %arg14[%dma_wait3A_305] : memref<12000xf32, #tpu.memory_space<vmem>> -> memref<2000xf32, #tpu.memory_space<vmem>>
      %dma_wait3A_307 = tpu.memref_slice %arg6[%add3A_283] : memref<1600000xf32, #tpu.memory_space<hbm>> -> memref<2000xf32, #tpu.memory_space<hbm>>
      tpu.wait_dma2 semaphore(%arg17 : memref<!tpu.dma_semaphore, #tpu.memory_space<semaphore_mem>>) src(%dma_wait3A_307 : memref<2000xf32, #tpu.memory_space<hbm>>) dst(%dma_wait3A_306 : memref<2000xf32, #tpu.memory_space<vmem>>)
      %dma_wait3A_308 = arith.constant 10000 : i32
      %dma_wait3A_309 = tpu.memref_slice %arg14[%dma_wait3A_308] : memref<12000xf32, #tpu.memory_space<vmem>> -> memref<2000xf32, #tpu.memory_space<vmem>>
      %dma_wait3A_310 = tpu.memref_slice %arg7[%add3A_283] : memref<1600000xf32, #tpu.memory_space<hbm>> -> memref<2000xf32, #tpu.memory_space<hbm>>
      %dma_wait3A_311 = arith.constant 10000 : i32
      %dma_wait3A_312 = tpu.memref_slice %arg14[%dma_wait3A_311] : memref<12000xf32, #tpu.memory_space<vmem>> -> memref<2000xf32, #tpu.memory_space<vmem>>
      %dma_wait3A_313 = tpu.memref_slice %arg7[%add3A_283] : memref<1600000xf32, #tpu.memory_space<hbm>> -> memref<2000xf32, #tpu.memory_space<hbm>>
      tpu.wait_dma2 semaphore(%arg17 : memref<!tpu.dma_semaphore, #tpu.memory_space<semaphore_mem>>) src(%dma_wait3A_313 : memref<2000xf32, #tpu.memory_space<hbm>>) dst(%dma_wait3A_312 : memref<2000xf32, #tpu.memory_space<vmem>>)
      %parallel_loop3A_314 = arith.constant 0 : i32
      %parallel_loop3A_315 = arith.constant 125 : i32
      %parallel_loop3A_316 = arith.constant 1 : i32
      scf.for %parallel_loop3A_352 = %parallel_loop3A_314 to %parallel_loop3A_315 step %parallel_loop3A_316  : i32 {
        %parallel_loop3A_353 = arith.constant 16 : i32
        %parallel_loop3A_354 = arith.muli %parallel_loop3A_352, %parallel_loop3A_353 : i32
        %parallel_loop3A_355 = arith.constant 6000 : i32
        %parallel_loop3A_356 = arith.addi %parallel_loop3A_355, %parallel_loop3A_354 : i32
        %parallel_loop3A_357 = arith.index_cast %parallel_loop3A_356 : i32 to index
        %parallel_loop3A_358 = tpu.vector_load %arg14[%parallel_loop3A_357] {strides = array<i32>} : memref<12000xf32, #tpu.memory_space<vmem>>, vector<16xf32>,
        %parallel_loop3A_359 = arith.constant 8000 : i32
        %parallel_loop3A_360 = arith.addi %parallel_loop3A_359, %parallel_loop3A_354 : i32
        %parallel_loop3A_361 = arith.index_cast %parallel_loop3A_360 : i32 to index
        %parallel_loop3A_362 = tpu.vector_load %arg14[%parallel_loop3A_361] {strides = array<i32>} : memref<12000xf32, #tpu.memory_space<vmem>>, vector<16xf32>,
        %parallel_loop3A_363 = arith.constant 10000 : i32
        %parallel_loop3A_364 = arith.addi %parallel_loop3A_363, %parallel_loop3A_354 : i32
        %parallel_loop3A_365 = arith.index_cast %parallel_loop3A_364 : i32 to index
        %parallel_loop3A_366 = tpu.vector_load %arg14[%parallel_loop3A_365] {strides = array<i32>} : memref<12000xf32, #tpu.memory_space<vmem>>, vector<16xf32>,
        %parallel_loop3A_367 = arith.mulf %parallel_loop3A_358, %get3A_41 : vector<16xf32>
        %parallel_loop3A_368 = arith.mulf %parallel_loop3A_362, %get3A_49 : vector<16xf32>
        %parallel_loop3A_369 = arith.addf %parallel_loop3A_367, %parallel_loop3A_368 : vector<16xf32>
        %parallel_loop3A_370 = arith.mulf %parallel_loop3A_366, %get3A_57 : vector<16xf32>
        %parallel_loop3A_371 = arith.addf %parallel_loop3A_369, %parallel_loop3A_370 : vector<16xf32>
        %parallel_loop3A_372 = arith.addf %parallel_loop3A_371, %get3A_63 : vector<16xf32>
        %parallel_loop3A_373 = arith.constant 0.000000e+00 : f32
        %parallel_loop3A_374 = vector.broadcast %parallel_loop3A_373 : f32 to vector<16xf32>
        %parallel_loop3A_375 = arith.maximumf %parallel_loop3A_372, %parallel_loop3A_374 : vector<16xf32>
        %parallel_loop3A_376 = arith.constant 2000 : i32
        %parallel_loop3A_377 = arith.addi %parallel_loop3A_376, %parallel_loop3A_354 : i32
        %parallel_loop3A_378 = arith.index_cast %parallel_loop3A_377 : i32 to index
        %parallel_loop3A_379 = tpu.vector_load %arg12[%parallel_loop3A_378] {strides = array<i32>} : memref<4000xi32, #tpu.memory_space<vmem>>, vector<16xi32>,
        %parallel_loop3A_380 = arith.constant 2000 : i32
        %parallel_loop3A_381 = arith.addi %parallel_loop3A_380, %parallel_loop3A_354 : i32
        %parallel_loop3A_382 = arith.index_cast %parallel_loop3A_381 : i32 to index
        %parallel_loop3A_383 = tpu.vector_load %arg13[%parallel_loop3A_382] {strides = array<i32>} : memref<4000xi32, #tpu.memory_space<vmem>>, vector<16xi32>,
        %parallel_loop3A_384 = tpu.vector_load_idx %arg10[%parallel_loop3A_379] : memref<50176xf32, #tpu.memory_space<vmem>>[vector<16xi32>], vector<16xf32>,
        %parallel_loop3A_385 = arith.mulf %parallel_loop3A_384, %parallel_loop3A_375 : vector<16xf32>
        tpu.vector_store_idx %arg11[%parallel_loop3A_383], %parallel_loop3A_385 {add = true} : memref<50176xf32, #tpu.memory_space<vmem>>[vector<16xi32>], vector<16xf32>,
      } {sc.loop_unroll_factor = 4 : i64, sc.parallel_access}
      %add3A_317 = arith.constant 3 : i32
      %add3A_318 = arith.addi %mul3A_207, %add3A_317 : i32
      %mul3A_319 = arith.constant 2000 : i32
      %mul3A_320 = arith.muli %add3A_318, %mul3A_319 : i32
      %add3A_321 = arith.addi %mul3A_65, %mul3A_320 : i32
      %dma_start3A_322 = arith.constant 2000 : i32
      %dma_start3A_323 = tpu.memref_slice %arg12[%dma_start3A_322] : memref<4000xi32, #tpu.memory_space<vmem>> -> memref<2000xi32, #tpu.memory_space<vmem>>
      %dma_start3A_324 = tpu.memref_slice %arg3[%add3A_321] : memref<1600000xi32, #tpu.memory_space<hbm>> -> memref<2000xi32, #tpu.memory_space<hbm>>
      %dma_start3A_325 = arith.constant 2000 : i32
      %dma_start3A_326 = tpu.memref_slice %arg12[%dma_start3A_325] : memref<4000xi32, #tpu.memory_space<vmem>> -> memref<2000xi32, #tpu.memory_space<vmem>>
      %dma_start3A_327 = tpu.memref_slice %arg3[%add3A_321] : memref<1600000xi32, #tpu.memory_space<hbm>> -> memref<2000xi32, #tpu.memory_space<hbm>>
      tpu.enqueue_dma source(%dma_start3A_327 : memref<2000xi32, #tpu.memory_space<hbm>>) target(%dma_start3A_326 : memref<2000xi32, #tpu.memory_space<vmem>>) target_semaphore(%arg17 : memref<!tpu.dma_semaphore, #tpu.memory_space<semaphore_mem>>)
      %dma_start3A_328 = arith.constant 2000 : i32
      %dma_start3A_329 = tpu.memref_slice %arg13[%dma_start3A_328] : memref<4000xi32, #tpu.memory_space<vmem>> -> memref<2000xi32, #tpu.memory_space<vmem>>
      %dma_start3A_330 = tpu.memref_slice %arg4[%add3A_321] : memref<1600000xi32, #tpu.memory_space<hbm>> -> memref<2000xi32, #tpu.memory_space<hbm>>
      %dma_start3A_331 = arith.constant 2000 : i32
      %dma_start3A_332 = tpu.memref_slice %arg13[%dma_start3A_331] : memref<4000xi32, #tpu.memory_space<vmem>> -> memref<2000xi32, #tpu.memory_space<vmem>>
      %dma_start3A_333 = tpu.memref_slice %arg4[%add3A_321] : memref<1600000xi32, #tpu.memory_space<hbm>> -> memref<2000xi32, #tpu.memory_space<hbm>>
      tpu.enqueue_dma source(%dma_start3A_333 : memref<2000xi32, #tpu.memory_space<hbm>>) target(%dma_start3A_332 : memref<2000xi32, #tpu.memory_space<vmem>>) target_semaphore(%arg17 : memref<!tpu.dma_semaphore, #tpu.memory_space<semaphore_mem>>)
      %dma_start3A_334 = arith.constant 6000 : i32
      %dma_start3A_335 = tpu.memref_slice %arg14[%dma_start3A_334] : memref<12000xf32, #tpu.memory_space<vmem>> -> memref<2000xf32, #tpu.memory_space<vmem>>
      %dma_start3A_336 = tpu.memref_slice %arg5[%add3A_321] : memref<1600000xf32, #tpu.memory_space<hbm>> -> memref<2000xf32, #tpu.memory_space<hbm>>
      %dma_start3A_337 = arith.constant 6000 : i32
      %dma_start3A_338 = tpu.memref_slice %arg14[%dma_start3A_337] : memref<12000xf32, #tpu.memory_space<vmem>> -> memref<2000xf32, #tpu.memory_space<vmem>>
      %dma_start3A_339 = tpu.memref_slice %arg5[%add3A_321] : memref<1600000xf32, #tpu.memory_space<hbm>> -> memref<2000xf32, #tpu.memory_space<hbm>>
      tpu.enqueue_dma source(%dma_start3A_339 : memref<2000xf32, #tpu.memory_space<hbm>>) target(%dma_start3A_338 : memref<2000xf32, #tpu.memory_space<vmem>>) target_semaphore(%arg17 : memref<!tpu.dma_semaphore, #tpu.memory_space<semaphore_mem>>)
      %dma_start3A_340 = arith.constant 8000 : i32
      %dma_start3A_341 = tpu.memref_slice %arg14[%dma_start3A_340] : memref<12000xf32, #tpu.memory_space<vmem>> -> memref<2000xf32, #tpu.memory_space<vmem>>
      %dma_start3A_342 = tpu.memref_slice %arg6[%add3A_321] : memref<1600000xf32, #tpu.memory_space<hbm>> -> memref<2000xf32, #tpu.memory_space<hbm>>
      %dma_start3A_343 = arith.constant 8000 : i32
      %dma_start3A_344 = tpu.memref_slice %arg14[%dma_start3A_343] : memref<12000xf32, #tpu.memory_space<vmem>> -> memref<2000xf32, #tpu.memory_space<vmem>>
      %dma_start3A_345 = tpu.memref_slice %arg6[%add3A_321] : memref<1600000xf32, #tpu.memory_space<hbm>> -> memref<2000xf32, #tpu.memory_space<hbm>>
      tpu.enqueue_dma source(%dma_start3A_345 : memref<2000xf32, #tpu.memory_space<hbm>>) target(%dma_start3A_344 : memref<2000xf32, #tpu.memory_space<vmem>>) target_semaphore(%arg17 : memref<!tpu.dma_semaphore, #tpu.memory_space<semaphore_mem>>)
      %dma_start3A_346 = arith.constant 10000 : i32
      %dma_start3A_347 = tpu.memref_slice %arg14[%dma_start3A_346] : memref<12000xf32, #tpu.memory_space<vmem>> -> memref<2000xf32, #tpu.memory_space<vmem>>
      %dma_start3A_348 = tpu.memref_slice %arg7[%add3A_321] : memref<1600000xf32, #tpu.memory_space<hbm>> -> memref<2000xf32, #tpu.memory_space<hbm>>
      %dma_start3A_349 = arith.constant 10000 : i32
      %dma_start3A_350 = tpu.memref_slice %arg14[%dma_start3A_349] : memref<12000xf32, #tpu.memory_space<vmem>> -> memref<2000xf32, #tpu.memory_space<vmem>>
      %dma_start3A_351 = tpu.memref_slice %arg7[%add3A_321] : memref<1600000xf32, #tpu.memory_space<hbm>> -> memref<2000xf32, #tpu.memory_space<hbm>>
      tpu.enqueue_dma source(%dma_start3A_351 : memref<2000xf32, #tpu.memory_space<hbm>>) target(%dma_start3A_350 : memref<2000xf32, #tpu.memory_space<vmem>>) target_semaphore(%arg17 : memref<!tpu.dma_semaphore, #tpu.memory_space<semaphore_mem>>)
    }
    %scan3A_134 = arith.constant 49 : i32
    %add3A_135 = arith.constant 196000 : i32
    %add3A_136 = arith.addi %mul3A_65, %add3A_135 : i32
    %dma_wait3A = arith.constant 0 : i32
    %dma_wait3A_137 = tpu.memref_slice %arg12[%dma_wait3A] : memref<4000xi32, #tpu.memory_space<vmem>> -> memref<2000xi32, #tpu.memory_space<vmem>>
    %dma_wait3A_138 = tpu.memref_slice %arg3[%add3A_136] : memref<1600000xi32, #tpu.memory_space<hbm>> -> memref<2000xi32, #tpu.memory_space<hbm>>
    %dma_wait3A_139 = arith.constant 0 : i32
    %dma_wait3A_140 = tpu.memref_slice %arg12[%dma_wait3A_139] : memref<4000xi32, #tpu.memory_space<vmem>> -> memref<2000xi32, #tpu.memory_space<vmem>>
    %dma_wait3A_141 = tpu.memref_slice %arg3[%add3A_136] : memref<1600000xi32, #tpu.memory_space<hbm>> -> memref<2000xi32, #tpu.memory_space<hbm>>
    tpu.wait_dma2 semaphore(%arg16 : memref<!tpu.dma_semaphore, #tpu.memory_space<semaphore_mem>>) src(%dma_wait3A_141 : memref<2000xi32, #tpu.memory_space<hbm>>) dst(%dma_wait3A_140 : memref<2000xi32, #tpu.memory_space<vmem>>)
    %dma_wait3A_142 = arith.constant 0 : i32
    %dma_wait3A_143 = tpu.memref_slice %arg13[%dma_wait3A_142] : memref<4000xi32, #tpu.memory_space<vmem>> -> memref<2000xi32, #tpu.memory_space<vmem>>
    %dma_wait3A_144 = tpu.memref_slice %arg4[%add3A_136] : memref<1600000xi32, #tpu.memory_space<hbm>> -> memref<2000xi32, #tpu.memory_space<hbm>>
    %dma_wait3A_145 = arith.constant 0 : i32
    %dma_wait3A_146 = tpu.memref_slice %arg13[%dma_wait3A_145] : memref<4000xi32, #tpu.memory_space<vmem>> -> memref<2000xi32, #tpu.memory_space<vmem>>
    %dma_wait3A_147 = tpu.memref_slice %arg4[%add3A_136] : memref<1600000xi32, #tpu.memory_space<hbm>> -> memref<2000xi32, #tpu.memory_space<hbm>>
    tpu.wait_dma2 semaphore(%arg16 : memref<!tpu.dma_semaphore, #tpu.memory_space<semaphore_mem>>) src(%dma_wait3A_147 : memref<2000xi32, #tpu.memory_space<hbm>>) dst(%dma_wait3A_146 : memref<2000xi32, #tpu.memory_space<vmem>>)
    %dma_wait3A_148 = arith.constant 0 : i32
    %dma_wait3A_149 = tpu.memref_slice %arg14[%dma_wait3A_148] : memref<12000xf32, #tpu.memory_space<vmem>> -> memref<2000xf32, #tpu.memory_space<vmem>>
    %dma_wait3A_150 = tpu.memref_slice %arg5[%add3A_136] : memref<1600000xf32, #tpu.memory_space<hbm>> -> memref<2000xf32, #tpu.memory_space<hbm>>
    %dma_wait3A_151 = arith.constant 0 : i32
    %dma_wait3A_152 = tpu.memref_slice %arg14[%dma_wait3A_151] : memref<12000xf32, #tpu.memory_space<vmem>> -> memref<2000xf32, #tpu.memory_space<vmem>>
    %dma_wait3A_153 = tpu.memref_slice %arg5[%add3A_136] : memref<1600000xf32, #tpu.memory_space<hbm>> -> memref<2000xf32, #tpu.memory_space<hbm>>
    tpu.wait_dma2 semaphore(%arg16 : memref<!tpu.dma_semaphore, #tpu.memory_space<semaphore_mem>>) src(%dma_wait3A_153 : memref<2000xf32, #tpu.memory_space<hbm>>) dst(%dma_wait3A_152 : memref<2000xf32, #tpu.memory_space<vmem>>)
    %dma_wait3A_154 = arith.constant 2000 : i32
    %dma_wait3A_155 = tpu.memref_slice %arg14[%dma_wait3A_154] : memref<12000xf32, #tpu.memory_space<vmem>> -> memref<2000xf32, #tpu.memory_space<vmem>>
    %dma_wait3A_156 = tpu.memref_slice %arg6[%add3A_136] : memref<1600000xf32, #tpu.memory_space<hbm>> -> memref<2000xf32, #tpu.memory_space<hbm>>
    %dma_wait3A_157 = arith.constant 2000 : i32
    %dma_wait3A_158 = tpu.memref_slice %arg14[%dma_wait3A_157] : memref<12000xf32, #tpu.memory_space<vmem>> -> memref<2000xf32, #tpu.memory_space<vmem>>
    %dma_wait3A_159 = tpu.memref_slice %arg6[%add3A_136] : memref<1600000xf32, #tpu.memory_space<hbm>> -> memref<2000xf32, #tpu.memory_space<hbm>>
    tpu.wait_dma2 semaphore(%arg16 : memref<!tpu.dma_semaphore, #tpu.memory_space<semaphore_mem>>) src(%dma_wait3A_159 : memref<2000xf32, #tpu.memory_space<hbm>>) dst(%dma_wait3A_158 : memref<2000xf32, #tpu.memory_space<vmem>>)
    %dma_wait3A_160 = arith.constant 4000 : i32
    %dma_wait3A_161 = tpu.memref_slice %arg14[%dma_wait3A_160] : memref<12000xf32, #tpu.memory_space<vmem>> -> memref<2000xf32, #tpu.memory_space<vmem>>
    %dma_wait3A_162 = tpu.memref_slice %arg7[%add3A_136] : memref<1600000xf32, #tpu.memory_space<hbm>> -> memref<2000xf32, #tpu.memory_space<hbm>>
    %dma_wait3A_163 = arith.constant 4000 : i32
    %dma_wait3A_164 = tpu.memref_slice %arg14[%dma_wait3A_163] : memref<12000xf32, #tpu.memory_space<vmem>> -> memref<2000xf32, #tpu.memory_space<vmem>>
    %dma_wait3A_165 = tpu.memref_slice %arg7[%add3A_136] : memref<1600000xf32, #tpu.memory_space<hbm>> -> memref<2000xf32, #tpu.memory_space<hbm>>
    tpu.wait_dma2 semaphore(%arg16 : memref<!tpu.dma_semaphore, #tpu.memory_space<semaphore_mem>>) src(%dma_wait3A_165 : memref<2000xf32, #tpu.memory_space<hbm>>) dst(%dma_wait3A_164 : memref<2000xf32, #tpu.memory_space<vmem>>)
    %parallel_loop3A = arith.constant 0 : i32
    %parallel_loop3A_166 = arith.constant 125 : i32
    %parallel_loop3A_167 = arith.constant 1 : i32
    scf.for %parallel_loop3A_205 = %parallel_loop3A to %parallel_loop3A_166 step %parallel_loop3A_167  : i32 {
      %parallel_loop3A_206 = arith.constant 16 : i32
      %parallel_loop3A_207 = arith.muli %parallel_loop3A_205, %parallel_loop3A_206 : i32
      %parallel_loop3A_208 = arith.constant 0 : i32
      %parallel_loop3A_209 = arith.addi %parallel_loop3A_208, %parallel_loop3A_207 : i32
      %parallel_loop3A_210 = arith.index_cast %parallel_loop3A_209 : i32 to index
      %parallel_loop3A_211 = tpu.vector_load %arg14[%parallel_loop3A_210] {strides = array<i32>} : memref<12000xf32, #tpu.memory_space<vmem>>, vector<16xf32>,
      %parallel_loop3A_212 = arith.constant 2000 : i32
      %parallel_loop3A_213 = arith.addi %parallel_loop3A_212, %parallel_loop3A_207 : i32
      %parallel_loop3A_214 = arith.index_cast %parallel_loop3A_213 : i32 to index
      %parallel_loop3A_215 = tpu.vector_load %arg14[%parallel_loop3A_214] {strides = array<i32>} : memref<12000xf32, #tpu.memory_space<vmem>>, vector<16xf32>,
      %parallel_loop3A_216 = arith.constant 4000 : i32
      %parallel_loop3A_217 = arith.addi %parallel_loop3A_216, %parallel_loop3A_207 : i32
      %parallel_loop3A_218 = arith.index_cast %parallel_loop3A_217 : i32 to index
      %parallel_loop3A_219 = tpu.vector_load %arg14[%parallel_loop3A_218] {strides = array<i32>} : memref<12000xf32, #tpu.memory_space<vmem>>, vector<16xf32>,
      %parallel_loop3A_220 = arith.mulf %parallel_loop3A_211, %get3A_41 : vector<16xf32>
      %parallel_loop3A_221 = arith.mulf %parallel_loop3A_215, %get3A_49 : vector<16xf32>
      %parallel_loop3A_222 = arith.addf %parallel_loop3A_220, %parallel_loop3A_221 : vector<16xf32>
      %parallel_loop3A_223 = arith.mulf %parallel_loop3A_219, %get3A_57 : vector<16xf32>
      %parallel_loop3A_224 = arith.addf %parallel_loop3A_222, %parallel_loop3A_223 : vector<16xf32>
      %parallel_loop3A_225 = arith.addf %parallel_loop3A_224, %get3A_63 : vector<16xf32>
      %parallel_loop3A_226 = arith.constant 0.000000e+00 : f32
      %parallel_loop3A_227 = vector.broadcast %parallel_loop3A_226 : f32 to vector<16xf32>
      %parallel_loop3A_228 = arith.maximumf %parallel_loop3A_225, %parallel_loop3A_227 : vector<16xf32>
      %parallel_loop3A_229 = arith.constant 0 : i32
      %parallel_loop3A_230 = arith.addi %parallel_loop3A_229, %parallel_loop3A_207 : i32
      %parallel_loop3A_231 = arith.index_cast %parallel_loop3A_230 : i32 to index
      %parallel_loop3A_232 = tpu.vector_load %arg12[%parallel_loop3A_231] {strides = array<i32>} : memref<4000xi32, #tpu.memory_space<vmem>>, vector<16xi32>,
      %parallel_loop3A_233 = arith.constant 0 : i32
      %parallel_loop3A_234 = arith.addi %parallel_loop3A_233, %parallel_loop3A_207 : i32
      %parallel_loop3A_235 = arith.index_cast %parallel_loop3A_234 : i32 to index
      %parallel_loop3A_236 = tpu.vector_load %arg13[%parallel_loop3A_235] {strides = array<i32>} : memref<4000xi32, #tpu.memory_space<vmem>>, vector<16xi32>,
      %parallel_loop3A_237 = tpu.vector_load_idx %arg10[%parallel_loop3A_232] : memref<50176xf32, #tpu.memory_space<vmem>>[vector<16xi32>], vector<16xf32>,
      %parallel_loop3A_238 = arith.mulf %parallel_loop3A_237, %parallel_loop3A_228 : vector<16xf32>
      tpu.vector_store_idx %arg11[%parallel_loop3A_236], %parallel_loop3A_238 {add = true} : memref<50176xf32, #tpu.memory_space<vmem>>[vector<16xi32>], vector<16xf32>,
    } {sc.loop_unroll_factor = 4 : i64, sc.parallel_access}
    %add3A_168 = arith.constant 198000 : i32
    %add3A_169 = arith.addi %mul3A_65, %add3A_168 : i32
    %dma_wait3A_170 = arith.constant 2000 : i32
    %dma_wait3A_171 = tpu.memref_slice %arg12[%dma_wait3A_170] : memref<4000xi32, #tpu.memory_space<vmem>> -> memref<2000xi32, #tpu.memory_space<vmem>>
    %dma_wait3A_172 = tpu.memref_slice %arg3[%add3A_169] : memref<1600000xi32, #tpu.memory_space<hbm>> -> memref<2000xi32, #tpu.memory_space<hbm>>
    %dma_wait3A_173 = arith.constant 2000 : i32
    %dma_wait3A_174 = tpu.memref_slice %arg12[%dma_wait3A_173] : memref<4000xi32, #tpu.memory_space<vmem>> -> memref<2000xi32, #tpu.memory_space<vmem>>
    %dma_wait3A_175 = tpu.memref_slice %arg3[%add3A_169] : memref<1600000xi32, #tpu.memory_space<hbm>> -> memref<2000xi32, #tpu.memory_space<hbm>>
    tpu.wait_dma2 semaphore(%arg17 : memref<!tpu.dma_semaphore, #tpu.memory_space<semaphore_mem>>) src(%dma_wait3A_175 : memref<2000xi32, #tpu.memory_space<hbm>>) dst(%dma_wait3A_174 : memref<2000xi32, #tpu.memory_space<vmem>>)
    %dma_wait3A_176 = arith.constant 2000 : i32
    %dma_wait3A_177 = tpu.memref_slice %arg13[%dma_wait3A_176] : memref<4000xi32, #tpu.memory_space<vmem>> -> memref<2000xi32, #tpu.memory_space<vmem>>
    %dma_wait3A_178 = tpu.memref_slice %arg4[%add3A_169] : memref<1600000xi32, #tpu.memory_space<hbm>> -> memref<2000xi32, #tpu.memory_space<hbm>>
    %dma_wait3A_179 = arith.constant 2000 : i32
    %dma_wait3A_180 = tpu.memref_slice %arg13[%dma_wait3A_179] : memref<4000xi32, #tpu.memory_space<vmem>> -> memref<2000xi32, #tpu.memory_space<vmem>>
    %dma_wait3A_181 = tpu.memref_slice %arg4[%add3A_169] : memref<1600000xi32, #tpu.memory_space<hbm>> -> memref<2000xi32, #tpu.memory_space<hbm>>
    tpu.wait_dma2 semaphore(%arg17 : memref<!tpu.dma_semaphore, #tpu.memory_space<semaphore_mem>>) src(%dma_wait3A_181 : memref<2000xi32, #tpu.memory_space<hbm>>) dst(%dma_wait3A_180 : memref<2000xi32, #tpu.memory_space<vmem>>)
    %dma_wait3A_182 = arith.constant 6000 : i32
    %dma_wait3A_183 = tpu.memref_slice %arg14[%dma_wait3A_182] : memref<12000xf32, #tpu.memory_space<vmem>> -> memref<2000xf32, #tpu.memory_space<vmem>>
    %dma_wait3A_184 = tpu.memref_slice %arg5[%add3A_169] : memref<1600000xf32, #tpu.memory_space<hbm>> -> memref<2000xf32, #tpu.memory_space<hbm>>
    %dma_wait3A_185 = arith.constant 6000 : i32
    %dma_wait3A_186 = tpu.memref_slice %arg14[%dma_wait3A_185] : memref<12000xf32, #tpu.memory_space<vmem>> -> memref<2000xf32, #tpu.memory_space<vmem>>
    %dma_wait3A_187 = tpu.memref_slice %arg5[%add3A_169] : memref<1600000xf32, #tpu.memory_space<hbm>> -> memref<2000xf32, #tpu.memory_space<hbm>>
    tpu.wait_dma2 semaphore(%arg17 : memref<!tpu.dma_semaphore, #tpu.memory_space<semaphore_mem>>) src(%dma_wait3A_187 : memref<2000xf32, #tpu.memory_space<hbm>>) dst(%dma_wait3A_186 : memref<2000xf32, #tpu.memory_space<vmem>>)
    %dma_wait3A_188 = arith.constant 8000 : i32
    %dma_wait3A_189 = tpu.memref_slice %arg14[%dma_wait3A_188] : memref<12000xf32, #tpu.memory_space<vmem>> -> memref<2000xf32, #tpu.memory_space<vmem>>
    %dma_wait3A_190 = tpu.memref_slice %arg6[%add3A_169] : memref<1600000xf32, #tpu.memory_space<hbm>> -> memref<2000xf32, #tpu.memory_space<hbm>>
    %dma_wait3A_191 = arith.constant 8000 : i32
    %dma_wait3A_192 = tpu.memref_slice %arg14[%dma_wait3A_191] : memref<12000xf32, #tpu.memory_space<vmem>> -> memref<2000xf32, #tpu.memory_space<vmem>>
    %dma_wait3A_193 = tpu.memref_slice %arg6[%add3A_169] : memref<1600000xf32, #tpu.memory_space<hbm>> -> memref<2000xf32, #tpu.memory_space<hbm>>
    tpu.wait_dma2 semaphore(%arg17 : memref<!tpu.dma_semaphore, #tpu.memory_space<semaphore_mem>>) src(%dma_wait3A_193 : memref<2000xf32, #tpu.memory_space<hbm>>) dst(%dma_wait3A_192 : memref<2000xf32, #tpu.memory_space<vmem>>)
    %dma_wait3A_194 = arith.constant 10000 : i32
    %dma_wait3A_195 = tpu.memref_slice %arg14[%dma_wait3A_194] : memref<12000xf32, #tpu.memory_space<vmem>> -> memref<2000xf32, #tpu.memory_space<vmem>>
    %dma_wait3A_196 = tpu.memref_slice %arg7[%add3A_169] : memref<1600000xf32, #tpu.memory_space<hbm>> -> memref<2000xf32, #tpu.memory_space<hbm>>
    %dma_wait3A_197 = arith.constant 10000 : i32
    %dma_wait3A_198 = tpu.memref_slice %arg14[%dma_wait3A_197] : memref<12000xf32, #tpu.memory_space<vmem>> -> memref<2000xf32, #tpu.memory_space<vmem>>
    %dma_wait3A_199 = tpu.memref_slice %arg7[%add3A_169] : memref<1600000xf32, #tpu.memory_space<hbm>> -> memref<2000xf32, #tpu.memory_space<hbm>>
    tpu.wait_dma2 semaphore(%arg17 : memref<!tpu.dma_semaphore, #tpu.memory_space<semaphore_mem>>) src(%dma_wait3A_199 : memref<2000xf32, #tpu.memory_space<hbm>>) dst(%dma_wait3A_198 : memref<2000xf32, #tpu.memory_space<vmem>>)
    %parallel_loop3A_200 = arith.constant 0 : i32
    %parallel_loop3A_201 = arith.constant 125 : i32
    %parallel_loop3A_202 = arith.constant 1 : i32
    scf.for %parallel_loop3A_205 = %parallel_loop3A_200 to %parallel_loop3A_201 step %parallel_loop3A_202  : i32 {
      %parallel_loop3A_206 = arith.constant 16 : i32
      %parallel_loop3A_207 = arith.muli %parallel_loop3A_205, %parallel_loop3A_206 : i32
      %parallel_loop3A_208 = arith.constant 6000 : i32
      %parallel_loop3A_209 = arith.addi %parallel_loop3A_208, %parallel_loop3A_207 : i32
      %parallel_loop3A_210 = arith.index_cast %parallel_loop3A_209 : i32 to index
      %parallel_loop3A_211 = tpu.vector_load %arg14[%parallel_loop3A_210] {strides = array<i32>} : memref<12000xf32, #tpu.memory_space<vmem>>, vector<16xf32>,
      %parallel_loop3A_212 = arith.constant 8000 : i32
      %parallel_loop3A_213 = arith.addi %parallel_loop3A_212, %parallel_loop3A_207 : i32
      %parallel_loop3A_214 = arith.index_cast %parallel_loop3A_213 : i32 to index
      %parallel_loop3A_215 = tpu.vector_load %arg14[%parallel_loop3A_214] {strides = array<i32>} : memref<12000xf32, #tpu.memory_space<vmem>>, vector<16xf32>,
      %parallel_loop3A_216 = arith.constant 10000 : i32
      %parallel_loop3A_217 = arith.addi %parallel_loop3A_216, %parallel_loop3A_207 : i32
      %parallel_loop3A_218 = arith.index_cast %parallel_loop3A_217 : i32 to index
      %parallel_loop3A_219 = tpu.vector_load %arg14[%parallel_loop3A_218] {strides = array<i32>} : memref<12000xf32, #tpu.memory_space<vmem>>, vector<16xf32>,
      %parallel_loop3A_220 = arith.mulf %parallel_loop3A_211, %get3A_41 : vector<16xf32>
      %parallel_loop3A_221 = arith.mulf %parallel_loop3A_215, %get3A_49 : vector<16xf32>
      %parallel_loop3A_222 = arith.addf %parallel_loop3A_220, %parallel_loop3A_221 : vector<16xf32>
      %parallel_loop3A_223 = arith.mulf %parallel_loop3A_219, %get3A_57 : vector<16xf32>
      %parallel_loop3A_224 = arith.addf %parallel_loop3A_222, %parallel_loop3A_223 : vector<16xf32>
      %parallel_loop3A_225 = arith.addf %parallel_loop3A_224, %get3A_63 : vector<16xf32>
      %parallel_loop3A_226 = arith.constant 0.000000e+00 : f32
      %parallel_loop3A_227 = vector.broadcast %parallel_loop3A_226 : f32 to vector<16xf32>
      %parallel_loop3A_228 = arith.maximumf %parallel_loop3A_225, %parallel_loop3A_227 : vector<16xf32>
      %parallel_loop3A_229 = arith.constant 2000 : i32
      %parallel_loop3A_230 = arith.addi %parallel_loop3A_229, %parallel_loop3A_207 : i32
      %parallel_loop3A_231 = arith.index_cast %parallel_loop3A_230 : i32 to index
      %parallel_loop3A_232 = tpu.vector_load %arg12[%parallel_loop3A_231] {strides = array<i32>} : memref<4000xi32, #tpu.memory_space<vmem>>, vector<16xi32>,
      %parallel_loop3A_233 = arith.constant 2000 : i32
      %parallel_loop3A_234 = arith.addi %parallel_loop3A_233, %parallel_loop3A_207 : i32
      %parallel_loop3A_235 = arith.index_cast %parallel_loop3A_234 : i32 to index
      %parallel_loop3A_236 = tpu.vector_load %arg13[%parallel_loop3A_235] {strides = array<i32>} : memref<4000xi32, #tpu.memory_space<vmem>>, vector<16xi32>,
      %parallel_loop3A_237 = tpu.vector_load_idx %arg10[%parallel_loop3A_232] : memref<50176xf32, #tpu.memory_space<vmem>>[vector<16xi32>], vector<16xf32>,
      %parallel_loop3A_238 = arith.mulf %parallel_loop3A_237, %parallel_loop3A_228 : vector<16xf32>
      tpu.vector_store_idx %arg11[%parallel_loop3A_236], %parallel_loop3A_238 {add = true} : memref<50176xf32, #tpu.memory_space<vmem>>[vector<16xi32>], vector<16xf32>,
    } {sc.loop_unroll_factor = 4 : i64, sc.parallel_access}
    %mul3A_203 = arith.constant 50176 : i32
    %mul3A_204 = arith.muli %add3A, %mul3A_203 : i32
    "tpu.region"() ({
      %run_scoped3A = tpu.sem_alloc : memref<!tpu.dma_semaphore, #tpu.memory_space<semaphore_mem>>
      %dma_start3A_205 = tpu.memref_slice %arg9[%mul3A_204] : memref<1605632xf32, #tpu.memory_space<hbm>> -> memref<50176xf32, #tpu.memory_space<hbm>>
      %dma_start3A_206 = tpu.memref_slice %arg9[%mul3A_204] : memref<1605632xf32, #tpu.memory_space<hbm>> -> memref<50176xf32, #tpu.memory_space<hbm>>
      tpu.enqueue_dma source(%arg11 : memref<50176xf32, #tpu.memory_space<vmem>>) target(%dma_start3A_206 : memref<50176xf32, #tpu.memory_space<hbm>>) target_semaphore(%run_scoped3A : memref<!tpu.dma_semaphore, #tpu.memory_space<semaphore_mem>>)
      %dma_wait3A_207 = tpu.memref_slice %arg9[%mul3A_204] : memref<1605632xf32, #tpu.memory_space<hbm>> -> memref<50176xf32, #tpu.memory_space<hbm>>
      %dma_wait3A_208 = tpu.memref_slice %arg9[%mul3A_204] : memref<1605632xf32, #tpu.memory_space<hbm>> -> memref<50176xf32, #tpu.memory_space<hbm>>
      tpu.wait_dma2 semaphore(%run_scoped3A : memref<!tpu.dma_semaphore, #tpu.memory_space<semaphore_mem>>) src(%arg11 : memref<50176xf32, #tpu.memory_space<vmem>>) dst(%dma_wait3A_208 : memref<50176xf32, #tpu.memory_space<hbm>>)
      tpu.yield
    }) : () -> ()
    return
  }
}

#map = affine_map<(d0, d1) -> (0)>
module attributes {stable_mosaic.version = 14 : i64} {
  func.func @body(%arg0: i32, %arg1: i32, %arg2: memref<200704xf32, #tpu.memory_space<hbm>>, %arg3: memref<1600000xi32, #tpu.memory_space<hbm>>, %arg4: memref<1600000xi32, #tpu.memory_space<hbm>>, %arg5: memref<1600000xf32, #tpu.memory_space<hbm>>, %arg6: memref<1600000xf32, #tpu.memory_space<hbm>>, %arg7: memref<1600000xf32, #tpu.memory_space<hbm>>, %arg8: memref<256xf32, #tpu.memory_space<hbm>>, %arg9: memref<1605632xf32, #tpu.memory_space<hbm>>, %arg10: memref<50176xf32, #tpu.memory_space<vmem>>, %arg11: memref<50176xf32, #tpu.memory_space<vmem>>, %arg12: memref<4000xi32, #tpu.memory_space<vmem>>, %arg13: memref<4000xi32, #tpu.memory_space<vmem>>, %arg14: memref<12000xf32, #tpu.memory_space<vmem>>, %arg15: memref<256xf32, #tpu.memory_space<vmem>>, %arg16: memref<!tpu.dma_semaphore, #tpu.memory_space<semaphore_mem>>, %arg17: memref<!tpu.dma_semaphore, #tpu.memory_space<semaphore_mem>>) attributes {dimension_semantics = [#tpu.dimension_semantics<core_parallel>, #tpu.dimension_semantics<subcore_parallel>], iteration_bounds = array<i64: 2, 16>, scalar_prefetch = 0 : i64, scratch_operands = 8 : i64, tpu.core_type = #tpu.core_type<sc_vector_subcore>, window_params = [{transform_indices = #map}, {transform_indices = #map}, {transform_indices = #map}, {transform_indices = #map}, {transform_indices = #map}, {transform_indices = #map}, {transform_indices = #map}, {transform_indices = #map}]} {
    %mul3A = arith.constant 2 : i32
    %mul3A_0 = arith.muli %arg1, %mul3A : i32
    %add3A = arith.addi %mul3A_0, %arg0 : i32
    %jit3A = arith.constant 8 : i32
    %div3A = arith.divsi %add3A, %jit3A : i32
    %sign3A = arith.constant 0 : i32
    %sign3A_1 = arith.cmpi sgt, %add3A, %sign3A : i32
    %sign3A_2 = arith.extui %sign3A_1 : i1 to i32
    %sign3A_3 = arith.constant 0 : i32
    %sign3A_4 = arith.cmpi slt, %add3A, %sign3A_3 : i32
    %sign3A_5 = arith.extui %sign3A_4 : i1 to i32
    %sign3A_6 = arith.subi %sign3A_2, %sign3A_5 : i32
    %sign3A_7 = arith.constant 0 : i32
    %sign3A_8 = arith.cmpi sgt, %jit3A, %sign3A_7 : i32
    %sign3A_9 = arith.extui %sign3A_8 : i1 to i32
    %sign3A_10 = arith.constant 0 : i32
    %sign3A_11 = arith.cmpi slt, %jit3A, %sign3A_10 : i32
    %sign3A_12 = arith.extui %sign3A_11 : i1 to i32
    %sign3A_13 = arith.subi %sign3A_9, %sign3A_12 : i32
    %ne3A = arith.cmpi ne, %sign3A_6, %sign3A_13 : i32
    %rem3A = arith.remsi %add3A, %jit3A : i32
    %ne3A_14 = arith.constant 0 : i32
    %ne3A_15 = arith.cmpi ne, %rem3A, %ne3A_14 : i32
    %and3A = arith.andi %ne3A, %ne3A_15 : i1
    %sub3A = arith.constant 1 : i32
    %sub3A_16 = arith.subi %div3A, %sub3A : i32
    %select_n3A = arith.select %and3A, %sub3A_16, %div3A : i32
    %jit3A_17 = arith.constant 8 : i32
    %eq3A = arith.constant 0 : i32
    %eq3A_18 = arith.cmpi eq, %jit3A_17, %eq3A : i32
    %jit3A_19 = arith.constant 1 : i32
    %select_n3A_20 = arith.select %eq3A_18, %jit3A_19, %jit3A_17 : i32
    %rem3A_21 = arith.remsi %add3A, %select_n3A_20 : i32
    %ne3A_22 = arith.constant 0 : i32
    %ne3A_23 = arith.cmpi ne, %rem3A_21, %ne3A_22 : i32
    %lt3A = arith.constant 0 : i32
    %lt3A_24 = arith.cmpi slt, %rem3A_21, %lt3A : i32
    %lt3A_25 = arith.constant 0 : i32
    %lt3A_26 = arith.cmpi slt, %select_n3A_20, %lt3A_25 : i32
    %ne3A_27 = arith.xori %lt3A_24, %lt3A_26 : i1
    %and3A_28 = arith.andi %ne3A_27, %ne3A_23 : i1
    %add3A_29 = arith.addi %rem3A_21, %select_n3A_20 : i32
    %select_n3A_30 = arith.select %and3A_28, %add3A_29, %rem3A_21 : i32
    "tpu.region"() ({
      %run_scoped3A = tpu.sem_alloc : memref<!tpu.dma_semaphore, #tpu.memory_space<semaphore_mem>>
      tpu.enqueue_dma source(%arg8 : memref<256xf32, #tpu.memory_space<hbm>>) target(%arg15 : memref<256xf32, #tpu.memory_space<vmem>>) target_semaphore(%run_scoped3A : memref<!tpu.dma_semaphore, #tpu.memory_space<semaphore_mem>>)
      tpu.wait_dma2 semaphore(%run_scoped3A : memref<!tpu.dma_semaphore, #tpu.memory_space<semaphore_mem>>) src(%arg8 : memref<256xf32, #tpu.memory_space<hbm>>) dst(%arg15 : memref<256xf32, #tpu.memory_space<vmem>>)
      tpu.yield
    }) : () -> ()
    %mul3A_31 = arith.constant 50176 : i32
    %mul3A_32 = arith.muli %select_n3A, %mul3A_31 : i32
    "tpu.region"() ({
      %run_scoped3A = tpu.sem_alloc : memref<!tpu.dma_semaphore, #tpu.memory_space<semaphore_mem>>
      %dma_start3A_207 = tpu.memref_slice %arg2[%mul3A_32] : memref<200704xf32, #tpu.memory_space<hbm>> -> memref<50176xf32, #tpu.memory_space<hbm>>
      %dma_start3A_208 = tpu.memref_slice %arg2[%mul3A_32] : memref<200704xf32, #tpu.memory_space<hbm>> -> memref<50176xf32, #tpu.memory_space<hbm>>
      tpu.enqueue_dma source(%dma_start3A_208 : memref<50176xf32, #tpu.memory_space<hbm>>) target(%arg10 : memref<50176xf32, #tpu.memory_space<vmem>>) target_semaphore(%run_scoped3A : memref<!tpu.dma_semaphore, #tpu.memory_space<semaphore_mem>>)
      %dma_wait3A_209 = tpu.memref_slice %arg2[%mul3A_32] : memref<200704xf32, #tpu.memory_space<hbm>> -> memref<50176xf32, #tpu.memory_space<hbm>>
      %dma_wait3A_210 = tpu.memref_slice %arg2[%mul3A_32] : memref<200704xf32, #tpu.memory_space<hbm>> -> memref<50176xf32, #tpu.memory_space<hbm>>
      tpu.wait_dma2 semaphore(%run_scoped3A : memref<!tpu.dma_semaphore, #tpu.memory_space<semaphore_mem>>) src(%dma_wait3A_210 : memref<50176xf32, #tpu.memory_space<hbm>>) dst(%arg10 : memref<50176xf32, #tpu.memory_space<vmem>>)
      tpu.yield
    }) : () -> ()
    %broadcast_in_dim3A = arith.constant 0.000000e+00 : f32
    %broadcast_in_dim3A_33 = vector.broadcast %broadcast_in_dim3A : f32 to vector<16xf32>
    %scan3A = arith.constant 0 : i32
    %scan3A_34 = arith.constant 0 : i32
    %scan3A_35 = arith.constant 3136 : i32
    %scan3A_36 = arith.addi %scan3A_34, %scan3A_35 : i32
    %scan3A_37 = arith.constant 1 : i32
    scf.for %scan3A_207 = %scan3A_34 to %scan3A_36 step %scan3A_37  : i32 {
      %mul3A_208 = arith.constant 16 : i32
      %mul3A_209 = arith.muli %scan3A_207, %mul3A_208 : i32
      %swap3A = arith.index_cast %mul3A_209 : i32 to index
      %swap3A_210 = tpu.vector_load %arg11[%swap3A] {strides = array<i32>} : memref<50176xf32, #tpu.memory_space<vmem>>, vector<16xf32>,
      tpu.vector_store %arg11[%swap3A], %broadcast_in_dim3A_33 {strides = array<i32>} : memref<50176xf32, #tpu.memory_space<vmem>>, vector<16xf32>,
    }
    %scan3A_38 = arith.constant 3136 : i32
    %mul3A_39 = arith.constant 3 : i32
    %mul3A_40 = arith.muli %mul3A_39, %select_n3A : i32
    %mul3A_41 = arith.constant 16 : i32
    %mul3A_42 = arith.muli %mul3A_40, %mul3A_41 : i32
    %get3A = arith.index_cast %mul3A_42 : i32 to index
    %get3A_43 = tpu.vector_load %arg15[%get3A] {strides = array<i32>} : memref<256xf32, #tpu.memory_space<vmem>>, vector<16xf32>,
    %mul3A_44 = arith.constant 3 : i32
    %mul3A_45 = arith.muli %mul3A_44, %select_n3A : i32
    %add3A_46 = arith.constant 1 : i32
    %add3A_47 = arith.addi %mul3A_45, %add3A_46 : i32
    %mul3A_48 = arith.constant 16 : i32
    %mul3A_49 = arith.muli %add3A_47, %mul3A_48 : i32
    %get3A_50 = arith.index_cast %mul3A_49 : i32 to index
    %get3A_51 = tpu.vector_load %arg15[%get3A_50] {strides = array<i32>} : memref<256xf32, #tpu.memory_space<vmem>>, vector<16xf32>,
    %mul3A_52 = arith.constant 3 : i32
    %mul3A_53 = arith.muli %mul3A_52, %select_n3A : i32
    %add3A_54 = arith.constant 2 : i32
    %add3A_55 = arith.addi %mul3A_53, %add3A_54 : i32
    %mul3A_56 = arith.constant 16 : i32
    %mul3A_57 = arith.muli %add3A_55, %mul3A_56 : i32
    %get3A_58 = arith.index_cast %mul3A_57 : i32 to index
    %get3A_59 = tpu.vector_load %arg15[%get3A_58] {strides = array<i32>} : memref<256xf32, #tpu.memory_space<vmem>>, vector<16xf32>,
    %add3A_60 = arith.constant 12 : i32
    %add3A_61 = arith.addi %add3A_60, %select_n3A : i32
    %mul3A_62 = arith.constant 16 : i32
    %mul3A_63 = arith.muli %add3A_61, %mul3A_62 : i32
    %get3A_64 = arith.index_cast %mul3A_63 : i32 to index
    %get3A_65 = tpu.vector_load %arg15[%get3A_64] {strides = array<i32>} : memref<256xf32, #tpu.memory_space<vmem>>, vector<16xf32>,
    %mul3A_66 = arith.constant 200000 : i32
    %mul3A_67 = arith.muli %select_n3A_30, %mul3A_66 : i32
    %add3A_68 = arith.constant 0 : i32
    %add3A_69 = arith.addi %mul3A_67, %add3A_68 : i32
    %dma_start3A = arith.constant 0 : i32
    %dma_start3A_70 = tpu.memref_slice %arg12[%dma_start3A] : memref<4000xi32, #tpu.memory_space<vmem>> -> memref<2000xi32, #tpu.memory_space<vmem>>
    %dma_start3A_71 = tpu.memref_slice %arg3[%add3A_69] : memref<1600000xi32, #tpu.memory_space<hbm>> -> memref<2000xi32, #tpu.memory_space<hbm>>
    %dma_start3A_72 = arith.constant 0 : i32
    %dma_start3A_73 = tpu.memref_slice %arg12[%dma_start3A_72] : memref<4000xi32, #tpu.memory_space<vmem>> -> memref<2000xi32, #tpu.memory_space<vmem>>
    %dma_start3A_74 = tpu.memref_slice %arg3[%add3A_69] : memref<1600000xi32, #tpu.memory_space<hbm>> -> memref<2000xi32, #tpu.memory_space<hbm>>
    tpu.enqueue_dma source(%dma_start3A_74 : memref<2000xi32, #tpu.memory_space<hbm>>) target(%dma_start3A_73 : memref<2000xi32, #tpu.memory_space<vmem>>) target_semaphore(%arg16 : memref<!tpu.dma_semaphore, #tpu.memory_space<semaphore_mem>>)
    %dma_start3A_75 = arith.constant 0 : i32
    %dma_start3A_76 = tpu.memref_slice %arg13[%dma_start3A_75] : memref<4000xi32, #tpu.memory_space<vmem>> -> memref<2000xi32, #tpu.memory_space<vmem>>
    %dma_start3A_77 = tpu.memref_slice %arg4[%add3A_69] : memref<1600000xi32, #tpu.memory_space<hbm>> -> memref<2000xi32, #tpu.memory_space<hbm>>
    %dma_start3A_78 = arith.constant 0 : i32
    %dma_start3A_79 = tpu.memref_slice %arg13[%dma_start3A_78] : memref<4000xi32, #tpu.memory_space<vmem>> -> memref<2000xi32, #tpu.memory_space<vmem>>
    %dma_start3A_80 = tpu.memref_slice %arg4[%add3A_69] : memref<1600000xi32, #tpu.memory_space<hbm>> -> memref<2000xi32, #tpu.memory_space<hbm>>
    tpu.enqueue_dma source(%dma_start3A_80 : memref<2000xi32, #tpu.memory_space<hbm>>) target(%dma_start3A_79 : memref<2000xi32, #tpu.memory_space<vmem>>) target_semaphore(%arg16 : memref<!tpu.dma_semaphore, #tpu.memory_space<semaphore_mem>>)
    %dma_start3A_81 = arith.constant 0 : i32
    %dma_start3A_82 = tpu.memref_slice %arg14[%dma_start3A_81] : memref<12000xf32, #tpu.memory_space<vmem>> -> memref<2000xf32, #tpu.memory_space<vmem>>
    %dma_start3A_83 = tpu.memref_slice %arg5[%add3A_69] : memref<1600000xf32, #tpu.memory_space<hbm>> -> memref<2000xf32, #tpu.memory_space<hbm>>
    %dma_start3A_84 = arith.constant 0 : i32
    %dma_start3A_85 = tpu.memref_slice %arg14[%dma_start3A_84] : memref<12000xf32, #tpu.memory_space<vmem>> -> memref<2000xf32, #tpu.memory_space<vmem>>
    %dma_start3A_86 = tpu.memref_slice %arg5[%add3A_69] : memref<1600000xf32, #tpu.memory_space<hbm>> -> memref<2000xf32, #tpu.memory_space<hbm>>
    tpu.enqueue_dma source(%dma_start3A_86 : memref<2000xf32, #tpu.memory_space<hbm>>) target(%dma_start3A_85 : memref<2000xf32, #tpu.memory_space<vmem>>) target_semaphore(%arg16 : memref<!tpu.dma_semaphore, #tpu.memory_space<semaphore_mem>>)
    %dma_start3A_87 = arith.constant 2000 : i32
    %dma_start3A_88 = tpu.memref_slice %arg14[%dma_start3A_87] : memref<12000xf32, #tpu.memory_space<vmem>> -> memref<2000xf32, #tpu.memory_space<vmem>>
    %dma_start3A_89 = tpu.memref_slice %arg6[%add3A_69] : memref<1600000xf32, #tpu.memory_space<hbm>> -> memref<2000xf32, #tpu.memory_space<hbm>>
    %dma_start3A_90 = arith.constant 2000 : i32
    %dma_start3A_91 = tpu.memref_slice %arg14[%dma_start3A_90] : memref<12000xf32, #tpu.memory_space<vmem>> -> memref<2000xf32, #tpu.memory_space<vmem>>
    %dma_start3A_92 = tpu.memref_slice %arg6[%add3A_69] : memref<1600000xf32, #tpu.memory_space<hbm>> -> memref<2000xf32, #tpu.memory_space<hbm>>
    tpu.enqueue_dma source(%dma_start3A_92 : memref<2000xf32, #tpu.memory_space<hbm>>) target(%dma_start3A_91 : memref<2000xf32, #tpu.memory_space<vmem>>) target_semaphore(%arg16 : memref<!tpu.dma_semaphore, #tpu.memory_space<semaphore_mem>>)
    %dma_start3A_93 = arith.constant 4000 : i32
    %dma_start3A_94 = tpu.memref_slice %arg14[%dma_start3A_93] : memref<12000xf32, #tpu.memory_space<vmem>> -> memref<2000xf32, #tpu.memory_space<vmem>>
    %dma_start3A_95 = tpu.memref_slice %arg7[%add3A_69] : memref<1600000xf32, #tpu.memory_space<hbm>> -> memref<2000xf32, #tpu.memory_space<hbm>>
    %dma_start3A_96 = arith.constant 4000 : i32
    %dma_start3A_97 = tpu.memref_slice %arg14[%dma_start3A_96] : memref<12000xf32, #tpu.memory_space<vmem>> -> memref<2000xf32, #tpu.memory_space<vmem>>
    %dma_start3A_98 = tpu.memref_slice %arg7[%add3A_69] : memref<1600000xf32, #tpu.memory_space<hbm>> -> memref<2000xf32, #tpu.memory_space<hbm>>
    tpu.enqueue_dma source(%dma_start3A_98 : memref<2000xf32, #tpu.memory_space<hbm>>) target(%dma_start3A_97 : memref<2000xf32, #tpu.memory_space<vmem>>) target_semaphore(%arg16 : memref<!tpu.dma_semaphore, #tpu.memory_space<semaphore_mem>>)
    %add3A_99 = arith.constant 2000 : i32
    %add3A_100 = arith.addi %mul3A_67, %add3A_99 : i32
    %dma_start3A_101 = arith.constant 2000 : i32
    %dma_start3A_102 = tpu.memref_slice %arg12[%dma_start3A_101] : memref<4000xi32, #tpu.memory_space<vmem>> -> memref<2000xi32, #tpu.memory_space<vmem>>
    %dma_start3A_103 = tpu.memref_slice %arg3[%add3A_100] : memref<1600000xi32, #tpu.memory_space<hbm>> -> memref<2000xi32, #tpu.memory_space<hbm>>
    %dma_start3A_104 = arith.constant 2000 : i32
    %dma_start3A_105 = tpu.memref_slice %arg12[%dma_start3A_104] : memref<4000xi32, #tpu.memory_space<vmem>> -> memref<2000xi32, #tpu.memory_space<vmem>>
    %dma_start3A_106 = tpu.memref_slice %arg3[%add3A_100] : memref<1600000xi32, #tpu.memory_space<hbm>> -> memref<2000xi32, #tpu.memory_space<hbm>>
    tpu.enqueue_dma source(%dma_start3A_106 : memref<2000xi32, #tpu.memory_space<hbm>>) target(%dma_start3A_105 : memref<2000xi32, #tpu.memory_space<vmem>>) target_semaphore(%arg17 : memref<!tpu.dma_semaphore, #tpu.memory_space<semaphore_mem>>)
    %dma_start3A_107 = arith.constant 2000 : i32
    %dma_start3A_108 = tpu.memref_slice %arg13[%dma_start3A_107] : memref<4000xi32, #tpu.memory_space<vmem>> -> memref<2000xi32, #tpu.memory_space<vmem>>
    %dma_start3A_109 = tpu.memref_slice %arg4[%add3A_100] : memref<1600000xi32, #tpu.memory_space<hbm>> -> memref<2000xi32, #tpu.memory_space<hbm>>
    %dma_start3A_110 = arith.constant 2000 : i32
    %dma_start3A_111 = tpu.memref_slice %arg13[%dma_start3A_110] : memref<4000xi32, #tpu.memory_space<vmem>> -> memref<2000xi32, #tpu.memory_space<vmem>>
    %dma_start3A_112 = tpu.memref_slice %arg4[%add3A_100] : memref<1600000xi32, #tpu.memory_space<hbm>> -> memref<2000xi32, #tpu.memory_space<hbm>>
    tpu.enqueue_dma source(%dma_start3A_112 : memref<2000xi32, #tpu.memory_space<hbm>>) target(%dma_start3A_111 : memref<2000xi32, #tpu.memory_space<vmem>>) target_semaphore(%arg17 : memref<!tpu.dma_semaphore, #tpu.memory_space<semaphore_mem>>)
    %dma_start3A_113 = arith.constant 6000 : i32
    %dma_start3A_114 = tpu.memref_slice %arg14[%dma_start3A_113] : memref<12000xf32, #tpu.memory_space<vmem>> -> memref<2000xf32, #tpu.memory_space<vmem>>
    %dma_start3A_115 = tpu.memref_slice %arg5[%add3A_100] : memref<1600000xf32, #tpu.memory_space<hbm>> -> memref<2000xf32, #tpu.memory_space<hbm>>
    %dma_start3A_116 = arith.constant 6000 : i32
    %dma_start3A_117 = tpu.memref_slice %arg14[%dma_start3A_116] : memref<12000xf32, #tpu.memory_space<vmem>> -> memref<2000xf32, #tpu.memory_space<vmem>>
    %dma_start3A_118 = tpu.memref_slice %arg5[%add3A_100] : memref<1600000xf32, #tpu.memory_space<hbm>> -> memref<2000xf32, #tpu.memory_space<hbm>>
    tpu.enqueue_dma source(%dma_start3A_118 : memref<2000xf32, #tpu.memory_space<hbm>>) target(%dma_start3A_117 : memref<2000xf32, #tpu.memory_space<vmem>>) target_semaphore(%arg17 : memref<!tpu.dma_semaphore, #tpu.memory_space<semaphore_mem>>)
    %dma_start3A_119 = arith.constant 8000 : i32
    %dma_start3A_120 = tpu.memref_slice %arg14[%dma_start3A_119] : memref<12000xf32, #tpu.memory_space<vmem>> -> memref<2000xf32, #tpu.memory_space<vmem>>
    %dma_start3A_121 = tpu.memref_slice %arg6[%add3A_100] : memref<1600000xf32, #tpu.memory_space<hbm>> -> memref<2000xf32, #tpu.memory_space<hbm>>
    %dma_start3A_122 = arith.constant 8000 : i32
    %dma_start3A_123 = tpu.memref_slice %arg14[%dma_start3A_122] : memref<12000xf32, #tpu.memory_space<vmem>> -> memref<2000xf32, #tpu.memory_space<vmem>>
    %dma_start3A_124 = tpu.memref_slice %arg6[%add3A_100] : memref<1600000xf32, #tpu.memory_space<hbm>> -> memref<2000xf32, #tpu.memory_space<hbm>>
    tpu.enqueue_dma source(%dma_start3A_124 : memref<2000xf32, #tpu.memory_space<hbm>>) target(%dma_start3A_123 : memref<2000xf32, #tpu.memory_space<vmem>>) target_semaphore(%arg17 : memref<!tpu.dma_semaphore, #tpu.memory_space<semaphore_mem>>)
    %dma_start3A_125 = arith.constant 10000 : i32
    %dma_start3A_126 = tpu.memref_slice %arg14[%dma_start3A_125] : memref<12000xf32, #tpu.memory_space<vmem>> -> memref<2000xf32, #tpu.memory_space<vmem>>
    %dma_start3A_127 = tpu.memref_slice %arg7[%add3A_100] : memref<1600000xf32, #tpu.memory_space<hbm>> -> memref<2000xf32, #tpu.memory_space<hbm>>
    %dma_start3A_128 = arith.constant 10000 : i32
    %dma_start3A_129 = tpu.memref_slice %arg14[%dma_start3A_128] : memref<12000xf32, #tpu.memory_space<vmem>> -> memref<2000xf32, #tpu.memory_space<vmem>>
    %dma_start3A_130 = tpu.memref_slice %arg7[%add3A_100] : memref<1600000xf32, #tpu.memory_space<hbm>> -> memref<2000xf32, #tpu.memory_space<hbm>>
    tpu.enqueue_dma source(%dma_start3A_130 : memref<2000xf32, #tpu.memory_space<hbm>>) target(%dma_start3A_129 : memref<2000xf32, #tpu.memory_space<vmem>>) target_semaphore(%arg17 : memref<!tpu.dma_semaphore, #tpu.memory_space<semaphore_mem>>)
    %scan3A_131 = arith.constant 0 : i32
    %scan3A_132 = arith.constant 0 : i32
    %scan3A_133 = arith.constant 49 : i32
    %scan3A_134 = arith.addi %scan3A_132, %scan3A_133 : i32
    %scan3A_135 = arith.constant 1 : i32
    scf.for %scan3A_207 = %scan3A_132 to %scan3A_134 step %scan3A_135  : i32 {
      %mul3A_208 = arith.constant 2 : i32
      %mul3A_209 = arith.muli %mul3A_208, %scan3A_207 : i32
      %mul3A_210 = arith.constant 2000 : i32
      %mul3A_211 = arith.muli %mul3A_209, %mul3A_210 : i32
      %add3A_212 = arith.addi %mul3A_67, %mul3A_211 : i32
      %dma_wait3A_213 = arith.constant 0 : i32
      %dma_wait3A_214 = tpu.memref_slice %arg12[%dma_wait3A_213] : memref<4000xi32, #tpu.memory_space<vmem>> -> memref<2000xi32, #tpu.memory_space<vmem>>
      %dma_wait3A_215 = tpu.memref_slice %arg3[%add3A_212] : memref<1600000xi32, #tpu.memory_space<hbm>> -> memref<2000xi32, #tpu.memory_space<hbm>>
      %dma_wait3A_216 = arith.constant 0 : i32
      %dma_wait3A_217 = tpu.memref_slice %arg12[%dma_wait3A_216] : memref<4000xi32, #tpu.memory_space<vmem>> -> memref<2000xi32, #tpu.memory_space<vmem>>
      %dma_wait3A_218 = tpu.memref_slice %arg3[%add3A_212] : memref<1600000xi32, #tpu.memory_space<hbm>> -> memref<2000xi32, #tpu.memory_space<hbm>>
      tpu.wait_dma2 semaphore(%arg16 : memref<!tpu.dma_semaphore, #tpu.memory_space<semaphore_mem>>) src(%dma_wait3A_218 : memref<2000xi32, #tpu.memory_space<hbm>>) dst(%dma_wait3A_217 : memref<2000xi32, #tpu.memory_space<vmem>>)
      %dma_wait3A_219 = arith.constant 0 : i32
      %dma_wait3A_220 = tpu.memref_slice %arg13[%dma_wait3A_219] : memref<4000xi32, #tpu.memory_space<vmem>> -> memref<2000xi32, #tpu.memory_space<vmem>>
      %dma_wait3A_221 = tpu.memref_slice %arg4[%add3A_212] : memref<1600000xi32, #tpu.memory_space<hbm>> -> memref<2000xi32, #tpu.memory_space<hbm>>
      %dma_wait3A_222 = arith.constant 0 : i32
      %dma_wait3A_223 = tpu.memref_slice %arg13[%dma_wait3A_222] : memref<4000xi32, #tpu.memory_space<vmem>> -> memref<2000xi32, #tpu.memory_space<vmem>>
      %dma_wait3A_224 = tpu.memref_slice %arg4[%add3A_212] : memref<1600000xi32, #tpu.memory_space<hbm>> -> memref<2000xi32, #tpu.memory_space<hbm>>
      tpu.wait_dma2 semaphore(%arg16 : memref<!tpu.dma_semaphore, #tpu.memory_space<semaphore_mem>>) src(%dma_wait3A_224 : memref<2000xi32, #tpu.memory_space<hbm>>) dst(%dma_wait3A_223 : memref<2000xi32, #tpu.memory_space<vmem>>)
      %dma_wait3A_225 = arith.constant 0 : i32
      %dma_wait3A_226 = tpu.memref_slice %arg14[%dma_wait3A_225] : memref<12000xf32, #tpu.memory_space<vmem>> -> memref<2000xf32, #tpu.memory_space<vmem>>
      %dma_wait3A_227 = tpu.memref_slice %arg5[%add3A_212] : memref<1600000xf32, #tpu.memory_space<hbm>> -> memref<2000xf32, #tpu.memory_space<hbm>>
      %dma_wait3A_228 = arith.constant 0 : i32
      %dma_wait3A_229 = tpu.memref_slice %arg14[%dma_wait3A_228] : memref<12000xf32, #tpu.memory_space<vmem>> -> memref<2000xf32, #tpu.memory_space<vmem>>
      %dma_wait3A_230 = tpu.memref_slice %arg5[%add3A_212] : memref<1600000xf32, #tpu.memory_space<hbm>> -> memref<2000xf32, #tpu.memory_space<hbm>>
      tpu.wait_dma2 semaphore(%arg16 : memref<!tpu.dma_semaphore, #tpu.memory_space<semaphore_mem>>) src(%dma_wait3A_230 : memref<2000xf32, #tpu.memory_space<hbm>>) dst(%dma_wait3A_229 : memref<2000xf32, #tpu.memory_space<vmem>>)
      %dma_wait3A_231 = arith.constant 2000 : i32
      %dma_wait3A_232 = tpu.memref_slice %arg14[%dma_wait3A_231] : memref<12000xf32, #tpu.memory_space<vmem>> -> memref<2000xf32, #tpu.memory_space<vmem>>
      %dma_wait3A_233 = tpu.memref_slice %arg6[%add3A_212] : memref<1600000xf32, #tpu.memory_space<hbm>> -> memref<2000xf32, #tpu.memory_space<hbm>>
      %dma_wait3A_234 = arith.constant 2000 : i32
      %dma_wait3A_235 = tpu.memref_slice %arg14[%dma_wait3A_234] : memref<12000xf32, #tpu.memory_space<vmem>> -> memref<2000xf32, #tpu.memory_space<vmem>>
      %dma_wait3A_236 = tpu.memref_slice %arg6[%add3A_212] : memref<1600000xf32, #tpu.memory_space<hbm>> -> memref<2000xf32, #tpu.memory_space<hbm>>
      tpu.wait_dma2 semaphore(%arg16 : memref<!tpu.dma_semaphore, #tpu.memory_space<semaphore_mem>>) src(%dma_wait3A_236 : memref<2000xf32, #tpu.memory_space<hbm>>) dst(%dma_wait3A_235 : memref<2000xf32, #tpu.memory_space<vmem>>)
      %dma_wait3A_237 = arith.constant 4000 : i32
      %dma_wait3A_238 = tpu.memref_slice %arg14[%dma_wait3A_237] : memref<12000xf32, #tpu.memory_space<vmem>> -> memref<2000xf32, #tpu.memory_space<vmem>>
      %dma_wait3A_239 = tpu.memref_slice %arg7[%add3A_212] : memref<1600000xf32, #tpu.memory_space<hbm>> -> memref<2000xf32, #tpu.memory_space<hbm>>
      %dma_wait3A_240 = arith.constant 4000 : i32
      %dma_wait3A_241 = tpu.memref_slice %arg14[%dma_wait3A_240] : memref<12000xf32, #tpu.memory_space<vmem>> -> memref<2000xf32, #tpu.memory_space<vmem>>
      %dma_wait3A_242 = tpu.memref_slice %arg7[%add3A_212] : memref<1600000xf32, #tpu.memory_space<hbm>> -> memref<2000xf32, #tpu.memory_space<hbm>>
      tpu.wait_dma2 semaphore(%arg16 : memref<!tpu.dma_semaphore, #tpu.memory_space<semaphore_mem>>) src(%dma_wait3A_242 : memref<2000xf32, #tpu.memory_space<hbm>>) dst(%dma_wait3A_241 : memref<2000xf32, #tpu.memory_space<vmem>>)
      %parallel_loop3A_243 = arith.constant 0 : i32
      %parallel_loop3A_244 = arith.constant 125 : i32
      %parallel_loop3A_245 = arith.constant 1 : i32
      scf.for %parallel_loop3A_354 = %parallel_loop3A_243 to %parallel_loop3A_244 step %parallel_loop3A_245  : i32 {
        %parallel_loop3A_355 = arith.constant 16 : i32
        %parallel_loop3A_356 = arith.muli %parallel_loop3A_354, %parallel_loop3A_355 : i32
        %parallel_loop3A_357 = arith.constant 0 : i32
        %parallel_loop3A_358 = arith.addi %parallel_loop3A_357, %parallel_loop3A_356 : i32
        %parallel_loop3A_359 = arith.index_cast %parallel_loop3A_358 : i32 to index
        %parallel_loop3A_360 = tpu.vector_load %arg14[%parallel_loop3A_359] {strides = array<i32>} : memref<12000xf32, #tpu.memory_space<vmem>>, vector<16xf32>,
        %parallel_loop3A_361 = arith.constant 2000 : i32
        %parallel_loop3A_362 = arith.addi %parallel_loop3A_361, %parallel_loop3A_356 : i32
        %parallel_loop3A_363 = arith.index_cast %parallel_loop3A_362 : i32 to index
        %parallel_loop3A_364 = tpu.vector_load %arg14[%parallel_loop3A_363] {strides = array<i32>} : memref<12000xf32, #tpu.memory_space<vmem>>, vector<16xf32>,
        %parallel_loop3A_365 = arith.constant 4000 : i32
        %parallel_loop3A_366 = arith.addi %parallel_loop3A_365, %parallel_loop3A_356 : i32
        %parallel_loop3A_367 = arith.index_cast %parallel_loop3A_366 : i32 to index
        %parallel_loop3A_368 = tpu.vector_load %arg14[%parallel_loop3A_367] {strides = array<i32>} : memref<12000xf32, #tpu.memory_space<vmem>>, vector<16xf32>,
        %parallel_loop3A_369 = arith.mulf %parallel_loop3A_360, %get3A_43 : vector<16xf32>
        %parallel_loop3A_370 = arith.mulf %parallel_loop3A_364, %get3A_51 : vector<16xf32>
        %parallel_loop3A_371 = arith.addf %parallel_loop3A_369, %parallel_loop3A_370 : vector<16xf32>
        %parallel_loop3A_372 = arith.mulf %parallel_loop3A_368, %get3A_59 : vector<16xf32>
        %parallel_loop3A_373 = arith.addf %parallel_loop3A_371, %parallel_loop3A_372 : vector<16xf32>
        %parallel_loop3A_374 = arith.addf %parallel_loop3A_373, %get3A_65 : vector<16xf32>
        %parallel_loop3A_375 = arith.constant 0.000000e+00 : f32
        %parallel_loop3A_376 = vector.broadcast %parallel_loop3A_375 : f32 to vector<16xf32>
        %parallel_loop3A_377 = arith.maximumf %parallel_loop3A_374, %parallel_loop3A_376 : vector<16xf32>
        %parallel_loop3A_378 = arith.constant 0 : i32
        %parallel_loop3A_379 = arith.addi %parallel_loop3A_378, %parallel_loop3A_356 : i32
        %parallel_loop3A_380 = arith.index_cast %parallel_loop3A_379 : i32 to index
        %parallel_loop3A_381 = tpu.vector_load %arg12[%parallel_loop3A_380] {strides = array<i32>} : memref<4000xi32, #tpu.memory_space<vmem>>, vector<16xi32>,
        %parallel_loop3A_382 = arith.constant 0 : i32
        %parallel_loop3A_383 = arith.addi %parallel_loop3A_382, %parallel_loop3A_356 : i32
        %parallel_loop3A_384 = arith.index_cast %parallel_loop3A_383 : i32 to index
        %parallel_loop3A_385 = tpu.vector_load %arg13[%parallel_loop3A_384] {strides = array<i32>} : memref<4000xi32, #tpu.memory_space<vmem>>, vector<16xi32>,
        %parallel_loop3A_386 = tpu.vector_load_idx %arg10[%parallel_loop3A_381] : memref<50176xf32, #tpu.memory_space<vmem>>[vector<16xi32>], vector<16xf32>,
        %parallel_loop3A_387 = arith.mulf %parallel_loop3A_386, %parallel_loop3A_377 : vector<16xf32>
        tpu.vector_store_idx %arg11[%parallel_loop3A_385], %parallel_loop3A_387 {add = true} : memref<50176xf32, #tpu.memory_space<vmem>>[vector<16xi32>], vector<16xf32>,
      } {sc.loop_unroll_factor = 4 : i64, sc.parallel_access}
      %add3A_246 = arith.constant 2 : i32
      %add3A_247 = arith.addi %mul3A_209, %add3A_246 : i32
      %mul3A_248 = arith.constant 2000 : i32
      %mul3A_249 = arith.muli %add3A_247, %mul3A_248 : i32
      %add3A_250 = arith.addi %mul3A_67, %mul3A_249 : i32
      %dma_start3A_251 = arith.constant 0 : i32
      %dma_start3A_252 = tpu.memref_slice %arg12[%dma_start3A_251] : memref<4000xi32, #tpu.memory_space<vmem>> -> memref<2000xi32, #tpu.memory_space<vmem>>
      %dma_start3A_253 = tpu.memref_slice %arg3[%add3A_250] : memref<1600000xi32, #tpu.memory_space<hbm>> -> memref<2000xi32, #tpu.memory_space<hbm>>
      %dma_start3A_254 = arith.constant 0 : i32
      %dma_start3A_255 = tpu.memref_slice %arg12[%dma_start3A_254] : memref<4000xi32, #tpu.memory_space<vmem>> -> memref<2000xi32, #tpu.memory_space<vmem>>
      %dma_start3A_256 = tpu.memref_slice %arg3[%add3A_250] : memref<1600000xi32, #tpu.memory_space<hbm>> -> memref<2000xi32, #tpu.memory_space<hbm>>
      tpu.enqueue_dma source(%dma_start3A_256 : memref<2000xi32, #tpu.memory_space<hbm>>) target(%dma_start3A_255 : memref<2000xi32, #tpu.memory_space<vmem>>) target_semaphore(%arg16 : memref<!tpu.dma_semaphore, #tpu.memory_space<semaphore_mem>>)
      %dma_start3A_257 = arith.constant 0 : i32
      %dma_start3A_258 = tpu.memref_slice %arg13[%dma_start3A_257] : memref<4000xi32, #tpu.memory_space<vmem>> -> memref<2000xi32, #tpu.memory_space<vmem>>
      %dma_start3A_259 = tpu.memref_slice %arg4[%add3A_250] : memref<1600000xi32, #tpu.memory_space<hbm>> -> memref<2000xi32, #tpu.memory_space<hbm>>
      %dma_start3A_260 = arith.constant 0 : i32
      %dma_start3A_261 = tpu.memref_slice %arg13[%dma_start3A_260] : memref<4000xi32, #tpu.memory_space<vmem>> -> memref<2000xi32, #tpu.memory_space<vmem>>
      %dma_start3A_262 = tpu.memref_slice %arg4[%add3A_250] : memref<1600000xi32, #tpu.memory_space<hbm>> -> memref<2000xi32, #tpu.memory_space<hbm>>
      tpu.enqueue_dma source(%dma_start3A_262 : memref<2000xi32, #tpu.memory_space<hbm>>) target(%dma_start3A_261 : memref<2000xi32, #tpu.memory_space<vmem>>) target_semaphore(%arg16 : memref<!tpu.dma_semaphore, #tpu.memory_space<semaphore_mem>>)
      %dma_start3A_263 = arith.constant 0 : i32
      %dma_start3A_264 = tpu.memref_slice %arg14[%dma_start3A_263] : memref<12000xf32, #tpu.memory_space<vmem>> -> memref<2000xf32, #tpu.memory_space<vmem>>
      %dma_start3A_265 = tpu.memref_slice %arg5[%add3A_250] : memref<1600000xf32, #tpu.memory_space<hbm>> -> memref<2000xf32, #tpu.memory_space<hbm>>
      %dma_start3A_266 = arith.constant 0 : i32
      %dma_start3A_267 = tpu.memref_slice %arg14[%dma_start3A_266] : memref<12000xf32, #tpu.memory_space<vmem>> -> memref<2000xf32, #tpu.memory_space<vmem>>
      %dma_start3A_268 = tpu.memref_slice %arg5[%add3A_250] : memref<1600000xf32, #tpu.memory_space<hbm>> -> memref<2000xf32, #tpu.memory_space<hbm>>
      tpu.enqueue_dma source(%dma_start3A_268 : memref<2000xf32, #tpu.memory_space<hbm>>) target(%dma_start3A_267 : memref<2000xf32, #tpu.memory_space<vmem>>) target_semaphore(%arg16 : memref<!tpu.dma_semaphore, #tpu.memory_space<semaphore_mem>>)
      %dma_start3A_269 = arith.constant 2000 : i32
      %dma_start3A_270 = tpu.memref_slice %arg14[%dma_start3A_269] : memref<12000xf32, #tpu.memory_space<vmem>> -> memref<2000xf32, #tpu.memory_space<vmem>>
      %dma_start3A_271 = tpu.memref_slice %arg6[%add3A_250] : memref<1600000xf32, #tpu.memory_space<hbm>> -> memref<2000xf32, #tpu.memory_space<hbm>>
      %dma_start3A_272 = arith.constant 2000 : i32
      %dma_start3A_273 = tpu.memref_slice %arg14[%dma_start3A_272] : memref<12000xf32, #tpu.memory_space<vmem>> -> memref<2000xf32, #tpu.memory_space<vmem>>
      %dma_start3A_274 = tpu.memref_slice %arg6[%add3A_250] : memref<1600000xf32, #tpu.memory_space<hbm>> -> memref<2000xf32, #tpu.memory_space<hbm>>
      tpu.enqueue_dma source(%dma_start3A_274 : memref<2000xf32, #tpu.memory_space<hbm>>) target(%dma_start3A_273 : memref<2000xf32, #tpu.memory_space<vmem>>) target_semaphore(%arg16 : memref<!tpu.dma_semaphore, #tpu.memory_space<semaphore_mem>>)
      %dma_start3A_275 = arith.constant 4000 : i32
      %dma_start3A_276 = tpu.memref_slice %arg14[%dma_start3A_275] : memref<12000xf32, #tpu.memory_space<vmem>> -> memref<2000xf32, #tpu.memory_space<vmem>>
      %dma_start3A_277 = tpu.memref_slice %arg7[%add3A_250] : memref<1600000xf32, #tpu.memory_space<hbm>> -> memref<2000xf32, #tpu.memory_space<hbm>>
      %dma_start3A_278 = arith.constant 4000 : i32
      %dma_start3A_279 = tpu.memref_slice %arg14[%dma_start3A_278] : memref<12000xf32, #tpu.memory_space<vmem>> -> memref<2000xf32, #tpu.memory_space<vmem>>
      %dma_start3A_280 = tpu.memref_slice %arg7[%add3A_250] : memref<1600000xf32, #tpu.memory_space<hbm>> -> memref<2000xf32, #tpu.memory_space<hbm>>
      tpu.enqueue_dma source(%dma_start3A_280 : memref<2000xf32, #tpu.memory_space<hbm>>) target(%dma_start3A_279 : memref<2000xf32, #tpu.memory_space<vmem>>) target_semaphore(%arg16 : memref<!tpu.dma_semaphore, #tpu.memory_space<semaphore_mem>>)
      %add3A_281 = arith.constant 1 : i32
      %add3A_282 = arith.addi %mul3A_209, %add3A_281 : i32
      %mul3A_283 = arith.constant 2000 : i32
      %mul3A_284 = arith.muli %add3A_282, %mul3A_283 : i32
      %add3A_285 = arith.addi %mul3A_67, %mul3A_284 : i32
      %dma_wait3A_286 = arith.constant 2000 : i32
      %dma_wait3A_287 = tpu.memref_slice %arg12[%dma_wait3A_286] : memref<4000xi32, #tpu.memory_space<vmem>> -> memref<2000xi32, #tpu.memory_space<vmem>>
      %dma_wait3A_288 = tpu.memref_slice %arg3[%add3A_285] : memref<1600000xi32, #tpu.memory_space<hbm>> -> memref<2000xi32, #tpu.memory_space<hbm>>
      %dma_wait3A_289 = arith.constant 2000 : i32
      %dma_wait3A_290 = tpu.memref_slice %arg12[%dma_wait3A_289] : memref<4000xi32, #tpu.memory_space<vmem>> -> memref<2000xi32, #tpu.memory_space<vmem>>
      %dma_wait3A_291 = tpu.memref_slice %arg3[%add3A_285] : memref<1600000xi32, #tpu.memory_space<hbm>> -> memref<2000xi32, #tpu.memory_space<hbm>>
      tpu.wait_dma2 semaphore(%arg17 : memref<!tpu.dma_semaphore, #tpu.memory_space<semaphore_mem>>) src(%dma_wait3A_291 : memref<2000xi32, #tpu.memory_space<hbm>>) dst(%dma_wait3A_290 : memref<2000xi32, #tpu.memory_space<vmem>>)
      %dma_wait3A_292 = arith.constant 2000 : i32
      %dma_wait3A_293 = tpu.memref_slice %arg13[%dma_wait3A_292] : memref<4000xi32, #tpu.memory_space<vmem>> -> memref<2000xi32, #tpu.memory_space<vmem>>
      %dma_wait3A_294 = tpu.memref_slice %arg4[%add3A_285] : memref<1600000xi32, #tpu.memory_space<hbm>> -> memref<2000xi32, #tpu.memory_space<hbm>>
      %dma_wait3A_295 = arith.constant 2000 : i32
      %dma_wait3A_296 = tpu.memref_slice %arg13[%dma_wait3A_295] : memref<4000xi32, #tpu.memory_space<vmem>> -> memref<2000xi32, #tpu.memory_space<vmem>>
      %dma_wait3A_297 = tpu.memref_slice %arg4[%add3A_285] : memref<1600000xi32, #tpu.memory_space<hbm>> -> memref<2000xi32, #tpu.memory_space<hbm>>
      tpu.wait_dma2 semaphore(%arg17 : memref<!tpu.dma_semaphore, #tpu.memory_space<semaphore_mem>>) src(%dma_wait3A_297 : memref<2000xi32, #tpu.memory_space<hbm>>) dst(%dma_wait3A_296 : memref<2000xi32, #tpu.memory_space<vmem>>)
      %dma_wait3A_298 = arith.constant 6000 : i32
      %dma_wait3A_299 = tpu.memref_slice %arg14[%dma_wait3A_298] : memref<12000xf32, #tpu.memory_space<vmem>> -> memref<2000xf32, #tpu.memory_space<vmem>>
      %dma_wait3A_300 = tpu.memref_slice %arg5[%add3A_285] : memref<1600000xf32, #tpu.memory_space<hbm>> -> memref<2000xf32, #tpu.memory_space<hbm>>
      %dma_wait3A_301 = arith.constant 6000 : i32
      %dma_wait3A_302 = tpu.memref_slice %arg14[%dma_wait3A_301] : memref<12000xf32, #tpu.memory_space<vmem>> -> memref<2000xf32, #tpu.memory_space<vmem>>
      %dma_wait3A_303 = tpu.memref_slice %arg5[%add3A_285] : memref<1600000xf32, #tpu.memory_space<hbm>> -> memref<2000xf32, #tpu.memory_space<hbm>>
      tpu.wait_dma2 semaphore(%arg17 : memref<!tpu.dma_semaphore, #tpu.memory_space<semaphore_mem>>) src(%dma_wait3A_303 : memref<2000xf32, #tpu.memory_space<hbm>>) dst(%dma_wait3A_302 : memref<2000xf32, #tpu.memory_space<vmem>>)
      %dma_wait3A_304 = arith.constant 8000 : i32
      %dma_wait3A_305 = tpu.memref_slice %arg14[%dma_wait3A_304] : memref<12000xf32, #tpu.memory_space<vmem>> -> memref<2000xf32, #tpu.memory_space<vmem>>
      %dma_wait3A_306 = tpu.memref_slice %arg6[%add3A_285] : memref<1600000xf32, #tpu.memory_space<hbm>> -> memref<2000xf32, #tpu.memory_space<hbm>>
      %dma_wait3A_307 = arith.constant 8000 : i32
      %dma_wait3A_308 = tpu.memref_slice %arg14[%dma_wait3A_307] : memref<12000xf32, #tpu.memory_space<vmem>> -> memref<2000xf32, #tpu.memory_space<vmem>>
      %dma_wait3A_309 = tpu.memref_slice %arg6[%add3A_285] : memref<1600000xf32, #tpu.memory_space<hbm>> -> memref<2000xf32, #tpu.memory_space<hbm>>
      tpu.wait_dma2 semaphore(%arg17 : memref<!tpu.dma_semaphore, #tpu.memory_space<semaphore_mem>>) src(%dma_wait3A_309 : memref<2000xf32, #tpu.memory_space<hbm>>) dst(%dma_wait3A_308 : memref<2000xf32, #tpu.memory_space<vmem>>)
      %dma_wait3A_310 = arith.constant 10000 : i32
      %dma_wait3A_311 = tpu.memref_slice %arg14[%dma_wait3A_310] : memref<12000xf32, #tpu.memory_space<vmem>> -> memref<2000xf32, #tpu.memory_space<vmem>>
      %dma_wait3A_312 = tpu.memref_slice %arg7[%add3A_285] : memref<1600000xf32, #tpu.memory_space<hbm>> -> memref<2000xf32, #tpu.memory_space<hbm>>
      %dma_wait3A_313 = arith.constant 10000 : i32
      %dma_wait3A_314 = tpu.memref_slice %arg14[%dma_wait3A_313] : memref<12000xf32, #tpu.memory_space<vmem>> -> memref<2000xf32, #tpu.memory_space<vmem>>
      %dma_wait3A_315 = tpu.memref_slice %arg7[%add3A_285] : memref<1600000xf32, #tpu.memory_space<hbm>> -> memref<2000xf32, #tpu.memory_space<hbm>>
      tpu.wait_dma2 semaphore(%arg17 : memref<!tpu.dma_semaphore, #tpu.memory_space<semaphore_mem>>) src(%dma_wait3A_315 : memref<2000xf32, #tpu.memory_space<hbm>>) dst(%dma_wait3A_314 : memref<2000xf32, #tpu.memory_space<vmem>>)
      %parallel_loop3A_316 = arith.constant 0 : i32
      %parallel_loop3A_317 = arith.constant 125 : i32
      %parallel_loop3A_318 = arith.constant 1 : i32
      scf.for %parallel_loop3A_354 = %parallel_loop3A_316 to %parallel_loop3A_317 step %parallel_loop3A_318  : i32 {
        %parallel_loop3A_355 = arith.constant 16 : i32
        %parallel_loop3A_356 = arith.muli %parallel_loop3A_354, %parallel_loop3A_355 : i32
        %parallel_loop3A_357 = arith.constant 6000 : i32
        %parallel_loop3A_358 = arith.addi %parallel_loop3A_357, %parallel_loop3A_356 : i32
        %parallel_loop3A_359 = arith.index_cast %parallel_loop3A_358 : i32 to index
        %parallel_loop3A_360 = tpu.vector_load %arg14[%parallel_loop3A_359] {strides = array<i32>} : memref<12000xf32, #tpu.memory_space<vmem>>, vector<16xf32>,
        %parallel_loop3A_361 = arith.constant 8000 : i32
        %parallel_loop3A_362 = arith.addi %parallel_loop3A_361, %parallel_loop3A_356 : i32
        %parallel_loop3A_363 = arith.index_cast %parallel_loop3A_362 : i32 to index
        %parallel_loop3A_364 = tpu.vector_load %arg14[%parallel_loop3A_363] {strides = array<i32>} : memref<12000xf32, #tpu.memory_space<vmem>>, vector<16xf32>,
        %parallel_loop3A_365 = arith.constant 10000 : i32
        %parallel_loop3A_366 = arith.addi %parallel_loop3A_365, %parallel_loop3A_356 : i32
        %parallel_loop3A_367 = arith.index_cast %parallel_loop3A_366 : i32 to index
        %parallel_loop3A_368 = tpu.vector_load %arg14[%parallel_loop3A_367] {strides = array<i32>} : memref<12000xf32, #tpu.memory_space<vmem>>, vector<16xf32>,
        %parallel_loop3A_369 = arith.mulf %parallel_loop3A_360, %get3A_43 : vector<16xf32>
        %parallel_loop3A_370 = arith.mulf %parallel_loop3A_364, %get3A_51 : vector<16xf32>
        %parallel_loop3A_371 = arith.addf %parallel_loop3A_369, %parallel_loop3A_370 : vector<16xf32>
        %parallel_loop3A_372 = arith.mulf %parallel_loop3A_368, %get3A_59 : vector<16xf32>
        %parallel_loop3A_373 = arith.addf %parallel_loop3A_371, %parallel_loop3A_372 : vector<16xf32>
        %parallel_loop3A_374 = arith.addf %parallel_loop3A_373, %get3A_65 : vector<16xf32>
        %parallel_loop3A_375 = arith.constant 0.000000e+00 : f32
        %parallel_loop3A_376 = vector.broadcast %parallel_loop3A_375 : f32 to vector<16xf32>
        %parallel_loop3A_377 = arith.maximumf %parallel_loop3A_374, %parallel_loop3A_376 : vector<16xf32>
        %parallel_loop3A_378 = arith.constant 2000 : i32
        %parallel_loop3A_379 = arith.addi %parallel_loop3A_378, %parallel_loop3A_356 : i32
        %parallel_loop3A_380 = arith.index_cast %parallel_loop3A_379 : i32 to index
        %parallel_loop3A_381 = tpu.vector_load %arg12[%parallel_loop3A_380] {strides = array<i32>} : memref<4000xi32, #tpu.memory_space<vmem>>, vector<16xi32>,
        %parallel_loop3A_382 = arith.constant 2000 : i32
        %parallel_loop3A_383 = arith.addi %parallel_loop3A_382, %parallel_loop3A_356 : i32
        %parallel_loop3A_384 = arith.index_cast %parallel_loop3A_383 : i32 to index
        %parallel_loop3A_385 = tpu.vector_load %arg13[%parallel_loop3A_384] {strides = array<i32>} : memref<4000xi32, #tpu.memory_space<vmem>>, vector<16xi32>,
        %parallel_loop3A_386 = tpu.vector_load_idx %arg10[%parallel_loop3A_381] : memref<50176xf32, #tpu.memory_space<vmem>>[vector<16xi32>], vector<16xf32>,
        %parallel_loop3A_387 = arith.mulf %parallel_loop3A_386, %parallel_loop3A_377 : vector<16xf32>
        tpu.vector_store_idx %arg11[%parallel_loop3A_385], %parallel_loop3A_387 {add = true} : memref<50176xf32, #tpu.memory_space<vmem>>[vector<16xi32>], vector<16xf32>,
      } {sc.loop_unroll_factor = 4 : i64, sc.parallel_access}
      %add3A_319 = arith.constant 3 : i32
      %add3A_320 = arith.addi %mul3A_209, %add3A_319 : i32
      %mul3A_321 = arith.constant 2000 : i32
      %mul3A_322 = arith.muli %add3A_320, %mul3A_321 : i32
      %add3A_323 = arith.addi %mul3A_67, %mul3A_322 : i32
      %dma_start3A_324 = arith.constant 2000 : i32
      %dma_start3A_325 = tpu.memref_slice %arg12[%dma_start3A_324] : memref<4000xi32, #tpu.memory_space<vmem>> -> memref<2000xi32, #tpu.memory_space<vmem>>
      %dma_start3A_326 = tpu.memref_slice %arg3[%add3A_323] : memref<1600000xi32, #tpu.memory_space<hbm>> -> memref<2000xi32, #tpu.memory_space<hbm>>
      %dma_start3A_327 = arith.constant 2000 : i32
      %dma_start3A_328 = tpu.memref_slice %arg12[%dma_start3A_327] : memref<4000xi32, #tpu.memory_space<vmem>> -> memref<2000xi32, #tpu.memory_space<vmem>>
      %dma_start3A_329 = tpu.memref_slice %arg3[%add3A_323] : memref<1600000xi32, #tpu.memory_space<hbm>> -> memref<2000xi32, #tpu.memory_space<hbm>>
      tpu.enqueue_dma source(%dma_start3A_329 : memref<2000xi32, #tpu.memory_space<hbm>>) target(%dma_start3A_328 : memref<2000xi32, #tpu.memory_space<vmem>>) target_semaphore(%arg17 : memref<!tpu.dma_semaphore, #tpu.memory_space<semaphore_mem>>)
      %dma_start3A_330 = arith.constant 2000 : i32
      %dma_start3A_331 = tpu.memref_slice %arg13[%dma_start3A_330] : memref<4000xi32, #tpu.memory_space<vmem>> -> memref<2000xi32, #tpu.memory_space<vmem>>
      %dma_start3A_332 = tpu.memref_slice %arg4[%add3A_323] : memref<1600000xi32, #tpu.memory_space<hbm>> -> memref<2000xi32, #tpu.memory_space<hbm>>
      %dma_start3A_333 = arith.constant 2000 : i32
      %dma_start3A_334 = tpu.memref_slice %arg13[%dma_start3A_333] : memref<4000xi32, #tpu.memory_space<vmem>> -> memref<2000xi32, #tpu.memory_space<vmem>>
      %dma_start3A_335 = tpu.memref_slice %arg4[%add3A_323] : memref<1600000xi32, #tpu.memory_space<hbm>> -> memref<2000xi32, #tpu.memory_space<hbm>>
      tpu.enqueue_dma source(%dma_start3A_335 : memref<2000xi32, #tpu.memory_space<hbm>>) target(%dma_start3A_334 : memref<2000xi32, #tpu.memory_space<vmem>>) target_semaphore(%arg17 : memref<!tpu.dma_semaphore, #tpu.memory_space<semaphore_mem>>)
      %dma_start3A_336 = arith.constant 6000 : i32
      %dma_start3A_337 = tpu.memref_slice %arg14[%dma_start3A_336] : memref<12000xf32, #tpu.memory_space<vmem>> -> memref<2000xf32, #tpu.memory_space<vmem>>
      %dma_start3A_338 = tpu.memref_slice %arg5[%add3A_323] : memref<1600000xf32, #tpu.memory_space<hbm>> -> memref<2000xf32, #tpu.memory_space<hbm>>
      %dma_start3A_339 = arith.constant 6000 : i32
      %dma_start3A_340 = tpu.memref_slice %arg14[%dma_start3A_339] : memref<12000xf32, #tpu.memory_space<vmem>> -> memref<2000xf32, #tpu.memory_space<vmem>>
      %dma_start3A_341 = tpu.memref_slice %arg5[%add3A_323] : memref<1600000xf32, #tpu.memory_space<hbm>> -> memref<2000xf32, #tpu.memory_space<hbm>>
      tpu.enqueue_dma source(%dma_start3A_341 : memref<2000xf32, #tpu.memory_space<hbm>>) target(%dma_start3A_340 : memref<2000xf32, #tpu.memory_space<vmem>>) target_semaphore(%arg17 : memref<!tpu.dma_semaphore, #tpu.memory_space<semaphore_mem>>)
      %dma_start3A_342 = arith.constant 8000 : i32
      %dma_start3A_343 = tpu.memref_slice %arg14[%dma_start3A_342] : memref<12000xf32, #tpu.memory_space<vmem>> -> memref<2000xf32, #tpu.memory_space<vmem>>
      %dma_start3A_344 = tpu.memref_slice %arg6[%add3A_323] : memref<1600000xf32, #tpu.memory_space<hbm>> -> memref<2000xf32, #tpu.memory_space<hbm>>
      %dma_start3A_345 = arith.constant 8000 : i32
      %dma_start3A_346 = tpu.memref_slice %arg14[%dma_start3A_345] : memref<12000xf32, #tpu.memory_space<vmem>> -> memref<2000xf32, #tpu.memory_space<vmem>>
      %dma_start3A_347 = tpu.memref_slice %arg6[%add3A_323] : memref<1600000xf32, #tpu.memory_space<hbm>> -> memref<2000xf32, #tpu.memory_space<hbm>>
      tpu.enqueue_dma source(%dma_start3A_347 : memref<2000xf32, #tpu.memory_space<hbm>>) target(%dma_start3A_346 : memref<2000xf32, #tpu.memory_space<vmem>>) target_semaphore(%arg17 : memref<!tpu.dma_semaphore, #tpu.memory_space<semaphore_mem>>)
      %dma_start3A_348 = arith.constant 10000 : i32
      %dma_start3A_349 = tpu.memref_slice %arg14[%dma_start3A_348] : memref<12000xf32, #tpu.memory_space<vmem>> -> memref<2000xf32, #tpu.memory_space<vmem>>
      %dma_start3A_350 = tpu.memref_slice %arg7[%add3A_323] : memref<1600000xf32, #tpu.memory_space<hbm>> -> memref<2000xf32, #tpu.memory_space<hbm>>
      %dma_start3A_351 = arith.constant 10000 : i32
      %dma_start3A_352 = tpu.memref_slice %arg14[%dma_start3A_351] : memref<12000xf32, #tpu.memory_space<vmem>> -> memref<2000xf32, #tpu.memory_space<vmem>>
      %dma_start3A_353 = tpu.memref_slice %arg7[%add3A_323] : memref<1600000xf32, #tpu.memory_space<hbm>> -> memref<2000xf32, #tpu.memory_space<hbm>>
      tpu.enqueue_dma source(%dma_start3A_353 : memref<2000xf32, #tpu.memory_space<hbm>>) target(%dma_start3A_352 : memref<2000xf32, #tpu.memory_space<vmem>>) target_semaphore(%arg17 : memref<!tpu.dma_semaphore, #tpu.memory_space<semaphore_mem>>)
    }
    %scan3A_136 = arith.constant 49 : i32
    %add3A_137 = arith.constant 196000 : i32
    %add3A_138 = arith.addi %mul3A_67, %add3A_137 : i32
    %dma_wait3A = arith.constant 0 : i32
    %dma_wait3A_139 = tpu.memref_slice %arg12[%dma_wait3A] : memref<4000xi32, #tpu.memory_space<vmem>> -> memref<2000xi32, #tpu.memory_space<vmem>>
    %dma_wait3A_140 = tpu.memref_slice %arg3[%add3A_138] : memref<1600000xi32, #tpu.memory_space<hbm>> -> memref<2000xi32, #tpu.memory_space<hbm>>
    %dma_wait3A_141 = arith.constant 0 : i32
    %dma_wait3A_142 = tpu.memref_slice %arg12[%dma_wait3A_141] : memref<4000xi32, #tpu.memory_space<vmem>> -> memref<2000xi32, #tpu.memory_space<vmem>>
    %dma_wait3A_143 = tpu.memref_slice %arg3[%add3A_138] : memref<1600000xi32, #tpu.memory_space<hbm>> -> memref<2000xi32, #tpu.memory_space<hbm>>
    tpu.wait_dma2 semaphore(%arg16 : memref<!tpu.dma_semaphore, #tpu.memory_space<semaphore_mem>>) src(%dma_wait3A_143 : memref<2000xi32, #tpu.memory_space<hbm>>) dst(%dma_wait3A_142 : memref<2000xi32, #tpu.memory_space<vmem>>)
    %dma_wait3A_144 = arith.constant 0 : i32
    %dma_wait3A_145 = tpu.memref_slice %arg13[%dma_wait3A_144] : memref<4000xi32, #tpu.memory_space<vmem>> -> memref<2000xi32, #tpu.memory_space<vmem>>
    %dma_wait3A_146 = tpu.memref_slice %arg4[%add3A_138] : memref<1600000xi32, #tpu.memory_space<hbm>> -> memref<2000xi32, #tpu.memory_space<hbm>>
    %dma_wait3A_147 = arith.constant 0 : i32
    %dma_wait3A_148 = tpu.memref_slice %arg13[%dma_wait3A_147] : memref<4000xi32, #tpu.memory_space<vmem>> -> memref<2000xi32, #tpu.memory_space<vmem>>
    %dma_wait3A_149 = tpu.memref_slice %arg4[%add3A_138] : memref<1600000xi32, #tpu.memory_space<hbm>> -> memref<2000xi32, #tpu.memory_space<hbm>>
    tpu.wait_dma2 semaphore(%arg16 : memref<!tpu.dma_semaphore, #tpu.memory_space<semaphore_mem>>) src(%dma_wait3A_149 : memref<2000xi32, #tpu.memory_space<hbm>>) dst(%dma_wait3A_148 : memref<2000xi32, #tpu.memory_space<vmem>>)
    %dma_wait3A_150 = arith.constant 0 : i32
    %dma_wait3A_151 = tpu.memref_slice %arg14[%dma_wait3A_150] : memref<12000xf32, #tpu.memory_space<vmem>> -> memref<2000xf32, #tpu.memory_space<vmem>>
    %dma_wait3A_152 = tpu.memref_slice %arg5[%add3A_138] : memref<1600000xf32, #tpu.memory_space<hbm>> -> memref<2000xf32, #tpu.memory_space<hbm>>
    %dma_wait3A_153 = arith.constant 0 : i32
    %dma_wait3A_154 = tpu.memref_slice %arg14[%dma_wait3A_153] : memref<12000xf32, #tpu.memory_space<vmem>> -> memref<2000xf32, #tpu.memory_space<vmem>>
    %dma_wait3A_155 = tpu.memref_slice %arg5[%add3A_138] : memref<1600000xf32, #tpu.memory_space<hbm>> -> memref<2000xf32, #tpu.memory_space<hbm>>
    tpu.wait_dma2 semaphore(%arg16 : memref<!tpu.dma_semaphore, #tpu.memory_space<semaphore_mem>>) src(%dma_wait3A_155 : memref<2000xf32, #tpu.memory_space<hbm>>) dst(%dma_wait3A_154 : memref<2000xf32, #tpu.memory_space<vmem>>)
    %dma_wait3A_156 = arith.constant 2000 : i32
    %dma_wait3A_157 = tpu.memref_slice %arg14[%dma_wait3A_156] : memref<12000xf32, #tpu.memory_space<vmem>> -> memref<2000xf32, #tpu.memory_space<vmem>>
    %dma_wait3A_158 = tpu.memref_slice %arg6[%add3A_138] : memref<1600000xf32, #tpu.memory_space<hbm>> -> memref<2000xf32, #tpu.memory_space<hbm>>
    %dma_wait3A_159 = arith.constant 2000 : i32
    %dma_wait3A_160 = tpu.memref_slice %arg14[%dma_wait3A_159] : memref<12000xf32, #tpu.memory_space<vmem>> -> memref<2000xf32, #tpu.memory_space<vmem>>
    %dma_wait3A_161 = tpu.memref_slice %arg6[%add3A_138] : memref<1600000xf32, #tpu.memory_space<hbm>> -> memref<2000xf32, #tpu.memory_space<hbm>>
    tpu.wait_dma2 semaphore(%arg16 : memref<!tpu.dma_semaphore, #tpu.memory_space<semaphore_mem>>) src(%dma_wait3A_161 : memref<2000xf32, #tpu.memory_space<hbm>>) dst(%dma_wait3A_160 : memref<2000xf32, #tpu.memory_space<vmem>>)
    %dma_wait3A_162 = arith.constant 4000 : i32
    %dma_wait3A_163 = tpu.memref_slice %arg14[%dma_wait3A_162] : memref<12000xf32, #tpu.memory_space<vmem>> -> memref<2000xf32, #tpu.memory_space<vmem>>
    %dma_wait3A_164 = tpu.memref_slice %arg7[%add3A_138] : memref<1600000xf32, #tpu.memory_space<hbm>> -> memref<2000xf32, #tpu.memory_space<hbm>>
    %dma_wait3A_165 = arith.constant 4000 : i32
    %dma_wait3A_166 = tpu.memref_slice %arg14[%dma_wait3A_165] : memref<12000xf32, #tpu.memory_space<vmem>> -> memref<2000xf32, #tpu.memory_space<vmem>>
    %dma_wait3A_167 = tpu.memref_slice %arg7[%add3A_138] : memref<1600000xf32, #tpu.memory_space<hbm>> -> memref<2000xf32, #tpu.memory_space<hbm>>
    tpu.wait_dma2 semaphore(%arg16 : memref<!tpu.dma_semaphore, #tpu.memory_space<semaphore_mem>>) src(%dma_wait3A_167 : memref<2000xf32, #tpu.memory_space<hbm>>) dst(%dma_wait3A_166 : memref<2000xf32, #tpu.memory_space<vmem>>)
    %parallel_loop3A = arith.constant 0 : i32
    %parallel_loop3A_168 = arith.constant 125 : i32
    %parallel_loop3A_169 = arith.constant 1 : i32
    scf.for %parallel_loop3A_207 = %parallel_loop3A to %parallel_loop3A_168 step %parallel_loop3A_169  : i32 {
      %parallel_loop3A_208 = arith.constant 16 : i32
      %parallel_loop3A_209 = arith.muli %parallel_loop3A_207, %parallel_loop3A_208 : i32
      %parallel_loop3A_210 = arith.constant 0 : i32
      %parallel_loop3A_211 = arith.addi %parallel_loop3A_210, %parallel_loop3A_209 : i32
      %parallel_loop3A_212 = arith.index_cast %parallel_loop3A_211 : i32 to index
      %parallel_loop3A_213 = tpu.vector_load %arg14[%parallel_loop3A_212] {strides = array<i32>} : memref<12000xf32, #tpu.memory_space<vmem>>, vector<16xf32>,
      %parallel_loop3A_214 = arith.constant 2000 : i32
      %parallel_loop3A_215 = arith.addi %parallel_loop3A_214, %parallel_loop3A_209 : i32
      %parallel_loop3A_216 = arith.index_cast %parallel_loop3A_215 : i32 to index
      %parallel_loop3A_217 = tpu.vector_load %arg14[%parallel_loop3A_216] {strides = array<i32>} : memref<12000xf32, #tpu.memory_space<vmem>>, vector<16xf32>,
      %parallel_loop3A_218 = arith.constant 4000 : i32
      %parallel_loop3A_219 = arith.addi %parallel_loop3A_218, %parallel_loop3A_209 : i32
      %parallel_loop3A_220 = arith.index_cast %parallel_loop3A_219 : i32 to index
      %parallel_loop3A_221 = tpu.vector_load %arg14[%parallel_loop3A_220] {strides = array<i32>} : memref<12000xf32, #tpu.memory_space<vmem>>, vector<16xf32>,
      %parallel_loop3A_222 = arith.mulf %parallel_loop3A_213, %get3A_43 : vector<16xf32>
      %parallel_loop3A_223 = arith.mulf %parallel_loop3A_217, %get3A_51 : vector<16xf32>
      %parallel_loop3A_224 = arith.addf %parallel_loop3A_222, %parallel_loop3A_223 : vector<16xf32>
      %parallel_loop3A_225 = arith.mulf %parallel_loop3A_221, %get3A_59 : vector<16xf32>
      %parallel_loop3A_226 = arith.addf %parallel_loop3A_224, %parallel_loop3A_225 : vector<16xf32>
      %parallel_loop3A_227 = arith.addf %parallel_loop3A_226, %get3A_65 : vector<16xf32>
      %parallel_loop3A_228 = arith.constant 0.000000e+00 : f32
      %parallel_loop3A_229 = vector.broadcast %parallel_loop3A_228 : f32 to vector<16xf32>
      %parallel_loop3A_230 = arith.maximumf %parallel_loop3A_227, %parallel_loop3A_229 : vector<16xf32>
      %parallel_loop3A_231 = arith.constant 0 : i32
      %parallel_loop3A_232 = arith.addi %parallel_loop3A_231, %parallel_loop3A_209 : i32
      %parallel_loop3A_233 = arith.index_cast %parallel_loop3A_232 : i32 to index
      %parallel_loop3A_234 = tpu.vector_load %arg12[%parallel_loop3A_233] {strides = array<i32>} : memref<4000xi32, #tpu.memory_space<vmem>>, vector<16xi32>,
      %parallel_loop3A_235 = arith.constant 0 : i32
      %parallel_loop3A_236 = arith.addi %parallel_loop3A_235, %parallel_loop3A_209 : i32
      %parallel_loop3A_237 = arith.index_cast %parallel_loop3A_236 : i32 to index
      %parallel_loop3A_238 = tpu.vector_load %arg13[%parallel_loop3A_237] {strides = array<i32>} : memref<4000xi32, #tpu.memory_space<vmem>>, vector<16xi32>,
      %parallel_loop3A_239 = tpu.vector_load_idx %arg10[%parallel_loop3A_234] : memref<50176xf32, #tpu.memory_space<vmem>>[vector<16xi32>], vector<16xf32>,
      %parallel_loop3A_240 = arith.mulf %parallel_loop3A_239, %parallel_loop3A_230 : vector<16xf32>
      tpu.vector_store_idx %arg11[%parallel_loop3A_238], %parallel_loop3A_240 {add = true} : memref<50176xf32, #tpu.memory_space<vmem>>[vector<16xi32>], vector<16xf32>,
    } {sc.loop_unroll_factor = 4 : i64, sc.parallel_access}
    %add3A_170 = arith.constant 198000 : i32
    %add3A_171 = arith.addi %mul3A_67, %add3A_170 : i32
    %dma_wait3A_172 = arith.constant 2000 : i32
    %dma_wait3A_173 = tpu.memref_slice %arg12[%dma_wait3A_172] : memref<4000xi32, #tpu.memory_space<vmem>> -> memref<2000xi32, #tpu.memory_space<vmem>>
    %dma_wait3A_174 = tpu.memref_slice %arg3[%add3A_171] : memref<1600000xi32, #tpu.memory_space<hbm>> -> memref<2000xi32, #tpu.memory_space<hbm>>
    %dma_wait3A_175 = arith.constant 2000 : i32
    %dma_wait3A_176 = tpu.memref_slice %arg12[%dma_wait3A_175] : memref<4000xi32, #tpu.memory_space<vmem>> -> memref<2000xi32, #tpu.memory_space<vmem>>
    %dma_wait3A_177 = tpu.memref_slice %arg3[%add3A_171] : memref<1600000xi32, #tpu.memory_space<hbm>> -> memref<2000xi32, #tpu.memory_space<hbm>>
    tpu.wait_dma2 semaphore(%arg17 : memref<!tpu.dma_semaphore, #tpu.memory_space<semaphore_mem>>) src(%dma_wait3A_177 : memref<2000xi32, #tpu.memory_space<hbm>>) dst(%dma_wait3A_176 : memref<2000xi32, #tpu.memory_space<vmem>>)
    %dma_wait3A_178 = arith.constant 2000 : i32
    %dma_wait3A_179 = tpu.memref_slice %arg13[%dma_wait3A_178] : memref<4000xi32, #tpu.memory_space<vmem>> -> memref<2000xi32, #tpu.memory_space<vmem>>
    %dma_wait3A_180 = tpu.memref_slice %arg4[%add3A_171] : memref<1600000xi32, #tpu.memory_space<hbm>> -> memref<2000xi32, #tpu.memory_space<hbm>>
    %dma_wait3A_181 = arith.constant 2000 : i32
    %dma_wait3A_182 = tpu.memref_slice %arg13[%dma_wait3A_181] : memref<4000xi32, #tpu.memory_space<vmem>> -> memref<2000xi32, #tpu.memory_space<vmem>>
    %dma_wait3A_183 = tpu.memref_slice %arg4[%add3A_171] : memref<1600000xi32, #tpu.memory_space<hbm>> -> memref<2000xi32, #tpu.memory_space<hbm>>
    tpu.wait_dma2 semaphore(%arg17 : memref<!tpu.dma_semaphore, #tpu.memory_space<semaphore_mem>>) src(%dma_wait3A_183 : memref<2000xi32, #tpu.memory_space<hbm>>) dst(%dma_wait3A_182 : memref<2000xi32, #tpu.memory_space<vmem>>)
    %dma_wait3A_184 = arith.constant 6000 : i32
    %dma_wait3A_185 = tpu.memref_slice %arg14[%dma_wait3A_184] : memref<12000xf32, #tpu.memory_space<vmem>> -> memref<2000xf32, #tpu.memory_space<vmem>>
    %dma_wait3A_186 = tpu.memref_slice %arg5[%add3A_171] : memref<1600000xf32, #tpu.memory_space<hbm>> -> memref<2000xf32, #tpu.memory_space<hbm>>
    %dma_wait3A_187 = arith.constant 6000 : i32
    %dma_wait3A_188 = tpu.memref_slice %arg14[%dma_wait3A_187] : memref<12000xf32, #tpu.memory_space<vmem>> -> memref<2000xf32, #tpu.memory_space<vmem>>
    %dma_wait3A_189 = tpu.memref_slice %arg5[%add3A_171] : memref<1600000xf32, #tpu.memory_space<hbm>> -> memref<2000xf32, #tpu.memory_space<hbm>>
    tpu.wait_dma2 semaphore(%arg17 : memref<!tpu.dma_semaphore, #tpu.memory_space<semaphore_mem>>) src(%dma_wait3A_189 : memref<2000xf32, #tpu.memory_space<hbm>>) dst(%dma_wait3A_188 : memref<2000xf32, #tpu.memory_space<vmem>>)
    %dma_wait3A_190 = arith.constant 8000 : i32
    %dma_wait3A_191 = tpu.memref_slice %arg14[%dma_wait3A_190] : memref<12000xf32, #tpu.memory_space<vmem>> -> memref<2000xf32, #tpu.memory_space<vmem>>
    %dma_wait3A_192 = tpu.memref_slice %arg6[%add3A_171] : memref<1600000xf32, #tpu.memory_space<hbm>> -> memref<2000xf32, #tpu.memory_space<hbm>>
    %dma_wait3A_193 = arith.constant 8000 : i32
    %dma_wait3A_194 = tpu.memref_slice %arg14[%dma_wait3A_193] : memref<12000xf32, #tpu.memory_space<vmem>> -> memref<2000xf32, #tpu.memory_space<vmem>>
    %dma_wait3A_195 = tpu.memref_slice %arg6[%add3A_171] : memref<1600000xf32, #tpu.memory_space<hbm>> -> memref<2000xf32, #tpu.memory_space<hbm>>
    tpu.wait_dma2 semaphore(%arg17 : memref<!tpu.dma_semaphore, #tpu.memory_space<semaphore_mem>>) src(%dma_wait3A_195 : memref<2000xf32, #tpu.memory_space<hbm>>) dst(%dma_wait3A_194 : memref<2000xf32, #tpu.memory_space<vmem>>)
    %dma_wait3A_196 = arith.constant 10000 : i32
    %dma_wait3A_197 = tpu.memref_slice %arg14[%dma_wait3A_196] : memref<12000xf32, #tpu.memory_space<vmem>> -> memref<2000xf32, #tpu.memory_space<vmem>>
    %dma_wait3A_198 = tpu.memref_slice %arg7[%add3A_171] : memref<1600000xf32, #tpu.memory_space<hbm>> -> memref<2000xf32, #tpu.memory_space<hbm>>
    %dma_wait3A_199 = arith.constant 10000 : i32
    %dma_wait3A_200 = tpu.memref_slice %arg14[%dma_wait3A_199] : memref<12000xf32, #tpu.memory_space<vmem>> -> memref<2000xf32, #tpu.memory_space<vmem>>
    %dma_wait3A_201 = tpu.memref_slice %arg7[%add3A_171] : memref<1600000xf32, #tpu.memory_space<hbm>> -> memref<2000xf32, #tpu.memory_space<hbm>>
    tpu.wait_dma2 semaphore(%arg17 : memref<!tpu.dma_semaphore, #tpu.memory_space<semaphore_mem>>) src(%dma_wait3A_201 : memref<2000xf32, #tpu.memory_space<hbm>>) dst(%dma_wait3A_200 : memref<2000xf32, #tpu.memory_space<vmem>>)
    %parallel_loop3A_202 = arith.constant 0 : i32
    %parallel_loop3A_203 = arith.constant 125 : i32
    %parallel_loop3A_204 = arith.constant 1 : i32
    scf.for %parallel_loop3A_207 = %parallel_loop3A_202 to %parallel_loop3A_203 step %parallel_loop3A_204  : i32 {
      %parallel_loop3A_208 = arith.constant 16 : i32
      %parallel_loop3A_209 = arith.muli %parallel_loop3A_207, %parallel_loop3A_208 : i32
      %parallel_loop3A_210 = arith.constant 6000 : i32
      %parallel_loop3A_211 = arith.addi %parallel_loop3A_210, %parallel_loop3A_209 : i32
      %parallel_loop3A_212 = arith.index_cast %parallel_loop3A_211 : i32 to index
      %parallel_loop3A_213 = tpu.vector_load %arg14[%parallel_loop3A_212] {strides = array<i32>} : memref<12000xf32, #tpu.memory_space<vmem>>, vector<16xf32>,
      %parallel_loop3A_214 = arith.constant 8000 : i32
      %parallel_loop3A_215 = arith.addi %parallel_loop3A_214, %parallel_loop3A_209 : i32
      %parallel_loop3A_216 = arith.index_cast %parallel_loop3A_215 : i32 to index
      %parallel_loop3A_217 = tpu.vector_load %arg14[%parallel_loop3A_216] {strides = array<i32>} : memref<12000xf32, #tpu.memory_space<vmem>>, vector<16xf32>,
      %parallel_loop3A_218 = arith.constant 10000 : i32
      %parallel_loop3A_219 = arith.addi %parallel_loop3A_218, %parallel_loop3A_209 : i32
      %parallel_loop3A_220 = arith.index_cast %parallel_loop3A_219 : i32 to index
      %parallel_loop3A_221 = tpu.vector_load %arg14[%parallel_loop3A_220] {strides = array<i32>} : memref<12000xf32, #tpu.memory_space<vmem>>, vector<16xf32>,
      %parallel_loop3A_222 = arith.mulf %parallel_loop3A_213, %get3A_43 : vector<16xf32>
      %parallel_loop3A_223 = arith.mulf %parallel_loop3A_217, %get3A_51 : vector<16xf32>
      %parallel_loop3A_224 = arith.addf %parallel_loop3A_222, %parallel_loop3A_223 : vector<16xf32>
      %parallel_loop3A_225 = arith.mulf %parallel_loop3A_221, %get3A_59 : vector<16xf32>
      %parallel_loop3A_226 = arith.addf %parallel_loop3A_224, %parallel_loop3A_225 : vector<16xf32>
      %parallel_loop3A_227 = arith.addf %parallel_loop3A_226, %get3A_65 : vector<16xf32>
      %parallel_loop3A_228 = arith.constant 0.000000e+00 : f32
      %parallel_loop3A_229 = vector.broadcast %parallel_loop3A_228 : f32 to vector<16xf32>
      %parallel_loop3A_230 = arith.maximumf %parallel_loop3A_227, %parallel_loop3A_229 : vector<16xf32>
      %parallel_loop3A_231 = arith.constant 2000 : i32
      %parallel_loop3A_232 = arith.addi %parallel_loop3A_231, %parallel_loop3A_209 : i32
      %parallel_loop3A_233 = arith.index_cast %parallel_loop3A_232 : i32 to index
      %parallel_loop3A_234 = tpu.vector_load %arg12[%parallel_loop3A_233] {strides = array<i32>} : memref<4000xi32, #tpu.memory_space<vmem>>, vector<16xi32>,
      %parallel_loop3A_235 = arith.constant 2000 : i32
      %parallel_loop3A_236 = arith.addi %parallel_loop3A_235, %parallel_loop3A_209 : i32
      %parallel_loop3A_237 = arith.index_cast %parallel_loop3A_236 : i32 to index
      %parallel_loop3A_238 = tpu.vector_load %arg13[%parallel_loop3A_237] {strides = array<i32>} : memref<4000xi32, #tpu.memory_space<vmem>>, vector<16xi32>,
      %parallel_loop3A_239 = tpu.vector_load_idx %arg10[%parallel_loop3A_234] : memref<50176xf32, #tpu.memory_space<vmem>>[vector<16xi32>], vector<16xf32>,
      %parallel_loop3A_240 = arith.mulf %parallel_loop3A_239, %parallel_loop3A_230 : vector<16xf32>
      tpu.vector_store_idx %arg11[%parallel_loop3A_238], %parallel_loop3A_240 {add = true} : memref<50176xf32, #tpu.memory_space<vmem>>[vector<16xi32>], vector<16xf32>,
    } {sc.loop_unroll_factor = 4 : i64, sc.parallel_access}
    %mul3A_205 = arith.constant 50176 : i32
    %mul3A_206 = arith.muli %add3A, %mul3A_205 : i32
    "tpu.region"() ({
      %run_scoped3A = tpu.sem_alloc : memref<!tpu.dma_semaphore, #tpu.memory_space<semaphore_mem>>
      %dma_start3A_207 = tpu.memref_slice %arg9[%mul3A_206] : memref<1605632xf32, #tpu.memory_space<hbm>> -> memref<50176xf32, #tpu.memory_space<hbm>>
      %dma_start3A_208 = tpu.memref_slice %arg9[%mul3A_206] : memref<1605632xf32, #tpu.memory_space<hbm>> -> memref<50176xf32, #tpu.memory_space<hbm>>
      tpu.enqueue_dma source(%arg11 : memref<50176xf32, #tpu.memory_space<vmem>>) target(%dma_start3A_208 : memref<50176xf32, #tpu.memory_space<hbm>>) target_semaphore(%run_scoped3A : memref<!tpu.dma_semaphore, #tpu.memory_space<semaphore_mem>>)
      %dma_wait3A_209 = tpu.memref_slice %arg9[%mul3A_206] : memref<1605632xf32, #tpu.memory_space<hbm>> -> memref<50176xf32, #tpu.memory_space<hbm>>
      %dma_wait3A_210 = tpu.memref_slice %arg9[%mul3A_206] : memref<1605632xf32, #tpu.memory_space<hbm>> -> memref<50176xf32, #tpu.memory_space<hbm>>
      tpu.wait_dma2 semaphore(%run_scoped3A : memref<!tpu.dma_semaphore, #tpu.memory_space<semaphore_mem>>) src(%arg11 : memref<50176xf32, #tpu.memory_space<vmem>>) dst(%dma_wait3A_210 : memref<50176xf32, #tpu.memory_space<hbm>>)
      tpu.yield
    }) : () -> ()
    return
  }
}

#map = affine_map<(d0, d1) -> (0)>
module attributes {stable_mosaic.version = 14 : i64} {
  func.func @body(%arg0: i32, %arg1: i32, %arg2: memref<1605632xf32, #tpu.memory_space<hbm>>, %arg3: memref<200704xf32, #tpu.memory_space<hbm>>, %arg4: memref<80xf32, #tpu.memory_space<hbm>>, %arg5: memref<50176xf32, #tpu.memory_space<hbm>>, %arg6: memref<50176xf32, #tpu.memory_space<vmem>>, %arg7: memref<6272xf32, #tpu.memory_space<vmem>>, %arg8: memref<1568xf32, #tpu.memory_space<vmem>>, %arg9: memref<80xf32, #tpu.memory_space<vmem>>, %arg10: memref<!tpu.dma_semaphore, #tpu.memory_space<semaphore_mem>>) attributes {dimension_semantics = [#tpu.dimension_semantics<core_parallel>, #tpu.dimension_semantics<subcore_parallel>], iteration_bounds = array<i64: 2, 16>, scalar_prefetch = 0 : i64, scratch_operands = 5 : i64, tpu.core_type = #tpu.core_type<sc_vector_subcore>, window_params = [{transform_indices = #map}, {transform_indices = #map}, {transform_indices = #map}, {transform_indices = #map}]} {
    %mul3A = arith.constant 2 : i32
    %mul3A_0 = arith.muli %arg1, %mul3A : i32
    %add3A = arith.addi %mul3A_0, %arg0 : i32
    %mul3A_1 = arith.constant 1568 : i32
    %mul3A_2 = arith.muli %add3A, %mul3A_1 : i32
    %add3A_3 = arith.constant 0 : i32
    %add3A_4 = arith.addi %add3A_3, %mul3A_2 : i32
    %add3A_5 = arith.constant 50176 : i32
    %add3A_6 = arith.addi %add3A_5, %mul3A_2 : i32
    %add3A_7 = arith.constant 100352 : i32
    %add3A_8 = arith.addi %add3A_7, %mul3A_2 : i32
    %add3A_9 = arith.constant 150528 : i32
    %add3A_10 = arith.addi %add3A_9, %mul3A_2 : i32
    %add3A_11 = arith.constant 200704 : i32
    %add3A_12 = arith.addi %add3A_11, %mul3A_2 : i32
    %add3A_13 = arith.constant 250880 : i32
    %add3A_14 = arith.addi %add3A_13, %mul3A_2 : i32
    %add3A_15 = arith.constant 301056 : i32
    %add3A_16 = arith.addi %add3A_15, %mul3A_2 : i32
    %add3A_17 = arith.constant 351232 : i32
    %add3A_18 = arith.addi %add3A_17, %mul3A_2 : i32
    %add3A_19 = arith.constant 401408 : i32
    %add3A_20 = arith.addi %add3A_19, %mul3A_2 : i32
    %add3A_21 = arith.constant 451584 : i32
    %add3A_22 = arith.addi %add3A_21, %mul3A_2 : i32
    %add3A_23 = arith.constant 501760 : i32
    %add3A_24 = arith.addi %add3A_23, %mul3A_2 : i32
    %add3A_25 = arith.constant 551936 : i32
    %add3A_26 = arith.addi %add3A_25, %mul3A_2 : i32
    %add3A_27 = arith.constant 602112 : i32
    %add3A_28 = arith.addi %add3A_27, %mul3A_2 : i32
    %add3A_29 = arith.constant 652288 : i32
    %add3A_30 = arith.addi %add3A_29, %mul3A_2 : i32
    %add3A_31 = arith.constant 702464 : i32
    %add3A_32 = arith.addi %add3A_31, %mul3A_2 : i32
    %add3A_33 = arith.constant 752640 : i32
    %add3A_34 = arith.addi %add3A_33, %mul3A_2 : i32
    %add3A_35 = arith.constant 802816 : i32
    %add3A_36 = arith.addi %add3A_35, %mul3A_2 : i32
    %add3A_37 = arith.constant 852992 : i32
    %add3A_38 = arith.addi %add3A_37, %mul3A_2 : i32
    %add3A_39 = arith.constant 903168 : i32
    %add3A_40 = arith.addi %add3A_39, %mul3A_2 : i32
    %add3A_41 = arith.constant 953344 : i32
    %add3A_42 = arith.addi %add3A_41, %mul3A_2 : i32
    %add3A_43 = arith.constant 1003520 : i32
    %add3A_44 = arith.addi %add3A_43, %mul3A_2 : i32
    %add3A_45 = arith.constant 1053696 : i32
    %add3A_46 = arith.addi %add3A_45, %mul3A_2 : i32
    %add3A_47 = arith.constant 1103872 : i32
    %add3A_48 = arith.addi %add3A_47, %mul3A_2 : i32
    %add3A_49 = arith.constant 1154048 : i32
    %add3A_50 = arith.addi %add3A_49, %mul3A_2 : i32
    %add3A_51 = arith.constant 1204224 : i32
    %add3A_52 = arith.addi %add3A_51, %mul3A_2 : i32
    %add3A_53 = arith.constant 1254400 : i32
    %add3A_54 = arith.addi %add3A_53, %mul3A_2 : i32
    %add3A_55 = arith.constant 1304576 : i32
    %add3A_56 = arith.addi %add3A_55, %mul3A_2 : i32
    %add3A_57 = arith.constant 1354752 : i32
    %add3A_58 = arith.addi %add3A_57, %mul3A_2 : i32
    %add3A_59 = arith.constant 1404928 : i32
    %add3A_60 = arith.addi %add3A_59, %mul3A_2 : i32
    %add3A_61 = arith.constant 1455104 : i32
    %add3A_62 = arith.addi %add3A_61, %mul3A_2 : i32
    %add3A_63 = arith.constant 1505280 : i32
    %add3A_64 = arith.addi %add3A_63, %mul3A_2 : i32
    %add3A_65 = arith.constant 1555456 : i32
    %add3A_66 = arith.addi %add3A_65, %mul3A_2 : i32
    %add3A_67 = arith.constant 0 : i32
    %add3A_68 = arith.addi %add3A_67, %mul3A_2 : i32
    %add3A_69 = arith.constant 50176 : i32
    %add3A_70 = arith.addi %add3A_69, %mul3A_2 : i32
    %add3A_71 = arith.constant 100352 : i32
    %add3A_72 = arith.addi %add3A_71, %mul3A_2 : i32
    %add3A_73 = arith.constant 150528 : i32
    %add3A_74 = arith.addi %add3A_73, %mul3A_2 : i32
    tpu.enqueue_dma source(%arg4 : memref<80xf32, #tpu.memory_space<hbm>>) target(%arg9 : memref<80xf32, #tpu.memory_space<vmem>>) target_semaphore(%arg10 : memref<!tpu.dma_semaphore, #tpu.memory_space<semaphore_mem>>)
    %dma_start3A = arith.constant 0 : i32
    %dma_start3A_75 = tpu.memref_slice %arg6[%dma_start3A] : memref<50176xf32, #tpu.memory_space<vmem>> -> memref<1568xf32, #tpu.memory_space<vmem>>
    %dma_start3A_76 = tpu.memref_slice %arg2[%add3A_4] : memref<1605632xf32, #tpu.memory_space<hbm>> -> memref<1568xf32, #tpu.memory_space<hbm>>
    %dma_start3A_77 = arith.constant 0 : i32
    %dma_start3A_78 = tpu.memref_slice %arg6[%dma_start3A_77] : memref<50176xf32, #tpu.memory_space<vmem>> -> memref<1568xf32, #tpu.memory_space<vmem>>
    %dma_start3A_79 = tpu.memref_slice %arg2[%add3A_4] : memref<1605632xf32, #tpu.memory_space<hbm>> -> memref<1568xf32, #tpu.memory_space<hbm>>
    tpu.enqueue_dma source(%dma_start3A_79 : memref<1568xf32, #tpu.memory_space<hbm>>) target(%dma_start3A_78 : memref<1568xf32, #tpu.memory_space<vmem>>) target_semaphore(%arg10 : memref<!tpu.dma_semaphore, #tpu.memory_space<semaphore_mem>>)
    %dma_start3A_80 = arith.constant 1568 : i32
    %dma_start3A_81 = tpu.memref_slice %arg6[%dma_start3A_80] : memref<50176xf32, #tpu.memory_space<vmem>> -> memref<1568xf32, #tpu.memory_space<vmem>>
    %dma_start3A_82 = tpu.memref_slice %arg2[%add3A_6] : memref<1605632xf32, #tpu.memory_space<hbm>> -> memref<1568xf32, #tpu.memory_space<hbm>>
    %dma_start3A_83 = arith.constant 1568 : i32
    %dma_start3A_84 = tpu.memref_slice %arg6[%dma_start3A_83] : memref<50176xf32, #tpu.memory_space<vmem>> -> memref<1568xf32, #tpu.memory_space<vmem>>
    %dma_start3A_85 = tpu.memref_slice %arg2[%add3A_6] : memref<1605632xf32, #tpu.memory_space<hbm>> -> memref<1568xf32, #tpu.memory_space<hbm>>
    tpu.enqueue_dma source(%dma_start3A_85 : memref<1568xf32, #tpu.memory_space<hbm>>) target(%dma_start3A_84 : memref<1568xf32, #tpu.memory_space<vmem>>) target_semaphore(%arg10 : memref<!tpu.dma_semaphore, #tpu.memory_space<semaphore_mem>>)
    %dma_start3A_86 = arith.constant 3136 : i32
    %dma_start3A_87 = tpu.memref_slice %arg6[%dma_start3A_86] : memref<50176xf32, #tpu.memory_space<vmem>> -> memref<1568xf32, #tpu.memory_space<vmem>>
    %dma_start3A_88 = tpu.memref_slice %arg2[%add3A_8] : memref<1605632xf32, #tpu.memory_space<hbm>> -> memref<1568xf32, #tpu.memory_space<hbm>>
    %dma_start3A_89 = arith.constant 3136 : i32
    %dma_start3A_90 = tpu.memref_slice %arg6[%dma_start3A_89] : memref<50176xf32, #tpu.memory_space<vmem>> -> memref<1568xf32, #tpu.memory_space<vmem>>
    %dma_start3A_91 = tpu.memref_slice %arg2[%add3A_8] : memref<1605632xf32, #tpu.memory_space<hbm>> -> memref<1568xf32, #tpu.memory_space<hbm>>
    tpu.enqueue_dma source(%dma_start3A_91 : memref<1568xf32, #tpu.memory_space<hbm>>) target(%dma_start3A_90 : memref<1568xf32, #tpu.memory_space<vmem>>) target_semaphore(%arg10 : memref<!tpu.dma_semaphore, #tpu.memory_space<semaphore_mem>>)
    %dma_start3A_92 = arith.constant 4704 : i32
    %dma_start3A_93 = tpu.memref_slice %arg6[%dma_start3A_92] : memref<50176xf32, #tpu.memory_space<vmem>> -> memref<1568xf32, #tpu.memory_space<vmem>>
    %dma_start3A_94 = tpu.memref_slice %arg2[%add3A_10] : memref<1605632xf32, #tpu.memory_space<hbm>> -> memref<1568xf32, #tpu.memory_space<hbm>>
    %dma_start3A_95 = arith.constant 4704 : i32
    %dma_start3A_96 = tpu.memref_slice %arg6[%dma_start3A_95] : memref<50176xf32, #tpu.memory_space<vmem>> -> memref<1568xf32, #tpu.memory_space<vmem>>
    %dma_start3A_97 = tpu.memref_slice %arg2[%add3A_10] : memref<1605632xf32, #tpu.memory_space<hbm>> -> memref<1568xf32, #tpu.memory_space<hbm>>
    tpu.enqueue_dma source(%dma_start3A_97 : memref<1568xf32, #tpu.memory_space<hbm>>) target(%dma_start3A_96 : memref<1568xf32, #tpu.memory_space<vmem>>) target_semaphore(%arg10 : memref<!tpu.dma_semaphore, #tpu.memory_space<semaphore_mem>>)
    %dma_start3A_98 = arith.constant 6272 : i32
    %dma_start3A_99 = tpu.memref_slice %arg6[%dma_start3A_98] : memref<50176xf32, #tpu.memory_space<vmem>> -> memref<1568xf32, #tpu.memory_space<vmem>>
    %dma_start3A_100 = tpu.memref_slice %arg2[%add3A_12] : memref<1605632xf32, #tpu.memory_space<hbm>> -> memref<1568xf32, #tpu.memory_space<hbm>>
    %dma_start3A_101 = arith.constant 6272 : i32
    %dma_start3A_102 = tpu.memref_slice %arg6[%dma_start3A_101] : memref<50176xf32, #tpu.memory_space<vmem>> -> memref<1568xf32, #tpu.memory_space<vmem>>
    %dma_start3A_103 = tpu.memref_slice %arg2[%add3A_12] : memref<1605632xf32, #tpu.memory_space<hbm>> -> memref<1568xf32, #tpu.memory_space<hbm>>
    tpu.enqueue_dma source(%dma_start3A_103 : memref<1568xf32, #tpu.memory_space<hbm>>) target(%dma_start3A_102 : memref<1568xf32, #tpu.memory_space<vmem>>) target_semaphore(%arg10 : memref<!tpu.dma_semaphore, #tpu.memory_space<semaphore_mem>>)
    %dma_start3A_104 = arith.constant 7840 : i32
    %dma_start3A_105 = tpu.memref_slice %arg6[%dma_start3A_104] : memref<50176xf32, #tpu.memory_space<vmem>> -> memref<1568xf32, #tpu.memory_space<vmem>>
    %dma_start3A_106 = tpu.memref_slice %arg2[%add3A_14] : memref<1605632xf32, #tpu.memory_space<hbm>> -> memref<1568xf32, #tpu.memory_space<hbm>>
    %dma_start3A_107 = arith.constant 7840 : i32
    %dma_start3A_108 = tpu.memref_slice %arg6[%dma_start3A_107] : memref<50176xf32, #tpu.memory_space<vmem>> -> memref<1568xf32, #tpu.memory_space<vmem>>
    %dma_start3A_109 = tpu.memref_slice %arg2[%add3A_14] : memref<1605632xf32, #tpu.memory_space<hbm>> -> memref<1568xf32, #tpu.memory_space<hbm>>
    tpu.enqueue_dma source(%dma_start3A_109 : memref<1568xf32, #tpu.memory_space<hbm>>) target(%dma_start3A_108 : memref<1568xf32, #tpu.memory_space<vmem>>) target_semaphore(%arg10 : memref<!tpu.dma_semaphore, #tpu.memory_space<semaphore_mem>>)
    %dma_start3A_110 = arith.constant 9408 : i32
    %dma_start3A_111 = tpu.memref_slice %arg6[%dma_start3A_110] : memref<50176xf32, #tpu.memory_space<vmem>> -> memref<1568xf32, #tpu.memory_space<vmem>>
    %dma_start3A_112 = tpu.memref_slice %arg2[%add3A_16] : memref<1605632xf32, #tpu.memory_space<hbm>> -> memref<1568xf32, #tpu.memory_space<hbm>>
    %dma_start3A_113 = arith.constant 9408 : i32
    %dma_start3A_114 = tpu.memref_slice %arg6[%dma_start3A_113] : memref<50176xf32, #tpu.memory_space<vmem>> -> memref<1568xf32, #tpu.memory_space<vmem>>
    %dma_start3A_115 = tpu.memref_slice %arg2[%add3A_16] : memref<1605632xf32, #tpu.memory_space<hbm>> -> memref<1568xf32, #tpu.memory_space<hbm>>
    tpu.enqueue_dma source(%dma_start3A_115 : memref<1568xf32, #tpu.memory_space<hbm>>) target(%dma_start3A_114 : memref<1568xf32, #tpu.memory_space<vmem>>) target_semaphore(%arg10 : memref<!tpu.dma_semaphore, #tpu.memory_space<semaphore_mem>>)
    %dma_start3A_116 = arith.constant 10976 : i32
    %dma_start3A_117 = tpu.memref_slice %arg6[%dma_start3A_116] : memref<50176xf32, #tpu.memory_space<vmem>> -> memref<1568xf32, #tpu.memory_space<vmem>>
    %dma_start3A_118 = tpu.memref_slice %arg2[%add3A_18] : memref<1605632xf32, #tpu.memory_space<hbm>> -> memref<1568xf32, #tpu.memory_space<hbm>>
    %dma_start3A_119 = arith.constant 10976 : i32
    %dma_start3A_120 = tpu.memref_slice %arg6[%dma_start3A_119] : memref<50176xf32, #tpu.memory_space<vmem>> -> memref<1568xf32, #tpu.memory_space<vmem>>
    %dma_start3A_121 = tpu.memref_slice %arg2[%add3A_18] : memref<1605632xf32, #tpu.memory_space<hbm>> -> memref<1568xf32, #tpu.memory_space<hbm>>
    tpu.enqueue_dma source(%dma_start3A_121 : memref<1568xf32, #tpu.memory_space<hbm>>) target(%dma_start3A_120 : memref<1568xf32, #tpu.memory_space<vmem>>) target_semaphore(%arg10 : memref<!tpu.dma_semaphore, #tpu.memory_space<semaphore_mem>>)
    %dma_start3A_122 = arith.constant 12544 : i32
    %dma_start3A_123 = tpu.memref_slice %arg6[%dma_start3A_122] : memref<50176xf32, #tpu.memory_space<vmem>> -> memref<1568xf32, #tpu.memory_space<vmem>>
    %dma_start3A_124 = tpu.memref_slice %arg2[%add3A_20] : memref<1605632xf32, #tpu.memory_space<hbm>> -> memref<1568xf32, #tpu.memory_space<hbm>>
    %dma_start3A_125 = arith.constant 12544 : i32
    %dma_start3A_126 = tpu.memref_slice %arg6[%dma_start3A_125] : memref<50176xf32, #tpu.memory_space<vmem>> -> memref<1568xf32, #tpu.memory_space<vmem>>
    %dma_start3A_127 = tpu.memref_slice %arg2[%add3A_20] : memref<1605632xf32, #tpu.memory_space<hbm>> -> memref<1568xf32, #tpu.memory_space<hbm>>
    tpu.enqueue_dma source(%dma_start3A_127 : memref<1568xf32, #tpu.memory_space<hbm>>) target(%dma_start3A_126 : memref<1568xf32, #tpu.memory_space<vmem>>) target_semaphore(%arg10 : memref<!tpu.dma_semaphore, #tpu.memory_space<semaphore_mem>>)
    %dma_start3A_128 = arith.constant 14112 : i32
    %dma_start3A_129 = tpu.memref_slice %arg6[%dma_start3A_128] : memref<50176xf32, #tpu.memory_space<vmem>> -> memref<1568xf32, #tpu.memory_space<vmem>>
    %dma_start3A_130 = tpu.memref_slice %arg2[%add3A_22] : memref<1605632xf32, #tpu.memory_space<hbm>> -> memref<1568xf32, #tpu.memory_space<hbm>>
    %dma_start3A_131 = arith.constant 14112 : i32
    %dma_start3A_132 = tpu.memref_slice %arg6[%dma_start3A_131] : memref<50176xf32, #tpu.memory_space<vmem>> -> memref<1568xf32, #tpu.memory_space<vmem>>
    %dma_start3A_133 = tpu.memref_slice %arg2[%add3A_22] : memref<1605632xf32, #tpu.memory_space<hbm>> -> memref<1568xf32, #tpu.memory_space<hbm>>
    tpu.enqueue_dma source(%dma_start3A_133 : memref<1568xf32, #tpu.memory_space<hbm>>) target(%dma_start3A_132 : memref<1568xf32, #tpu.memory_space<vmem>>) target_semaphore(%arg10 : memref<!tpu.dma_semaphore, #tpu.memory_space<semaphore_mem>>)
    %dma_start3A_134 = arith.constant 15680 : i32
    %dma_start3A_135 = tpu.memref_slice %arg6[%dma_start3A_134] : memref<50176xf32, #tpu.memory_space<vmem>> -> memref<1568xf32, #tpu.memory_space<vmem>>
    %dma_start3A_136 = tpu.memref_slice %arg2[%add3A_24] : memref<1605632xf32, #tpu.memory_space<hbm>> -> memref<1568xf32, #tpu.memory_space<hbm>>
    %dma_start3A_137 = arith.constant 15680 : i32
    %dma_start3A_138 = tpu.memref_slice %arg6[%dma_start3A_137] : memref<50176xf32, #tpu.memory_space<vmem>> -> memref<1568xf32, #tpu.memory_space<vmem>>
    %dma_start3A_139 = tpu.memref_slice %arg2[%add3A_24] : memref<1605632xf32, #tpu.memory_space<hbm>> -> memref<1568xf32, #tpu.memory_space<hbm>>
    tpu.enqueue_dma source(%dma_start3A_139 : memref<1568xf32, #tpu.memory_space<hbm>>) target(%dma_start3A_138 : memref<1568xf32, #tpu.memory_space<vmem>>) target_semaphore(%arg10 : memref<!tpu.dma_semaphore, #tpu.memory_space<semaphore_mem>>)
    %dma_start3A_140 = arith.constant 17248 : i32
    %dma_start3A_141 = tpu.memref_slice %arg6[%dma_start3A_140] : memref<50176xf32, #tpu.memory_space<vmem>> -> memref<1568xf32, #tpu.memory_space<vmem>>
    %dma_start3A_142 = tpu.memref_slice %arg2[%add3A_26] : memref<1605632xf32, #tpu.memory_space<hbm>> -> memref<1568xf32, #tpu.memory_space<hbm>>
    %dma_start3A_143 = arith.constant 17248 : i32
    %dma_start3A_144 = tpu.memref_slice %arg6[%dma_start3A_143] : memref<50176xf32, #tpu.memory_space<vmem>> -> memref<1568xf32, #tpu.memory_space<vmem>>
    %dma_start3A_145 = tpu.memref_slice %arg2[%add3A_26] : memref<1605632xf32, #tpu.memory_space<hbm>> -> memref<1568xf32, #tpu.memory_space<hbm>>
    tpu.enqueue_dma source(%dma_start3A_145 : memref<1568xf32, #tpu.memory_space<hbm>>) target(%dma_start3A_144 : memref<1568xf32, #tpu.memory_space<vmem>>) target_semaphore(%arg10 : memref<!tpu.dma_semaphore, #tpu.memory_space<semaphore_mem>>)
    %dma_start3A_146 = arith.constant 18816 : i32
    %dma_start3A_147 = tpu.memref_slice %arg6[%dma_start3A_146] : memref<50176xf32, #tpu.memory_space<vmem>> -> memref<1568xf32, #tpu.memory_space<vmem>>
    %dma_start3A_148 = tpu.memref_slice %arg2[%add3A_28] : memref<1605632xf32, #tpu.memory_space<hbm>> -> memref<1568xf32, #tpu.memory_space<hbm>>
    %dma_start3A_149 = arith.constant 18816 : i32
    %dma_start3A_150 = tpu.memref_slice %arg6[%dma_start3A_149] : memref<50176xf32, #tpu.memory_space<vmem>> -> memref<1568xf32, #tpu.memory_space<vmem>>
    %dma_start3A_151 = tpu.memref_slice %arg2[%add3A_28] : memref<1605632xf32, #tpu.memory_space<hbm>> -> memref<1568xf32, #tpu.memory_space<hbm>>
    tpu.enqueue_dma source(%dma_start3A_151 : memref<1568xf32, #tpu.memory_space<hbm>>) target(%dma_start3A_150 : memref<1568xf32, #tpu.memory_space<vmem>>) target_semaphore(%arg10 : memref<!tpu.dma_semaphore, #tpu.memory_space<semaphore_mem>>)
    %dma_start3A_152 = arith.constant 20384 : i32
    %dma_start3A_153 = tpu.memref_slice %arg6[%dma_start3A_152] : memref<50176xf32, #tpu.memory_space<vmem>> -> memref<1568xf32, #tpu.memory_space<vmem>>
    %dma_start3A_154 = tpu.memref_slice %arg2[%add3A_30] : memref<1605632xf32, #tpu.memory_space<hbm>> -> memref<1568xf32, #tpu.memory_space<hbm>>
    %dma_start3A_155 = arith.constant 20384 : i32
    %dma_start3A_156 = tpu.memref_slice %arg6[%dma_start3A_155] : memref<50176xf32, #tpu.memory_space<vmem>> -> memref<1568xf32, #tpu.memory_space<vmem>>
    %dma_start3A_157 = tpu.memref_slice %arg2[%add3A_30] : memref<1605632xf32, #tpu.memory_space<hbm>> -> memref<1568xf32, #tpu.memory_space<hbm>>
    tpu.enqueue_dma source(%dma_start3A_157 : memref<1568xf32, #tpu.memory_space<hbm>>) target(%dma_start3A_156 : memref<1568xf32, #tpu.memory_space<vmem>>) target_semaphore(%arg10 : memref<!tpu.dma_semaphore, #tpu.memory_space<semaphore_mem>>)
    %dma_start3A_158 = arith.constant 21952 : i32
    %dma_start3A_159 = tpu.memref_slice %arg6[%dma_start3A_158] : memref<50176xf32, #tpu.memory_space<vmem>> -> memref<1568xf32, #tpu.memory_space<vmem>>
    %dma_start3A_160 = tpu.memref_slice %arg2[%add3A_32] : memref<1605632xf32, #tpu.memory_space<hbm>> -> memref<1568xf32, #tpu.memory_space<hbm>>
    %dma_start3A_161 = arith.constant 21952 : i32
    %dma_start3A_162 = tpu.memref_slice %arg6[%dma_start3A_161] : memref<50176xf32, #tpu.memory_space<vmem>> -> memref<1568xf32, #tpu.memory_space<vmem>>
    %dma_start3A_163 = tpu.memref_slice %arg2[%add3A_32] : memref<1605632xf32, #tpu.memory_space<hbm>> -> memref<1568xf32, #tpu.memory_space<hbm>>
    tpu.enqueue_dma source(%dma_start3A_163 : memref<1568xf32, #tpu.memory_space<hbm>>) target(%dma_start3A_162 : memref<1568xf32, #tpu.memory_space<vmem>>) target_semaphore(%arg10 : memref<!tpu.dma_semaphore, #tpu.memory_space<semaphore_mem>>)
    %dma_start3A_164 = arith.constant 23520 : i32
    %dma_start3A_165 = tpu.memref_slice %arg6[%dma_start3A_164] : memref<50176xf32, #tpu.memory_space<vmem>> -> memref<1568xf32, #tpu.memory_space<vmem>>
    %dma_start3A_166 = tpu.memref_slice %arg2[%add3A_34] : memref<1605632xf32, #tpu.memory_space<hbm>> -> memref<1568xf32, #tpu.memory_space<hbm>>
    %dma_start3A_167 = arith.constant 23520 : i32
    %dma_start3A_168 = tpu.memref_slice %arg6[%dma_start3A_167] : memref<50176xf32, #tpu.memory_space<vmem>> -> memref<1568xf32, #tpu.memory_space<vmem>>
    %dma_start3A_169 = tpu.memref_slice %arg2[%add3A_34] : memref<1605632xf32, #tpu.memory_space<hbm>> -> memref<1568xf32, #tpu.memory_space<hbm>>
    tpu.enqueue_dma source(%dma_start3A_169 : memref<1568xf32, #tpu.memory_space<hbm>>) target(%dma_start3A_168 : memref<1568xf32, #tpu.memory_space<vmem>>) target_semaphore(%arg10 : memref<!tpu.dma_semaphore, #tpu.memory_space<semaphore_mem>>)
    %dma_start3A_170 = arith.constant 25088 : i32
    %dma_start3A_171 = tpu.memref_slice %arg6[%dma_start3A_170] : memref<50176xf32, #tpu.memory_space<vmem>> -> memref<1568xf32, #tpu.memory_space<vmem>>
    %dma_start3A_172 = tpu.memref_slice %arg2[%add3A_36] : memref<1605632xf32, #tpu.memory_space<hbm>> -> memref<1568xf32, #tpu.memory_space<hbm>>
    %dma_start3A_173 = arith.constant 25088 : i32
    %dma_start3A_174 = tpu.memref_slice %arg6[%dma_start3A_173] : memref<50176xf32, #tpu.memory_space<vmem>> -> memref<1568xf32, #tpu.memory_space<vmem>>
    %dma_start3A_175 = tpu.memref_slice %arg2[%add3A_36] : memref<1605632xf32, #tpu.memory_space<hbm>> -> memref<1568xf32, #tpu.memory_space<hbm>>
    tpu.enqueue_dma source(%dma_start3A_175 : memref<1568xf32, #tpu.memory_space<hbm>>) target(%dma_start3A_174 : memref<1568xf32, #tpu.memory_space<vmem>>) target_semaphore(%arg10 : memref<!tpu.dma_semaphore, #tpu.memory_space<semaphore_mem>>)
    %dma_start3A_176 = arith.constant 26656 : i32
    %dma_start3A_177 = tpu.memref_slice %arg6[%dma_start3A_176] : memref<50176xf32, #tpu.memory_space<vmem>> -> memref<1568xf32, #tpu.memory_space<vmem>>
    %dma_start3A_178 = tpu.memref_slice %arg2[%add3A_38] : memref<1605632xf32, #tpu.memory_space<hbm>> -> memref<1568xf32, #tpu.memory_space<hbm>>
    %dma_start3A_179 = arith.constant 26656 : i32
    %dma_start3A_180 = tpu.memref_slice %arg6[%dma_start3A_179] : memref<50176xf32, #tpu.memory_space<vmem>> -> memref<1568xf32, #tpu.memory_space<vmem>>
    %dma_start3A_181 = tpu.memref_slice %arg2[%add3A_38] : memref<1605632xf32, #tpu.memory_space<hbm>> -> memref<1568xf32, #tpu.memory_space<hbm>>
    tpu.enqueue_dma source(%dma_start3A_181 : memref<1568xf32, #tpu.memory_space<hbm>>) target(%dma_start3A_180 : memref<1568xf32, #tpu.memory_space<vmem>>) target_semaphore(%arg10 : memref<!tpu.dma_semaphore, #tpu.memory_space<semaphore_mem>>)
    %dma_start3A_182 = arith.constant 28224 : i32
    %dma_start3A_183 = tpu.memref_slice %arg6[%dma_start3A_182] : memref<50176xf32, #tpu.memory_space<vmem>> -> memref<1568xf32, #tpu.memory_space<vmem>>
    %dma_start3A_184 = tpu.memref_slice %arg2[%add3A_40] : memref<1605632xf32, #tpu.memory_space<hbm>> -> memref<1568xf32, #tpu.memory_space<hbm>>
    %dma_start3A_185 = arith.constant 28224 : i32
    %dma_start3A_186 = tpu.memref_slice %arg6[%dma_start3A_185] : memref<50176xf32, #tpu.memory_space<vmem>> -> memref<1568xf32, #tpu.memory_space<vmem>>
    %dma_start3A_187 = tpu.memref_slice %arg2[%add3A_40] : memref<1605632xf32, #tpu.memory_space<hbm>> -> memref<1568xf32, #tpu.memory_space<hbm>>
    tpu.enqueue_dma source(%dma_start3A_187 : memref<1568xf32, #tpu.memory_space<hbm>>) target(%dma_start3A_186 : memref<1568xf32, #tpu.memory_space<vmem>>) target_semaphore(%arg10 : memref<!tpu.dma_semaphore, #tpu.memory_space<semaphore_mem>>)
    %dma_start3A_188 = arith.constant 29792 : i32
    %dma_start3A_189 = tpu.memref_slice %arg6[%dma_start3A_188] : memref<50176xf32, #tpu.memory_space<vmem>> -> memref<1568xf32, #tpu.memory_space<vmem>>
    %dma_start3A_190 = tpu.memref_slice %arg2[%add3A_42] : memref<1605632xf32, #tpu.memory_space<hbm>> -> memref<1568xf32, #tpu.memory_space<hbm>>
    %dma_start3A_191 = arith.constant 29792 : i32
    %dma_start3A_192 = tpu.memref_slice %arg6[%dma_start3A_191] : memref<50176xf32, #tpu.memory_space<vmem>> -> memref<1568xf32, #tpu.memory_space<vmem>>
    %dma_start3A_193 = tpu.memref_slice %arg2[%add3A_42] : memref<1605632xf32, #tpu.memory_space<hbm>> -> memref<1568xf32, #tpu.memory_space<hbm>>
    tpu.enqueue_dma source(%dma_start3A_193 : memref<1568xf32, #tpu.memory_space<hbm>>) target(%dma_start3A_192 : memref<1568xf32, #tpu.memory_space<vmem>>) target_semaphore(%arg10 : memref<!tpu.dma_semaphore, #tpu.memory_space<semaphore_mem>>)
    %dma_start3A_194 = arith.constant 31360 : i32
    %dma_start3A_195 = tpu.memref_slice %arg6[%dma_start3A_194] : memref<50176xf32, #tpu.memory_space<vmem>> -> memref<1568xf32, #tpu.memory_space<vmem>>
    %dma_start3A_196 = tpu.memref_slice %arg2[%add3A_44] : memref<1605632xf32, #tpu.memory_space<hbm>> -> memref<1568xf32, #tpu.memory_space<hbm>>
    %dma_start3A_197 = arith.constant 31360 : i32
    %dma_start3A_198 = tpu.memref_slice %arg6[%dma_start3A_197] : memref<50176xf32, #tpu.memory_space<vmem>> -> memref<1568xf32, #tpu.memory_space<vmem>>
    %dma_start3A_199 = tpu.memref_slice %arg2[%add3A_44] : memref<1605632xf32, #tpu.memory_space<hbm>> -> memref<1568xf32, #tpu.memory_space<hbm>>
    tpu.enqueue_dma source(%dma_start3A_199 : memref<1568xf32, #tpu.memory_space<hbm>>) target(%dma_start3A_198 : memref<1568xf32, #tpu.memory_space<vmem>>) target_semaphore(%arg10 : memref<!tpu.dma_semaphore, #tpu.memory_space<semaphore_mem>>)
    %dma_start3A_200 = arith.constant 32928 : i32
    %dma_start3A_201 = tpu.memref_slice %arg6[%dma_start3A_200] : memref<50176xf32, #tpu.memory_space<vmem>> -> memref<1568xf32, #tpu.memory_space<vmem>>
    %dma_start3A_202 = tpu.memref_slice %arg2[%add3A_46] : memref<1605632xf32, #tpu.memory_space<hbm>> -> memref<1568xf32, #tpu.memory_space<hbm>>
    %dma_start3A_203 = arith.constant 32928 : i32
    %dma_start3A_204 = tpu.memref_slice %arg6[%dma_start3A_203] : memref<50176xf32, #tpu.memory_space<vmem>> -> memref<1568xf32, #tpu.memory_space<vmem>>
    %dma_start3A_205 = tpu.memref_slice %arg2[%add3A_46] : memref<1605632xf32, #tpu.memory_space<hbm>> -> memref<1568xf32, #tpu.memory_space<hbm>>
    tpu.enqueue_dma source(%dma_start3A_205 : memref<1568xf32, #tpu.memory_space<hbm>>) target(%dma_start3A_204 : memref<1568xf32, #tpu.memory_space<vmem>>) target_semaphore(%arg10 : memref<!tpu.dma_semaphore, #tpu.memory_space<semaphore_mem>>)
    %dma_start3A_206 = arith.constant 34496 : i32
    %dma_start3A_207 = tpu.memref_slice %arg6[%dma_start3A_206] : memref<50176xf32, #tpu.memory_space<vmem>> -> memref<1568xf32, #tpu.memory_space<vmem>>
    %dma_start3A_208 = tpu.memref_slice %arg2[%add3A_48] : memref<1605632xf32, #tpu.memory_space<hbm>> -> memref<1568xf32, #tpu.memory_space<hbm>>
    %dma_start3A_209 = arith.constant 34496 : i32
    %dma_start3A_210 = tpu.memref_slice %arg6[%dma_start3A_209] : memref<50176xf32, #tpu.memory_space<vmem>> -> memref<1568xf32, #tpu.memory_space<vmem>>
    %dma_start3A_211 = tpu.memref_slice %arg2[%add3A_48] : memref<1605632xf32, #tpu.memory_space<hbm>> -> memref<1568xf32, #tpu.memory_space<hbm>>
    tpu.enqueue_dma source(%dma_start3A_211 : memref<1568xf32, #tpu.memory_space<hbm>>) target(%dma_start3A_210 : memref<1568xf32, #tpu.memory_space<vmem>>) target_semaphore(%arg10 : memref<!tpu.dma_semaphore, #tpu.memory_space<semaphore_mem>>)
    %dma_start3A_212 = arith.constant 36064 : i32
    %dma_start3A_213 = tpu.memref_slice %arg6[%dma_start3A_212] : memref<50176xf32, #tpu.memory_space<vmem>> -> memref<1568xf32, #tpu.memory_space<vmem>>
    %dma_start3A_214 = tpu.memref_slice %arg2[%add3A_50] : memref<1605632xf32, #tpu.memory_space<hbm>> -> memref<1568xf32, #tpu.memory_space<hbm>>
    %dma_start3A_215 = arith.constant 36064 : i32
    %dma_start3A_216 = tpu.memref_slice %arg6[%dma_start3A_215] : memref<50176xf32, #tpu.memory_space<vmem>> -> memref<1568xf32, #tpu.memory_space<vmem>>
    %dma_start3A_217 = tpu.memref_slice %arg2[%add3A_50] : memref<1605632xf32, #tpu.memory_space<hbm>> -> memref<1568xf32, #tpu.memory_space<hbm>>
    tpu.enqueue_dma source(%dma_start3A_217 : memref<1568xf32, #tpu.memory_space<hbm>>) target(%dma_start3A_216 : memref<1568xf32, #tpu.memory_space<vmem>>) target_semaphore(%arg10 : memref<!tpu.dma_semaphore, #tpu.memory_space<semaphore_mem>>)
    %dma_start3A_218 = arith.constant 37632 : i32
    %dma_start3A_219 = tpu.memref_slice %arg6[%dma_start3A_218] : memref<50176xf32, #tpu.memory_space<vmem>> -> memref<1568xf32, #tpu.memory_space<vmem>>
    %dma_start3A_220 = tpu.memref_slice %arg2[%add3A_52] : memref<1605632xf32, #tpu.memory_space<hbm>> -> memref<1568xf32, #tpu.memory_space<hbm>>
    %dma_start3A_221 = arith.constant 37632 : i32
    %dma_start3A_222 = tpu.memref_slice %arg6[%dma_start3A_221] : memref<50176xf32, #tpu.memory_space<vmem>> -> memref<1568xf32, #tpu.memory_space<vmem>>
    %dma_start3A_223 = tpu.memref_slice %arg2[%add3A_52] : memref<1605632xf32, #tpu.memory_space<hbm>> -> memref<1568xf32, #tpu.memory_space<hbm>>
    tpu.enqueue_dma source(%dma_start3A_223 : memref<1568xf32, #tpu.memory_space<hbm>>) target(%dma_start3A_222 : memref<1568xf32, #tpu.memory_space<vmem>>) target_semaphore(%arg10 : memref<!tpu.dma_semaphore, #tpu.memory_space<semaphore_mem>>)
    %dma_start3A_224 = arith.constant 39200 : i32
    %dma_start3A_225 = tpu.memref_slice %arg6[%dma_start3A_224] : memref<50176xf32, #tpu.memory_space<vmem>> -> memref<1568xf32, #tpu.memory_space<vmem>>
    %dma_start3A_226 = tpu.memref_slice %arg2[%add3A_54] : memref<1605632xf32, #tpu.memory_space<hbm>> -> memref<1568xf32, #tpu.memory_space<hbm>>
    %dma_start3A_227 = arith.constant 39200 : i32
    %dma_start3A_228 = tpu.memref_slice %arg6[%dma_start3A_227] : memref<50176xf32, #tpu.memory_space<vmem>> -> memref<1568xf32, #tpu.memory_space<vmem>>
    %dma_start3A_229 = tpu.memref_slice %arg2[%add3A_54] : memref<1605632xf32, #tpu.memory_space<hbm>> -> memref<1568xf32, #tpu.memory_space<hbm>>
    tpu.enqueue_dma source(%dma_start3A_229 : memref<1568xf32, #tpu.memory_space<hbm>>) target(%dma_start3A_228 : memref<1568xf32, #tpu.memory_space<vmem>>) target_semaphore(%arg10 : memref<!tpu.dma_semaphore, #tpu.memory_space<semaphore_mem>>)
    %dma_start3A_230 = arith.constant 40768 : i32
    %dma_start3A_231 = tpu.memref_slice %arg6[%dma_start3A_230] : memref<50176xf32, #tpu.memory_space<vmem>> -> memref<1568xf32, #tpu.memory_space<vmem>>
    %dma_start3A_232 = tpu.memref_slice %arg2[%add3A_56] : memref<1605632xf32, #tpu.memory_space<hbm>> -> memref<1568xf32, #tpu.memory_space<hbm>>
    %dma_start3A_233 = arith.constant 40768 : i32
    %dma_start3A_234 = tpu.memref_slice %arg6[%dma_start3A_233] : memref<50176xf32, #tpu.memory_space<vmem>> -> memref<1568xf32, #tpu.memory_space<vmem>>
    %dma_start3A_235 = tpu.memref_slice %arg2[%add3A_56] : memref<1605632xf32, #tpu.memory_space<hbm>> -> memref<1568xf32, #tpu.memory_space<hbm>>
    tpu.enqueue_dma source(%dma_start3A_235 : memref<1568xf32, #tpu.memory_space<hbm>>) target(%dma_start3A_234 : memref<1568xf32, #tpu.memory_space<vmem>>) target_semaphore(%arg10 : memref<!tpu.dma_semaphore, #tpu.memory_space<semaphore_mem>>)
    %dma_start3A_236 = arith.constant 42336 : i32
    %dma_start3A_237 = tpu.memref_slice %arg6[%dma_start3A_236] : memref<50176xf32, #tpu.memory_space<vmem>> -> memref<1568xf32, #tpu.memory_space<vmem>>
    %dma_start3A_238 = tpu.memref_slice %arg2[%add3A_58] : memref<1605632xf32, #tpu.memory_space<hbm>> -> memref<1568xf32, #tpu.memory_space<hbm>>
    %dma_start3A_239 = arith.constant 42336 : i32
    %dma_start3A_240 = tpu.memref_slice %arg6[%dma_start3A_239] : memref<50176xf32, #tpu.memory_space<vmem>> -> memref<1568xf32, #tpu.memory_space<vmem>>
    %dma_start3A_241 = tpu.memref_slice %arg2[%add3A_58] : memref<1605632xf32, #tpu.memory_space<hbm>> -> memref<1568xf32, #tpu.memory_space<hbm>>
    tpu.enqueue_dma source(%dma_start3A_241 : memref<1568xf32, #tpu.memory_space<hbm>>) target(%dma_start3A_240 : memref<1568xf32, #tpu.memory_space<vmem>>) target_semaphore(%arg10 : memref<!tpu.dma_semaphore, #tpu.memory_space<semaphore_mem>>)
    %dma_start3A_242 = arith.constant 43904 : i32
    %dma_start3A_243 = tpu.memref_slice %arg6[%dma_start3A_242] : memref<50176xf32, #tpu.memory_space<vmem>> -> memref<1568xf32, #tpu.memory_space<vmem>>
    %dma_start3A_244 = tpu.memref_slice %arg2[%add3A_60] : memref<1605632xf32, #tpu.memory_space<hbm>> -> memref<1568xf32, #tpu.memory_space<hbm>>
    %dma_start3A_245 = arith.constant 43904 : i32
    %dma_start3A_246 = tpu.memref_slice %arg6[%dma_start3A_245] : memref<50176xf32, #tpu.memory_space<vmem>> -> memref<1568xf32, #tpu.memory_space<vmem>>
    %dma_start3A_247 = tpu.memref_slice %arg2[%add3A_60] : memref<1605632xf32, #tpu.memory_space<hbm>> -> memref<1568xf32, #tpu.memory_space<hbm>>
    tpu.enqueue_dma source(%dma_start3A_247 : memref<1568xf32, #tpu.memory_space<hbm>>) target(%dma_start3A_246 : memref<1568xf32, #tpu.memory_space<vmem>>) target_semaphore(%arg10 : memref<!tpu.dma_semaphore, #tpu.memory_space<semaphore_mem>>)
    %dma_start3A_248 = arith.constant 45472 : i32
    %dma_start3A_249 = tpu.memref_slice %arg6[%dma_start3A_248] : memref<50176xf32, #tpu.memory_space<vmem>> -> memref<1568xf32, #tpu.memory_space<vmem>>
    %dma_start3A_250 = tpu.memref_slice %arg2[%add3A_62] : memref<1605632xf32, #tpu.memory_space<hbm>> -> memref<1568xf32, #tpu.memory_space<hbm>>
    %dma_start3A_251 = arith.constant 45472 : i32
    %dma_start3A_252 = tpu.memref_slice %arg6[%dma_start3A_251] : memref<50176xf32, #tpu.memory_space<vmem>> -> memref<1568xf32, #tpu.memory_space<vmem>>
    %dma_start3A_253 = tpu.memref_slice %arg2[%add3A_62] : memref<1605632xf32, #tpu.memory_space<hbm>> -> memref<1568xf32, #tpu.memory_space<hbm>>
    tpu.enqueue_dma source(%dma_start3A_253 : memref<1568xf32, #tpu.memory_space<hbm>>) target(%dma_start3A_252 : memref<1568xf32, #tpu.memory_space<vmem>>) target_semaphore(%arg10 : memref<!tpu.dma_semaphore, #tpu.memory_space<semaphore_mem>>)
    %dma_start3A_254 = arith.constant 47040 : i32
    %dma_start3A_255 = tpu.memref_slice %arg6[%dma_start3A_254] : memref<50176xf32, #tpu.memory_space<vmem>> -> memref<1568xf32, #tpu.memory_space<vmem>>
    %dma_start3A_256 = tpu.memref_slice %arg2[%add3A_64] : memref<1605632xf32, #tpu.memory_space<hbm>> -> memref<1568xf32, #tpu.memory_space<hbm>>
    %dma_start3A_257 = arith.constant 47040 : i32
    %dma_start3A_258 = tpu.memref_slice %arg6[%dma_start3A_257] : memref<50176xf32, #tpu.memory_space<vmem>> -> memref<1568xf32, #tpu.memory_space<vmem>>
    %dma_start3A_259 = tpu.memref_slice %arg2[%add3A_64] : memref<1605632xf32, #tpu.memory_space<hbm>> -> memref<1568xf32, #tpu.memory_space<hbm>>
    tpu.enqueue_dma source(%dma_start3A_259 : memref<1568xf32, #tpu.memory_space<hbm>>) target(%dma_start3A_258 : memref<1568xf32, #tpu.memory_space<vmem>>) target_semaphore(%arg10 : memref<!tpu.dma_semaphore, #tpu.memory_space<semaphore_mem>>)
    %dma_start3A_260 = arith.constant 48608 : i32
    %dma_start3A_261 = tpu.memref_slice %arg6[%dma_start3A_260] : memref<50176xf32, #tpu.memory_space<vmem>> -> memref<1568xf32, #tpu.memory_space<vmem>>
    %dma_start3A_262 = tpu.memref_slice %arg2[%add3A_66] : memref<1605632xf32, #tpu.memory_space<hbm>> -> memref<1568xf32, #tpu.memory_space<hbm>>
    %dma_start3A_263 = arith.constant 48608 : i32
    %dma_start3A_264 = tpu.memref_slice %arg6[%dma_start3A_263] : memref<50176xf32, #tpu.memory_space<vmem>> -> memref<1568xf32, #tpu.memory_space<vmem>>
    %dma_start3A_265 = tpu.memref_slice %arg2[%add3A_66] : memref<1605632xf32, #tpu.memory_space<hbm>> -> memref<1568xf32, #tpu.memory_space<hbm>>
    tpu.enqueue_dma source(%dma_start3A_265 : memref<1568xf32, #tpu.memory_space<hbm>>) target(%dma_start3A_264 : memref<1568xf32, #tpu.memory_space<vmem>>) target_semaphore(%arg10 : memref<!tpu.dma_semaphore, #tpu.memory_space<semaphore_mem>>)
    %dma_start3A_266 = arith.constant 0 : i32
    %dma_start3A_267 = tpu.memref_slice %arg7[%dma_start3A_266] : memref<6272xf32, #tpu.memory_space<vmem>> -> memref<1568xf32, #tpu.memory_space<vmem>>
    %dma_start3A_268 = tpu.memref_slice %arg3[%add3A_68] : memref<200704xf32, #tpu.memory_space<hbm>> -> memref<1568xf32, #tpu.memory_space<hbm>>
    %dma_start3A_269 = arith.constant 0 : i32
    %dma_start3A_270 = tpu.memref_slice %arg7[%dma_start3A_269] : memref<6272xf32, #tpu.memory_space<vmem>> -> memref<1568xf32, #tpu.memory_space<vmem>>
    %dma_start3A_271 = tpu.memref_slice %arg3[%add3A_68] : memref<200704xf32, #tpu.memory_space<hbm>> -> memref<1568xf32, #tpu.memory_space<hbm>>
    tpu.enqueue_dma source(%dma_start3A_271 : memref<1568xf32, #tpu.memory_space<hbm>>) target(%dma_start3A_270 : memref<1568xf32, #tpu.memory_space<vmem>>) target_semaphore(%arg10 : memref<!tpu.dma_semaphore, #tpu.memory_space<semaphore_mem>>)
    %dma_start3A_272 = arith.constant 1568 : i32
    %dma_start3A_273 = tpu.memref_slice %arg7[%dma_start3A_272] : memref<6272xf32, #tpu.memory_space<vmem>> -> memref<1568xf32, #tpu.memory_space<vmem>>
    %dma_start3A_274 = tpu.memref_slice %arg3[%add3A_70] : memref<200704xf32, #tpu.memory_space<hbm>> -> memref<1568xf32, #tpu.memory_space<hbm>>
    %dma_start3A_275 = arith.constant 1568 : i32
    %dma_start3A_276 = tpu.memref_slice %arg7[%dma_start3A_275] : memref<6272xf32, #tpu.memory_space<vmem>> -> memref<1568xf32, #tpu.memory_space<vmem>>
    %dma_start3A_277 = tpu.memref_slice %arg3[%add3A_70] : memref<200704xf32, #tpu.memory_space<hbm>> -> memref<1568xf32, #tpu.memory_space<hbm>>
    tpu.enqueue_dma source(%dma_start3A_277 : memref<1568xf32, #tpu.memory_space<hbm>>) target(%dma_start3A_276 : memref<1568xf32, #tpu.memory_space<vmem>>) target_semaphore(%arg10 : memref<!tpu.dma_semaphore, #tpu.memory_space<semaphore_mem>>)
    %dma_start3A_278 = arith.constant 3136 : i32
    %dma_start3A_279 = tpu.memref_slice %arg7[%dma_start3A_278] : memref<6272xf32, #tpu.memory_space<vmem>> -> memref<1568xf32, #tpu.memory_space<vmem>>
    %dma_start3A_280 = tpu.memref_slice %arg3[%add3A_72] : memref<200704xf32, #tpu.memory_space<hbm>> -> memref<1568xf32, #tpu.memory_space<hbm>>
    %dma_start3A_281 = arith.constant 3136 : i32
    %dma_start3A_282 = tpu.memref_slice %arg7[%dma_start3A_281] : memref<6272xf32, #tpu.memory_space<vmem>> -> memref<1568xf32, #tpu.memory_space<vmem>>
    %dma_start3A_283 = tpu.memref_slice %arg3[%add3A_72] : memref<200704xf32, #tpu.memory_space<hbm>> -> memref<1568xf32, #tpu.memory_space<hbm>>
    tpu.enqueue_dma source(%dma_start3A_283 : memref<1568xf32, #tpu.memory_space<hbm>>) target(%dma_start3A_282 : memref<1568xf32, #tpu.memory_space<vmem>>) target_semaphore(%arg10 : memref<!tpu.dma_semaphore, #tpu.memory_space<semaphore_mem>>)
    %dma_start3A_284 = arith.constant 4704 : i32
    %dma_start3A_285 = tpu.memref_slice %arg7[%dma_start3A_284] : memref<6272xf32, #tpu.memory_space<vmem>> -> memref<1568xf32, #tpu.memory_space<vmem>>
    %dma_start3A_286 = tpu.memref_slice %arg3[%add3A_74] : memref<200704xf32, #tpu.memory_space<hbm>> -> memref<1568xf32, #tpu.memory_space<hbm>>
    %dma_start3A_287 = arith.constant 4704 : i32
    %dma_start3A_288 = tpu.memref_slice %arg7[%dma_start3A_287] : memref<6272xf32, #tpu.memory_space<vmem>> -> memref<1568xf32, #tpu.memory_space<vmem>>
    %dma_start3A_289 = tpu.memref_slice %arg3[%add3A_74] : memref<200704xf32, #tpu.memory_space<hbm>> -> memref<1568xf32, #tpu.memory_space<hbm>>
    tpu.enqueue_dma source(%dma_start3A_289 : memref<1568xf32, #tpu.memory_space<hbm>>) target(%dma_start3A_288 : memref<1568xf32, #tpu.memory_space<vmem>>) target_semaphore(%arg10 : memref<!tpu.dma_semaphore, #tpu.memory_space<semaphore_mem>>)
    tpu.wait_dma2 semaphore(%arg10 : memref<!tpu.dma_semaphore, #tpu.memory_space<semaphore_mem>>) src(%arg4 : memref<80xf32, #tpu.memory_space<hbm>>) dst(%arg9 : memref<80xf32, #tpu.memory_space<vmem>>)
    %dma_wait3A = arith.constant 0 : i32
    %dma_wait3A_290 = tpu.memref_slice %arg6[%dma_wait3A] : memref<50176xf32, #tpu.memory_space<vmem>> -> memref<1568xf32, #tpu.memory_space<vmem>>
    %dma_wait3A_291 = tpu.memref_slice %arg2[%add3A_4] : memref<1605632xf32, #tpu.memory_space<hbm>> -> memref<1568xf32, #tpu.memory_space<hbm>>
    %dma_wait3A_292 = arith.constant 0 : i32
    %dma_wait3A_293 = tpu.memref_slice %arg6[%dma_wait3A_292] : memref<50176xf32, #tpu.memory_space<vmem>> -> memref<1568xf32, #tpu.memory_space<vmem>>
    %dma_wait3A_294 = tpu.memref_slice %arg2[%add3A_4] : memref<1605632xf32, #tpu.memory_space<hbm>> -> memref<1568xf32, #tpu.memory_space<hbm>>
    tpu.wait_dma2 semaphore(%arg10 : memref<!tpu.dma_semaphore, #tpu.memory_space<semaphore_mem>>) src(%dma_wait3A_294 : memref<1568xf32, #tpu.memory_space<hbm>>) dst(%dma_wait3A_293 : memref<1568xf32, #tpu.memory_space<vmem>>)
    %dma_wait3A_295 = arith.constant 1568 : i32
    %dma_wait3A_296 = tpu.memref_slice %arg6[%dma_wait3A_295] : memref<50176xf32, #tpu.memory_space<vmem>> -> memref<1568xf32, #tpu.memory_space<vmem>>
    %dma_wait3A_297 = tpu.memref_slice %arg2[%add3A_6] : memref<1605632xf32, #tpu.memory_space<hbm>> -> memref<1568xf32, #tpu.memory_space<hbm>>
    %dma_wait3A_298 = arith.constant 1568 : i32
    %dma_wait3A_299 = tpu.memref_slice %arg6[%dma_wait3A_298] : memref<50176xf32, #tpu.memory_space<vmem>> -> memref<1568xf32, #tpu.memory_space<vmem>>
    %dma_wait3A_300 = tpu.memref_slice %arg2[%add3A_6] : memref<1605632xf32, #tpu.memory_space<hbm>> -> memref<1568xf32, #tpu.memory_space<hbm>>
    tpu.wait_dma2 semaphore(%arg10 : memref<!tpu.dma_semaphore, #tpu.memory_space<semaphore_mem>>) src(%dma_wait3A_300 : memref<1568xf32, #tpu.memory_space<hbm>>) dst(%dma_wait3A_299 : memref<1568xf32, #tpu.memory_space<vmem>>)
    %dma_wait3A_301 = arith.constant 3136 : i32
    %dma_wait3A_302 = tpu.memref_slice %arg6[%dma_wait3A_301] : memref<50176xf32, #tpu.memory_space<vmem>> -> memref<1568xf32, #tpu.memory_space<vmem>>
    %dma_wait3A_303 = tpu.memref_slice %arg2[%add3A_8] : memref<1605632xf32, #tpu.memory_space<hbm>> -> memref<1568xf32, #tpu.memory_space<hbm>>
    %dma_wait3A_304 = arith.constant 3136 : i32
    %dma_wait3A_305 = tpu.memref_slice %arg6[%dma_wait3A_304] : memref<50176xf32, #tpu.memory_space<vmem>> -> memref<1568xf32, #tpu.memory_space<vmem>>
    %dma_wait3A_306 = tpu.memref_slice %arg2[%add3A_8] : memref<1605632xf32, #tpu.memory_space<hbm>> -> memref<1568xf32, #tpu.memory_space<hbm>>
    tpu.wait_dma2 semaphore(%arg10 : memref<!tpu.dma_semaphore, #tpu.memory_space<semaphore_mem>>) src(%dma_wait3A_306 : memref<1568xf32, #tpu.memory_space<hbm>>) dst(%dma_wait3A_305 : memref<1568xf32, #tpu.memory_space<vmem>>)
    %dma_wait3A_307 = arith.constant 4704 : i32
    %dma_wait3A_308 = tpu.memref_slice %arg6[%dma_wait3A_307] : memref<50176xf32, #tpu.memory_space<vmem>> -> memref<1568xf32, #tpu.memory_space<vmem>>
    %dma_wait3A_309 = tpu.memref_slice %arg2[%add3A_10] : memref<1605632xf32, #tpu.memory_space<hbm>> -> memref<1568xf32, #tpu.memory_space<hbm>>
    %dma_wait3A_310 = arith.constant 4704 : i32
    %dma_wait3A_311 = tpu.memref_slice %arg6[%dma_wait3A_310] : memref<50176xf32, #tpu.memory_space<vmem>> -> memref<1568xf32, #tpu.memory_space<vmem>>
    %dma_wait3A_312 = tpu.memref_slice %arg2[%add3A_10] : memref<1605632xf32, #tpu.memory_space<hbm>> -> memref<1568xf32, #tpu.memory_space<hbm>>
    tpu.wait_dma2 semaphore(%arg10 : memref<!tpu.dma_semaphore, #tpu.memory_space<semaphore_mem>>) src(%dma_wait3A_312 : memref<1568xf32, #tpu.memory_space<hbm>>) dst(%dma_wait3A_311 : memref<1568xf32, #tpu.memory_space<vmem>>)
    %dma_wait3A_313 = arith.constant 6272 : i32
    %dma_wait3A_314 = tpu.memref_slice %arg6[%dma_wait3A_313] : memref<50176xf32, #tpu.memory_space<vmem>> -> memref<1568xf32, #tpu.memory_space<vmem>>
    %dma_wait3A_315 = tpu.memref_slice %arg2[%add3A_12] : memref<1605632xf32, #tpu.memory_space<hbm>> -> memref<1568xf32, #tpu.memory_space<hbm>>
    %dma_wait3A_316 = arith.constant 6272 : i32
    %dma_wait3A_317 = tpu.memref_slice %arg6[%dma_wait3A_316] : memref<50176xf32, #tpu.memory_space<vmem>> -> memref<1568xf32, #tpu.memory_space<vmem>>
    %dma_wait3A_318 = tpu.memref_slice %arg2[%add3A_12] : memref<1605632xf32, #tpu.memory_space<hbm>> -> memref<1568xf32, #tpu.memory_space<hbm>>
    tpu.wait_dma2 semaphore(%arg10 : memref<!tpu.dma_semaphore, #tpu.memory_space<semaphore_mem>>) src(%dma_wait3A_318 : memref<1568xf32, #tpu.memory_space<hbm>>) dst(%dma_wait3A_317 : memref<1568xf32, #tpu.memory_space<vmem>>)
    %dma_wait3A_319 = arith.constant 7840 : i32
    %dma_wait3A_320 = tpu.memref_slice %arg6[%dma_wait3A_319] : memref<50176xf32, #tpu.memory_space<vmem>> -> memref<1568xf32, #tpu.memory_space<vmem>>
    %dma_wait3A_321 = tpu.memref_slice %arg2[%add3A_14] : memref<1605632xf32, #tpu.memory_space<hbm>> -> memref<1568xf32, #tpu.memory_space<hbm>>
    %dma_wait3A_322 = arith.constant 7840 : i32
    %dma_wait3A_323 = tpu.memref_slice %arg6[%dma_wait3A_322] : memref<50176xf32, #tpu.memory_space<vmem>> -> memref<1568xf32, #tpu.memory_space<vmem>>
    %dma_wait3A_324 = tpu.memref_slice %arg2[%add3A_14] : memref<1605632xf32, #tpu.memory_space<hbm>> -> memref<1568xf32, #tpu.memory_space<hbm>>
    tpu.wait_dma2 semaphore(%arg10 : memref<!tpu.dma_semaphore, #tpu.memory_space<semaphore_mem>>) src(%dma_wait3A_324 : memref<1568xf32, #tpu.memory_space<hbm>>) dst(%dma_wait3A_323 : memref<1568xf32, #tpu.memory_space<vmem>>)
    %dma_wait3A_325 = arith.constant 9408 : i32
    %dma_wait3A_326 = tpu.memref_slice %arg6[%dma_wait3A_325] : memref<50176xf32, #tpu.memory_space<vmem>> -> memref<1568xf32, #tpu.memory_space<vmem>>
    %dma_wait3A_327 = tpu.memref_slice %arg2[%add3A_16] : memref<1605632xf32, #tpu.memory_space<hbm>> -> memref<1568xf32, #tpu.memory_space<hbm>>
    %dma_wait3A_328 = arith.constant 9408 : i32
    %dma_wait3A_329 = tpu.memref_slice %arg6[%dma_wait3A_328] : memref<50176xf32, #tpu.memory_space<vmem>> -> memref<1568xf32, #tpu.memory_space<vmem>>
    %dma_wait3A_330 = tpu.memref_slice %arg2[%add3A_16] : memref<1605632xf32, #tpu.memory_space<hbm>> -> memref<1568xf32, #tpu.memory_space<hbm>>
    tpu.wait_dma2 semaphore(%arg10 : memref<!tpu.dma_semaphore, #tpu.memory_space<semaphore_mem>>) src(%dma_wait3A_330 : memref<1568xf32, #tpu.memory_space<hbm>>) dst(%dma_wait3A_329 : memref<1568xf32, #tpu.memory_space<vmem>>)
    %dma_wait3A_331 = arith.constant 10976 : i32
    %dma_wait3A_332 = tpu.memref_slice %arg6[%dma_wait3A_331] : memref<50176xf32, #tpu.memory_space<vmem>> -> memref<1568xf32, #tpu.memory_space<vmem>>
    %dma_wait3A_333 = tpu.memref_slice %arg2[%add3A_18] : memref<1605632xf32, #tpu.memory_space<hbm>> -> memref<1568xf32, #tpu.memory_space<hbm>>
    %dma_wait3A_334 = arith.constant 10976 : i32
    %dma_wait3A_335 = tpu.memref_slice %arg6[%dma_wait3A_334] : memref<50176xf32, #tpu.memory_space<vmem>> -> memref<1568xf32, #tpu.memory_space<vmem>>
    %dma_wait3A_336 = tpu.memref_slice %arg2[%add3A_18] : memref<1605632xf32, #tpu.memory_space<hbm>> -> memref<1568xf32, #tpu.memory_space<hbm>>
    tpu.wait_dma2 semaphore(%arg10 : memref<!tpu.dma_semaphore, #tpu.memory_space<semaphore_mem>>) src(%dma_wait3A_336 : memref<1568xf32, #tpu.memory_space<hbm>>) dst(%dma_wait3A_335 : memref<1568xf32, #tpu.memory_space<vmem>>)
    %dma_wait3A_337 = arith.constant 12544 : i32
    %dma_wait3A_338 = tpu.memref_slice %arg6[%dma_wait3A_337] : memref<50176xf32, #tpu.memory_space<vmem>> -> memref<1568xf32, #tpu.memory_space<vmem>>
    %dma_wait3A_339 = tpu.memref_slice %arg2[%add3A_20] : memref<1605632xf32, #tpu.memory_space<hbm>> -> memref<1568xf32, #tpu.memory_space<hbm>>
    %dma_wait3A_340 = arith.constant 12544 : i32
    %dma_wait3A_341 = tpu.memref_slice %arg6[%dma_wait3A_340] : memref<50176xf32, #tpu.memory_space<vmem>> -> memref<1568xf32, #tpu.memory_space<vmem>>
    %dma_wait3A_342 = tpu.memref_slice %arg2[%add3A_20] : memref<1605632xf32, #tpu.memory_space<hbm>> -> memref<1568xf32, #tpu.memory_space<hbm>>
    tpu.wait_dma2 semaphore(%arg10 : memref<!tpu.dma_semaphore, #tpu.memory_space<semaphore_mem>>) src(%dma_wait3A_342 : memref<1568xf32, #tpu.memory_space<hbm>>) dst(%dma_wait3A_341 : memref<1568xf32, #tpu.memory_space<vmem>>)
    %dma_wait3A_343 = arith.constant 14112 : i32
    %dma_wait3A_344 = tpu.memref_slice %arg6[%dma_wait3A_343] : memref<50176xf32, #tpu.memory_space<vmem>> -> memref<1568xf32, #tpu.memory_space<vmem>>
    %dma_wait3A_345 = tpu.memref_slice %arg2[%add3A_22] : memref<1605632xf32, #tpu.memory_space<hbm>> -> memref<1568xf32, #tpu.memory_space<hbm>>
    %dma_wait3A_346 = arith.constant 14112 : i32
    %dma_wait3A_347 = tpu.memref_slice %arg6[%dma_wait3A_346] : memref<50176xf32, #tpu.memory_space<vmem>> -> memref<1568xf32, #tpu.memory_space<vmem>>
    %dma_wait3A_348 = tpu.memref_slice %arg2[%add3A_22] : memref<1605632xf32, #tpu.memory_space<hbm>> -> memref<1568xf32, #tpu.memory_space<hbm>>
    tpu.wait_dma2 semaphore(%arg10 : memref<!tpu.dma_semaphore, #tpu.memory_space<semaphore_mem>>) src(%dma_wait3A_348 : memref<1568xf32, #tpu.memory_space<hbm>>) dst(%dma_wait3A_347 : memref<1568xf32, #tpu.memory_space<vmem>>)
    %dma_wait3A_349 = arith.constant 15680 : i32
    %dma_wait3A_350 = tpu.memref_slice %arg6[%dma_wait3A_349] : memref<50176xf32, #tpu.memory_space<vmem>> -> memref<1568xf32, #tpu.memory_space<vmem>>
    %dma_wait3A_351 = tpu.memref_slice %arg2[%add3A_24] : memref<1605632xf32, #tpu.memory_space<hbm>> -> memref<1568xf32, #tpu.memory_space<hbm>>
    %dma_wait3A_352 = arith.constant 15680 : i32
    %dma_wait3A_353 = tpu.memref_slice %arg6[%dma_wait3A_352] : memref<50176xf32, #tpu.memory_space<vmem>> -> memref<1568xf32, #tpu.memory_space<vmem>>
    %dma_wait3A_354 = tpu.memref_slice %arg2[%add3A_24] : memref<1605632xf32, #tpu.memory_space<hbm>> -> memref<1568xf32, #tpu.memory_space<hbm>>
    tpu.wait_dma2 semaphore(%arg10 : memref<!tpu.dma_semaphore, #tpu.memory_space<semaphore_mem>>) src(%dma_wait3A_354 : memref<1568xf32, #tpu.memory_space<hbm>>) dst(%dma_wait3A_353 : memref<1568xf32, #tpu.memory_space<vmem>>)
    %dma_wait3A_355 = arith.constant 17248 : i32
    %dma_wait3A_356 = tpu.memref_slice %arg6[%dma_wait3A_355] : memref<50176xf32, #tpu.memory_space<vmem>> -> memref<1568xf32, #tpu.memory_space<vmem>>
    %dma_wait3A_357 = tpu.memref_slice %arg2[%add3A_26] : memref<1605632xf32, #tpu.memory_space<hbm>> -> memref<1568xf32, #tpu.memory_space<hbm>>
    %dma_wait3A_358 = arith.constant 17248 : i32
    %dma_wait3A_359 = tpu.memref_slice %arg6[%dma_wait3A_358] : memref<50176xf32, #tpu.memory_space<vmem>> -> memref<1568xf32, #tpu.memory_space<vmem>>
    %dma_wait3A_360 = tpu.memref_slice %arg2[%add3A_26] : memref<1605632xf32, #tpu.memory_space<hbm>> -> memref<1568xf32, #tpu.memory_space<hbm>>
    tpu.wait_dma2 semaphore(%arg10 : memref<!tpu.dma_semaphore, #tpu.memory_space<semaphore_mem>>) src(%dma_wait3A_360 : memref<1568xf32, #tpu.memory_space<hbm>>) dst(%dma_wait3A_359 : memref<1568xf32, #tpu.memory_space<vmem>>)
    %dma_wait3A_361 = arith.constant 18816 : i32
    %dma_wait3A_362 = tpu.memref_slice %arg6[%dma_wait3A_361] : memref<50176xf32, #tpu.memory_space<vmem>> -> memref<1568xf32, #tpu.memory_space<vmem>>
    %dma_wait3A_363 = tpu.memref_slice %arg2[%add3A_28] : memref<1605632xf32, #tpu.memory_space<hbm>> -> memref<1568xf32, #tpu.memory_space<hbm>>
    %dma_wait3A_364 = arith.constant 18816 : i32
    %dma_wait3A_365 = tpu.memref_slice %arg6[%dma_wait3A_364] : memref<50176xf32, #tpu.memory_space<vmem>> -> memref<1568xf32, #tpu.memory_space<vmem>>
    %dma_wait3A_366 = tpu.memref_slice %arg2[%add3A_28] : memref<1605632xf32, #tpu.memory_space<hbm>> -> memref<1568xf32, #tpu.memory_space<hbm>>
    tpu.wait_dma2 semaphore(%arg10 : memref<!tpu.dma_semaphore, #tpu.memory_space<semaphore_mem>>) src(%dma_wait3A_366 : memref<1568xf32, #tpu.memory_space<hbm>>) dst(%dma_wait3A_365 : memref<1568xf32, #tpu.memory_space<vmem>>)
    %dma_wait3A_367 = arith.constant 20384 : i32
    %dma_wait3A_368 = tpu.memref_slice %arg6[%dma_wait3A_367] : memref<50176xf32, #tpu.memory_space<vmem>> -> memref<1568xf32, #tpu.memory_space<vmem>>
    %dma_wait3A_369 = tpu.memref_slice %arg2[%add3A_30] : memref<1605632xf32, #tpu.memory_space<hbm>> -> memref<1568xf32, #tpu.memory_space<hbm>>
    %dma_wait3A_370 = arith.constant 20384 : i32
    %dma_wait3A_371 = tpu.memref_slice %arg6[%dma_wait3A_370] : memref<50176xf32, #tpu.memory_space<vmem>> -> memref<1568xf32, #tpu.memory_space<vmem>>
    %dma_wait3A_372 = tpu.memref_slice %arg2[%add3A_30] : memref<1605632xf32, #tpu.memory_space<hbm>> -> memref<1568xf32, #tpu.memory_space<hbm>>
    tpu.wait_dma2 semaphore(%arg10 : memref<!tpu.dma_semaphore, #tpu.memory_space<semaphore_mem>>) src(%dma_wait3A_372 : memref<1568xf32, #tpu.memory_space<hbm>>) dst(%dma_wait3A_371 : memref<1568xf32, #tpu.memory_space<vmem>>)
    %dma_wait3A_373 = arith.constant 21952 : i32
    %dma_wait3A_374 = tpu.memref_slice %arg6[%dma_wait3A_373] : memref<50176xf32, #tpu.memory_space<vmem>> -> memref<1568xf32, #tpu.memory_space<vmem>>
    %dma_wait3A_375 = tpu.memref_slice %arg2[%add3A_32] : memref<1605632xf32, #tpu.memory_space<hbm>> -> memref<1568xf32, #tpu.memory_space<hbm>>
    %dma_wait3A_376 = arith.constant 21952 : i32
    %dma_wait3A_377 = tpu.memref_slice %arg6[%dma_wait3A_376] : memref<50176xf32, #tpu.memory_space<vmem>> -> memref<1568xf32, #tpu.memory_space<vmem>>
    %dma_wait3A_378 = tpu.memref_slice %arg2[%add3A_32] : memref<1605632xf32, #tpu.memory_space<hbm>> -> memref<1568xf32, #tpu.memory_space<hbm>>
    tpu.wait_dma2 semaphore(%arg10 : memref<!tpu.dma_semaphore, #tpu.memory_space<semaphore_mem>>) src(%dma_wait3A_378 : memref<1568xf32, #tpu.memory_space<hbm>>) dst(%dma_wait3A_377 : memref<1568xf32, #tpu.memory_space<vmem>>)
    %dma_wait3A_379 = arith.constant 23520 : i32
    %dma_wait3A_380 = tpu.memref_slice %arg6[%dma_wait3A_379] : memref<50176xf32, #tpu.memory_space<vmem>> -> memref<1568xf32, #tpu.memory_space<vmem>>
    %dma_wait3A_381 = tpu.memref_slice %arg2[%add3A_34] : memref<1605632xf32, #tpu.memory_space<hbm>> -> memref<1568xf32, #tpu.memory_space<hbm>>
    %dma_wait3A_382 = arith.constant 23520 : i32
    %dma_wait3A_383 = tpu.memref_slice %arg6[%dma_wait3A_382] : memref<50176xf32, #tpu.memory_space<vmem>> -> memref<1568xf32, #tpu.memory_space<vmem>>
    %dma_wait3A_384 = tpu.memref_slice %arg2[%add3A_34] : memref<1605632xf32, #tpu.memory_space<hbm>> -> memref<1568xf32, #tpu.memory_space<hbm>>
    tpu.wait_dma2 semaphore(%arg10 : memref<!tpu.dma_semaphore, #tpu.memory_space<semaphore_mem>>) src(%dma_wait3A_384 : memref<1568xf32, #tpu.memory_space<hbm>>) dst(%dma_wait3A_383 : memref<1568xf32, #tpu.memory_space<vmem>>)
    %dma_wait3A_385 = arith.constant 25088 : i32
    %dma_wait3A_386 = tpu.memref_slice %arg6[%dma_wait3A_385] : memref<50176xf32, #tpu.memory_space<vmem>> -> memref<1568xf32, #tpu.memory_space<vmem>>
    %dma_wait3A_387 = tpu.memref_slice %arg2[%add3A_36] : memref<1605632xf32, #tpu.memory_space<hbm>> -> memref<1568xf32, #tpu.memory_space<hbm>>
    %dma_wait3A_388 = arith.constant 25088 : i32
    %dma_wait3A_389 = tpu.memref_slice %arg6[%dma_wait3A_388] : memref<50176xf32, #tpu.memory_space<vmem>> -> memref<1568xf32, #tpu.memory_space<vmem>>
    %dma_wait3A_390 = tpu.memref_slice %arg2[%add3A_36] : memref<1605632xf32, #tpu.memory_space<hbm>> -> memref<1568xf32, #tpu.memory_space<hbm>>
    tpu.wait_dma2 semaphore(%arg10 : memref<!tpu.dma_semaphore, #tpu.memory_space<semaphore_mem>>) src(%dma_wait3A_390 : memref<1568xf32, #tpu.memory_space<hbm>>) dst(%dma_wait3A_389 : memref<1568xf32, #tpu.memory_space<vmem>>)
    %dma_wait3A_391 = arith.constant 26656 : i32
    %dma_wait3A_392 = tpu.memref_slice %arg6[%dma_wait3A_391] : memref<50176xf32, #tpu.memory_space<vmem>> -> memref<1568xf32, #tpu.memory_space<vmem>>
    %dma_wait3A_393 = tpu.memref_slice %arg2[%add3A_38] : memref<1605632xf32, #tpu.memory_space<hbm>> -> memref<1568xf32, #tpu.memory_space<hbm>>
    %dma_wait3A_394 = arith.constant 26656 : i32
    %dma_wait3A_395 = tpu.memref_slice %arg6[%dma_wait3A_394] : memref<50176xf32, #tpu.memory_space<vmem>> -> memref<1568xf32, #tpu.memory_space<vmem>>
    %dma_wait3A_396 = tpu.memref_slice %arg2[%add3A_38] : memref<1605632xf32, #tpu.memory_space<hbm>> -> memref<1568xf32, #tpu.memory_space<hbm>>
    tpu.wait_dma2 semaphore(%arg10 : memref<!tpu.dma_semaphore, #tpu.memory_space<semaphore_mem>>) src(%dma_wait3A_396 : memref<1568xf32, #tpu.memory_space<hbm>>) dst(%dma_wait3A_395 : memref<1568xf32, #tpu.memory_space<vmem>>)
    %dma_wait3A_397 = arith.constant 28224 : i32
    %dma_wait3A_398 = tpu.memref_slice %arg6[%dma_wait3A_397] : memref<50176xf32, #tpu.memory_space<vmem>> -> memref<1568xf32, #tpu.memory_space<vmem>>
    %dma_wait3A_399 = tpu.memref_slice %arg2[%add3A_40] : memref<1605632xf32, #tpu.memory_space<hbm>> -> memref<1568xf32, #tpu.memory_space<hbm>>
    %dma_wait3A_400 = arith.constant 28224 : i32
    %dma_wait3A_401 = tpu.memref_slice %arg6[%dma_wait3A_400] : memref<50176xf32, #tpu.memory_space<vmem>> -> memref<1568xf32, #tpu.memory_space<vmem>>
    %dma_wait3A_402 = tpu.memref_slice %arg2[%add3A_40] : memref<1605632xf32, #tpu.memory_space<hbm>> -> memref<1568xf32, #tpu.memory_space<hbm>>
    tpu.wait_dma2 semaphore(%arg10 : memref<!tpu.dma_semaphore, #tpu.memory_space<semaphore_mem>>) src(%dma_wait3A_402 : memref<1568xf32, #tpu.memory_space<hbm>>) dst(%dma_wait3A_401 : memref<1568xf32, #tpu.memory_space<vmem>>)
    %dma_wait3A_403 = arith.constant 29792 : i32
    %dma_wait3A_404 = tpu.memref_slice %arg6[%dma_wait3A_403] : memref<50176xf32, #tpu.memory_space<vmem>> -> memref<1568xf32, #tpu.memory_space<vmem>>
    %dma_wait3A_405 = tpu.memref_slice %arg2[%add3A_42] : memref<1605632xf32, #tpu.memory_space<hbm>> -> memref<1568xf32, #tpu.memory_space<hbm>>
    %dma_wait3A_406 = arith.constant 29792 : i32
    %dma_wait3A_407 = tpu.memref_slice %arg6[%dma_wait3A_406] : memref<50176xf32, #tpu.memory_space<vmem>> -> memref<1568xf32, #tpu.memory_space<vmem>>
    %dma_wait3A_408 = tpu.memref_slice %arg2[%add3A_42] : memref<1605632xf32, #tpu.memory_space<hbm>> -> memref<1568xf32, #tpu.memory_space<hbm>>
    tpu.wait_dma2 semaphore(%arg10 : memref<!tpu.dma_semaphore, #tpu.memory_space<semaphore_mem>>) src(%dma_wait3A_408 : memref<1568xf32, #tpu.memory_space<hbm>>) dst(%dma_wait3A_407 : memref<1568xf32, #tpu.memory_space<vmem>>)
    %dma_wait3A_409 = arith.constant 31360 : i32
    %dma_wait3A_410 = tpu.memref_slice %arg6[%dma_wait3A_409] : memref<50176xf32, #tpu.memory_space<vmem>> -> memref<1568xf32, #tpu.memory_space<vmem>>
    %dma_wait3A_411 = tpu.memref_slice %arg2[%add3A_44] : memref<1605632xf32, #tpu.memory_space<hbm>> -> memref<1568xf32, #tpu.memory_space<hbm>>
    %dma_wait3A_412 = arith.constant 31360 : i32
    %dma_wait3A_413 = tpu.memref_slice %arg6[%dma_wait3A_412] : memref<50176xf32, #tpu.memory_space<vmem>> -> memref<1568xf32, #tpu.memory_space<vmem>>
    %dma_wait3A_414 = tpu.memref_slice %arg2[%add3A_44] : memref<1605632xf32, #tpu.memory_space<hbm>> -> memref<1568xf32, #tpu.memory_space<hbm>>
    tpu.wait_dma2 semaphore(%arg10 : memref<!tpu.dma_semaphore, #tpu.memory_space<semaphore_mem>>) src(%dma_wait3A_414 : memref<1568xf32, #tpu.memory_space<hbm>>) dst(%dma_wait3A_413 : memref<1568xf32, #tpu.memory_space<vmem>>)
    %dma_wait3A_415 = arith.constant 32928 : i32
    %dma_wait3A_416 = tpu.memref_slice %arg6[%dma_wait3A_415] : memref<50176xf32, #tpu.memory_space<vmem>> -> memref<1568xf32, #tpu.memory_space<vmem>>
    %dma_wait3A_417 = tpu.memref_slice %arg2[%add3A_46] : memref<1605632xf32, #tpu.memory_space<hbm>> -> memref<1568xf32, #tpu.memory_space<hbm>>
    %dma_wait3A_418 = arith.constant 32928 : i32
    %dma_wait3A_419 = tpu.memref_slice %arg6[%dma_wait3A_418] : memref<50176xf32, #tpu.memory_space<vmem>> -> memref<1568xf32, #tpu.memory_space<vmem>>
    %dma_wait3A_420 = tpu.memref_slice %arg2[%add3A_46] : memref<1605632xf32, #tpu.memory_space<hbm>> -> memref<1568xf32, #tpu.memory_space<hbm>>
    tpu.wait_dma2 semaphore(%arg10 : memref<!tpu.dma_semaphore, #tpu.memory_space<semaphore_mem>>) src(%dma_wait3A_420 : memref<1568xf32, #tpu.memory_space<hbm>>) dst(%dma_wait3A_419 : memref<1568xf32, #tpu.memory_space<vmem>>)
    %dma_wait3A_421 = arith.constant 34496 : i32
    %dma_wait3A_422 = tpu.memref_slice %arg6[%dma_wait3A_421] : memref<50176xf32, #tpu.memory_space<vmem>> -> memref<1568xf32, #tpu.memory_space<vmem>>
    %dma_wait3A_423 = tpu.memref_slice %arg2[%add3A_48] : memref<1605632xf32, #tpu.memory_space<hbm>> -> memref<1568xf32, #tpu.memory_space<hbm>>
    %dma_wait3A_424 = arith.constant 34496 : i32
    %dma_wait3A_425 = tpu.memref_slice %arg6[%dma_wait3A_424] : memref<50176xf32, #tpu.memory_space<vmem>> -> memref<1568xf32, #tpu.memory_space<vmem>>
    %dma_wait3A_426 = tpu.memref_slice %arg2[%add3A_48] : memref<1605632xf32, #tpu.memory_space<hbm>> -> memref<1568xf32, #tpu.memory_space<hbm>>
    tpu.wait_dma2 semaphore(%arg10 : memref<!tpu.dma_semaphore, #tpu.memory_space<semaphore_mem>>) src(%dma_wait3A_426 : memref<1568xf32, #tpu.memory_space<hbm>>) dst(%dma_wait3A_425 : memref<1568xf32, #tpu.memory_space<vmem>>)
    %dma_wait3A_427 = arith.constant 36064 : i32
    %dma_wait3A_428 = tpu.memref_slice %arg6[%dma_wait3A_427] : memref<50176xf32, #tpu.memory_space<vmem>> -> memref<1568xf32, #tpu.memory_space<vmem>>
    %dma_wait3A_429 = tpu.memref_slice %arg2[%add3A_50] : memref<1605632xf32, #tpu.memory_space<hbm>> -> memref<1568xf32, #tpu.memory_space<hbm>>
    %dma_wait3A_430 = arith.constant 36064 : i32
    %dma_wait3A_431 = tpu.memref_slice %arg6[%dma_wait3A_430] : memref<50176xf32, #tpu.memory_space<vmem>> -> memref<1568xf32, #tpu.memory_space<vmem>>
    %dma_wait3A_432 = tpu.memref_slice %arg2[%add3A_50] : memref<1605632xf32, #tpu.memory_space<hbm>> -> memref<1568xf32, #tpu.memory_space<hbm>>
    tpu.wait_dma2 semaphore(%arg10 : memref<!tpu.dma_semaphore, #tpu.memory_space<semaphore_mem>>) src(%dma_wait3A_432 : memref<1568xf32, #tpu.memory_space<hbm>>) dst(%dma_wait3A_431 : memref<1568xf32, #tpu.memory_space<vmem>>)
    %dma_wait3A_433 = arith.constant 37632 : i32
    %dma_wait3A_434 = tpu.memref_slice %arg6[%dma_wait3A_433] : memref<50176xf32, #tpu.memory_space<vmem>> -> memref<1568xf32, #tpu.memory_space<vmem>>
    %dma_wait3A_435 = tpu.memref_slice %arg2[%add3A_52] : memref<1605632xf32, #tpu.memory_space<hbm>> -> memref<1568xf32, #tpu.memory_space<hbm>>
    %dma_wait3A_436 = arith.constant 37632 : i32
    %dma_wait3A_437 = tpu.memref_slice %arg6[%dma_wait3A_436] : memref<50176xf32, #tpu.memory_space<vmem>> -> memref<1568xf32, #tpu.memory_space<vmem>>
    %dma_wait3A_438 = tpu.memref_slice %arg2[%add3A_52] : memref<1605632xf32, #tpu.memory_space<hbm>> -> memref<1568xf32, #tpu.memory_space<hbm>>
    tpu.wait_dma2 semaphore(%arg10 : memref<!tpu.dma_semaphore, #tpu.memory_space<semaphore_mem>>) src(%dma_wait3A_438 : memref<1568xf32, #tpu.memory_space<hbm>>) dst(%dma_wait3A_437 : memref<1568xf32, #tpu.memory_space<vmem>>)
    %dma_wait3A_439 = arith.constant 39200 : i32
    %dma_wait3A_440 = tpu.memref_slice %arg6[%dma_wait3A_439] : memref<50176xf32, #tpu.memory_space<vmem>> -> memref<1568xf32, #tpu.memory_space<vmem>>
    %dma_wait3A_441 = tpu.memref_slice %arg2[%add3A_54] : memref<1605632xf32, #tpu.memory_space<hbm>> -> memref<1568xf32, #tpu.memory_space<hbm>>
    %dma_wait3A_442 = arith.constant 39200 : i32
    %dma_wait3A_443 = tpu.memref_slice %arg6[%dma_wait3A_442] : memref<50176xf32, #tpu.memory_space<vmem>> -> memref<1568xf32, #tpu.memory_space<vmem>>
    %dma_wait3A_444 = tpu.memref_slice %arg2[%add3A_54] : memref<1605632xf32, #tpu.memory_space<hbm>> -> memref<1568xf32, #tpu.memory_space<hbm>>
    tpu.wait_dma2 semaphore(%arg10 : memref<!tpu.dma_semaphore, #tpu.memory_space<semaphore_mem>>) src(%dma_wait3A_444 : memref<1568xf32, #tpu.memory_space<hbm>>) dst(%dma_wait3A_443 : memref<1568xf32, #tpu.memory_space<vmem>>)
    %dma_wait3A_445 = arith.constant 40768 : i32
    %dma_wait3A_446 = tpu.memref_slice %arg6[%dma_wait3A_445] : memref<50176xf32, #tpu.memory_space<vmem>> -> memref<1568xf32, #tpu.memory_space<vmem>>
    %dma_wait3A_447 = tpu.memref_slice %arg2[%add3A_56] : memref<1605632xf32, #tpu.memory_space<hbm>> -> memref<1568xf32, #tpu.memory_space<hbm>>
    %dma_wait3A_448 = arith.constant 40768 : i32
    %dma_wait3A_449 = tpu.memref_slice %arg6[%dma_wait3A_448] : memref<50176xf32, #tpu.memory_space<vmem>> -> memref<1568xf32, #tpu.memory_space<vmem>>
    %dma_wait3A_450 = tpu.memref_slice %arg2[%add3A_56] : memref<1605632xf32, #tpu.memory_space<hbm>> -> memref<1568xf32, #tpu.memory_space<hbm>>
    tpu.wait_dma2 semaphore(%arg10 : memref<!tpu.dma_semaphore, #tpu.memory_space<semaphore_mem>>) src(%dma_wait3A_450 : memref<1568xf32, #tpu.memory_space<hbm>>) dst(%dma_wait3A_449 : memref<1568xf32, #tpu.memory_space<vmem>>)
    %dma_wait3A_451 = arith.constant 42336 : i32
    %dma_wait3A_452 = tpu.memref_slice %arg6[%dma_wait3A_451] : memref<50176xf32, #tpu.memory_space<vmem>> -> memref<1568xf32, #tpu.memory_space<vmem>>
    %dma_wait3A_453 = tpu.memref_slice %arg2[%add3A_58] : memref<1605632xf32, #tpu.memory_space<hbm>> -> memref<1568xf32, #tpu.memory_space<hbm>>
    %dma_wait3A_454 = arith.constant 42336 : i32
    %dma_wait3A_455 = tpu.memref_slice %arg6[%dma_wait3A_454] : memref<50176xf32, #tpu.memory_space<vmem>> -> memref<1568xf32, #tpu.memory_space<vmem>>
    %dma_wait3A_456 = tpu.memref_slice %arg2[%add3A_58] : memref<1605632xf32, #tpu.memory_space<hbm>> -> memref<1568xf32, #tpu.memory_space<hbm>>
    tpu.wait_dma2 semaphore(%arg10 : memref<!tpu.dma_semaphore, #tpu.memory_space<semaphore_mem>>) src(%dma_wait3A_456 : memref<1568xf32, #tpu.memory_space<hbm>>) dst(%dma_wait3A_455 : memref<1568xf32, #tpu.memory_space<vmem>>)
    %dma_wait3A_457 = arith.constant 43904 : i32
    %dma_wait3A_458 = tpu.memref_slice %arg6[%dma_wait3A_457] : memref<50176xf32, #tpu.memory_space<vmem>> -> memref<1568xf32, #tpu.memory_space<vmem>>
    %dma_wait3A_459 = tpu.memref_slice %arg2[%add3A_60] : memref<1605632xf32, #tpu.memory_space<hbm>> -> memref<1568xf32, #tpu.memory_space<hbm>>
    %dma_wait3A_460 = arith.constant 43904 : i32
    %dma_wait3A_461 = tpu.memref_slice %arg6[%dma_wait3A_460] : memref<50176xf32, #tpu.memory_space<vmem>> -> memref<1568xf32, #tpu.memory_space<vmem>>
    %dma_wait3A_462 = tpu.memref_slice %arg2[%add3A_60] : memref<1605632xf32, #tpu.memory_space<hbm>> -> memref<1568xf32, #tpu.memory_space<hbm>>
    tpu.wait_dma2 semaphore(%arg10 : memref<!tpu.dma_semaphore, #tpu.memory_space<semaphore_mem>>) src(%dma_wait3A_462 : memref<1568xf32, #tpu.memory_space<hbm>>) dst(%dma_wait3A_461 : memref<1568xf32, #tpu.memory_space<vmem>>)
    %dma_wait3A_463 = arith.constant 45472 : i32
    %dma_wait3A_464 = tpu.memref_slice %arg6[%dma_wait3A_463] : memref<50176xf32, #tpu.memory_space<vmem>> -> memref<1568xf32, #tpu.memory_space<vmem>>
    %dma_wait3A_465 = tpu.memref_slice %arg2[%add3A_62] : memref<1605632xf32, #tpu.memory_space<hbm>> -> memref<1568xf32, #tpu.memory_space<hbm>>
    %dma_wait3A_466 = arith.constant 45472 : i32
    %dma_wait3A_467 = tpu.memref_slice %arg6[%dma_wait3A_466] : memref<50176xf32, #tpu.memory_space<vmem>> -> memref<1568xf32, #tpu.memory_space<vmem>>
    %dma_wait3A_468 = tpu.memref_slice %arg2[%add3A_62] : memref<1605632xf32, #tpu.memory_space<hbm>> -> memref<1568xf32, #tpu.memory_space<hbm>>
    tpu.wait_dma2 semaphore(%arg10 : memref<!tpu.dma_semaphore, #tpu.memory_space<semaphore_mem>>) src(%dma_wait3A_468 : memref<1568xf32, #tpu.memory_space<hbm>>) dst(%dma_wait3A_467 : memref<1568xf32, #tpu.memory_space<vmem>>)
    %dma_wait3A_469 = arith.constant 47040 : i32
    %dma_wait3A_470 = tpu.memref_slice %arg6[%dma_wait3A_469] : memref<50176xf32, #tpu.memory_space<vmem>> -> memref<1568xf32, #tpu.memory_space<vmem>>
    %dma_wait3A_471 = tpu.memref_slice %arg2[%add3A_64] : memref<1605632xf32, #tpu.memory_space<hbm>> -> memref<1568xf32, #tpu.memory_space<hbm>>
    %dma_wait3A_472 = arith.constant 47040 : i32
    %dma_wait3A_473 = tpu.memref_slice %arg6[%dma_wait3A_472] : memref<50176xf32, #tpu.memory_space<vmem>> -> memref<1568xf32, #tpu.memory_space<vmem>>
    %dma_wait3A_474 = tpu.memref_slice %arg2[%add3A_64] : memref<1605632xf32, #tpu.memory_space<hbm>> -> memref<1568xf32, #tpu.memory_space<hbm>>
    tpu.wait_dma2 semaphore(%arg10 : memref<!tpu.dma_semaphore, #tpu.memory_space<semaphore_mem>>) src(%dma_wait3A_474 : memref<1568xf32, #tpu.memory_space<hbm>>) dst(%dma_wait3A_473 : memref<1568xf32, #tpu.memory_space<vmem>>)
    %dma_wait3A_475 = arith.constant 48608 : i32
    %dma_wait3A_476 = tpu.memref_slice %arg6[%dma_wait3A_475] : memref<50176xf32, #tpu.memory_space<vmem>> -> memref<1568xf32, #tpu.memory_space<vmem>>
    %dma_wait3A_477 = tpu.memref_slice %arg2[%add3A_66] : memref<1605632xf32, #tpu.memory_space<hbm>> -> memref<1568xf32, #tpu.memory_space<hbm>>
    %dma_wait3A_478 = arith.constant 48608 : i32
    %dma_wait3A_479 = tpu.memref_slice %arg6[%dma_wait3A_478] : memref<50176xf32, #tpu.memory_space<vmem>> -> memref<1568xf32, #tpu.memory_space<vmem>>
    %dma_wait3A_480 = tpu.memref_slice %arg2[%add3A_66] : memref<1605632xf32, #tpu.memory_space<hbm>> -> memref<1568xf32, #tpu.memory_space<hbm>>
    tpu.wait_dma2 semaphore(%arg10 : memref<!tpu.dma_semaphore, #tpu.memory_space<semaphore_mem>>) src(%dma_wait3A_480 : memref<1568xf32, #tpu.memory_space<hbm>>) dst(%dma_wait3A_479 : memref<1568xf32, #tpu.memory_space<vmem>>)
    %dma_wait3A_481 = arith.constant 0 : i32
    %dma_wait3A_482 = tpu.memref_slice %arg7[%dma_wait3A_481] : memref<6272xf32, #tpu.memory_space<vmem>> -> memref<1568xf32, #tpu.memory_space<vmem>>
    %dma_wait3A_483 = tpu.memref_slice %arg3[%add3A_68] : memref<200704xf32, #tpu.memory_space<hbm>> -> memref<1568xf32, #tpu.memory_space<hbm>>
    %dma_wait3A_484 = arith.constant 0 : i32
    %dma_wait3A_485 = tpu.memref_slice %arg7[%dma_wait3A_484] : memref<6272xf32, #tpu.memory_space<vmem>> -> memref<1568xf32, #tpu.memory_space<vmem>>
    %dma_wait3A_486 = tpu.memref_slice %arg3[%add3A_68] : memref<200704xf32, #tpu.memory_space<hbm>> -> memref<1568xf32, #tpu.memory_space<hbm>>
    tpu.wait_dma2 semaphore(%arg10 : memref<!tpu.dma_semaphore, #tpu.memory_space<semaphore_mem>>) src(%dma_wait3A_486 : memref<1568xf32, #tpu.memory_space<hbm>>) dst(%dma_wait3A_485 : memref<1568xf32, #tpu.memory_space<vmem>>)
    %dma_wait3A_487 = arith.constant 1568 : i32
    %dma_wait3A_488 = tpu.memref_slice %arg7[%dma_wait3A_487] : memref<6272xf32, #tpu.memory_space<vmem>> -> memref<1568xf32, #tpu.memory_space<vmem>>
    %dma_wait3A_489 = tpu.memref_slice %arg3[%add3A_70] : memref<200704xf32, #tpu.memory_space<hbm>> -> memref<1568xf32, #tpu.memory_space<hbm>>
    %dma_wait3A_490 = arith.constant 1568 : i32
    %dma_wait3A_491 = tpu.memref_slice %arg7[%dma_wait3A_490] : memref<6272xf32, #tpu.memory_space<vmem>> -> memref<1568xf32, #tpu.memory_space<vmem>>
    %dma_wait3A_492 = tpu.memref_slice %arg3[%add3A_70] : memref<200704xf32, #tpu.memory_space<hbm>> -> memref<1568xf32, #tpu.memory_space<hbm>>
    tpu.wait_dma2 semaphore(%arg10 : memref<!tpu.dma_semaphore, #tpu.memory_space<semaphore_mem>>) src(%dma_wait3A_492 : memref<1568xf32, #tpu.memory_space<hbm>>) dst(%dma_wait3A_491 : memref<1568xf32, #tpu.memory_space<vmem>>)
    %dma_wait3A_493 = arith.constant 3136 : i32
    %dma_wait3A_494 = tpu.memref_slice %arg7[%dma_wait3A_493] : memref<6272xf32, #tpu.memory_space<vmem>> -> memref<1568xf32, #tpu.memory_space<vmem>>
    %dma_wait3A_495 = tpu.memref_slice %arg3[%add3A_72] : memref<200704xf32, #tpu.memory_space<hbm>> -> memref<1568xf32, #tpu.memory_space<hbm>>
    %dma_wait3A_496 = arith.constant 3136 : i32
    %dma_wait3A_497 = tpu.memref_slice %arg7[%dma_wait3A_496] : memref<6272xf32, #tpu.memory_space<vmem>> -> memref<1568xf32, #tpu.memory_space<vmem>>
    %dma_wait3A_498 = tpu.memref_slice %arg3[%add3A_72] : memref<200704xf32, #tpu.memory_space<hbm>> -> memref<1568xf32, #tpu.memory_space<hbm>>
    tpu.wait_dma2 semaphore(%arg10 : memref<!tpu.dma_semaphore, #tpu.memory_space<semaphore_mem>>) src(%dma_wait3A_498 : memref<1568xf32, #tpu.memory_space<hbm>>) dst(%dma_wait3A_497 : memref<1568xf32, #tpu.memory_space<vmem>>)
    %dma_wait3A_499 = arith.constant 4704 : i32
    %dma_wait3A_500 = tpu.memref_slice %arg7[%dma_wait3A_499] : memref<6272xf32, #tpu.memory_space<vmem>> -> memref<1568xf32, #tpu.memory_space<vmem>>
    %dma_wait3A_501 = tpu.memref_slice %arg3[%add3A_74] : memref<200704xf32, #tpu.memory_space<hbm>> -> memref<1568xf32, #tpu.memory_space<hbm>>
    %dma_wait3A_502 = arith.constant 4704 : i32
    %dma_wait3A_503 = tpu.memref_slice %arg7[%dma_wait3A_502] : memref<6272xf32, #tpu.memory_space<vmem>> -> memref<1568xf32, #tpu.memory_space<vmem>>
    %dma_wait3A_504 = tpu.memref_slice %arg3[%add3A_74] : memref<200704xf32, #tpu.memory_space<hbm>> -> memref<1568xf32, #tpu.memory_space<hbm>>
    tpu.wait_dma2 semaphore(%arg10 : memref<!tpu.dma_semaphore, #tpu.memory_space<semaphore_mem>>) src(%dma_wait3A_504 : memref<1568xf32, #tpu.memory_space<hbm>>) dst(%dma_wait3A_503 : memref<1568xf32, #tpu.memory_space<vmem>>)
    %get3A = arith.constant 0 : index
    %get3A_505 = tpu.vector_load %arg9[%get3A] {strides = array<i32>} : memref<80xf32, #tpu.memory_space<vmem>>, vector<16xf32>,
    %get3A_506 = arith.constant 16 : index
    %get3A_507 = tpu.vector_load %arg9[%get3A_506] {strides = array<i32>} : memref<80xf32, #tpu.memory_space<vmem>>, vector<16xf32>,
    %get3A_508 = arith.constant 32 : index
    %get3A_509 = tpu.vector_load %arg9[%get3A_508] {strides = array<i32>} : memref<80xf32, #tpu.memory_space<vmem>>, vector<16xf32>,
    %get3A_510 = arith.constant 48 : index
    %get3A_511 = tpu.vector_load %arg9[%get3A_510] {strides = array<i32>} : memref<80xf32, #tpu.memory_space<vmem>>, vector<16xf32>,
    %get3A_512 = arith.constant 64 : index
    %get3A_513 = tpu.vector_load %arg9[%get3A_512] {strides = array<i32>} : memref<80xf32, #tpu.memory_space<vmem>>, vector<16xf32>,
    %scan3A = arith.constant 0 : i32
    %scan3A_514 = arith.constant 0 : i32
    %scan3A_515 = arith.constant 98 : i32
    %scan3A_516 = arith.addi %scan3A_514, %scan3A_515 : i32
    %scan3A_517 = arith.constant 1 : i32
    scf.for %scan3A_519 = %scan3A_514 to %scan3A_516 step %scan3A_517  : i32 {
      %mul3A_520 = arith.constant 16 : i32
      %mul3A_521 = arith.muli %scan3A_519, %mul3A_520 : i32
      %broadcast_in_dim3A = arith.constant 0.000000e+00 : f32
      %broadcast_in_dim3A_522 = vector.broadcast %broadcast_in_dim3A : f32 to vector<16xf32>
      %add3A_523 = arith.constant 0 : i32
      %add3A_524 = arith.addi %add3A_523, %mul3A_521 : i32
      %get3A_525 = arith.index_cast %add3A_524 : i32 to index
      %get3A_526 = tpu.vector_load %arg6[%get3A_525] {strides = array<i32>} : memref<50176xf32, #tpu.memory_space<vmem>>, vector<16xf32>,
      %add3A_527 = arith.addf %broadcast_in_dim3A_522, %get3A_526 : vector<16xf32>
      %add3A_528 = arith.constant 1568 : i32
      %add3A_529 = arith.addi %add3A_528, %mul3A_521 : i32
      %get3A_530 = arith.index_cast %add3A_529 : i32 to index
      %get3A_531 = tpu.vector_load %arg6[%get3A_530] {strides = array<i32>} : memref<50176xf32, #tpu.memory_space<vmem>>, vector<16xf32>,
      %add3A_532 = arith.addf %add3A_527, %get3A_531 : vector<16xf32>
      %add3A_533 = arith.constant 3136 : i32
      %add3A_534 = arith.addi %add3A_533, %mul3A_521 : i32
      %get3A_535 = arith.index_cast %add3A_534 : i32 to index
      %get3A_536 = tpu.vector_load %arg6[%get3A_535] {strides = array<i32>} : memref<50176xf32, #tpu.memory_space<vmem>>, vector<16xf32>,
      %add3A_537 = arith.addf %add3A_532, %get3A_536 : vector<16xf32>
      %add3A_538 = arith.constant 4704 : i32
      %add3A_539 = arith.addi %add3A_538, %mul3A_521 : i32
      %get3A_540 = arith.index_cast %add3A_539 : i32 to index
      %get3A_541 = tpu.vector_load %arg6[%get3A_540] {strides = array<i32>} : memref<50176xf32, #tpu.memory_space<vmem>>, vector<16xf32>,
      %add3A_542 = arith.addf %add3A_537, %get3A_541 : vector<16xf32>
      %add3A_543 = arith.constant 6272 : i32
      %add3A_544 = arith.addi %add3A_543, %mul3A_521 : i32
      %get3A_545 = arith.index_cast %add3A_544 : i32 to index
      %get3A_546 = tpu.vector_load %arg6[%get3A_545] {strides = array<i32>} : memref<50176xf32, #tpu.memory_space<vmem>>, vector<16xf32>,
      %add3A_547 = arith.addf %add3A_542, %get3A_546 : vector<16xf32>
      %add3A_548 = arith.constant 7840 : i32
      %add3A_549 = arith.addi %add3A_548, %mul3A_521 : i32
      %get3A_550 = arith.index_cast %add3A_549 : i32 to index
      %get3A_551 = tpu.vector_load %arg6[%get3A_550] {strides = array<i32>} : memref<50176xf32, #tpu.memory_space<vmem>>, vector<16xf32>,
      %add3A_552 = arith.addf %add3A_547, %get3A_551 : vector<16xf32>
      %add3A_553 = arith.constant 9408 : i32
      %add3A_554 = arith.addi %add3A_553, %mul3A_521 : i32
      %get3A_555 = arith.index_cast %add3A_554 : i32 to index
      %get3A_556 = tpu.vector_load %arg6[%get3A_555] {strides = array<i32>} : memref<50176xf32, #tpu.memory_space<vmem>>, vector<16xf32>,
      %add3A_557 = arith.addf %add3A_552, %get3A_556 : vector<16xf32>
      %add3A_558 = arith.constant 10976 : i32
      %add3A_559 = arith.addi %add3A_558, %mul3A_521 : i32
      %get3A_560 = arith.index_cast %add3A_559 : i32 to index
      %get3A_561 = tpu.vector_load %arg6[%get3A_560] {strides = array<i32>} : memref<50176xf32, #tpu.memory_space<vmem>>, vector<16xf32>,
      %add3A_562 = arith.addf %add3A_557, %get3A_561 : vector<16xf32>
      %add3A_563 = arith.constant 12544 : i32
      %add3A_564 = arith.addi %add3A_563, %mul3A_521 : i32
      %get3A_565 = arith.index_cast %add3A_564 : i32 to index
      %get3A_566 = tpu.vector_load %arg6[%get3A_565] {strides = array<i32>} : memref<50176xf32, #tpu.memory_space<vmem>>, vector<16xf32>,
      %add3A_567 = arith.addf %add3A_562, %get3A_566 : vector<16xf32>
      %add3A_568 = arith.constant 14112 : i32
      %add3A_569 = arith.addi %add3A_568, %mul3A_521 : i32
      %get3A_570 = arith.index_cast %add3A_569 : i32 to index
      %get3A_571 = tpu.vector_load %arg6[%get3A_570] {strides = array<i32>} : memref<50176xf32, #tpu.memory_space<vmem>>, vector<16xf32>,
      %add3A_572 = arith.addf %add3A_567, %get3A_571 : vector<16xf32>
      %add3A_573 = arith.constant 15680 : i32
      %add3A_574 = arith.addi %add3A_573, %mul3A_521 : i32
      %get3A_575 = arith.index_cast %add3A_574 : i32 to index
      %get3A_576 = tpu.vector_load %arg6[%get3A_575] {strides = array<i32>} : memref<50176xf32, #tpu.memory_space<vmem>>, vector<16xf32>,
      %add3A_577 = arith.addf %add3A_572, %get3A_576 : vector<16xf32>
      %add3A_578 = arith.constant 17248 : i32
      %add3A_579 = arith.addi %add3A_578, %mul3A_521 : i32
      %get3A_580 = arith.index_cast %add3A_579 : i32 to index
      %get3A_581 = tpu.vector_load %arg6[%get3A_580] {strides = array<i32>} : memref<50176xf32, #tpu.memory_space<vmem>>, vector<16xf32>,
      %add3A_582 = arith.addf %add3A_577, %get3A_581 : vector<16xf32>
      %add3A_583 = arith.constant 18816 : i32
      %add3A_584 = arith.addi %add3A_583, %mul3A_521 : i32
      %get3A_585 = arith.index_cast %add3A_584 : i32 to index
      %get3A_586 = tpu.vector_load %arg6[%get3A_585] {strides = array<i32>} : memref<50176xf32, #tpu.memory_space<vmem>>, vector<16xf32>,
      %add3A_587 = arith.addf %add3A_582, %get3A_586 : vector<16xf32>
      %add3A_588 = arith.constant 20384 : i32
      %add3A_589 = arith.addi %add3A_588, %mul3A_521 : i32
      %get3A_590 = arith.index_cast %add3A_589 : i32 to index
      %get3A_591 = tpu.vector_load %arg6[%get3A_590] {strides = array<i32>} : memref<50176xf32, #tpu.memory_space<vmem>>, vector<16xf32>,
      %add3A_592 = arith.addf %add3A_587, %get3A_591 : vector<16xf32>
      %add3A_593 = arith.constant 21952 : i32
      %add3A_594 = arith.addi %add3A_593, %mul3A_521 : i32
      %get3A_595 = arith.index_cast %add3A_594 : i32 to index
      %get3A_596 = tpu.vector_load %arg6[%get3A_595] {strides = array<i32>} : memref<50176xf32, #tpu.memory_space<vmem>>, vector<16xf32>,
      %add3A_597 = arith.addf %add3A_592, %get3A_596 : vector<16xf32>
      %add3A_598 = arith.constant 23520 : i32
      %add3A_599 = arith.addi %add3A_598, %mul3A_521 : i32
      %get3A_600 = arith.index_cast %add3A_599 : i32 to index
      %get3A_601 = tpu.vector_load %arg6[%get3A_600] {strides = array<i32>} : memref<50176xf32, #tpu.memory_space<vmem>>, vector<16xf32>,
      %add3A_602 = arith.addf %add3A_597, %get3A_601 : vector<16xf32>
      %add3A_603 = arith.constant 25088 : i32
      %add3A_604 = arith.addi %add3A_603, %mul3A_521 : i32
      %get3A_605 = arith.index_cast %add3A_604 : i32 to index
      %get3A_606 = tpu.vector_load %arg6[%get3A_605] {strides = array<i32>} : memref<50176xf32, #tpu.memory_space<vmem>>, vector<16xf32>,
      %add3A_607 = arith.addf %add3A_602, %get3A_606 : vector<16xf32>
      %add3A_608 = arith.constant 26656 : i32
      %add3A_609 = arith.addi %add3A_608, %mul3A_521 : i32
      %get3A_610 = arith.index_cast %add3A_609 : i32 to index
      %get3A_611 = tpu.vector_load %arg6[%get3A_610] {strides = array<i32>} : memref<50176xf32, #tpu.memory_space<vmem>>, vector<16xf32>,
      %add3A_612 = arith.addf %add3A_607, %get3A_611 : vector<16xf32>
      %add3A_613 = arith.constant 28224 : i32
      %add3A_614 = arith.addi %add3A_613, %mul3A_521 : i32
      %get3A_615 = arith.index_cast %add3A_614 : i32 to index
      %get3A_616 = tpu.vector_load %arg6[%get3A_615] {strides = array<i32>} : memref<50176xf32, #tpu.memory_space<vmem>>, vector<16xf32>,
      %add3A_617 = arith.addf %add3A_612, %get3A_616 : vector<16xf32>
      %add3A_618 = arith.constant 29792 : i32
      %add3A_619 = arith.addi %add3A_618, %mul3A_521 : i32
      %get3A_620 = arith.index_cast %add3A_619 : i32 to index
      %get3A_621 = tpu.vector_load %arg6[%get3A_620] {strides = array<i32>} : memref<50176xf32, #tpu.memory_space<vmem>>, vector<16xf32>,
      %add3A_622 = arith.addf %add3A_617, %get3A_621 : vector<16xf32>
      %add3A_623 = arith.constant 31360 : i32
      %add3A_624 = arith.addi %add3A_623, %mul3A_521 : i32
      %get3A_625 = arith.index_cast %add3A_624 : i32 to index
      %get3A_626 = tpu.vector_load %arg6[%get3A_625] {strides = array<i32>} : memref<50176xf32, #tpu.memory_space<vmem>>, vector<16xf32>,
      %add3A_627 = arith.addf %add3A_622, %get3A_626 : vector<16xf32>
      %add3A_628 = arith.constant 32928 : i32
      %add3A_629 = arith.addi %add3A_628, %mul3A_521 : i32
      %get3A_630 = arith.index_cast %add3A_629 : i32 to index
      %get3A_631 = tpu.vector_load %arg6[%get3A_630] {strides = array<i32>} : memref<50176xf32, #tpu.memory_space<vmem>>, vector<16xf32>,
      %add3A_632 = arith.addf %add3A_627, %get3A_631 : vector<16xf32>
      %add3A_633 = arith.constant 34496 : i32
      %add3A_634 = arith.addi %add3A_633, %mul3A_521 : i32
      %get3A_635 = arith.index_cast %add3A_634 : i32 to index
      %get3A_636 = tpu.vector_load %arg6[%get3A_635] {strides = array<i32>} : memref<50176xf32, #tpu.memory_space<vmem>>, vector<16xf32>,
      %add3A_637 = arith.addf %add3A_632, %get3A_636 : vector<16xf32>
      %add3A_638 = arith.constant 36064 : i32
      %add3A_639 = arith.addi %add3A_638, %mul3A_521 : i32
      %get3A_640 = arith.index_cast %add3A_639 : i32 to index
      %get3A_641 = tpu.vector_load %arg6[%get3A_640] {strides = array<i32>} : memref<50176xf32, #tpu.memory_space<vmem>>, vector<16xf32>,
      %add3A_642 = arith.addf %add3A_637, %get3A_641 : vector<16xf32>
      %add3A_643 = arith.constant 37632 : i32
      %add3A_644 = arith.addi %add3A_643, %mul3A_521 : i32
      %get3A_645 = arith.index_cast %add3A_644 : i32 to index
      %get3A_646 = tpu.vector_load %arg6[%get3A_645] {strides = array<i32>} : memref<50176xf32, #tpu.memory_space<vmem>>, vector<16xf32>,
      %add3A_647 = arith.addf %add3A_642, %get3A_646 : vector<16xf32>
      %add3A_648 = arith.constant 39200 : i32
      %add3A_649 = arith.addi %add3A_648, %mul3A_521 : i32
      %get3A_650 = arith.index_cast %add3A_649 : i32 to index
      %get3A_651 = tpu.vector_load %arg6[%get3A_650] {strides = array<i32>} : memref<50176xf32, #tpu.memory_space<vmem>>, vector<16xf32>,
      %add3A_652 = arith.addf %add3A_647, %get3A_651 : vector<16xf32>
      %add3A_653 = arith.constant 40768 : i32
      %add3A_654 = arith.addi %add3A_653, %mul3A_521 : i32
      %get3A_655 = arith.index_cast %add3A_654 : i32 to index
      %get3A_656 = tpu.vector_load %arg6[%get3A_655] {strides = array<i32>} : memref<50176xf32, #tpu.memory_space<vmem>>, vector<16xf32>,
      %add3A_657 = arith.addf %add3A_652, %get3A_656 : vector<16xf32>
      %add3A_658 = arith.constant 42336 : i32
      %add3A_659 = arith.addi %add3A_658, %mul3A_521 : i32
      %get3A_660 = arith.index_cast %add3A_659 : i32 to index
      %get3A_661 = tpu.vector_load %arg6[%get3A_660] {strides = array<i32>} : memref<50176xf32, #tpu.memory_space<vmem>>, vector<16xf32>,
      %add3A_662 = arith.addf %add3A_657, %get3A_661 : vector<16xf32>
      %add3A_663 = arith.constant 43904 : i32
      %add3A_664 = arith.addi %add3A_663, %mul3A_521 : i32
      %get3A_665 = arith.index_cast %add3A_664 : i32 to index
      %get3A_666 = tpu.vector_load %arg6[%get3A_665] {strides = array<i32>} : memref<50176xf32, #tpu.memory_space<vmem>>, vector<16xf32>,
      %add3A_667 = arith.addf %add3A_662, %get3A_666 : vector<16xf32>
      %add3A_668 = arith.constant 45472 : i32
      %add3A_669 = arith.addi %add3A_668, %mul3A_521 : i32
      %get3A_670 = arith.index_cast %add3A_669 : i32 to index
      %get3A_671 = tpu.vector_load %arg6[%get3A_670] {strides = array<i32>} : memref<50176xf32, #tpu.memory_space<vmem>>, vector<16xf32>,
      %add3A_672 = arith.addf %add3A_667, %get3A_671 : vector<16xf32>
      %add3A_673 = arith.constant 47040 : i32
      %add3A_674 = arith.addi %add3A_673, %mul3A_521 : i32
      %get3A_675 = arith.index_cast %add3A_674 : i32 to index
      %get3A_676 = tpu.vector_load %arg6[%get3A_675] {strides = array<i32>} : memref<50176xf32, #tpu.memory_space<vmem>>, vector<16xf32>,
      %add3A_677 = arith.addf %add3A_672, %get3A_676 : vector<16xf32>
      %add3A_678 = arith.constant 48608 : i32
      %add3A_679 = arith.addi %add3A_678, %mul3A_521 : i32
      %get3A_680 = arith.index_cast %add3A_679 : i32 to index
      %get3A_681 = tpu.vector_load %arg6[%get3A_680] {strides = array<i32>} : memref<50176xf32, #tpu.memory_space<vmem>>, vector<16xf32>,
      %add3A_682 = arith.addf %add3A_677, %get3A_681 : vector<16xf32>
      %add3A_683 = arith.constant 0 : i32
      %add3A_684 = arith.addi %add3A_683, %mul3A_521 : i32
      %get3A_685 = arith.index_cast %add3A_684 : i32 to index
      %get3A_686 = tpu.vector_load %arg7[%get3A_685] {strides = array<i32>} : memref<6272xf32, #tpu.memory_space<vmem>>, vector<16xf32>,
      %mul3A_687 = arith.mulf %get3A_686, %get3A_505 : vector<16xf32>
      %add3A_688 = arith.addf %add3A_682, %mul3A_687 : vector<16xf32>
      %add3A_689 = arith.constant 1568 : i32
      %add3A_690 = arith.addi %add3A_689, %mul3A_521 : i32
      %get3A_691 = arith.index_cast %add3A_690 : i32 to index
      %get3A_692 = tpu.vector_load %arg7[%get3A_691] {strides = array<i32>} : memref<6272xf32, #tpu.memory_space<vmem>>, vector<16xf32>,
      %mul3A_693 = arith.mulf %get3A_692, %get3A_507 : vector<16xf32>
      %add3A_694 = arith.addf %add3A_688, %mul3A_693 : vector<16xf32>
      %add3A_695 = arith.constant 3136 : i32
      %add3A_696 = arith.addi %add3A_695, %mul3A_521 : i32
      %get3A_697 = arith.index_cast %add3A_696 : i32 to index
      %get3A_698 = tpu.vector_load %arg7[%get3A_697] {strides = array<i32>} : memref<6272xf32, #tpu.memory_space<vmem>>, vector<16xf32>,
      %mul3A_699 = arith.mulf %get3A_698, %get3A_509 : vector<16xf32>
      %add3A_700 = arith.addf %add3A_694, %mul3A_699 : vector<16xf32>
      %add3A_701 = arith.constant 4704 : i32
      %add3A_702 = arith.addi %add3A_701, %mul3A_521 : i32
      %get3A_703 = arith.index_cast %add3A_702 : i32 to index
      %get3A_704 = tpu.vector_load %arg7[%get3A_703] {strides = array<i32>} : memref<6272xf32, #tpu.memory_space<vmem>>, vector<16xf32>,
      %mul3A_705 = arith.mulf %get3A_704, %get3A_511 : vector<16xf32>
      %add3A_706 = arith.addf %add3A_700, %mul3A_705 : vector<16xf32>
      %add3A_707 = arith.addf %add3A_706, %get3A_513 : vector<16xf32>
      %neg3A = arith.constant 0.000000e+00 : f32
      %neg3A_708 = vector.broadcast %neg3A : f32 to vector<16xf32>
      %neg3A_709 = arith.subf %neg3A_708, %add3A_707 : vector<16xf32>
      %exp3A = math.exp %neg3A_709 : vector<16xf32>
      %add3A_710 = arith.constant 1.000000e+00 : f32
      %add3A_711 = vector.broadcast %add3A_710 : f32 to vector<16xf32>
      %add3A_712 = arith.addf %add3A_711, %exp3A : vector<16xf32>
      %div3A = arith.constant 1.000000e+00 : f32
      %div3A_713 = vector.broadcast %div3A : f32 to vector<16xf32>
      %div3A_714 = arith.divf %div3A_713, %add3A_712 : vector<16xf32>
      %swap3A = arith.index_cast %mul3A_521 : i32 to index
      %swap3A_715 = tpu.vector_load %arg8[%swap3A] {strides = array<i32>} : memref<1568xf32, #tpu.memory_space<vmem>>, vector<16xf32>,
      tpu.vector_store %arg8[%swap3A], %div3A_714 {strides = array<i32>} : memref<1568xf32, #tpu.memory_space<vmem>>, vector<16xf32>,
    }
    %scan3A_518 = arith.constant 98 : i32
    "tpu.region"() ({
      %run_scoped3A = tpu.sem_alloc : memref<!tpu.dma_semaphore, #tpu.memory_space<semaphore_mem>>
      %dma_start3A_519 = tpu.memref_slice %arg5[%mul3A_2] : memref<50176xf32, #tpu.memory_space<hbm>> -> memref<1568xf32, #tpu.memory_space<hbm>>
      %dma_start3A_520 = tpu.memref_slice %arg5[%mul3A_2] : memref<50176xf32, #tpu.memory_space<hbm>> -> memref<1568xf32, #tpu.memory_space<hbm>>
      tpu.enqueue_dma source(%arg8 : memref<1568xf32, #tpu.memory_space<vmem>>) target(%dma_start3A_520 : memref<1568xf32, #tpu.memory_space<hbm>>) target_semaphore(%run_scoped3A : memref<!tpu.dma_semaphore, #tpu.memory_space<semaphore_mem>>)
      %dma_wait3A_521 = tpu.memref_slice %arg5[%mul3A_2] : memref<50176xf32, #tpu.memory_space<hbm>> -> memref<1568xf32, #tpu.memory_space<hbm>>
      %dma_wait3A_522 = tpu.memref_slice %arg5[%mul3A_2] : memref<50176xf32, #tpu.memory_space<hbm>> -> memref<1568xf32, #tpu.memory_space<hbm>>
      tpu.wait_dma2 semaphore(%run_scoped3A : memref<!tpu.dma_semaphore, #tpu.memory_space<semaphore_mem>>) src(%arg8 : memref<1568xf32, #tpu.memory_space<vmem>>) dst(%dma_wait3A_522 : memref<1568xf32, #tpu.memory_space<hbm>>)
      tpu.yield
    }) : () -> ()
    return
  }
}

#map = affine_map<(d0, d1) -> (0)>
module attributes {stable_mosaic.version = 14 : i64} {
  func.func @body(%arg0: i32, %arg1: i32, %arg2: memref<1605632xf32, #tpu.memory_space<hbm>>, %arg3: memref<50176xf32, #tpu.memory_space<hbm>>, %arg4: memref<128xf32, #tpu.memory_space<hbm>>, %arg5: memref<200704xf32, #tpu.memory_space<hbm>>, %arg6: memref<50176xf32, #tpu.memory_space<vmem>>, %arg7: memref<1568xf32, #tpu.memory_space<vmem>>, %arg8: memref<6272xf32, #tpu.memory_space<vmem>>, %arg9: memref<128xf32, #tpu.memory_space<vmem>>, %arg10: memref<!tpu.dma_semaphore, #tpu.memory_space<semaphore_mem>>) attributes {dimension_semantics = [#tpu.dimension_semantics<core_parallel>, #tpu.dimension_semantics<subcore_parallel>], iteration_bounds = array<i64: 2, 16>, scalar_prefetch = 0 : i64, scratch_operands = 5 : i64, tpu.core_type = #tpu.core_type<sc_vector_subcore>, window_params = [{transform_indices = #map}, {transform_indices = #map}, {transform_indices = #map}, {transform_indices = #map}]} {
    %mul3A = arith.constant 2 : i32
    %mul3A_0 = arith.muli %arg1, %mul3A : i32
    %add3A = arith.addi %mul3A_0, %arg0 : i32
    %mul3A_1 = arith.constant 1568 : i32
    %mul3A_2 = arith.muli %add3A, %mul3A_1 : i32
    %add3A_3 = arith.constant 0 : i32
    %add3A_4 = arith.addi %add3A_3, %mul3A_2 : i32
    %add3A_5 = arith.constant 50176 : i32
    %add3A_6 = arith.addi %add3A_5, %mul3A_2 : i32
    %add3A_7 = arith.constant 100352 : i32
    %add3A_8 = arith.addi %add3A_7, %mul3A_2 : i32
    %add3A_9 = arith.constant 150528 : i32
    %add3A_10 = arith.addi %add3A_9, %mul3A_2 : i32
    %add3A_11 = arith.constant 200704 : i32
    %add3A_12 = arith.addi %add3A_11, %mul3A_2 : i32
    %add3A_13 = arith.constant 250880 : i32
    %add3A_14 = arith.addi %add3A_13, %mul3A_2 : i32
    %add3A_15 = arith.constant 301056 : i32
    %add3A_16 = arith.addi %add3A_15, %mul3A_2 : i32
    %add3A_17 = arith.constant 351232 : i32
    %add3A_18 = arith.addi %add3A_17, %mul3A_2 : i32
    %add3A_19 = arith.constant 401408 : i32
    %add3A_20 = arith.addi %add3A_19, %mul3A_2 : i32
    %add3A_21 = arith.constant 451584 : i32
    %add3A_22 = arith.addi %add3A_21, %mul3A_2 : i32
    %add3A_23 = arith.constant 501760 : i32
    %add3A_24 = arith.addi %add3A_23, %mul3A_2 : i32
    %add3A_25 = arith.constant 551936 : i32
    %add3A_26 = arith.addi %add3A_25, %mul3A_2 : i32
    %add3A_27 = arith.constant 602112 : i32
    %add3A_28 = arith.addi %add3A_27, %mul3A_2 : i32
    %add3A_29 = arith.constant 652288 : i32
    %add3A_30 = arith.addi %add3A_29, %mul3A_2 : i32
    %add3A_31 = arith.constant 702464 : i32
    %add3A_32 = arith.addi %add3A_31, %mul3A_2 : i32
    %add3A_33 = arith.constant 752640 : i32
    %add3A_34 = arith.addi %add3A_33, %mul3A_2 : i32
    %add3A_35 = arith.constant 802816 : i32
    %add3A_36 = arith.addi %add3A_35, %mul3A_2 : i32
    %add3A_37 = arith.constant 852992 : i32
    %add3A_38 = arith.addi %add3A_37, %mul3A_2 : i32
    %add3A_39 = arith.constant 903168 : i32
    %add3A_40 = arith.addi %add3A_39, %mul3A_2 : i32
    %add3A_41 = arith.constant 953344 : i32
    %add3A_42 = arith.addi %add3A_41, %mul3A_2 : i32
    %add3A_43 = arith.constant 1003520 : i32
    %add3A_44 = arith.addi %add3A_43, %mul3A_2 : i32
    %add3A_45 = arith.constant 1053696 : i32
    %add3A_46 = arith.addi %add3A_45, %mul3A_2 : i32
    %add3A_47 = arith.constant 1103872 : i32
    %add3A_48 = arith.addi %add3A_47, %mul3A_2 : i32
    %add3A_49 = arith.constant 1154048 : i32
    %add3A_50 = arith.addi %add3A_49, %mul3A_2 : i32
    %add3A_51 = arith.constant 1204224 : i32
    %add3A_52 = arith.addi %add3A_51, %mul3A_2 : i32
    %add3A_53 = arith.constant 1254400 : i32
    %add3A_54 = arith.addi %add3A_53, %mul3A_2 : i32
    %add3A_55 = arith.constant 1304576 : i32
    %add3A_56 = arith.addi %add3A_55, %mul3A_2 : i32
    %add3A_57 = arith.constant 1354752 : i32
    %add3A_58 = arith.addi %add3A_57, %mul3A_2 : i32
    %add3A_59 = arith.constant 1404928 : i32
    %add3A_60 = arith.addi %add3A_59, %mul3A_2 : i32
    %add3A_61 = arith.constant 1455104 : i32
    %add3A_62 = arith.addi %add3A_61, %mul3A_2 : i32
    %add3A_63 = arith.constant 1505280 : i32
    %add3A_64 = arith.addi %add3A_63, %mul3A_2 : i32
    %add3A_65 = arith.constant 1555456 : i32
    %add3A_66 = arith.addi %add3A_65, %mul3A_2 : i32
    tpu.enqueue_dma source(%arg4 : memref<128xf32, #tpu.memory_space<hbm>>) target(%arg9 : memref<128xf32, #tpu.memory_space<vmem>>) target_semaphore(%arg10 : memref<!tpu.dma_semaphore, #tpu.memory_space<semaphore_mem>>)
    %dma_start3A = tpu.memref_slice %arg3[%mul3A_2] : memref<50176xf32, #tpu.memory_space<hbm>> -> memref<1568xf32, #tpu.memory_space<hbm>>
    %dma_start3A_67 = tpu.memref_slice %arg3[%mul3A_2] : memref<50176xf32, #tpu.memory_space<hbm>> -> memref<1568xf32, #tpu.memory_space<hbm>>
    tpu.enqueue_dma source(%dma_start3A_67 : memref<1568xf32, #tpu.memory_space<hbm>>) target(%arg7 : memref<1568xf32, #tpu.memory_space<vmem>>) target_semaphore(%arg10 : memref<!tpu.dma_semaphore, #tpu.memory_space<semaphore_mem>>)
    %dma_start3A_68 = arith.constant 0 : i32
    %dma_start3A_69 = tpu.memref_slice %arg6[%dma_start3A_68] : memref<50176xf32, #tpu.memory_space<vmem>> -> memref<1568xf32, #tpu.memory_space<vmem>>
    %dma_start3A_70 = tpu.memref_slice %arg2[%add3A_4] : memref<1605632xf32, #tpu.memory_space<hbm>> -> memref<1568xf32, #tpu.memory_space<hbm>>
    %dma_start3A_71 = arith.constant 0 : i32
    %dma_start3A_72 = tpu.memref_slice %arg6[%dma_start3A_71] : memref<50176xf32, #tpu.memory_space<vmem>> -> memref<1568xf32, #tpu.memory_space<vmem>>
    %dma_start3A_73 = tpu.memref_slice %arg2[%add3A_4] : memref<1605632xf32, #tpu.memory_space<hbm>> -> memref<1568xf32, #tpu.memory_space<hbm>>
    tpu.enqueue_dma source(%dma_start3A_73 : memref<1568xf32, #tpu.memory_space<hbm>>) target(%dma_start3A_72 : memref<1568xf32, #tpu.memory_space<vmem>>) target_semaphore(%arg10 : memref<!tpu.dma_semaphore, #tpu.memory_space<semaphore_mem>>)
    %dma_start3A_74 = arith.constant 1568 : i32
    %dma_start3A_75 = tpu.memref_slice %arg6[%dma_start3A_74] : memref<50176xf32, #tpu.memory_space<vmem>> -> memref<1568xf32, #tpu.memory_space<vmem>>
    %dma_start3A_76 = tpu.memref_slice %arg2[%add3A_6] : memref<1605632xf32, #tpu.memory_space<hbm>> -> memref<1568xf32, #tpu.memory_space<hbm>>
    %dma_start3A_77 = arith.constant 1568 : i32
    %dma_start3A_78 = tpu.memref_slice %arg6[%dma_start3A_77] : memref<50176xf32, #tpu.memory_space<vmem>> -> memref<1568xf32, #tpu.memory_space<vmem>>
    %dma_start3A_79 = tpu.memref_slice %arg2[%add3A_6] : memref<1605632xf32, #tpu.memory_space<hbm>> -> memref<1568xf32, #tpu.memory_space<hbm>>
    tpu.enqueue_dma source(%dma_start3A_79 : memref<1568xf32, #tpu.memory_space<hbm>>) target(%dma_start3A_78 : memref<1568xf32, #tpu.memory_space<vmem>>) target_semaphore(%arg10 : memref<!tpu.dma_semaphore, #tpu.memory_space<semaphore_mem>>)
    %dma_start3A_80 = arith.constant 3136 : i32
    %dma_start3A_81 = tpu.memref_slice %arg6[%dma_start3A_80] : memref<50176xf32, #tpu.memory_space<vmem>> -> memref<1568xf32, #tpu.memory_space<vmem>>
    %dma_start3A_82 = tpu.memref_slice %arg2[%add3A_8] : memref<1605632xf32, #tpu.memory_space<hbm>> -> memref<1568xf32, #tpu.memory_space<hbm>>
    %dma_start3A_83 = arith.constant 3136 : i32
    %dma_start3A_84 = tpu.memref_slice %arg6[%dma_start3A_83] : memref<50176xf32, #tpu.memory_space<vmem>> -> memref<1568xf32, #tpu.memory_space<vmem>>
    %dma_start3A_85 = tpu.memref_slice %arg2[%add3A_8] : memref<1605632xf32, #tpu.memory_space<hbm>> -> memref<1568xf32, #tpu.memory_space<hbm>>
    tpu.enqueue_dma source(%dma_start3A_85 : memref<1568xf32, #tpu.memory_space<hbm>>) target(%dma_start3A_84 : memref<1568xf32, #tpu.memory_space<vmem>>) target_semaphore(%arg10 : memref<!tpu.dma_semaphore, #tpu.memory_space<semaphore_mem>>)
    %dma_start3A_86 = arith.constant 4704 : i32
    %dma_start3A_87 = tpu.memref_slice %arg6[%dma_start3A_86] : memref<50176xf32, #tpu.memory_space<vmem>> -> memref<1568xf32, #tpu.memory_space<vmem>>
    %dma_start3A_88 = tpu.memref_slice %arg2[%add3A_10] : memref<1605632xf32, #tpu.memory_space<hbm>> -> memref<1568xf32, #tpu.memory_space<hbm>>
    %dma_start3A_89 = arith.constant 4704 : i32
    %dma_start3A_90 = tpu.memref_slice %arg6[%dma_start3A_89] : memref<50176xf32, #tpu.memory_space<vmem>> -> memref<1568xf32, #tpu.memory_space<vmem>>
    %dma_start3A_91 = tpu.memref_slice %arg2[%add3A_10] : memref<1605632xf32, #tpu.memory_space<hbm>> -> memref<1568xf32, #tpu.memory_space<hbm>>
    tpu.enqueue_dma source(%dma_start3A_91 : memref<1568xf32, #tpu.memory_space<hbm>>) target(%dma_start3A_90 : memref<1568xf32, #tpu.memory_space<vmem>>) target_semaphore(%arg10 : memref<!tpu.dma_semaphore, #tpu.memory_space<semaphore_mem>>)
    %dma_start3A_92 = arith.constant 6272 : i32
    %dma_start3A_93 = tpu.memref_slice %arg6[%dma_start3A_92] : memref<50176xf32, #tpu.memory_space<vmem>> -> memref<1568xf32, #tpu.memory_space<vmem>>
    %dma_start3A_94 = tpu.memref_slice %arg2[%add3A_12] : memref<1605632xf32, #tpu.memory_space<hbm>> -> memref<1568xf32, #tpu.memory_space<hbm>>
    %dma_start3A_95 = arith.constant 6272 : i32
    %dma_start3A_96 = tpu.memref_slice %arg6[%dma_start3A_95] : memref<50176xf32, #tpu.memory_space<vmem>> -> memref<1568xf32, #tpu.memory_space<vmem>>
    %dma_start3A_97 = tpu.memref_slice %arg2[%add3A_12] : memref<1605632xf32, #tpu.memory_space<hbm>> -> memref<1568xf32, #tpu.memory_space<hbm>>
    tpu.enqueue_dma source(%dma_start3A_97 : memref<1568xf32, #tpu.memory_space<hbm>>) target(%dma_start3A_96 : memref<1568xf32, #tpu.memory_space<vmem>>) target_semaphore(%arg10 : memref<!tpu.dma_semaphore, #tpu.memory_space<semaphore_mem>>)
    %dma_start3A_98 = arith.constant 7840 : i32
    %dma_start3A_99 = tpu.memref_slice %arg6[%dma_start3A_98] : memref<50176xf32, #tpu.memory_space<vmem>> -> memref<1568xf32, #tpu.memory_space<vmem>>
    %dma_start3A_100 = tpu.memref_slice %arg2[%add3A_14] : memref<1605632xf32, #tpu.memory_space<hbm>> -> memref<1568xf32, #tpu.memory_space<hbm>>
    %dma_start3A_101 = arith.constant 7840 : i32
    %dma_start3A_102 = tpu.memref_slice %arg6[%dma_start3A_101] : memref<50176xf32, #tpu.memory_space<vmem>> -> memref<1568xf32, #tpu.memory_space<vmem>>
    %dma_start3A_103 = tpu.memref_slice %arg2[%add3A_14] : memref<1605632xf32, #tpu.memory_space<hbm>> -> memref<1568xf32, #tpu.memory_space<hbm>>
    tpu.enqueue_dma source(%dma_start3A_103 : memref<1568xf32, #tpu.memory_space<hbm>>) target(%dma_start3A_102 : memref<1568xf32, #tpu.memory_space<vmem>>) target_semaphore(%arg10 : memref<!tpu.dma_semaphore, #tpu.memory_space<semaphore_mem>>)
    %dma_start3A_104 = arith.constant 9408 : i32
    %dma_start3A_105 = tpu.memref_slice %arg6[%dma_start3A_104] : memref<50176xf32, #tpu.memory_space<vmem>> -> memref<1568xf32, #tpu.memory_space<vmem>>
    %dma_start3A_106 = tpu.memref_slice %arg2[%add3A_16] : memref<1605632xf32, #tpu.memory_space<hbm>> -> memref<1568xf32, #tpu.memory_space<hbm>>
    %dma_start3A_107 = arith.constant 9408 : i32
    %dma_start3A_108 = tpu.memref_slice %arg6[%dma_start3A_107] : memref<50176xf32, #tpu.memory_space<vmem>> -> memref<1568xf32, #tpu.memory_space<vmem>>
    %dma_start3A_109 = tpu.memref_slice %arg2[%add3A_16] : memref<1605632xf32, #tpu.memory_space<hbm>> -> memref<1568xf32, #tpu.memory_space<hbm>>
    tpu.enqueue_dma source(%dma_start3A_109 : memref<1568xf32, #tpu.memory_space<hbm>>) target(%dma_start3A_108 : memref<1568xf32, #tpu.memory_space<vmem>>) target_semaphore(%arg10 : memref<!tpu.dma_semaphore, #tpu.memory_space<semaphore_mem>>)
    %dma_start3A_110 = arith.constant 10976 : i32
    %dma_start3A_111 = tpu.memref_slice %arg6[%dma_start3A_110] : memref<50176xf32, #tpu.memory_space<vmem>> -> memref<1568xf32, #tpu.memory_space<vmem>>
    %dma_start3A_112 = tpu.memref_slice %arg2[%add3A_18] : memref<1605632xf32, #tpu.memory_space<hbm>> -> memref<1568xf32, #tpu.memory_space<hbm>>
    %dma_start3A_113 = arith.constant 10976 : i32
    %dma_start3A_114 = tpu.memref_slice %arg6[%dma_start3A_113] : memref<50176xf32, #tpu.memory_space<vmem>> -> memref<1568xf32, #tpu.memory_space<vmem>>
    %dma_start3A_115 = tpu.memref_slice %arg2[%add3A_18] : memref<1605632xf32, #tpu.memory_space<hbm>> -> memref<1568xf32, #tpu.memory_space<hbm>>
    tpu.enqueue_dma source(%dma_start3A_115 : memref<1568xf32, #tpu.memory_space<hbm>>) target(%dma_start3A_114 : memref<1568xf32, #tpu.memory_space<vmem>>) target_semaphore(%arg10 : memref<!tpu.dma_semaphore, #tpu.memory_space<semaphore_mem>>)
    %dma_start3A_116 = arith.constant 12544 : i32
    %dma_start3A_117 = tpu.memref_slice %arg6[%dma_start3A_116] : memref<50176xf32, #tpu.memory_space<vmem>> -> memref<1568xf32, #tpu.memory_space<vmem>>
    %dma_start3A_118 = tpu.memref_slice %arg2[%add3A_20] : memref<1605632xf32, #tpu.memory_space<hbm>> -> memref<1568xf32, #tpu.memory_space<hbm>>
    %dma_start3A_119 = arith.constant 12544 : i32
    %dma_start3A_120 = tpu.memref_slice %arg6[%dma_start3A_119] : memref<50176xf32, #tpu.memory_space<vmem>> -> memref<1568xf32, #tpu.memory_space<vmem>>
    %dma_start3A_121 = tpu.memref_slice %arg2[%add3A_20] : memref<1605632xf32, #tpu.memory_space<hbm>> -> memref<1568xf32, #tpu.memory_space<hbm>>
    tpu.enqueue_dma source(%dma_start3A_121 : memref<1568xf32, #tpu.memory_space<hbm>>) target(%dma_start3A_120 : memref<1568xf32, #tpu.memory_space<vmem>>) target_semaphore(%arg10 : memref<!tpu.dma_semaphore, #tpu.memory_space<semaphore_mem>>)
    %dma_start3A_122 = arith.constant 14112 : i32
    %dma_start3A_123 = tpu.memref_slice %arg6[%dma_start3A_122] : memref<50176xf32, #tpu.memory_space<vmem>> -> memref<1568xf32, #tpu.memory_space<vmem>>
    %dma_start3A_124 = tpu.memref_slice %arg2[%add3A_22] : memref<1605632xf32, #tpu.memory_space<hbm>> -> memref<1568xf32, #tpu.memory_space<hbm>>
    %dma_start3A_125 = arith.constant 14112 : i32
    %dma_start3A_126 = tpu.memref_slice %arg6[%dma_start3A_125] : memref<50176xf32, #tpu.memory_space<vmem>> -> memref<1568xf32, #tpu.memory_space<vmem>>
    %dma_start3A_127 = tpu.memref_slice %arg2[%add3A_22] : memref<1605632xf32, #tpu.memory_space<hbm>> -> memref<1568xf32, #tpu.memory_space<hbm>>
    tpu.enqueue_dma source(%dma_start3A_127 : memref<1568xf32, #tpu.memory_space<hbm>>) target(%dma_start3A_126 : memref<1568xf32, #tpu.memory_space<vmem>>) target_semaphore(%arg10 : memref<!tpu.dma_semaphore, #tpu.memory_space<semaphore_mem>>)
    %dma_start3A_128 = arith.constant 15680 : i32
    %dma_start3A_129 = tpu.memref_slice %arg6[%dma_start3A_128] : memref<50176xf32, #tpu.memory_space<vmem>> -> memref<1568xf32, #tpu.memory_space<vmem>>
    %dma_start3A_130 = tpu.memref_slice %arg2[%add3A_24] : memref<1605632xf32, #tpu.memory_space<hbm>> -> memref<1568xf32, #tpu.memory_space<hbm>>
    %dma_start3A_131 = arith.constant 15680 : i32
    %dma_start3A_132 = tpu.memref_slice %arg6[%dma_start3A_131] : memref<50176xf32, #tpu.memory_space<vmem>> -> memref<1568xf32, #tpu.memory_space<vmem>>
    %dma_start3A_133 = tpu.memref_slice %arg2[%add3A_24] : memref<1605632xf32, #tpu.memory_space<hbm>> -> memref<1568xf32, #tpu.memory_space<hbm>>
    tpu.enqueue_dma source(%dma_start3A_133 : memref<1568xf32, #tpu.memory_space<hbm>>) target(%dma_start3A_132 : memref<1568xf32, #tpu.memory_space<vmem>>) target_semaphore(%arg10 : memref<!tpu.dma_semaphore, #tpu.memory_space<semaphore_mem>>)
    %dma_start3A_134 = arith.constant 17248 : i32
    %dma_start3A_135 = tpu.memref_slice %arg6[%dma_start3A_134] : memref<50176xf32, #tpu.memory_space<vmem>> -> memref<1568xf32, #tpu.memory_space<vmem>>
    %dma_start3A_136 = tpu.memref_slice %arg2[%add3A_26] : memref<1605632xf32, #tpu.memory_space<hbm>> -> memref<1568xf32, #tpu.memory_space<hbm>>
    %dma_start3A_137 = arith.constant 17248 : i32
    %dma_start3A_138 = tpu.memref_slice %arg6[%dma_start3A_137] : memref<50176xf32, #tpu.memory_space<vmem>> -> memref<1568xf32, #tpu.memory_space<vmem>>
    %dma_start3A_139 = tpu.memref_slice %arg2[%add3A_26] : memref<1605632xf32, #tpu.memory_space<hbm>> -> memref<1568xf32, #tpu.memory_space<hbm>>
    tpu.enqueue_dma source(%dma_start3A_139 : memref<1568xf32, #tpu.memory_space<hbm>>) target(%dma_start3A_138 : memref<1568xf32, #tpu.memory_space<vmem>>) target_semaphore(%arg10 : memref<!tpu.dma_semaphore, #tpu.memory_space<semaphore_mem>>)
    %dma_start3A_140 = arith.constant 18816 : i32
    %dma_start3A_141 = tpu.memref_slice %arg6[%dma_start3A_140] : memref<50176xf32, #tpu.memory_space<vmem>> -> memref<1568xf32, #tpu.memory_space<vmem>>
    %dma_start3A_142 = tpu.memref_slice %arg2[%add3A_28] : memref<1605632xf32, #tpu.memory_space<hbm>> -> memref<1568xf32, #tpu.memory_space<hbm>>
    %dma_start3A_143 = arith.constant 18816 : i32
    %dma_start3A_144 = tpu.memref_slice %arg6[%dma_start3A_143] : memref<50176xf32, #tpu.memory_space<vmem>> -> memref<1568xf32, #tpu.memory_space<vmem>>
    %dma_start3A_145 = tpu.memref_slice %arg2[%add3A_28] : memref<1605632xf32, #tpu.memory_space<hbm>> -> memref<1568xf32, #tpu.memory_space<hbm>>
    tpu.enqueue_dma source(%dma_start3A_145 : memref<1568xf32, #tpu.memory_space<hbm>>) target(%dma_start3A_144 : memref<1568xf32, #tpu.memory_space<vmem>>) target_semaphore(%arg10 : memref<!tpu.dma_semaphore, #tpu.memory_space<semaphore_mem>>)
    %dma_start3A_146 = arith.constant 20384 : i32
    %dma_start3A_147 = tpu.memref_slice %arg6[%dma_start3A_146] : memref<50176xf32, #tpu.memory_space<vmem>> -> memref<1568xf32, #tpu.memory_space<vmem>>
    %dma_start3A_148 = tpu.memref_slice %arg2[%add3A_30] : memref<1605632xf32, #tpu.memory_space<hbm>> -> memref<1568xf32, #tpu.memory_space<hbm>>
    %dma_start3A_149 = arith.constant 20384 : i32
    %dma_start3A_150 = tpu.memref_slice %arg6[%dma_start3A_149] : memref<50176xf32, #tpu.memory_space<vmem>> -> memref<1568xf32, #tpu.memory_space<vmem>>
    %dma_start3A_151 = tpu.memref_slice %arg2[%add3A_30] : memref<1605632xf32, #tpu.memory_space<hbm>> -> memref<1568xf32, #tpu.memory_space<hbm>>
    tpu.enqueue_dma source(%dma_start3A_151 : memref<1568xf32, #tpu.memory_space<hbm>>) target(%dma_start3A_150 : memref<1568xf32, #tpu.memory_space<vmem>>) target_semaphore(%arg10 : memref<!tpu.dma_semaphore, #tpu.memory_space<semaphore_mem>>)
    %dma_start3A_152 = arith.constant 21952 : i32
    %dma_start3A_153 = tpu.memref_slice %arg6[%dma_start3A_152] : memref<50176xf32, #tpu.memory_space<vmem>> -> memref<1568xf32, #tpu.memory_space<vmem>>
    %dma_start3A_154 = tpu.memref_slice %arg2[%add3A_32] : memref<1605632xf32, #tpu.memory_space<hbm>> -> memref<1568xf32, #tpu.memory_space<hbm>>
    %dma_start3A_155 = arith.constant 21952 : i32
    %dma_start3A_156 = tpu.memref_slice %arg6[%dma_start3A_155] : memref<50176xf32, #tpu.memory_space<vmem>> -> memref<1568xf32, #tpu.memory_space<vmem>>
    %dma_start3A_157 = tpu.memref_slice %arg2[%add3A_32] : memref<1605632xf32, #tpu.memory_space<hbm>> -> memref<1568xf32, #tpu.memory_space<hbm>>
    tpu.enqueue_dma source(%dma_start3A_157 : memref<1568xf32, #tpu.memory_space<hbm>>) target(%dma_start3A_156 : memref<1568xf32, #tpu.memory_space<vmem>>) target_semaphore(%arg10 : memref<!tpu.dma_semaphore, #tpu.memory_space<semaphore_mem>>)
    %dma_start3A_158 = arith.constant 23520 : i32
    %dma_start3A_159 = tpu.memref_slice %arg6[%dma_start3A_158] : memref<50176xf32, #tpu.memory_space<vmem>> -> memref<1568xf32, #tpu.memory_space<vmem>>
    %dma_start3A_160 = tpu.memref_slice %arg2[%add3A_34] : memref<1605632xf32, #tpu.memory_space<hbm>> -> memref<1568xf32, #tpu.memory_space<hbm>>
    %dma_start3A_161 = arith.constant 23520 : i32
    %dma_start3A_162 = tpu.memref_slice %arg6[%dma_start3A_161] : memref<50176xf32, #tpu.memory_space<vmem>> -> memref<1568xf32, #tpu.memory_space<vmem>>
    %dma_start3A_163 = tpu.memref_slice %arg2[%add3A_34] : memref<1605632xf32, #tpu.memory_space<hbm>> -> memref<1568xf32, #tpu.memory_space<hbm>>
    tpu.enqueue_dma source(%dma_start3A_163 : memref<1568xf32, #tpu.memory_space<hbm>>) target(%dma_start3A_162 : memref<1568xf32, #tpu.memory_space<vmem>>) target_semaphore(%arg10 : memref<!tpu.dma_semaphore, #tpu.memory_space<semaphore_mem>>)
    %dma_start3A_164 = arith.constant 25088 : i32
    %dma_start3A_165 = tpu.memref_slice %arg6[%dma_start3A_164] : memref<50176xf32, #tpu.memory_space<vmem>> -> memref<1568xf32, #tpu.memory_space<vmem>>
    %dma_start3A_166 = tpu.memref_slice %arg2[%add3A_36] : memref<1605632xf32, #tpu.memory_space<hbm>> -> memref<1568xf32, #tpu.memory_space<hbm>>
    %dma_start3A_167 = arith.constant 25088 : i32
    %dma_start3A_168 = tpu.memref_slice %arg6[%dma_start3A_167] : memref<50176xf32, #tpu.memory_space<vmem>> -> memref<1568xf32, #tpu.memory_space<vmem>>
    %dma_start3A_169 = tpu.memref_slice %arg2[%add3A_36] : memref<1605632xf32, #tpu.memory_space<hbm>> -> memref<1568xf32, #tpu.memory_space<hbm>>
    tpu.enqueue_dma source(%dma_start3A_169 : memref<1568xf32, #tpu.memory_space<hbm>>) target(%dma_start3A_168 : memref<1568xf32, #tpu.memory_space<vmem>>) target_semaphore(%arg10 : memref<!tpu.dma_semaphore, #tpu.memory_space<semaphore_mem>>)
    %dma_start3A_170 = arith.constant 26656 : i32
    %dma_start3A_171 = tpu.memref_slice %arg6[%dma_start3A_170] : memref<50176xf32, #tpu.memory_space<vmem>> -> memref<1568xf32, #tpu.memory_space<vmem>>
    %dma_start3A_172 = tpu.memref_slice %arg2[%add3A_38] : memref<1605632xf32, #tpu.memory_space<hbm>> -> memref<1568xf32, #tpu.memory_space<hbm>>
    %dma_start3A_173 = arith.constant 26656 : i32
    %dma_start3A_174 = tpu.memref_slice %arg6[%dma_start3A_173] : memref<50176xf32, #tpu.memory_space<vmem>> -> memref<1568xf32, #tpu.memory_space<vmem>>
    %dma_start3A_175 = tpu.memref_slice %arg2[%add3A_38] : memref<1605632xf32, #tpu.memory_space<hbm>> -> memref<1568xf32, #tpu.memory_space<hbm>>
    tpu.enqueue_dma source(%dma_start3A_175 : memref<1568xf32, #tpu.memory_space<hbm>>) target(%dma_start3A_174 : memref<1568xf32, #tpu.memory_space<vmem>>) target_semaphore(%arg10 : memref<!tpu.dma_semaphore, #tpu.memory_space<semaphore_mem>>)
    %dma_start3A_176 = arith.constant 28224 : i32
    %dma_start3A_177 = tpu.memref_slice %arg6[%dma_start3A_176] : memref<50176xf32, #tpu.memory_space<vmem>> -> memref<1568xf32, #tpu.memory_space<vmem>>
    %dma_start3A_178 = tpu.memref_slice %arg2[%add3A_40] : memref<1605632xf32, #tpu.memory_space<hbm>> -> memref<1568xf32, #tpu.memory_space<hbm>>
    %dma_start3A_179 = arith.constant 28224 : i32
    %dma_start3A_180 = tpu.memref_slice %arg6[%dma_start3A_179] : memref<50176xf32, #tpu.memory_space<vmem>> -> memref<1568xf32, #tpu.memory_space<vmem>>
    %dma_start3A_181 = tpu.memref_slice %arg2[%add3A_40] : memref<1605632xf32, #tpu.memory_space<hbm>> -> memref<1568xf32, #tpu.memory_space<hbm>>
    tpu.enqueue_dma source(%dma_start3A_181 : memref<1568xf32, #tpu.memory_space<hbm>>) target(%dma_start3A_180 : memref<1568xf32, #tpu.memory_space<vmem>>) target_semaphore(%arg10 : memref<!tpu.dma_semaphore, #tpu.memory_space<semaphore_mem>>)
    %dma_start3A_182 = arith.constant 29792 : i32
    %dma_start3A_183 = tpu.memref_slice %arg6[%dma_start3A_182] : memref<50176xf32, #tpu.memory_space<vmem>> -> memref<1568xf32, #tpu.memory_space<vmem>>
    %dma_start3A_184 = tpu.memref_slice %arg2[%add3A_42] : memref<1605632xf32, #tpu.memory_space<hbm>> -> memref<1568xf32, #tpu.memory_space<hbm>>
    %dma_start3A_185 = arith.constant 29792 : i32
    %dma_start3A_186 = tpu.memref_slice %arg6[%dma_start3A_185] : memref<50176xf32, #tpu.memory_space<vmem>> -> memref<1568xf32, #tpu.memory_space<vmem>>
    %dma_start3A_187 = tpu.memref_slice %arg2[%add3A_42] : memref<1605632xf32, #tpu.memory_space<hbm>> -> memref<1568xf32, #tpu.memory_space<hbm>>
    tpu.enqueue_dma source(%dma_start3A_187 : memref<1568xf32, #tpu.memory_space<hbm>>) target(%dma_start3A_186 : memref<1568xf32, #tpu.memory_space<vmem>>) target_semaphore(%arg10 : memref<!tpu.dma_semaphore, #tpu.memory_space<semaphore_mem>>)
    %dma_start3A_188 = arith.constant 31360 : i32
    %dma_start3A_189 = tpu.memref_slice %arg6[%dma_start3A_188] : memref<50176xf32, #tpu.memory_space<vmem>> -> memref<1568xf32, #tpu.memory_space<vmem>>
    %dma_start3A_190 = tpu.memref_slice %arg2[%add3A_44] : memref<1605632xf32, #tpu.memory_space<hbm>> -> memref<1568xf32, #tpu.memory_space<hbm>>
    %dma_start3A_191 = arith.constant 31360 : i32
    %dma_start3A_192 = tpu.memref_slice %arg6[%dma_start3A_191] : memref<50176xf32, #tpu.memory_space<vmem>> -> memref<1568xf32, #tpu.memory_space<vmem>>
    %dma_start3A_193 = tpu.memref_slice %arg2[%add3A_44] : memref<1605632xf32, #tpu.memory_space<hbm>> -> memref<1568xf32, #tpu.memory_space<hbm>>
    tpu.enqueue_dma source(%dma_start3A_193 : memref<1568xf32, #tpu.memory_space<hbm>>) target(%dma_start3A_192 : memref<1568xf32, #tpu.memory_space<vmem>>) target_semaphore(%arg10 : memref<!tpu.dma_semaphore, #tpu.memory_space<semaphore_mem>>)
    %dma_start3A_194 = arith.constant 32928 : i32
    %dma_start3A_195 = tpu.memref_slice %arg6[%dma_start3A_194] : memref<50176xf32, #tpu.memory_space<vmem>> -> memref<1568xf32, #tpu.memory_space<vmem>>
    %dma_start3A_196 = tpu.memref_slice %arg2[%add3A_46] : memref<1605632xf32, #tpu.memory_space<hbm>> -> memref<1568xf32, #tpu.memory_space<hbm>>
    %dma_start3A_197 = arith.constant 32928 : i32
    %dma_start3A_198 = tpu.memref_slice %arg6[%dma_start3A_197] : memref<50176xf32, #tpu.memory_space<vmem>> -> memref<1568xf32, #tpu.memory_space<vmem>>
    %dma_start3A_199 = tpu.memref_slice %arg2[%add3A_46] : memref<1605632xf32, #tpu.memory_space<hbm>> -> memref<1568xf32, #tpu.memory_space<hbm>>
    tpu.enqueue_dma source(%dma_start3A_199 : memref<1568xf32, #tpu.memory_space<hbm>>) target(%dma_start3A_198 : memref<1568xf32, #tpu.memory_space<vmem>>) target_semaphore(%arg10 : memref<!tpu.dma_semaphore, #tpu.memory_space<semaphore_mem>>)
    %dma_start3A_200 = arith.constant 34496 : i32
    %dma_start3A_201 = tpu.memref_slice %arg6[%dma_start3A_200] : memref<50176xf32, #tpu.memory_space<vmem>> -> memref<1568xf32, #tpu.memory_space<vmem>>
    %dma_start3A_202 = tpu.memref_slice %arg2[%add3A_48] : memref<1605632xf32, #tpu.memory_space<hbm>> -> memref<1568xf32, #tpu.memory_space<hbm>>
    %dma_start3A_203 = arith.constant 34496 : i32
    %dma_start3A_204 = tpu.memref_slice %arg6[%dma_start3A_203] : memref<50176xf32, #tpu.memory_space<vmem>> -> memref<1568xf32, #tpu.memory_space<vmem>>
    %dma_start3A_205 = tpu.memref_slice %arg2[%add3A_48] : memref<1605632xf32, #tpu.memory_space<hbm>> -> memref<1568xf32, #tpu.memory_space<hbm>>
    tpu.enqueue_dma source(%dma_start3A_205 : memref<1568xf32, #tpu.memory_space<hbm>>) target(%dma_start3A_204 : memref<1568xf32, #tpu.memory_space<vmem>>) target_semaphore(%arg10 : memref<!tpu.dma_semaphore, #tpu.memory_space<semaphore_mem>>)
    %dma_start3A_206 = arith.constant 36064 : i32
    %dma_start3A_207 = tpu.memref_slice %arg6[%dma_start3A_206] : memref<50176xf32, #tpu.memory_space<vmem>> -> memref<1568xf32, #tpu.memory_space<vmem>>
    %dma_start3A_208 = tpu.memref_slice %arg2[%add3A_50] : memref<1605632xf32, #tpu.memory_space<hbm>> -> memref<1568xf32, #tpu.memory_space<hbm>>
    %dma_start3A_209 = arith.constant 36064 : i32
    %dma_start3A_210 = tpu.memref_slice %arg6[%dma_start3A_209] : memref<50176xf32, #tpu.memory_space<vmem>> -> memref<1568xf32, #tpu.memory_space<vmem>>
    %dma_start3A_211 = tpu.memref_slice %arg2[%add3A_50] : memref<1605632xf32, #tpu.memory_space<hbm>> -> memref<1568xf32, #tpu.memory_space<hbm>>
    tpu.enqueue_dma source(%dma_start3A_211 : memref<1568xf32, #tpu.memory_space<hbm>>) target(%dma_start3A_210 : memref<1568xf32, #tpu.memory_space<vmem>>) target_semaphore(%arg10 : memref<!tpu.dma_semaphore, #tpu.memory_space<semaphore_mem>>)
    %dma_start3A_212 = arith.constant 37632 : i32
    %dma_start3A_213 = tpu.memref_slice %arg6[%dma_start3A_212] : memref<50176xf32, #tpu.memory_space<vmem>> -> memref<1568xf32, #tpu.memory_space<vmem>>
    %dma_start3A_214 = tpu.memref_slice %arg2[%add3A_52] : memref<1605632xf32, #tpu.memory_space<hbm>> -> memref<1568xf32, #tpu.memory_space<hbm>>
    %dma_start3A_215 = arith.constant 37632 : i32
    %dma_start3A_216 = tpu.memref_slice %arg6[%dma_start3A_215] : memref<50176xf32, #tpu.memory_space<vmem>> -> memref<1568xf32, #tpu.memory_space<vmem>>
    %dma_start3A_217 = tpu.memref_slice %arg2[%add3A_52] : memref<1605632xf32, #tpu.memory_space<hbm>> -> memref<1568xf32, #tpu.memory_space<hbm>>
    tpu.enqueue_dma source(%dma_start3A_217 : memref<1568xf32, #tpu.memory_space<hbm>>) target(%dma_start3A_216 : memref<1568xf32, #tpu.memory_space<vmem>>) target_semaphore(%arg10 : memref<!tpu.dma_semaphore, #tpu.memory_space<semaphore_mem>>)
    %dma_start3A_218 = arith.constant 39200 : i32
    %dma_start3A_219 = tpu.memref_slice %arg6[%dma_start3A_218] : memref<50176xf32, #tpu.memory_space<vmem>> -> memref<1568xf32, #tpu.memory_space<vmem>>
    %dma_start3A_220 = tpu.memref_slice %arg2[%add3A_54] : memref<1605632xf32, #tpu.memory_space<hbm>> -> memref<1568xf32, #tpu.memory_space<hbm>>
    %dma_start3A_221 = arith.constant 39200 : i32
    %dma_start3A_222 = tpu.memref_slice %arg6[%dma_start3A_221] : memref<50176xf32, #tpu.memory_space<vmem>> -> memref<1568xf32, #tpu.memory_space<vmem>>
    %dma_start3A_223 = tpu.memref_slice %arg2[%add3A_54] : memref<1605632xf32, #tpu.memory_space<hbm>> -> memref<1568xf32, #tpu.memory_space<hbm>>
    tpu.enqueue_dma source(%dma_start3A_223 : memref<1568xf32, #tpu.memory_space<hbm>>) target(%dma_start3A_222 : memref<1568xf32, #tpu.memory_space<vmem>>) target_semaphore(%arg10 : memref<!tpu.dma_semaphore, #tpu.memory_space<semaphore_mem>>)
    %dma_start3A_224 = arith.constant 40768 : i32
    %dma_start3A_225 = tpu.memref_slice %arg6[%dma_start3A_224] : memref<50176xf32, #tpu.memory_space<vmem>> -> memref<1568xf32, #tpu.memory_space<vmem>>
    %dma_start3A_226 = tpu.memref_slice %arg2[%add3A_56] : memref<1605632xf32, #tpu.memory_space<hbm>> -> memref<1568xf32, #tpu.memory_space<hbm>>
    %dma_start3A_227 = arith.constant 40768 : i32
    %dma_start3A_228 = tpu.memref_slice %arg6[%dma_start3A_227] : memref<50176xf32, #tpu.memory_space<vmem>> -> memref<1568xf32, #tpu.memory_space<vmem>>
    %dma_start3A_229 = tpu.memref_slice %arg2[%add3A_56] : memref<1605632xf32, #tpu.memory_space<hbm>> -> memref<1568xf32, #tpu.memory_space<hbm>>
    tpu.enqueue_dma source(%dma_start3A_229 : memref<1568xf32, #tpu.memory_space<hbm>>) target(%dma_start3A_228 : memref<1568xf32, #tpu.memory_space<vmem>>) target_semaphore(%arg10 : memref<!tpu.dma_semaphore, #tpu.memory_space<semaphore_mem>>)
    %dma_start3A_230 = arith.constant 42336 : i32
    %dma_start3A_231 = tpu.memref_slice %arg6[%dma_start3A_230] : memref<50176xf32, #tpu.memory_space<vmem>> -> memref<1568xf32, #tpu.memory_space<vmem>>
    %dma_start3A_232 = tpu.memref_slice %arg2[%add3A_58] : memref<1605632xf32, #tpu.memory_space<hbm>> -> memref<1568xf32, #tpu.memory_space<hbm>>
    %dma_start3A_233 = arith.constant 42336 : i32
    %dma_start3A_234 = tpu.memref_slice %arg6[%dma_start3A_233] : memref<50176xf32, #tpu.memory_space<vmem>> -> memref<1568xf32, #tpu.memory_space<vmem>>
    %dma_start3A_235 = tpu.memref_slice %arg2[%add3A_58] : memref<1605632xf32, #tpu.memory_space<hbm>> -> memref<1568xf32, #tpu.memory_space<hbm>>
    tpu.enqueue_dma source(%dma_start3A_235 : memref<1568xf32, #tpu.memory_space<hbm>>) target(%dma_start3A_234 : memref<1568xf32, #tpu.memory_space<vmem>>) target_semaphore(%arg10 : memref<!tpu.dma_semaphore, #tpu.memory_space<semaphore_mem>>)
    %dma_start3A_236 = arith.constant 43904 : i32
    %dma_start3A_237 = tpu.memref_slice %arg6[%dma_start3A_236] : memref<50176xf32, #tpu.memory_space<vmem>> -> memref<1568xf32, #tpu.memory_space<vmem>>
    %dma_start3A_238 = tpu.memref_slice %arg2[%add3A_60] : memref<1605632xf32, #tpu.memory_space<hbm>> -> memref<1568xf32, #tpu.memory_space<hbm>>
    %dma_start3A_239 = arith.constant 43904 : i32
    %dma_start3A_240 = tpu.memref_slice %arg6[%dma_start3A_239] : memref<50176xf32, #tpu.memory_space<vmem>> -> memref<1568xf32, #tpu.memory_space<vmem>>
    %dma_start3A_241 = tpu.memref_slice %arg2[%add3A_60] : memref<1605632xf32, #tpu.memory_space<hbm>> -> memref<1568xf32, #tpu.memory_space<hbm>>
    tpu.enqueue_dma source(%dma_start3A_241 : memref<1568xf32, #tpu.memory_space<hbm>>) target(%dma_start3A_240 : memref<1568xf32, #tpu.memory_space<vmem>>) target_semaphore(%arg10 : memref<!tpu.dma_semaphore, #tpu.memory_space<semaphore_mem>>)
    %dma_start3A_242 = arith.constant 45472 : i32
    %dma_start3A_243 = tpu.memref_slice %arg6[%dma_start3A_242] : memref<50176xf32, #tpu.memory_space<vmem>> -> memref<1568xf32, #tpu.memory_space<vmem>>
    %dma_start3A_244 = tpu.memref_slice %arg2[%add3A_62] : memref<1605632xf32, #tpu.memory_space<hbm>> -> memref<1568xf32, #tpu.memory_space<hbm>>
    %dma_start3A_245 = arith.constant 45472 : i32
    %dma_start3A_246 = tpu.memref_slice %arg6[%dma_start3A_245] : memref<50176xf32, #tpu.memory_space<vmem>> -> memref<1568xf32, #tpu.memory_space<vmem>>
    %dma_start3A_247 = tpu.memref_slice %arg2[%add3A_62] : memref<1605632xf32, #tpu.memory_space<hbm>> -> memref<1568xf32, #tpu.memory_space<hbm>>
    tpu.enqueue_dma source(%dma_start3A_247 : memref<1568xf32, #tpu.memory_space<hbm>>) target(%dma_start3A_246 : memref<1568xf32, #tpu.memory_space<vmem>>) target_semaphore(%arg10 : memref<!tpu.dma_semaphore, #tpu.memory_space<semaphore_mem>>)
    %dma_start3A_248 = arith.constant 47040 : i32
    %dma_start3A_249 = tpu.memref_slice %arg6[%dma_start3A_248] : memref<50176xf32, #tpu.memory_space<vmem>> -> memref<1568xf32, #tpu.memory_space<vmem>>
    %dma_start3A_250 = tpu.memref_slice %arg2[%add3A_64] : memref<1605632xf32, #tpu.memory_space<hbm>> -> memref<1568xf32, #tpu.memory_space<hbm>>
    %dma_start3A_251 = arith.constant 47040 : i32
    %dma_start3A_252 = tpu.memref_slice %arg6[%dma_start3A_251] : memref<50176xf32, #tpu.memory_space<vmem>> -> memref<1568xf32, #tpu.memory_space<vmem>>
    %dma_start3A_253 = tpu.memref_slice %arg2[%add3A_64] : memref<1605632xf32, #tpu.memory_space<hbm>> -> memref<1568xf32, #tpu.memory_space<hbm>>
    tpu.enqueue_dma source(%dma_start3A_253 : memref<1568xf32, #tpu.memory_space<hbm>>) target(%dma_start3A_252 : memref<1568xf32, #tpu.memory_space<vmem>>) target_semaphore(%arg10 : memref<!tpu.dma_semaphore, #tpu.memory_space<semaphore_mem>>)
    %dma_start3A_254 = arith.constant 48608 : i32
    %dma_start3A_255 = tpu.memref_slice %arg6[%dma_start3A_254] : memref<50176xf32, #tpu.memory_space<vmem>> -> memref<1568xf32, #tpu.memory_space<vmem>>
    %dma_start3A_256 = tpu.memref_slice %arg2[%add3A_66] : memref<1605632xf32, #tpu.memory_space<hbm>> -> memref<1568xf32, #tpu.memory_space<hbm>>
    %dma_start3A_257 = arith.constant 48608 : i32
    %dma_start3A_258 = tpu.memref_slice %arg6[%dma_start3A_257] : memref<50176xf32, #tpu.memory_space<vmem>> -> memref<1568xf32, #tpu.memory_space<vmem>>
    %dma_start3A_259 = tpu.memref_slice %arg2[%add3A_66] : memref<1605632xf32, #tpu.memory_space<hbm>> -> memref<1568xf32, #tpu.memory_space<hbm>>
    tpu.enqueue_dma source(%dma_start3A_259 : memref<1568xf32, #tpu.memory_space<hbm>>) target(%dma_start3A_258 : memref<1568xf32, #tpu.memory_space<vmem>>) target_semaphore(%arg10 : memref<!tpu.dma_semaphore, #tpu.memory_space<semaphore_mem>>)
    tpu.wait_dma2 semaphore(%arg10 : memref<!tpu.dma_semaphore, #tpu.memory_space<semaphore_mem>>) src(%arg4 : memref<128xf32, #tpu.memory_space<hbm>>) dst(%arg9 : memref<128xf32, #tpu.memory_space<vmem>>)
    %dma_wait3A = tpu.memref_slice %arg3[%mul3A_2] : memref<50176xf32, #tpu.memory_space<hbm>> -> memref<1568xf32, #tpu.memory_space<hbm>>
    %dma_wait3A_260 = tpu.memref_slice %arg3[%mul3A_2] : memref<50176xf32, #tpu.memory_space<hbm>> -> memref<1568xf32, #tpu.memory_space<hbm>>
    tpu.wait_dma2 semaphore(%arg10 : memref<!tpu.dma_semaphore, #tpu.memory_space<semaphore_mem>>) src(%dma_wait3A_260 : memref<1568xf32, #tpu.memory_space<hbm>>) dst(%arg7 : memref<1568xf32, #tpu.memory_space<vmem>>)
    %dma_wait3A_261 = arith.constant 0 : i32
    %dma_wait3A_262 = tpu.memref_slice %arg6[%dma_wait3A_261] : memref<50176xf32, #tpu.memory_space<vmem>> -> memref<1568xf32, #tpu.memory_space<vmem>>
    %dma_wait3A_263 = tpu.memref_slice %arg2[%add3A_4] : memref<1605632xf32, #tpu.memory_space<hbm>> -> memref<1568xf32, #tpu.memory_space<hbm>>
    %dma_wait3A_264 = arith.constant 0 : i32
    %dma_wait3A_265 = tpu.memref_slice %arg6[%dma_wait3A_264] : memref<50176xf32, #tpu.memory_space<vmem>> -> memref<1568xf32, #tpu.memory_space<vmem>>
    %dma_wait3A_266 = tpu.memref_slice %arg2[%add3A_4] : memref<1605632xf32, #tpu.memory_space<hbm>> -> memref<1568xf32, #tpu.memory_space<hbm>>
    tpu.wait_dma2 semaphore(%arg10 : memref<!tpu.dma_semaphore, #tpu.memory_space<semaphore_mem>>) src(%dma_wait3A_266 : memref<1568xf32, #tpu.memory_space<hbm>>) dst(%dma_wait3A_265 : memref<1568xf32, #tpu.memory_space<vmem>>)
    %dma_wait3A_267 = arith.constant 1568 : i32
    %dma_wait3A_268 = tpu.memref_slice %arg6[%dma_wait3A_267] : memref<50176xf32, #tpu.memory_space<vmem>> -> memref<1568xf32, #tpu.memory_space<vmem>>
    %dma_wait3A_269 = tpu.memref_slice %arg2[%add3A_6] : memref<1605632xf32, #tpu.memory_space<hbm>> -> memref<1568xf32, #tpu.memory_space<hbm>>
    %dma_wait3A_270 = arith.constant 1568 : i32
    %dma_wait3A_271 = tpu.memref_slice %arg6[%dma_wait3A_270] : memref<50176xf32, #tpu.memory_space<vmem>> -> memref<1568xf32, #tpu.memory_space<vmem>>
    %dma_wait3A_272 = tpu.memref_slice %arg2[%add3A_6] : memref<1605632xf32, #tpu.memory_space<hbm>> -> memref<1568xf32, #tpu.memory_space<hbm>>
    tpu.wait_dma2 semaphore(%arg10 : memref<!tpu.dma_semaphore, #tpu.memory_space<semaphore_mem>>) src(%dma_wait3A_272 : memref<1568xf32, #tpu.memory_space<hbm>>) dst(%dma_wait3A_271 : memref<1568xf32, #tpu.memory_space<vmem>>)
    %dma_wait3A_273 = arith.constant 3136 : i32
    %dma_wait3A_274 = tpu.memref_slice %arg6[%dma_wait3A_273] : memref<50176xf32, #tpu.memory_space<vmem>> -> memref<1568xf32, #tpu.memory_space<vmem>>
    %dma_wait3A_275 = tpu.memref_slice %arg2[%add3A_8] : memref<1605632xf32, #tpu.memory_space<hbm>> -> memref<1568xf32, #tpu.memory_space<hbm>>
    %dma_wait3A_276 = arith.constant 3136 : i32
    %dma_wait3A_277 = tpu.memref_slice %arg6[%dma_wait3A_276] : memref<50176xf32, #tpu.memory_space<vmem>> -> memref<1568xf32, #tpu.memory_space<vmem>>
    %dma_wait3A_278 = tpu.memref_slice %arg2[%add3A_8] : memref<1605632xf32, #tpu.memory_space<hbm>> -> memref<1568xf32, #tpu.memory_space<hbm>>
    tpu.wait_dma2 semaphore(%arg10 : memref<!tpu.dma_semaphore, #tpu.memory_space<semaphore_mem>>) src(%dma_wait3A_278 : memref<1568xf32, #tpu.memory_space<hbm>>) dst(%dma_wait3A_277 : memref<1568xf32, #tpu.memory_space<vmem>>)
    %dma_wait3A_279 = arith.constant 4704 : i32
    %dma_wait3A_280 = tpu.memref_slice %arg6[%dma_wait3A_279] : memref<50176xf32, #tpu.memory_space<vmem>> -> memref<1568xf32, #tpu.memory_space<vmem>>
    %dma_wait3A_281 = tpu.memref_slice %arg2[%add3A_10] : memref<1605632xf32, #tpu.memory_space<hbm>> -> memref<1568xf32, #tpu.memory_space<hbm>>
    %dma_wait3A_282 = arith.constant 4704 : i32
    %dma_wait3A_283 = tpu.memref_slice %arg6[%dma_wait3A_282] : memref<50176xf32, #tpu.memory_space<vmem>> -> memref<1568xf32, #tpu.memory_space<vmem>>
    %dma_wait3A_284 = tpu.memref_slice %arg2[%add3A_10] : memref<1605632xf32, #tpu.memory_space<hbm>> -> memref<1568xf32, #tpu.memory_space<hbm>>
    tpu.wait_dma2 semaphore(%arg10 : memref<!tpu.dma_semaphore, #tpu.memory_space<semaphore_mem>>) src(%dma_wait3A_284 : memref<1568xf32, #tpu.memory_space<hbm>>) dst(%dma_wait3A_283 : memref<1568xf32, #tpu.memory_space<vmem>>)
    %dma_wait3A_285 = arith.constant 6272 : i32
    %dma_wait3A_286 = tpu.memref_slice %arg6[%dma_wait3A_285] : memref<50176xf32, #tpu.memory_space<vmem>> -> memref<1568xf32, #tpu.memory_space<vmem>>
    %dma_wait3A_287 = tpu.memref_slice %arg2[%add3A_12] : memref<1605632xf32, #tpu.memory_space<hbm>> -> memref<1568xf32, #tpu.memory_space<hbm>>
    %dma_wait3A_288 = arith.constant 6272 : i32
    %dma_wait3A_289 = tpu.memref_slice %arg6[%dma_wait3A_288] : memref<50176xf32, #tpu.memory_space<vmem>> -> memref<1568xf32, #tpu.memory_space<vmem>>
    %dma_wait3A_290 = tpu.memref_slice %arg2[%add3A_12] : memref<1605632xf32, #tpu.memory_space<hbm>> -> memref<1568xf32, #tpu.memory_space<hbm>>
    tpu.wait_dma2 semaphore(%arg10 : memref<!tpu.dma_semaphore, #tpu.memory_space<semaphore_mem>>) src(%dma_wait3A_290 : memref<1568xf32, #tpu.memory_space<hbm>>) dst(%dma_wait3A_289 : memref<1568xf32, #tpu.memory_space<vmem>>)
    %dma_wait3A_291 = arith.constant 7840 : i32
    %dma_wait3A_292 = tpu.memref_slice %arg6[%dma_wait3A_291] : memref<50176xf32, #tpu.memory_space<vmem>> -> memref<1568xf32, #tpu.memory_space<vmem>>
    %dma_wait3A_293 = tpu.memref_slice %arg2[%add3A_14] : memref<1605632xf32, #tpu.memory_space<hbm>> -> memref<1568xf32, #tpu.memory_space<hbm>>
    %dma_wait3A_294 = arith.constant 7840 : i32
    %dma_wait3A_295 = tpu.memref_slice %arg6[%dma_wait3A_294] : memref<50176xf32, #tpu.memory_space<vmem>> -> memref<1568xf32, #tpu.memory_space<vmem>>
    %dma_wait3A_296 = tpu.memref_slice %arg2[%add3A_14] : memref<1605632xf32, #tpu.memory_space<hbm>> -> memref<1568xf32, #tpu.memory_space<hbm>>
    tpu.wait_dma2 semaphore(%arg10 : memref<!tpu.dma_semaphore, #tpu.memory_space<semaphore_mem>>) src(%dma_wait3A_296 : memref<1568xf32, #tpu.memory_space<hbm>>) dst(%dma_wait3A_295 : memref<1568xf32, #tpu.memory_space<vmem>>)
    %dma_wait3A_297 = arith.constant 9408 : i32
    %dma_wait3A_298 = tpu.memref_slice %arg6[%dma_wait3A_297] : memref<50176xf32, #tpu.memory_space<vmem>> -> memref<1568xf32, #tpu.memory_space<vmem>>
    %dma_wait3A_299 = tpu.memref_slice %arg2[%add3A_16] : memref<1605632xf32, #tpu.memory_space<hbm>> -> memref<1568xf32, #tpu.memory_space<hbm>>
    %dma_wait3A_300 = arith.constant 9408 : i32
    %dma_wait3A_301 = tpu.memref_slice %arg6[%dma_wait3A_300] : memref<50176xf32, #tpu.memory_space<vmem>> -> memref<1568xf32, #tpu.memory_space<vmem>>
    %dma_wait3A_302 = tpu.memref_slice %arg2[%add3A_16] : memref<1605632xf32, #tpu.memory_space<hbm>> -> memref<1568xf32, #tpu.memory_space<hbm>>
    tpu.wait_dma2 semaphore(%arg10 : memref<!tpu.dma_semaphore, #tpu.memory_space<semaphore_mem>>) src(%dma_wait3A_302 : memref<1568xf32, #tpu.memory_space<hbm>>) dst(%dma_wait3A_301 : memref<1568xf32, #tpu.memory_space<vmem>>)
    %dma_wait3A_303 = arith.constant 10976 : i32
    %dma_wait3A_304 = tpu.memref_slice %arg6[%dma_wait3A_303] : memref<50176xf32, #tpu.memory_space<vmem>> -> memref<1568xf32, #tpu.memory_space<vmem>>
    %dma_wait3A_305 = tpu.memref_slice %arg2[%add3A_18] : memref<1605632xf32, #tpu.memory_space<hbm>> -> memref<1568xf32, #tpu.memory_space<hbm>>
    %dma_wait3A_306 = arith.constant 10976 : i32
    %dma_wait3A_307 = tpu.memref_slice %arg6[%dma_wait3A_306] : memref<50176xf32, #tpu.memory_space<vmem>> -> memref<1568xf32, #tpu.memory_space<vmem>>
    %dma_wait3A_308 = tpu.memref_slice %arg2[%add3A_18] : memref<1605632xf32, #tpu.memory_space<hbm>> -> memref<1568xf32, #tpu.memory_space<hbm>>
    tpu.wait_dma2 semaphore(%arg10 : memref<!tpu.dma_semaphore, #tpu.memory_space<semaphore_mem>>) src(%dma_wait3A_308 : memref<1568xf32, #tpu.memory_space<hbm>>) dst(%dma_wait3A_307 : memref<1568xf32, #tpu.memory_space<vmem>>)
    %dma_wait3A_309 = arith.constant 12544 : i32
    %dma_wait3A_310 = tpu.memref_slice %arg6[%dma_wait3A_309] : memref<50176xf32, #tpu.memory_space<vmem>> -> memref<1568xf32, #tpu.memory_space<vmem>>
    %dma_wait3A_311 = tpu.memref_slice %arg2[%add3A_20] : memref<1605632xf32, #tpu.memory_space<hbm>> -> memref<1568xf32, #tpu.memory_space<hbm>>
    %dma_wait3A_312 = arith.constant 12544 : i32
    %dma_wait3A_313 = tpu.memref_slice %arg6[%dma_wait3A_312] : memref<50176xf32, #tpu.memory_space<vmem>> -> memref<1568xf32, #tpu.memory_space<vmem>>
    %dma_wait3A_314 = tpu.memref_slice %arg2[%add3A_20] : memref<1605632xf32, #tpu.memory_space<hbm>> -> memref<1568xf32, #tpu.memory_space<hbm>>
    tpu.wait_dma2 semaphore(%arg10 : memref<!tpu.dma_semaphore, #tpu.memory_space<semaphore_mem>>) src(%dma_wait3A_314 : memref<1568xf32, #tpu.memory_space<hbm>>) dst(%dma_wait3A_313 : memref<1568xf32, #tpu.memory_space<vmem>>)
    %dma_wait3A_315 = arith.constant 14112 : i32
    %dma_wait3A_316 = tpu.memref_slice %arg6[%dma_wait3A_315] : memref<50176xf32, #tpu.memory_space<vmem>> -> memref<1568xf32, #tpu.memory_space<vmem>>
    %dma_wait3A_317 = tpu.memref_slice %arg2[%add3A_22] : memref<1605632xf32, #tpu.memory_space<hbm>> -> memref<1568xf32, #tpu.memory_space<hbm>>
    %dma_wait3A_318 = arith.constant 14112 : i32
    %dma_wait3A_319 = tpu.memref_slice %arg6[%dma_wait3A_318] : memref<50176xf32, #tpu.memory_space<vmem>> -> memref<1568xf32, #tpu.memory_space<vmem>>
    %dma_wait3A_320 = tpu.memref_slice %arg2[%add3A_22] : memref<1605632xf32, #tpu.memory_space<hbm>> -> memref<1568xf32, #tpu.memory_space<hbm>>
    tpu.wait_dma2 semaphore(%arg10 : memref<!tpu.dma_semaphore, #tpu.memory_space<semaphore_mem>>) src(%dma_wait3A_320 : memref<1568xf32, #tpu.memory_space<hbm>>) dst(%dma_wait3A_319 : memref<1568xf32, #tpu.memory_space<vmem>>)
    %dma_wait3A_321 = arith.constant 15680 : i32
    %dma_wait3A_322 = tpu.memref_slice %arg6[%dma_wait3A_321] : memref<50176xf32, #tpu.memory_space<vmem>> -> memref<1568xf32, #tpu.memory_space<vmem>>
    %dma_wait3A_323 = tpu.memref_slice %arg2[%add3A_24] : memref<1605632xf32, #tpu.memory_space<hbm>> -> memref<1568xf32, #tpu.memory_space<hbm>>
    %dma_wait3A_324 = arith.constant 15680 : i32
    %dma_wait3A_325 = tpu.memref_slice %arg6[%dma_wait3A_324] : memref<50176xf32, #tpu.memory_space<vmem>> -> memref<1568xf32, #tpu.memory_space<vmem>>
    %dma_wait3A_326 = tpu.memref_slice %arg2[%add3A_24] : memref<1605632xf32, #tpu.memory_space<hbm>> -> memref<1568xf32, #tpu.memory_space<hbm>>
    tpu.wait_dma2 semaphore(%arg10 : memref<!tpu.dma_semaphore, #tpu.memory_space<semaphore_mem>>) src(%dma_wait3A_326 : memref<1568xf32, #tpu.memory_space<hbm>>) dst(%dma_wait3A_325 : memref<1568xf32, #tpu.memory_space<vmem>>)
    %dma_wait3A_327 = arith.constant 17248 : i32
    %dma_wait3A_328 = tpu.memref_slice %arg6[%dma_wait3A_327] : memref<50176xf32, #tpu.memory_space<vmem>> -> memref<1568xf32, #tpu.memory_space<vmem>>
    %dma_wait3A_329 = tpu.memref_slice %arg2[%add3A_26] : memref<1605632xf32, #tpu.memory_space<hbm>> -> memref<1568xf32, #tpu.memory_space<hbm>>
    %dma_wait3A_330 = arith.constant 17248 : i32
    %dma_wait3A_331 = tpu.memref_slice %arg6[%dma_wait3A_330] : memref<50176xf32, #tpu.memory_space<vmem>> -> memref<1568xf32, #tpu.memory_space<vmem>>
    %dma_wait3A_332 = tpu.memref_slice %arg2[%add3A_26] : memref<1605632xf32, #tpu.memory_space<hbm>> -> memref<1568xf32, #tpu.memory_space<hbm>>
    tpu.wait_dma2 semaphore(%arg10 : memref<!tpu.dma_semaphore, #tpu.memory_space<semaphore_mem>>) src(%dma_wait3A_332 : memref<1568xf32, #tpu.memory_space<hbm>>) dst(%dma_wait3A_331 : memref<1568xf32, #tpu.memory_space<vmem>>)
    %dma_wait3A_333 = arith.constant 18816 : i32
    %dma_wait3A_334 = tpu.memref_slice %arg6[%dma_wait3A_333] : memref<50176xf32, #tpu.memory_space<vmem>> -> memref<1568xf32, #tpu.memory_space<vmem>>
    %dma_wait3A_335 = tpu.memref_slice %arg2[%add3A_28] : memref<1605632xf32, #tpu.memory_space<hbm>> -> memref<1568xf32, #tpu.memory_space<hbm>>
    %dma_wait3A_336 = arith.constant 18816 : i32
    %dma_wait3A_337 = tpu.memref_slice %arg6[%dma_wait3A_336] : memref<50176xf32, #tpu.memory_space<vmem>> -> memref<1568xf32, #tpu.memory_space<vmem>>
    %dma_wait3A_338 = tpu.memref_slice %arg2[%add3A_28] : memref<1605632xf32, #tpu.memory_space<hbm>> -> memref<1568xf32, #tpu.memory_space<hbm>>
    tpu.wait_dma2 semaphore(%arg10 : memref<!tpu.dma_semaphore, #tpu.memory_space<semaphore_mem>>) src(%dma_wait3A_338 : memref<1568xf32, #tpu.memory_space<hbm>>) dst(%dma_wait3A_337 : memref<1568xf32, #tpu.memory_space<vmem>>)
    %dma_wait3A_339 = arith.constant 20384 : i32
    %dma_wait3A_340 = tpu.memref_slice %arg6[%dma_wait3A_339] : memref<50176xf32, #tpu.memory_space<vmem>> -> memref<1568xf32, #tpu.memory_space<vmem>>
    %dma_wait3A_341 = tpu.memref_slice %arg2[%add3A_30] : memref<1605632xf32, #tpu.memory_space<hbm>> -> memref<1568xf32, #tpu.memory_space<hbm>>
    %dma_wait3A_342 = arith.constant 20384 : i32
    %dma_wait3A_343 = tpu.memref_slice %arg6[%dma_wait3A_342] : memref<50176xf32, #tpu.memory_space<vmem>> -> memref<1568xf32, #tpu.memory_space<vmem>>
    %dma_wait3A_344 = tpu.memref_slice %arg2[%add3A_30] : memref<1605632xf32, #tpu.memory_space<hbm>> -> memref<1568xf32, #tpu.memory_space<hbm>>
    tpu.wait_dma2 semaphore(%arg10 : memref<!tpu.dma_semaphore, #tpu.memory_space<semaphore_mem>>) src(%dma_wait3A_344 : memref<1568xf32, #tpu.memory_space<hbm>>) dst(%dma_wait3A_343 : memref<1568xf32, #tpu.memory_space<vmem>>)
    %dma_wait3A_345 = arith.constant 21952 : i32
    %dma_wait3A_346 = tpu.memref_slice %arg6[%dma_wait3A_345] : memref<50176xf32, #tpu.memory_space<vmem>> -> memref<1568xf32, #tpu.memory_space<vmem>>
    %dma_wait3A_347 = tpu.memref_slice %arg2[%add3A_32] : memref<1605632xf32, #tpu.memory_space<hbm>> -> memref<1568xf32, #tpu.memory_space<hbm>>
    %dma_wait3A_348 = arith.constant 21952 : i32
    %dma_wait3A_349 = tpu.memref_slice %arg6[%dma_wait3A_348] : memref<50176xf32, #tpu.memory_space<vmem>> -> memref<1568xf32, #tpu.memory_space<vmem>>
    %dma_wait3A_350 = tpu.memref_slice %arg2[%add3A_32] : memref<1605632xf32, #tpu.memory_space<hbm>> -> memref<1568xf32, #tpu.memory_space<hbm>>
    tpu.wait_dma2 semaphore(%arg10 : memref<!tpu.dma_semaphore, #tpu.memory_space<semaphore_mem>>) src(%dma_wait3A_350 : memref<1568xf32, #tpu.memory_space<hbm>>) dst(%dma_wait3A_349 : memref<1568xf32, #tpu.memory_space<vmem>>)
    %dma_wait3A_351 = arith.constant 23520 : i32
    %dma_wait3A_352 = tpu.memref_slice %arg6[%dma_wait3A_351] : memref<50176xf32, #tpu.memory_space<vmem>> -> memref<1568xf32, #tpu.memory_space<vmem>>
    %dma_wait3A_353 = tpu.memref_slice %arg2[%add3A_34] : memref<1605632xf32, #tpu.memory_space<hbm>> -> memref<1568xf32, #tpu.memory_space<hbm>>
    %dma_wait3A_354 = arith.constant 23520 : i32
    %dma_wait3A_355 = tpu.memref_slice %arg6[%dma_wait3A_354] : memref<50176xf32, #tpu.memory_space<vmem>> -> memref<1568xf32, #tpu.memory_space<vmem>>
    %dma_wait3A_356 = tpu.memref_slice %arg2[%add3A_34] : memref<1605632xf32, #tpu.memory_space<hbm>> -> memref<1568xf32, #tpu.memory_space<hbm>>
    tpu.wait_dma2 semaphore(%arg10 : memref<!tpu.dma_semaphore, #tpu.memory_space<semaphore_mem>>) src(%dma_wait3A_356 : memref<1568xf32, #tpu.memory_space<hbm>>) dst(%dma_wait3A_355 : memref<1568xf32, #tpu.memory_space<vmem>>)
    %dma_wait3A_357 = arith.constant 25088 : i32
    %dma_wait3A_358 = tpu.memref_slice %arg6[%dma_wait3A_357] : memref<50176xf32, #tpu.memory_space<vmem>> -> memref<1568xf32, #tpu.memory_space<vmem>>
    %dma_wait3A_359 = tpu.memref_slice %arg2[%add3A_36] : memref<1605632xf32, #tpu.memory_space<hbm>> -> memref<1568xf32, #tpu.memory_space<hbm>>
    %dma_wait3A_360 = arith.constant 25088 : i32
    %dma_wait3A_361 = tpu.memref_slice %arg6[%dma_wait3A_360] : memref<50176xf32, #tpu.memory_space<vmem>> -> memref<1568xf32, #tpu.memory_space<vmem>>
    %dma_wait3A_362 = tpu.memref_slice %arg2[%add3A_36] : memref<1605632xf32, #tpu.memory_space<hbm>> -> memref<1568xf32, #tpu.memory_space<hbm>>
    tpu.wait_dma2 semaphore(%arg10 : memref<!tpu.dma_semaphore, #tpu.memory_space<semaphore_mem>>) src(%dma_wait3A_362 : memref<1568xf32, #tpu.memory_space<hbm>>) dst(%dma_wait3A_361 : memref<1568xf32, #tpu.memory_space<vmem>>)
    %dma_wait3A_363 = arith.constant 26656 : i32
    %dma_wait3A_364 = tpu.memref_slice %arg6[%dma_wait3A_363] : memref<50176xf32, #tpu.memory_space<vmem>> -> memref<1568xf32, #tpu.memory_space<vmem>>
    %dma_wait3A_365 = tpu.memref_slice %arg2[%add3A_38] : memref<1605632xf32, #tpu.memory_space<hbm>> -> memref<1568xf32, #tpu.memory_space<hbm>>
    %dma_wait3A_366 = arith.constant 26656 : i32
    %dma_wait3A_367 = tpu.memref_slice %arg6[%dma_wait3A_366] : memref<50176xf32, #tpu.memory_space<vmem>> -> memref<1568xf32, #tpu.memory_space<vmem>>
    %dma_wait3A_368 = tpu.memref_slice %arg2[%add3A_38] : memref<1605632xf32, #tpu.memory_space<hbm>> -> memref<1568xf32, #tpu.memory_space<hbm>>
    tpu.wait_dma2 semaphore(%arg10 : memref<!tpu.dma_semaphore, #tpu.memory_space<semaphore_mem>>) src(%dma_wait3A_368 : memref<1568xf32, #tpu.memory_space<hbm>>) dst(%dma_wait3A_367 : memref<1568xf32, #tpu.memory_space<vmem>>)
    %dma_wait3A_369 = arith.constant 28224 : i32
    %dma_wait3A_370 = tpu.memref_slice %arg6[%dma_wait3A_369] : memref<50176xf32, #tpu.memory_space<vmem>> -> memref<1568xf32, #tpu.memory_space<vmem>>
    %dma_wait3A_371 = tpu.memref_slice %arg2[%add3A_40] : memref<1605632xf32, #tpu.memory_space<hbm>> -> memref<1568xf32, #tpu.memory_space<hbm>>
    %dma_wait3A_372 = arith.constant 28224 : i32
    %dma_wait3A_373 = tpu.memref_slice %arg6[%dma_wait3A_372] : memref<50176xf32, #tpu.memory_space<vmem>> -> memref<1568xf32, #tpu.memory_space<vmem>>
    %dma_wait3A_374 = tpu.memref_slice %arg2[%add3A_40] : memref<1605632xf32, #tpu.memory_space<hbm>> -> memref<1568xf32, #tpu.memory_space<hbm>>
    tpu.wait_dma2 semaphore(%arg10 : memref<!tpu.dma_semaphore, #tpu.memory_space<semaphore_mem>>) src(%dma_wait3A_374 : memref<1568xf32, #tpu.memory_space<hbm>>) dst(%dma_wait3A_373 : memref<1568xf32, #tpu.memory_space<vmem>>)
    %dma_wait3A_375 = arith.constant 29792 : i32
    %dma_wait3A_376 = tpu.memref_slice %arg6[%dma_wait3A_375] : memref<50176xf32, #tpu.memory_space<vmem>> -> memref<1568xf32, #tpu.memory_space<vmem>>
    %dma_wait3A_377 = tpu.memref_slice %arg2[%add3A_42] : memref<1605632xf32, #tpu.memory_space<hbm>> -> memref<1568xf32, #tpu.memory_space<hbm>>
    %dma_wait3A_378 = arith.constant 29792 : i32
    %dma_wait3A_379 = tpu.memref_slice %arg6[%dma_wait3A_378] : memref<50176xf32, #tpu.memory_space<vmem>> -> memref<1568xf32, #tpu.memory_space<vmem>>
    %dma_wait3A_380 = tpu.memref_slice %arg2[%add3A_42] : memref<1605632xf32, #tpu.memory_space<hbm>> -> memref<1568xf32, #tpu.memory_space<hbm>>
    tpu.wait_dma2 semaphore(%arg10 : memref<!tpu.dma_semaphore, #tpu.memory_space<semaphore_mem>>) src(%dma_wait3A_380 : memref<1568xf32, #tpu.memory_space<hbm>>) dst(%dma_wait3A_379 : memref<1568xf32, #tpu.memory_space<vmem>>)
    %dma_wait3A_381 = arith.constant 31360 : i32
    %dma_wait3A_382 = tpu.memref_slice %arg6[%dma_wait3A_381] : memref<50176xf32, #tpu.memory_space<vmem>> -> memref<1568xf32, #tpu.memory_space<vmem>>
    %dma_wait3A_383 = tpu.memref_slice %arg2[%add3A_44] : memref<1605632xf32, #tpu.memory_space<hbm>> -> memref<1568xf32, #tpu.memory_space<hbm>>
    %dma_wait3A_384 = arith.constant 31360 : i32
    %dma_wait3A_385 = tpu.memref_slice %arg6[%dma_wait3A_384] : memref<50176xf32, #tpu.memory_space<vmem>> -> memref<1568xf32, #tpu.memory_space<vmem>>
    %dma_wait3A_386 = tpu.memref_slice %arg2[%add3A_44] : memref<1605632xf32, #tpu.memory_space<hbm>> -> memref<1568xf32, #tpu.memory_space<hbm>>
    tpu.wait_dma2 semaphore(%arg10 : memref<!tpu.dma_semaphore, #tpu.memory_space<semaphore_mem>>) src(%dma_wait3A_386 : memref<1568xf32, #tpu.memory_space<hbm>>) dst(%dma_wait3A_385 : memref<1568xf32, #tpu.memory_space<vmem>>)
    %dma_wait3A_387 = arith.constant 32928 : i32
    %dma_wait3A_388 = tpu.memref_slice %arg6[%dma_wait3A_387] : memref<50176xf32, #tpu.memory_space<vmem>> -> memref<1568xf32, #tpu.memory_space<vmem>>
    %dma_wait3A_389 = tpu.memref_slice %arg2[%add3A_46] : memref<1605632xf32, #tpu.memory_space<hbm>> -> memref<1568xf32, #tpu.memory_space<hbm>>
    %dma_wait3A_390 = arith.constant 32928 : i32
    %dma_wait3A_391 = tpu.memref_slice %arg6[%dma_wait3A_390] : memref<50176xf32, #tpu.memory_space<vmem>> -> memref<1568xf32, #tpu.memory_space<vmem>>
    %dma_wait3A_392 = tpu.memref_slice %arg2[%add3A_46] : memref<1605632xf32, #tpu.memory_space<hbm>> -> memref<1568xf32, #tpu.memory_space<hbm>>
    tpu.wait_dma2 semaphore(%arg10 : memref<!tpu.dma_semaphore, #tpu.memory_space<semaphore_mem>>) src(%dma_wait3A_392 : memref<1568xf32, #tpu.memory_space<hbm>>) dst(%dma_wait3A_391 : memref<1568xf32, #tpu.memory_space<vmem>>)
    %dma_wait3A_393 = arith.constant 34496 : i32
    %dma_wait3A_394 = tpu.memref_slice %arg6[%dma_wait3A_393] : memref<50176xf32, #tpu.memory_space<vmem>> -> memref<1568xf32, #tpu.memory_space<vmem>>
    %dma_wait3A_395 = tpu.memref_slice %arg2[%add3A_48] : memref<1605632xf32, #tpu.memory_space<hbm>> -> memref<1568xf32, #tpu.memory_space<hbm>>
    %dma_wait3A_396 = arith.constant 34496 : i32
    %dma_wait3A_397 = tpu.memref_slice %arg6[%dma_wait3A_396] : memref<50176xf32, #tpu.memory_space<vmem>> -> memref<1568xf32, #tpu.memory_space<vmem>>
    %dma_wait3A_398 = tpu.memref_slice %arg2[%add3A_48] : memref<1605632xf32, #tpu.memory_space<hbm>> -> memref<1568xf32, #tpu.memory_space<hbm>>
    tpu.wait_dma2 semaphore(%arg10 : memref<!tpu.dma_semaphore, #tpu.memory_space<semaphore_mem>>) src(%dma_wait3A_398 : memref<1568xf32, #tpu.memory_space<hbm>>) dst(%dma_wait3A_397 : memref<1568xf32, #tpu.memory_space<vmem>>)
    %dma_wait3A_399 = arith.constant 36064 : i32
    %dma_wait3A_400 = tpu.memref_slice %arg6[%dma_wait3A_399] : memref<50176xf32, #tpu.memory_space<vmem>> -> memref<1568xf32, #tpu.memory_space<vmem>>
    %dma_wait3A_401 = tpu.memref_slice %arg2[%add3A_50] : memref<1605632xf32, #tpu.memory_space<hbm>> -> memref<1568xf32, #tpu.memory_space<hbm>>
    %dma_wait3A_402 = arith.constant 36064 : i32
    %dma_wait3A_403 = tpu.memref_slice %arg6[%dma_wait3A_402] : memref<50176xf32, #tpu.memory_space<vmem>> -> memref<1568xf32, #tpu.memory_space<vmem>>
    %dma_wait3A_404 = tpu.memref_slice %arg2[%add3A_50] : memref<1605632xf32, #tpu.memory_space<hbm>> -> memref<1568xf32, #tpu.memory_space<hbm>>
    tpu.wait_dma2 semaphore(%arg10 : memref<!tpu.dma_semaphore, #tpu.memory_space<semaphore_mem>>) src(%dma_wait3A_404 : memref<1568xf32, #tpu.memory_space<hbm>>) dst(%dma_wait3A_403 : memref<1568xf32, #tpu.memory_space<vmem>>)
    %dma_wait3A_405 = arith.constant 37632 : i32
    %dma_wait3A_406 = tpu.memref_slice %arg6[%dma_wait3A_405] : memref<50176xf32, #tpu.memory_space<vmem>> -> memref<1568xf32, #tpu.memory_space<vmem>>
    %dma_wait3A_407 = tpu.memref_slice %arg2[%add3A_52] : memref<1605632xf32, #tpu.memory_space<hbm>> -> memref<1568xf32, #tpu.memory_space<hbm>>
    %dma_wait3A_408 = arith.constant 37632 : i32
    %dma_wait3A_409 = tpu.memref_slice %arg6[%dma_wait3A_408] : memref<50176xf32, #tpu.memory_space<vmem>> -> memref<1568xf32, #tpu.memory_space<vmem>>
    %dma_wait3A_410 = tpu.memref_slice %arg2[%add3A_52] : memref<1605632xf32, #tpu.memory_space<hbm>> -> memref<1568xf32, #tpu.memory_space<hbm>>
    tpu.wait_dma2 semaphore(%arg10 : memref<!tpu.dma_semaphore, #tpu.memory_space<semaphore_mem>>) src(%dma_wait3A_410 : memref<1568xf32, #tpu.memory_space<hbm>>) dst(%dma_wait3A_409 : memref<1568xf32, #tpu.memory_space<vmem>>)
    %dma_wait3A_411 = arith.constant 39200 : i32
    %dma_wait3A_412 = tpu.memref_slice %arg6[%dma_wait3A_411] : memref<50176xf32, #tpu.memory_space<vmem>> -> memref<1568xf32, #tpu.memory_space<vmem>>
    %dma_wait3A_413 = tpu.memref_slice %arg2[%add3A_54] : memref<1605632xf32, #tpu.memory_space<hbm>> -> memref<1568xf32, #tpu.memory_space<hbm>>
    %dma_wait3A_414 = arith.constant 39200 : i32
    %dma_wait3A_415 = tpu.memref_slice %arg6[%dma_wait3A_414] : memref<50176xf32, #tpu.memory_space<vmem>> -> memref<1568xf32, #tpu.memory_space<vmem>>
    %dma_wait3A_416 = tpu.memref_slice %arg2[%add3A_54] : memref<1605632xf32, #tpu.memory_space<hbm>> -> memref<1568xf32, #tpu.memory_space<hbm>>
    tpu.wait_dma2 semaphore(%arg10 : memref<!tpu.dma_semaphore, #tpu.memory_space<semaphore_mem>>) src(%dma_wait3A_416 : memref<1568xf32, #tpu.memory_space<hbm>>) dst(%dma_wait3A_415 : memref<1568xf32, #tpu.memory_space<vmem>>)
    %dma_wait3A_417 = arith.constant 40768 : i32
    %dma_wait3A_418 = tpu.memref_slice %arg6[%dma_wait3A_417] : memref<50176xf32, #tpu.memory_space<vmem>> -> memref<1568xf32, #tpu.memory_space<vmem>>
    %dma_wait3A_419 = tpu.memref_slice %arg2[%add3A_56] : memref<1605632xf32, #tpu.memory_space<hbm>> -> memref<1568xf32, #tpu.memory_space<hbm>>
    %dma_wait3A_420 = arith.constant 40768 : i32
    %dma_wait3A_421 = tpu.memref_slice %arg6[%dma_wait3A_420] : memref<50176xf32, #tpu.memory_space<vmem>> -> memref<1568xf32, #tpu.memory_space<vmem>>
    %dma_wait3A_422 = tpu.memref_slice %arg2[%add3A_56] : memref<1605632xf32, #tpu.memory_space<hbm>> -> memref<1568xf32, #tpu.memory_space<hbm>>
    tpu.wait_dma2 semaphore(%arg10 : memref<!tpu.dma_semaphore, #tpu.memory_space<semaphore_mem>>) src(%dma_wait3A_422 : memref<1568xf32, #tpu.memory_space<hbm>>) dst(%dma_wait3A_421 : memref<1568xf32, #tpu.memory_space<vmem>>)
    %dma_wait3A_423 = arith.constant 42336 : i32
    %dma_wait3A_424 = tpu.memref_slice %arg6[%dma_wait3A_423] : memref<50176xf32, #tpu.memory_space<vmem>> -> memref<1568xf32, #tpu.memory_space<vmem>>
    %dma_wait3A_425 = tpu.memref_slice %arg2[%add3A_58] : memref<1605632xf32, #tpu.memory_space<hbm>> -> memref<1568xf32, #tpu.memory_space<hbm>>
    %dma_wait3A_426 = arith.constant 42336 : i32
    %dma_wait3A_427 = tpu.memref_slice %arg6[%dma_wait3A_426] : memref<50176xf32, #tpu.memory_space<vmem>> -> memref<1568xf32, #tpu.memory_space<vmem>>
    %dma_wait3A_428 = tpu.memref_slice %arg2[%add3A_58] : memref<1605632xf32, #tpu.memory_space<hbm>> -> memref<1568xf32, #tpu.memory_space<hbm>>
    tpu.wait_dma2 semaphore(%arg10 : memref<!tpu.dma_semaphore, #tpu.memory_space<semaphore_mem>>) src(%dma_wait3A_428 : memref<1568xf32, #tpu.memory_space<hbm>>) dst(%dma_wait3A_427 : memref<1568xf32, #tpu.memory_space<vmem>>)
    %dma_wait3A_429 = arith.constant 43904 : i32
    %dma_wait3A_430 = tpu.memref_slice %arg6[%dma_wait3A_429] : memref<50176xf32, #tpu.memory_space<vmem>> -> memref<1568xf32, #tpu.memory_space<vmem>>
    %dma_wait3A_431 = tpu.memref_slice %arg2[%add3A_60] : memref<1605632xf32, #tpu.memory_space<hbm>> -> memref<1568xf32, #tpu.memory_space<hbm>>
    %dma_wait3A_432 = arith.constant 43904 : i32
    %dma_wait3A_433 = tpu.memref_slice %arg6[%dma_wait3A_432] : memref<50176xf32, #tpu.memory_space<vmem>> -> memref<1568xf32, #tpu.memory_space<vmem>>
    %dma_wait3A_434 = tpu.memref_slice %arg2[%add3A_60] : memref<1605632xf32, #tpu.memory_space<hbm>> -> memref<1568xf32, #tpu.memory_space<hbm>>
    tpu.wait_dma2 semaphore(%arg10 : memref<!tpu.dma_semaphore, #tpu.memory_space<semaphore_mem>>) src(%dma_wait3A_434 : memref<1568xf32, #tpu.memory_space<hbm>>) dst(%dma_wait3A_433 : memref<1568xf32, #tpu.memory_space<vmem>>)
    %dma_wait3A_435 = arith.constant 45472 : i32
    %dma_wait3A_436 = tpu.memref_slice %arg6[%dma_wait3A_435] : memref<50176xf32, #tpu.memory_space<vmem>> -> memref<1568xf32, #tpu.memory_space<vmem>>
    %dma_wait3A_437 = tpu.memref_slice %arg2[%add3A_62] : memref<1605632xf32, #tpu.memory_space<hbm>> -> memref<1568xf32, #tpu.memory_space<hbm>>
    %dma_wait3A_438 = arith.constant 45472 : i32
    %dma_wait3A_439 = tpu.memref_slice %arg6[%dma_wait3A_438] : memref<50176xf32, #tpu.memory_space<vmem>> -> memref<1568xf32, #tpu.memory_space<vmem>>
    %dma_wait3A_440 = tpu.memref_slice %arg2[%add3A_62] : memref<1605632xf32, #tpu.memory_space<hbm>> -> memref<1568xf32, #tpu.memory_space<hbm>>
    tpu.wait_dma2 semaphore(%arg10 : memref<!tpu.dma_semaphore, #tpu.memory_space<semaphore_mem>>) src(%dma_wait3A_440 : memref<1568xf32, #tpu.memory_space<hbm>>) dst(%dma_wait3A_439 : memref<1568xf32, #tpu.memory_space<vmem>>)
    %dma_wait3A_441 = arith.constant 47040 : i32
    %dma_wait3A_442 = tpu.memref_slice %arg6[%dma_wait3A_441] : memref<50176xf32, #tpu.memory_space<vmem>> -> memref<1568xf32, #tpu.memory_space<vmem>>
    %dma_wait3A_443 = tpu.memref_slice %arg2[%add3A_64] : memref<1605632xf32, #tpu.memory_space<hbm>> -> memref<1568xf32, #tpu.memory_space<hbm>>
    %dma_wait3A_444 = arith.constant 47040 : i32
    %dma_wait3A_445 = tpu.memref_slice %arg6[%dma_wait3A_444] : memref<50176xf32, #tpu.memory_space<vmem>> -> memref<1568xf32, #tpu.memory_space<vmem>>
    %dma_wait3A_446 = tpu.memref_slice %arg2[%add3A_64] : memref<1605632xf32, #tpu.memory_space<hbm>> -> memref<1568xf32, #tpu.memory_space<hbm>>
    tpu.wait_dma2 semaphore(%arg10 : memref<!tpu.dma_semaphore, #tpu.memory_space<semaphore_mem>>) src(%dma_wait3A_446 : memref<1568xf32, #tpu.memory_space<hbm>>) dst(%dma_wait3A_445 : memref<1568xf32, #tpu.memory_space<vmem>>)
    %dma_wait3A_447 = arith.constant 48608 : i32
    %dma_wait3A_448 = tpu.memref_slice %arg6[%dma_wait3A_447] : memref<50176xf32, #tpu.memory_space<vmem>> -> memref<1568xf32, #tpu.memory_space<vmem>>
    %dma_wait3A_449 = tpu.memref_slice %arg2[%add3A_66] : memref<1605632xf32, #tpu.memory_space<hbm>> -> memref<1568xf32, #tpu.memory_space<hbm>>
    %dma_wait3A_450 = arith.constant 48608 : i32
    %dma_wait3A_451 = tpu.memref_slice %arg6[%dma_wait3A_450] : memref<50176xf32, #tpu.memory_space<vmem>> -> memref<1568xf32, #tpu.memory_space<vmem>>
    %dma_wait3A_452 = tpu.memref_slice %arg2[%add3A_66] : memref<1605632xf32, #tpu.memory_space<hbm>> -> memref<1568xf32, #tpu.memory_space<hbm>>
    tpu.wait_dma2 semaphore(%arg10 : memref<!tpu.dma_semaphore, #tpu.memory_space<semaphore_mem>>) src(%dma_wait3A_452 : memref<1568xf32, #tpu.memory_space<hbm>>) dst(%dma_wait3A_451 : memref<1568xf32, #tpu.memory_space<vmem>>)
    %get3A = arith.constant 0 : index
    %get3A_453 = tpu.vector_load %arg9[%get3A] {strides = array<i32>} : memref<128xf32, #tpu.memory_space<vmem>>, vector<16xf32>,
    %get3A_454 = arith.constant 64 : index
    %get3A_455 = tpu.vector_load %arg9[%get3A_454] {strides = array<i32>} : memref<128xf32, #tpu.memory_space<vmem>>, vector<16xf32>,
    %scan3A = arith.constant 0 : i32
    %scan3A_456 = arith.constant 0 : i32
    %scan3A_457 = arith.constant 98 : i32
    %scan3A_458 = arith.addi %scan3A_456, %scan3A_457 : i32
    %scan3A_459 = arith.constant 1 : i32
    scf.for %scan3A_499 = %scan3A_456 to %scan3A_458 step %scan3A_459  : i32 {
      %mul3A_500 = arith.constant 16 : i32
      %mul3A_501 = arith.muli %scan3A_499, %mul3A_500 : i32
      %broadcast_in_dim3A = arith.constant 0.000000e+00 : f32
      %broadcast_in_dim3A_502 = vector.broadcast %broadcast_in_dim3A : f32 to vector<16xf32>
      %add3A_503 = arith.constant 0 : i32
      %add3A_504 = arith.addi %add3A_503, %mul3A_501 : i32
      %get3A_505 = arith.index_cast %add3A_504 : i32 to index
      %get3A_506 = tpu.vector_load %arg6[%get3A_505] {strides = array<i32>} : memref<50176xf32, #tpu.memory_space<vmem>>, vector<16xf32>,
      %add3A_507 = arith.addf %broadcast_in_dim3A_502, %get3A_506 : vector<16xf32>
      %add3A_508 = arith.constant 1568 : i32
      %add3A_509 = arith.addi %add3A_508, %mul3A_501 : i32
      %get3A_510 = arith.index_cast %add3A_509 : i32 to index
      %get3A_511 = tpu.vector_load %arg6[%get3A_510] {strides = array<i32>} : memref<50176xf32, #tpu.memory_space<vmem>>, vector<16xf32>,
      %add3A_512 = arith.addf %add3A_507, %get3A_511 : vector<16xf32>
      %add3A_513 = arith.constant 3136 : i32
      %add3A_514 = arith.addi %add3A_513, %mul3A_501 : i32
      %get3A_515 = arith.index_cast %add3A_514 : i32 to index
      %get3A_516 = tpu.vector_load %arg6[%get3A_515] {strides = array<i32>} : memref<50176xf32, #tpu.memory_space<vmem>>, vector<16xf32>,
      %add3A_517 = arith.addf %add3A_512, %get3A_516 : vector<16xf32>
      %add3A_518 = arith.constant 4704 : i32
      %add3A_519 = arith.addi %add3A_518, %mul3A_501 : i32
      %get3A_520 = arith.index_cast %add3A_519 : i32 to index
      %get3A_521 = tpu.vector_load %arg6[%get3A_520] {strides = array<i32>} : memref<50176xf32, #tpu.memory_space<vmem>>, vector<16xf32>,
      %add3A_522 = arith.addf %add3A_517, %get3A_521 : vector<16xf32>
      %add3A_523 = arith.constant 6272 : i32
      %add3A_524 = arith.addi %add3A_523, %mul3A_501 : i32
      %get3A_525 = arith.index_cast %add3A_524 : i32 to index
      %get3A_526 = tpu.vector_load %arg6[%get3A_525] {strides = array<i32>} : memref<50176xf32, #tpu.memory_space<vmem>>, vector<16xf32>,
      %add3A_527 = arith.addf %add3A_522, %get3A_526 : vector<16xf32>
      %add3A_528 = arith.constant 7840 : i32
      %add3A_529 = arith.addi %add3A_528, %mul3A_501 : i32
      %get3A_530 = arith.index_cast %add3A_529 : i32 to index
      %get3A_531 = tpu.vector_load %arg6[%get3A_530] {strides = array<i32>} : memref<50176xf32, #tpu.memory_space<vmem>>, vector<16xf32>,
      %add3A_532 = arith.addf %add3A_527, %get3A_531 : vector<16xf32>
      %add3A_533 = arith.constant 9408 : i32
      %add3A_534 = arith.addi %add3A_533, %mul3A_501 : i32
      %get3A_535 = arith.index_cast %add3A_534 : i32 to index
      %get3A_536 = tpu.vector_load %arg6[%get3A_535] {strides = array<i32>} : memref<50176xf32, #tpu.memory_space<vmem>>, vector<16xf32>,
      %add3A_537 = arith.addf %add3A_532, %get3A_536 : vector<16xf32>
      %add3A_538 = arith.constant 10976 : i32
      %add3A_539 = arith.addi %add3A_538, %mul3A_501 : i32
      %get3A_540 = arith.index_cast %add3A_539 : i32 to index
      %get3A_541 = tpu.vector_load %arg6[%get3A_540] {strides = array<i32>} : memref<50176xf32, #tpu.memory_space<vmem>>, vector<16xf32>,
      %add3A_542 = arith.addf %add3A_537, %get3A_541 : vector<16xf32>
      %get3A_543 = arith.index_cast %mul3A_501 : i32 to index
      %get3A_544 = tpu.vector_load %arg7[%get3A_543] {strides = array<i32>} : memref<1568xf32, #tpu.memory_space<vmem>>, vector<16xf32>,
      %mul3A_545 = arith.mulf %get3A_544, %get3A_453 : vector<16xf32>
      %add3A_546 = arith.addf %add3A_542, %mul3A_545 : vector<16xf32>
      %add3A_547 = arith.addf %add3A_546, %get3A_455 : vector<16xf32>
      %max3A = arith.constant 0.000000e+00 : f32
      %max3A_548 = vector.broadcast %max3A : f32 to vector<16xf32>
      %max3A_549 = arith.maximumf %add3A_547, %max3A_548 : vector<16xf32>
      %add3A_550 = arith.constant 0 : i32
      %add3A_551 = arith.addi %add3A_550, %mul3A_501 : i32
      %swap3A = arith.index_cast %add3A_551 : i32 to index
      %swap3A_552 = tpu.vector_load %arg8[%swap3A] {strides = array<i32>} : memref<6272xf32, #tpu.memory_space<vmem>>, vector<16xf32>,
      tpu.vector_store %arg8[%swap3A], %max3A_549 {strides = array<i32>} : memref<6272xf32, #tpu.memory_space<vmem>>, vector<16xf32>,
    }
    %scan3A_460 = arith.constant 98 : i32
    %add3A_461 = arith.constant 0 : i32
    %add3A_462 = arith.addi %add3A_461, %mul3A_2 : i32
    "tpu.region"() ({
      %run_scoped3A = tpu.sem_alloc : memref<!tpu.dma_semaphore, #tpu.memory_space<semaphore_mem>>
      %dma_start3A_499 = arith.constant 0 : i32
      %dma_start3A_500 = tpu.memref_slice %arg8[%dma_start3A_499] : memref<6272xf32, #tpu.memory_space<vmem>> -> memref<1568xf32, #tpu.memory_space<vmem>>
      %dma_start3A_501 = tpu.memref_slice %arg5[%add3A_462] : memref<200704xf32, #tpu.memory_space<hbm>> -> memref<1568xf32, #tpu.memory_space<hbm>>
      %dma_start3A_502 = tpu.memref_slice %arg5[%add3A_462] : memref<200704xf32, #tpu.memory_space<hbm>> -> memref<1568xf32, #tpu.memory_space<hbm>>
      %dma_start3A_503 = arith.constant 0 : i32
      %dma_start3A_504 = tpu.memref_slice %arg8[%dma_start3A_503] : memref<6272xf32, #tpu.memory_space<vmem>> -> memref<1568xf32, #tpu.memory_space<vmem>>
      tpu.enqueue_dma source(%dma_start3A_504 : memref<1568xf32, #tpu.memory_space<vmem>>) target(%dma_start3A_502 : memref<1568xf32, #tpu.memory_space<hbm>>) target_semaphore(%run_scoped3A : memref<!tpu.dma_semaphore, #tpu.memory_space<semaphore_mem>>)
      %dma_wait3A_505 = arith.constant 0 : i32
      %dma_wait3A_506 = tpu.memref_slice %arg8[%dma_wait3A_505] : memref<6272xf32, #tpu.memory_space<vmem>> -> memref<1568xf32, #tpu.memory_space<vmem>>
      %dma_wait3A_507 = tpu.memref_slice %arg5[%add3A_462] : memref<200704xf32, #tpu.memory_space<hbm>> -> memref<1568xf32, #tpu.memory_space<hbm>>
      %dma_wait3A_508 = tpu.memref_slice %arg5[%add3A_462] : memref<200704xf32, #tpu.memory_space<hbm>> -> memref<1568xf32, #tpu.memory_space<hbm>>
      %dma_wait3A_509 = arith.constant 0 : i32
      %dma_wait3A_510 = tpu.memref_slice %arg8[%dma_wait3A_509] : memref<6272xf32, #tpu.memory_space<vmem>> -> memref<1568xf32, #tpu.memory_space<vmem>>
      tpu.wait_dma2 semaphore(%run_scoped3A : memref<!tpu.dma_semaphore, #tpu.memory_space<semaphore_mem>>) src(%dma_wait3A_510 : memref<1568xf32, #tpu.memory_space<vmem>>) dst(%dma_wait3A_508 : memref<1568xf32, #tpu.memory_space<hbm>>)
      tpu.yield
    }) : () -> ()
    %get3A_463 = arith.constant 16 : index
    %get3A_464 = tpu.vector_load %arg9[%get3A_463] {strides = array<i32>} : memref<128xf32, #tpu.memory_space<vmem>>, vector<16xf32>,
    %get3A_465 = arith.constant 80 : index
    %get3A_466 = tpu.vector_load %arg9[%get3A_465] {strides = array<i32>} : memref<128xf32, #tpu.memory_space<vmem>>, vector<16xf32>,
    %scan3A_467 = arith.constant 0 : i32
    %scan3A_468 = arith.constant 0 : i32
    %scan3A_469 = arith.constant 98 : i32
    %scan3A_470 = arith.addi %scan3A_468, %scan3A_469 : i32
    %scan3A_471 = arith.constant 1 : i32
    scf.for %scan3A_499 = %scan3A_468 to %scan3A_470 step %scan3A_471  : i32 {
      %mul3A_500 = arith.constant 16 : i32
      %mul3A_501 = arith.muli %scan3A_499, %mul3A_500 : i32
      %broadcast_in_dim3A = arith.constant 0.000000e+00 : f32
      %broadcast_in_dim3A_502 = vector.broadcast %broadcast_in_dim3A : f32 to vector<16xf32>
      %add3A_503 = arith.constant 12544 : i32
      %add3A_504 = arith.addi %add3A_503, %mul3A_501 : i32
      %get3A_505 = arith.index_cast %add3A_504 : i32 to index
      %get3A_506 = tpu.vector_load %arg6[%get3A_505] {strides = array<i32>} : memref<50176xf32, #tpu.memory_space<vmem>>, vector<16xf32>,
      %add3A_507 = arith.addf %broadcast_in_dim3A_502, %get3A_506 : vector<16xf32>
      %add3A_508 = arith.constant 14112 : i32
      %add3A_509 = arith.addi %add3A_508, %mul3A_501 : i32
      %get3A_510 = arith.index_cast %add3A_509 : i32 to index
      %get3A_511 = tpu.vector_load %arg6[%get3A_510] {strides = array<i32>} : memref<50176xf32, #tpu.memory_space<vmem>>, vector<16xf32>,
      %add3A_512 = arith.addf %add3A_507, %get3A_511 : vector<16xf32>
      %add3A_513 = arith.constant 15680 : i32
      %add3A_514 = arith.addi %add3A_513, %mul3A_501 : i32
      %get3A_515 = arith.index_cast %add3A_514 : i32 to index
      %get3A_516 = tpu.vector_load %arg6[%get3A_515] {strides = array<i32>} : memref<50176xf32, #tpu.memory_space<vmem>>, vector<16xf32>,
      %add3A_517 = arith.addf %add3A_512, %get3A_516 : vector<16xf32>
      %add3A_518 = arith.constant 17248 : i32
      %add3A_519 = arith.addi %add3A_518, %mul3A_501 : i32
      %get3A_520 = arith.index_cast %add3A_519 : i32 to index
      %get3A_521 = tpu.vector_load %arg6[%get3A_520] {strides = array<i32>} : memref<50176xf32, #tpu.memory_space<vmem>>, vector<16xf32>,
      %add3A_522 = arith.addf %add3A_517, %get3A_521 : vector<16xf32>
      %add3A_523 = arith.constant 18816 : i32
      %add3A_524 = arith.addi %add3A_523, %mul3A_501 : i32
      %get3A_525 = arith.index_cast %add3A_524 : i32 to index
      %get3A_526 = tpu.vector_load %arg6[%get3A_525] {strides = array<i32>} : memref<50176xf32, #tpu.memory_space<vmem>>, vector<16xf32>,
      %add3A_527 = arith.addf %add3A_522, %get3A_526 : vector<16xf32>
      %add3A_528 = arith.constant 20384 : i32
      %add3A_529 = arith.addi %add3A_528, %mul3A_501 : i32
      %get3A_530 = arith.index_cast %add3A_529 : i32 to index
      %get3A_531 = tpu.vector_load %arg6[%get3A_530] {strides = array<i32>} : memref<50176xf32, #tpu.memory_space<vmem>>, vector<16xf32>,
      %add3A_532 = arith.addf %add3A_527, %get3A_531 : vector<16xf32>
      %add3A_533 = arith.constant 21952 : i32
      %add3A_534 = arith.addi %add3A_533, %mul3A_501 : i32
      %get3A_535 = arith.index_cast %add3A_534 : i32 to index
      %get3A_536 = tpu.vector_load %arg6[%get3A_535] {strides = array<i32>} : memref<50176xf32, #tpu.memory_space<vmem>>, vector<16xf32>,
      %add3A_537 = arith.addf %add3A_532, %get3A_536 : vector<16xf32>
      %add3A_538 = arith.constant 23520 : i32
      %add3A_539 = arith.addi %add3A_538, %mul3A_501 : i32
      %get3A_540 = arith.index_cast %add3A_539 : i32 to index
      %get3A_541 = tpu.vector_load %arg6[%get3A_540] {strides = array<i32>} : memref<50176xf32, #tpu.memory_space<vmem>>, vector<16xf32>,
      %add3A_542 = arith.addf %add3A_537, %get3A_541 : vector<16xf32>
      %get3A_543 = arith.index_cast %mul3A_501 : i32 to index
      %get3A_544 = tpu.vector_load %arg7[%get3A_543] {strides = array<i32>} : memref<1568xf32, #tpu.memory_space<vmem>>, vector<16xf32>,
      %mul3A_545 = arith.mulf %get3A_544, %get3A_464 : vector<16xf32>
      %add3A_546 = arith.addf %add3A_542, %mul3A_545 : vector<16xf32>
      %add3A_547 = arith.addf %add3A_546, %get3A_466 : vector<16xf32>
      %max3A = arith.constant 0.000000e+00 : f32
      %max3A_548 = vector.broadcast %max3A : f32 to vector<16xf32>
      %max3A_549 = arith.maximumf %add3A_547, %max3A_548 : vector<16xf32>
      %add3A_550 = arith.constant 1568 : i32
      %add3A_551 = arith.addi %add3A_550, %mul3A_501 : i32
      %swap3A = arith.index_cast %add3A_551 : i32 to index
      %swap3A_552 = tpu.vector_load %arg8[%swap3A] {strides = array<i32>} : memref<6272xf32, #tpu.memory_space<vmem>>, vector<16xf32>,
      tpu.vector_store %arg8[%swap3A], %max3A_549 {strides = array<i32>} : memref<6272xf32, #tpu.memory_space<vmem>>, vector<16xf32>,
    }
    %scan3A_472 = arith.constant 98 : i32
    %add3A_473 = arith.constant 50176 : i32
    %add3A_474 = arith.addi %add3A_473, %mul3A_2 : i32
    "tpu.region"() ({
      %run_scoped3A = tpu.sem_alloc : memref<!tpu.dma_semaphore, #tpu.memory_space<semaphore_mem>>
      %dma_start3A_499 = arith.constant 1568 : i32
      %dma_start3A_500 = tpu.memref_slice %arg8[%dma_start3A_499] : memref<6272xf32, #tpu.memory_space<vmem>> -> memref<1568xf32, #tpu.memory_space<vmem>>
      %dma_start3A_501 = tpu.memref_slice %arg5[%add3A_474] : memref<200704xf32, #tpu.memory_space<hbm>> -> memref<1568xf32, #tpu.memory_space<hbm>>
      %dma_start3A_502 = tpu.memref_slice %arg5[%add3A_474] : memref<200704xf32, #tpu.memory_space<hbm>> -> memref<1568xf32, #tpu.memory_space<hbm>>
      %dma_start3A_503 = arith.constant 1568 : i32
      %dma_start3A_504 = tpu.memref_slice %arg8[%dma_start3A_503] : memref<6272xf32, #tpu.memory_space<vmem>> -> memref<1568xf32, #tpu.memory_space<vmem>>
      tpu.enqueue_dma source(%dma_start3A_504 : memref<1568xf32, #tpu.memory_space<vmem>>) target(%dma_start3A_502 : memref<1568xf32, #tpu.memory_space<hbm>>) target_semaphore(%run_scoped3A : memref<!tpu.dma_semaphore, #tpu.memory_space<semaphore_mem>>)
      %dma_wait3A_505 = arith.constant 1568 : i32
      %dma_wait3A_506 = tpu.memref_slice %arg8[%dma_wait3A_505] : memref<6272xf32, #tpu.memory_space<vmem>> -> memref<1568xf32, #tpu.memory_space<vmem>>
      %dma_wait3A_507 = tpu.memref_slice %arg5[%add3A_474] : memref<200704xf32, #tpu.memory_space<hbm>> -> memref<1568xf32, #tpu.memory_space<hbm>>
      %dma_wait3A_508 = tpu.memref_slice %arg5[%add3A_474] : memref<200704xf32, #tpu.memory_space<hbm>> -> memref<1568xf32, #tpu.memory_space<hbm>>
      %dma_wait3A_509 = arith.constant 1568 : i32
      %dma_wait3A_510 = tpu.memref_slice %arg8[%dma_wait3A_509] : memref<6272xf32, #tpu.memory_space<vmem>> -> memref<1568xf32, #tpu.memory_space<vmem>>
      tpu.wait_dma2 semaphore(%run_scoped3A : memref<!tpu.dma_semaphore, #tpu.memory_space<semaphore_mem>>) src(%dma_wait3A_510 : memref<1568xf32, #tpu.memory_space<vmem>>) dst(%dma_wait3A_508 : memref<1568xf32, #tpu.memory_space<hbm>>)
      tpu.yield
    }) : () -> ()
    %get3A_475 = arith.constant 32 : index
    %get3A_476 = tpu.vector_load %arg9[%get3A_475] {strides = array<i32>} : memref<128xf32, #tpu.memory_space<vmem>>, vector<16xf32>,
    %get3A_477 = arith.constant 96 : index
    %get3A_478 = tpu.vector_load %arg9[%get3A_477] {strides = array<i32>} : memref<128xf32, #tpu.memory_space<vmem>>, vector<16xf32>,
    %scan3A_479 = arith.constant 0 : i32
    %scan3A_480 = arith.constant 0 : i32
    %scan3A_481 = arith.constant 98 : i32
    %scan3A_482 = arith.addi %scan3A_480, %scan3A_481 : i32
    %scan3A_483 = arith.constant 1 : i32
    scf.for %scan3A_499 = %scan3A_480 to %scan3A_482 step %scan3A_483  : i32 {
      %mul3A_500 = arith.constant 16 : i32
      %mul3A_501 = arith.muli %scan3A_499, %mul3A_500 : i32
      %broadcast_in_dim3A = arith.constant 0.000000e+00 : f32
      %broadcast_in_dim3A_502 = vector.broadcast %broadcast_in_dim3A : f32 to vector<16xf32>
      %add3A_503 = arith.constant 25088 : i32
      %add3A_504 = arith.addi %add3A_503, %mul3A_501 : i32
      %get3A_505 = arith.index_cast %add3A_504 : i32 to index
      %get3A_506 = tpu.vector_load %arg6[%get3A_505] {strides = array<i32>} : memref<50176xf32, #tpu.memory_space<vmem>>, vector<16xf32>,
      %add3A_507 = arith.addf %broadcast_in_dim3A_502, %get3A_506 : vector<16xf32>
      %add3A_508 = arith.constant 26656 : i32
      %add3A_509 = arith.addi %add3A_508, %mul3A_501 : i32
      %get3A_510 = arith.index_cast %add3A_509 : i32 to index
      %get3A_511 = tpu.vector_load %arg6[%get3A_510] {strides = array<i32>} : memref<50176xf32, #tpu.memory_space<vmem>>, vector<16xf32>,
      %add3A_512 = arith.addf %add3A_507, %get3A_511 : vector<16xf32>
      %add3A_513 = arith.constant 28224 : i32
      %add3A_514 = arith.addi %add3A_513, %mul3A_501 : i32
      %get3A_515 = arith.index_cast %add3A_514 : i32 to index
      %get3A_516 = tpu.vector_load %arg6[%get3A_515] {strides = array<i32>} : memref<50176xf32, #tpu.memory_space<vmem>>, vector<16xf32>,
      %add3A_517 = arith.addf %add3A_512, %get3A_516 : vector<16xf32>
      %add3A_518 = arith.constant 29792 : i32
      %add3A_519 = arith.addi %add3A_518, %mul3A_501 : i32
      %get3A_520 = arith.index_cast %add3A_519 : i32 to index
      %get3A_521 = tpu.vector_load %arg6[%get3A_520] {strides = array<i32>} : memref<50176xf32, #tpu.memory_space<vmem>>, vector<16xf32>,
      %add3A_522 = arith.addf %add3A_517, %get3A_521 : vector<16xf32>
      %add3A_523 = arith.constant 31360 : i32
      %add3A_524 = arith.addi %add3A_523, %mul3A_501 : i32
      %get3A_525 = arith.index_cast %add3A_524 : i32 to index
      %get3A_526 = tpu.vector_load %arg6[%get3A_525] {strides = array<i32>} : memref<50176xf32, #tpu.memory_space<vmem>>, vector<16xf32>,
      %add3A_527 = arith.addf %add3A_522, %get3A_526 : vector<16xf32>
      %add3A_528 = arith.constant 32928 : i32
      %add3A_529 = arith.addi %add3A_528, %mul3A_501 : i32
      %get3A_530 = arith.index_cast %add3A_529 : i32 to index
      %get3A_531 = tpu.vector_load %arg6[%get3A_530] {strides = array<i32>} : memref<50176xf32, #tpu.memory_space<vmem>>, vector<16xf32>,
      %add3A_532 = arith.addf %add3A_527, %get3A_531 : vector<16xf32>
      %add3A_533 = arith.constant 34496 : i32
      %add3A_534 = arith.addi %add3A_533, %mul3A_501 : i32
      %get3A_535 = arith.index_cast %add3A_534 : i32 to index
      %get3A_536 = tpu.vector_load %arg6[%get3A_535] {strides = array<i32>} : memref<50176xf32, #tpu.memory_space<vmem>>, vector<16xf32>,
      %add3A_537 = arith.addf %add3A_532, %get3A_536 : vector<16xf32>
      %add3A_538 = arith.constant 36064 : i32
      %add3A_539 = arith.addi %add3A_538, %mul3A_501 : i32
      %get3A_540 = arith.index_cast %add3A_539 : i32 to index
      %get3A_541 = tpu.vector_load %arg6[%get3A_540] {strides = array<i32>} : memref<50176xf32, #tpu.memory_space<vmem>>, vector<16xf32>,
      %add3A_542 = arith.addf %add3A_537, %get3A_541 : vector<16xf32>
      %get3A_543 = arith.index_cast %mul3A_501 : i32 to index
      %get3A_544 = tpu.vector_load %arg7[%get3A_543] {strides = array<i32>} : memref<1568xf32, #tpu.memory_space<vmem>>, vector<16xf32>,
      %mul3A_545 = arith.mulf %get3A_544, %get3A_476 : vector<16xf32>
      %add3A_546 = arith.addf %add3A_542, %mul3A_545 : vector<16xf32>
      %add3A_547 = arith.addf %add3A_546, %get3A_478 : vector<16xf32>
      %max3A = arith.constant 0.000000e+00 : f32
      %max3A_548 = vector.broadcast %max3A : f32 to vector<16xf32>
      %max3A_549 = arith.maximumf %add3A_547, %max3A_548 : vector<16xf32>
      %add3A_550 = arith.constant 3136 : i32
      %add3A_551 = arith.addi %add3A_550, %mul3A_501 : i32
      %swap3A = arith.index_cast %add3A_551 : i32 to index
      %swap3A_552 = tpu.vector_load %arg8[%swap3A] {strides = array<i32>} : memref<6272xf32, #tpu.memory_space<vmem>>, vector<16xf32>,
      tpu.vector_store %arg8[%swap3A], %max3A_549 {strides = array<i32>} : memref<6272xf32, #tpu.memory_space<vmem>>, vector<16xf32>,
    }
    %scan3A_484 = arith.constant 98 : i32
    %add3A_485 = arith.constant 100352 : i32
    %add3A_486 = arith.addi %add3A_485, %mul3A_2 : i32
    "tpu.region"() ({
      %run_scoped3A = tpu.sem_alloc : memref<!tpu.dma_semaphore, #tpu.memory_space<semaphore_mem>>
      %dma_start3A_499 = arith.constant 3136 : i32
      %dma_start3A_500 = tpu.memref_slice %arg8[%dma_start3A_499] : memref<6272xf32, #tpu.memory_space<vmem>> -> memref<1568xf32, #tpu.memory_space<vmem>>
      %dma_start3A_501 = tpu.memref_slice %arg5[%add3A_486] : memref<200704xf32, #tpu.memory_space<hbm>> -> memref<1568xf32, #tpu.memory_space<hbm>>
      %dma_start3A_502 = tpu.memref_slice %arg5[%add3A_486] : memref<200704xf32, #tpu.memory_space<hbm>> -> memref<1568xf32, #tpu.memory_space<hbm>>
      %dma_start3A_503 = arith.constant 3136 : i32
      %dma_start3A_504 = tpu.memref_slice %arg8[%dma_start3A_503] : memref<6272xf32, #tpu.memory_space<vmem>> -> memref<1568xf32, #tpu.memory_space<vmem>>
      tpu.enqueue_dma source(%dma_start3A_504 : memref<1568xf32, #tpu.memory_space<vmem>>) target(%dma_start3A_502 : memref<1568xf32, #tpu.memory_space<hbm>>) target_semaphore(%run_scoped3A : memref<!tpu.dma_semaphore, #tpu.memory_space<semaphore_mem>>)
      %dma_wait3A_505 = arith.constant 3136 : i32
      %dma_wait3A_506 = tpu.memref_slice %arg8[%dma_wait3A_505] : memref<6272xf32, #tpu.memory_space<vmem>> -> memref<1568xf32, #tpu.memory_space<vmem>>
      %dma_wait3A_507 = tpu.memref_slice %arg5[%add3A_486] : memref<200704xf32, #tpu.memory_space<hbm>> -> memref<1568xf32, #tpu.memory_space<hbm>>
      %dma_wait3A_508 = tpu.memref_slice %arg5[%add3A_486] : memref<200704xf32, #tpu.memory_space<hbm>> -> memref<1568xf32, #tpu.memory_space<hbm>>
      %dma_wait3A_509 = arith.constant 3136 : i32
      %dma_wait3A_510 = tpu.memref_slice %arg8[%dma_wait3A_509] : memref<6272xf32, #tpu.memory_space<vmem>> -> memref<1568xf32, #tpu.memory_space<vmem>>
      tpu.wait_dma2 semaphore(%run_scoped3A : memref<!tpu.dma_semaphore, #tpu.memory_space<semaphore_mem>>) src(%dma_wait3A_510 : memref<1568xf32, #tpu.memory_space<vmem>>) dst(%dma_wait3A_508 : memref<1568xf32, #tpu.memory_space<hbm>>)
      tpu.yield
    }) : () -> ()
    %get3A_487 = arith.constant 48 : index
    %get3A_488 = tpu.vector_load %arg9[%get3A_487] {strides = array<i32>} : memref<128xf32, #tpu.memory_space<vmem>>, vector<16xf32>,
    %get3A_489 = arith.constant 112 : index
    %get3A_490 = tpu.vector_load %arg9[%get3A_489] {strides = array<i32>} : memref<128xf32, #tpu.memory_space<vmem>>, vector<16xf32>,
    %scan3A_491 = arith.constant 0 : i32
    %scan3A_492 = arith.constant 0 : i32
    %scan3A_493 = arith.constant 98 : i32
    %scan3A_494 = arith.addi %scan3A_492, %scan3A_493 : i32
    %scan3A_495 = arith.constant 1 : i32
    scf.for %scan3A_499 = %scan3A_492 to %scan3A_494 step %scan3A_495  : i32 {
      %mul3A_500 = arith.constant 16 : i32
      %mul3A_501 = arith.muli %scan3A_499, %mul3A_500 : i32
      %broadcast_in_dim3A = arith.constant 0.000000e+00 : f32
      %broadcast_in_dim3A_502 = vector.broadcast %broadcast_in_dim3A : f32 to vector<16xf32>
      %add3A_503 = arith.constant 37632 : i32
      %add3A_504 = arith.addi %add3A_503, %mul3A_501 : i32
      %get3A_505 = arith.index_cast %add3A_504 : i32 to index
      %get3A_506 = tpu.vector_load %arg6[%get3A_505] {strides = array<i32>} : memref<50176xf32, #tpu.memory_space<vmem>>, vector<16xf32>,
      %add3A_507 = arith.addf %broadcast_in_dim3A_502, %get3A_506 : vector<16xf32>
      %add3A_508 = arith.constant 39200 : i32
      %add3A_509 = arith.addi %add3A_508, %mul3A_501 : i32
      %get3A_510 = arith.index_cast %add3A_509 : i32 to index
      %get3A_511 = tpu.vector_load %arg6[%get3A_510] {strides = array<i32>} : memref<50176xf32, #tpu.memory_space<vmem>>, vector<16xf32>,
      %add3A_512 = arith.addf %add3A_507, %get3A_511 : vector<16xf32>
      %add3A_513 = arith.constant 40768 : i32
      %add3A_514 = arith.addi %add3A_513, %mul3A_501 : i32
      %get3A_515 = arith.index_cast %add3A_514 : i32 to index
      %get3A_516 = tpu.vector_load %arg6[%get3A_515] {strides = array<i32>} : memref<50176xf32, #tpu.memory_space<vmem>>, vector<16xf32>,
      %add3A_517 = arith.addf %add3A_512, %get3A_516 : vector<16xf32>
      %add3A_518 = arith.constant 42336 : i32
      %add3A_519 = arith.addi %add3A_518, %mul3A_501 : i32
      %get3A_520 = arith.index_cast %add3A_519 : i32 to index
      %get3A_521 = tpu.vector_load %arg6[%get3A_520] {strides = array<i32>} : memref<50176xf32, #tpu.memory_space<vmem>>, vector<16xf32>,
      %add3A_522 = arith.addf %add3A_517, %get3A_521 : vector<16xf32>
      %add3A_523 = arith.constant 43904 : i32
      %add3A_524 = arith.addi %add3A_523, %mul3A_501 : i32
      %get3A_525 = arith.index_cast %add3A_524 : i32 to index
      %get3A_526 = tpu.vector_load %arg6[%get3A_525] {strides = array<i32>} : memref<50176xf32, #tpu.memory_space<vmem>>, vector<16xf32>,
      %add3A_527 = arith.addf %add3A_522, %get3A_526 : vector<16xf32>
      %add3A_528 = arith.constant 45472 : i32
      %add3A_529 = arith.addi %add3A_528, %mul3A_501 : i32
      %get3A_530 = arith.index_cast %add3A_529 : i32 to index
      %get3A_531 = tpu.vector_load %arg6[%get3A_530] {strides = array<i32>} : memref<50176xf32, #tpu.memory_space<vmem>>, vector<16xf32>,
      %add3A_532 = arith.addf %add3A_527, %get3A_531 : vector<16xf32>
      %add3A_533 = arith.constant 47040 : i32
      %add3A_534 = arith.addi %add3A_533, %mul3A_501 : i32
      %get3A_535 = arith.index_cast %add3A_534 : i32 to index
      %get3A_536 = tpu.vector_load %arg6[%get3A_535] {strides = array<i32>} : memref<50176xf32, #tpu.memory_space<vmem>>, vector<16xf32>,
      %add3A_537 = arith.addf %add3A_532, %get3A_536 : vector<16xf32>
      %add3A_538 = arith.constant 48608 : i32
      %add3A_539 = arith.addi %add3A_538, %mul3A_501 : i32
      %get3A_540 = arith.index_cast %add3A_539 : i32 to index
      %get3A_541 = tpu.vector_load %arg6[%get3A_540] {strides = array<i32>} : memref<50176xf32, #tpu.memory_space<vmem>>, vector<16xf32>,
      %add3A_542 = arith.addf %add3A_537, %get3A_541 : vector<16xf32>
      %get3A_543 = arith.index_cast %mul3A_501 : i32 to index
      %get3A_544 = tpu.vector_load %arg7[%get3A_543] {strides = array<i32>} : memref<1568xf32, #tpu.memory_space<vmem>>, vector<16xf32>,
      %mul3A_545 = arith.mulf %get3A_544, %get3A_488 : vector<16xf32>
      %add3A_546 = arith.addf %add3A_542, %mul3A_545 : vector<16xf32>
      %add3A_547 = arith.addf %add3A_546, %get3A_490 : vector<16xf32>
      %max3A = arith.constant 0.000000e+00 : f32
      %max3A_548 = vector.broadcast %max3A : f32 to vector<16xf32>
      %max3A_549 = arith.maximumf %add3A_547, %max3A_548 : vector<16xf32>
      %add3A_550 = arith.constant 4704 : i32
      %add3A_551 = arith.addi %add3A_550, %mul3A_501 : i32
      %swap3A = arith.index_cast %add3A_551 : i32 to index
      %swap3A_552 = tpu.vector_load %arg8[%swap3A] {strides = array<i32>} : memref<6272xf32, #tpu.memory_space<vmem>>, vector<16xf32>,
      tpu.vector_store %arg8[%swap3A], %max3A_549 {strides = array<i32>} : memref<6272xf32, #tpu.memory_space<vmem>>, vector<16xf32>,
    }
    %scan3A_496 = arith.constant 98 : i32
    %add3A_497 = arith.constant 150528 : i32
    %add3A_498 = arith.addi %add3A_497, %mul3A_2 : i32
    "tpu.region"() ({
      %run_scoped3A = tpu.sem_alloc : memref<!tpu.dma_semaphore, #tpu.memory_space<semaphore_mem>>
      %dma_start3A_499 = arith.constant 4704 : i32
      %dma_start3A_500 = tpu.memref_slice %arg8[%dma_start3A_499] : memref<6272xf32, #tpu.memory_space<vmem>> -> memref<1568xf32, #tpu.memory_space<vmem>>
      %dma_start3A_501 = tpu.memref_slice %arg5[%add3A_498] : memref<200704xf32, #tpu.memory_space<hbm>> -> memref<1568xf32, #tpu.memory_space<hbm>>
      %dma_start3A_502 = tpu.memref_slice %arg5[%add3A_498] : memref<200704xf32, #tpu.memory_space<hbm>> -> memref<1568xf32, #tpu.memory_space<hbm>>
      %dma_start3A_503 = arith.constant 4704 : i32
      %dma_start3A_504 = tpu.memref_slice %arg8[%dma_start3A_503] : memref<6272xf32, #tpu.memory_space<vmem>> -> memref<1568xf32, #tpu.memory_space<vmem>>
      tpu.enqueue_dma source(%dma_start3A_504 : memref<1568xf32, #tpu.memory_space<vmem>>) target(%dma_start3A_502 : memref<1568xf32, #tpu.memory_space<hbm>>) target_semaphore(%run_scoped3A : memref<!tpu.dma_semaphore, #tpu.memory_space<semaphore_mem>>)
      %dma_wait3A_505 = arith.constant 4704 : i32
      %dma_wait3A_506 = tpu.memref_slice %arg8[%dma_wait3A_505] : memref<6272xf32, #tpu.memory_space<vmem>> -> memref<1568xf32, #tpu.memory_space<vmem>>
      %dma_wait3A_507 = tpu.memref_slice %arg5[%add3A_498] : memref<200704xf32, #tpu.memory_space<hbm>> -> memref<1568xf32, #tpu.memory_space<hbm>>
      %dma_wait3A_508 = tpu.memref_slice %arg5[%add3A_498] : memref<200704xf32, #tpu.memory_space<hbm>> -> memref<1568xf32, #tpu.memory_space<hbm>>
      %dma_wait3A_509 = arith.constant 4704 : i32
      %dma_wait3A_510 = tpu.memref_slice %arg8[%dma_wait3A_509] : memref<6272xf32, #tpu.memory_space<vmem>> -> memref<1568xf32, #tpu.memory_space<vmem>>
      tpu.wait_dma2 semaphore(%run_scoped3A : memref<!tpu.dma_semaphore, #tpu.memory_space<semaphore_mem>>) src(%dma_wait3A_510 : memref<1568xf32, #tpu.memory_space<vmem>>) dst(%dma_wait3A_508 : memref<1568xf32, #tpu.memory_space<hbm>>)
      tpu.yield
    }) : () -> ()
    return
  }
}

</mosaic_0001>

<sc_bundles>
// kernel: kernel.12.cloned.1.call-start
scs
__scs_entry_jumppad:
0x0: {  	(pc) =	sbr.rel $0x88, $3  }
0x1: {  	(tag) =	ssettag $0x0;
	lr =	simm.s32 $0x1  }
0x2: {  	[smem:$0x3F96] =	sst lr;
	_ =	strace $0xD0000000  }
0x3: {  	_ = 	snop  }
0x4: {  	_ = 	snop  }
0x5: {  	_ = 	snop  }
0x6: {  	_ = 	snop  }
0x7: {  	_ = 	snop  }
__scs_overlays_trampoline_lowered:
0x8: {  	[smem:$0x3FA5] =	sst s0  }
0x9: {  	[smem:$0x3FA6] =	sst s1  }
0xa: {  	[smem:$0x3FA7] =	sst s2  }
0xb: {  	[smem:$0x3FA8] =	sst s3  }
0xc: {  	[smem:$0x3FA9] =	sst s4  }
0xd: {  	[smem:$0x3FAA] =	sst s5  }
0xe: {  	[smem:$0x3FAB] =	sst s6  }
0xf: {  	[smem:$0x3FAC] =	sst s7  }
0x10: {  	[smem:$0x3FAD] =	sst s8  }
0x11: {  	[smem:$0x3FAE] =	sst s9;
	s0 =	simm.s32 @!p0 $0x0  }
0x12: {  	s1 =	sld [smem:$0x3F94];
	s0 =	simm.s32 @p0 $0x1  }
0x13: {  	[smem:$0x3FAF] =	sst s0;
	s0 =	simm.s32 @!p1 $0x0  }
0x14: {  	s2 =	sld [smem:$0x3F93];
	s0 =	simm.s32 @p1 $0x1  }
0x15: {  	[smem:$0x3FB0] =	sst s0;
	s0 =	simm.s32 @!p2 $0x0  }
0x16: {  	s3 =	sld [smem:$0x3FDB];
	s0 =	simm.s32 @p2 $0x1  }
0x17: {  	s4 =	simm.s32 $0x1BF5;
	[smem:$0x3FB2] =	sst s0  }
0x18: {  	s0 =	sld [smem:$0x3F95];
	_ =	swait.ge [sflag:s4], $0x0  }
0x19: {  	s7 =	sld [smem:$0x3F96]  }
0x1a: {  	s8 =	sadd.s32 $0xFFFFE003, lr  }
0x1b: {  	s9 =	sadd.s32 $0xFFFFFEF7, lr;
	s5 =	simm.s32 $0xFFFFFFFF;
	p2 =	slt.u32 s8, $0xFFFFF086  }
0x1c: {  	p1 =	slt.u32 s9, $0xF7A;
	s5 =	simm.s32 @!p2 $0x0  }
0x1d: {  	s5 =	simm.s32 @p1 $0x1;
	p0 =	seq.s32 s7, s2  }
0x1e: {  	s7 =	smul.u32 @!p0 $0xF7A, s2;
	p2 =	seq.s32 @!p0 s5, $0x0  }
0x1f: {  	s9 =	smul.u32 $0xF7A, s1;
	s8 =	simm.s32 @!p0 $0x1BF5;
	p2 =	por !p2, p0  }
0x20: {  	[sflag:s8] =	ssyncset.s32 @!p0 $0xFFFFF086;
	s6 =	sadd.s32 @!p0 s3, s7;
	s7 =	simm.s32 @!p0 $0x108  }
0x21: {  	s3 =	sadd.s32 s3, s9;
	s6 =	sadd.s32 @!p0 $0x88, s6;
	s7 =	simm.s32 @p2 $0x1082  }
0x22: {  	[simem:s7], [sflag:s8] =	dma.local @!p0 [hbm:s6], $0xF7A  }
0x23: {  	s9 =	sor.u32 $0xD0000000, s2;
	s6 =	simm.s32 $0x108;
	_ =	swait.ge @!p0 [sflag:s8], $0x0  }
0x24: {  	s3 =	sadd.s32 $0x88, s3;
	s6 =	simm.s32 @!p1 $0x1082;
	[sflag:s4] =	ssyncset.s32 $0xFFFFF086  }
0x25: {  	[simem:s6], [sflag:s4] =	dma.local [hbm:s3], $0xF7A  }
0x26: {  	[smem:$0x3F96] =	sst s1;
	(tag) =	ssettag s2;
	_ =	strace s9  }
0x27: {  	s1 =	sld [smem:$0x3FA6]  }
0x28: {  	s2 =	sld [smem:$0x3FA7]  }
0x29: {  	s4 =	sld [smem:$0x3FA9]  }
0x2a: {  	p0 =	seq.s32 s5, $0x0;
	s5 =	sld [smem:$0x3FAA]  }
0x2b: {  	s6 =	sld [smem:$0x3FAB]  }
0x2c: {  	s7 =	sld [smem:$0x3FAC]  }
0x2d: {  	s3 =	simm.s32 $0x108;
	s8 =	sld [smem:$0x3FAD]  }
0x2e: {  	s3 =	simm.s32 @!p0 $0x1082;
	s9 =	sld [smem:$0x3FAE]  }
0x2f: {  	lr =	sadd.s32 s0, s3;
	s0 =	sld [smem:$0x3FA5]  }
0x30: {  	s3 =	sld [smem:$0x3FA8]  }
0x31: {  	[smem:$0x3FB1] =	sst s10  }
0x32: {  	s10 =	sld [smem:$0x3FAF];
	_ =	sdelay $0x3  }
0x33: {  	p0 =	seq.s32 s10, $0x1;
	s10 =	sld [smem:$0x3FB1];
	_ =	sdelay $0x3  }
0x34: {  	[smem:$0x3FB1] =	sst s10  }
0x35: {  	s10 =	sld [smem:$0x3FB0];
	_ =	sdelay $0x3  }
0x36: {  	p1 =	seq.s32 s10, $0x1;
	s10 =	sld [smem:$0x3FB1];
	_ =	sdelay $0x3  }
0x37: {  	[smem:$0x3FB1] =	sst s10  }
0x38: {  	s10 =	sld [smem:$0x3FB2]  }
0x39: {  	_ = 	snop;
	(pc) =	sbr.ind lr, $3  }
0x3a: {  	_ = 	snop  }
0x3b: {  	_ = 	snop  }
0x3c: {  	p2 =	seq.s32 s10, $0x1;
	s10 =	sld [smem:$0x3FB1]  }
0x3d: {  	_ =	shalt  }
0x3e: {  	_ =	shalt  }
0x3f: {  	_ =	shalt  }
0x40: {  	_ =	shalt  }
0x41: {  	_ =	shalt  }
0x42: {  	_ =	shalt  }
0x43: {  	_ =	shalt  }
0x44: {  	_ =	shalt  }
0x45: {  	_ =	shalt  }
0x46: {  	_ =	shalt  }
0x47: {  	_ =	shalt  }
0x48: {  	_ =	shalt  }
0x49: {  	_ =	shalt  }
0x4a: {  	_ =	shalt  }
0x4b: {  	_ =	shalt  }
0x4c: {  	_ =	shalt  }
0x4d: {  	_ =	shalt  }
0x4e: {  	_ =	shalt  }
0x4f: {  	_ =	shalt  }
0x50: {  	_ =	shalt  }
0x51: {  	_ =	shalt  }
0x52: {  	_ =	shalt  }
0x53: {  	_ =	shalt  }
0x54: {  	_ =	shalt  }
0x55: {  	_ =	shalt  }
0x56: {  	_ =	shalt  }
0x57: {  	_ =	shalt  }
0x58: {  	_ =	shalt  }
0x59: {  	_ =	shalt  }
0x5a: {  	_ =	shalt  }
0x5b: {  	_ =	shalt  }
0x5c: {  	_ =	shalt  }
0x5d: {  	_ =	shalt  }
0x5e: {  	_ =	shalt  }
0x5f: {  	_ =	shalt  }
0x60: {  	_ =	shalt  }
0x61: {  	_ =	shalt  }
0x62: {  	_ =	shalt  }
0x63: {  	_ =	shalt  }
0x64: {  	_ =	shalt  }
0x65: {  	_ =	shalt  }
0x66: {  	_ =	shalt  }
0x67: {  	_ =	shalt  }
0x68: {  	_ =	shalt  }
0x69: {  	_ =	shalt  }
0x6a: {  	_ =	shalt  }
0x6b: {  	_ =	shalt  }
0x6c: {  	_ =	shalt  }
0x6d: {  	_ =	shalt  }
0x6e: {  	_ =	shalt  }
0x6f: {  	_ =	shalt  }
0x70: {  	_ =	shalt  }
0x71: {  	_ =	shalt  }
0x72: {  	_ =	shalt  }
0x73: {  	_ =	shalt  }
0x74: {  	_ =	shalt  }
0x75: {  	_ =	shalt  }
0x76: {  	_ =	shalt  }
0x77: {  	_ =	shalt  }
0x78: {  	_ =	shalt  }
0x79: {  	_ =	shalt  }
0x7a: {  	_ =	shalt  }
0x7b: {  	_ =	shalt  }
0x7c: {  	_ =	shalt  }
0x7d: {  	_ =	shalt  }
0x7e: {  	_ =	shalt  }
0x7f: {  	_ =	shalt  }
0x80: {  	_ =	shalt  }
0x81: {  	_ =	shalt  }
0x82: {  	_ =	shalt  }
0x83: {  	_ =	shalt  }
0x84: {  	_ =	shalt  }
0x85: {  	_ =	shalt  }
0x86: {  	_ =	shalt  }
0x87: {  	_ =	shalt  }
.Lfunc_end0:
.L_simem_size_0:
called_computation.2_lowered:
.L_overlay_start_0:
0x88: {  	s2 =	sld [smem:$0x3FD9]  }
0x89: {  	s3 =	sld [smem:$0x3FFE];
	_ =	sdelay $0x1  }
0x8a: {  	s1 =	srdreg.scid  }
0x8b: {  	s0 =	sand.u32 $0x1, s1  }
0x8c: {  	s17 =	sshll.u32 s0, $0xA;
	s2 =	sadd.s32 s3, s2  }
0x8d: {  	s2 =	sadd.s32 s2, s17  }
0x8e: {  	[smem:$0x3FBD] =	sst s2  }
0x8f: {  	_ = 	snop  }
0x90: {  	s2 =	sld [smem:$0x3FD0];
	(tm) =	ssettm $0x1  }
0x91: {  	s18 =	sld [smem:$0x3FFB];
	_ =	sdelay $0x3  }
0x92: {  	_ =	strace s18  }
0x93: {  	s3 =	sld [smem:$0x3FFC];
	_ =	sdelay $0x3  }
0x94: {  	_ =	strace s3  }
0x95: {  	s3 =	sld [smem:$0x3FFD];
	_ =	sdelay $0x3  }
0x96: {  	_ =	strace s3  }
0x97: {  	_ =	strace $0x8FFFFFFF  }
0x98: {  	s19 =	sld [smem:$0x3FDB];
	_ =	sdelay $0x1  }
0x99: {  	s4 =	simm.s32 $_scs_section_size  }
0x9a: {  	s5 =	simm.s32 $_size__tile_overlayer_lowered;
	s6 =	simm.s32 $_tile_overlayer_lowered  }
0x9b: {  	s22 =	simm.s32 $0x1BFF;
	s21 =	sshll.u32 s6, $0x1;
	s3 =	sadd.s32 s4, s19  }
0x9c: {  	s7 =	simm.s32 $0x0;
	s20 =	sshll.u32 s5, $0x1;
	s5 =	sadd.s32 s21, s3  }
0x9d: {  	[timem:s7], [sflag:s22] =	dma.local [hbm:s5], s20  }
0x9e: {  	_ =	swait.ge [sflag:s22], s20  }
0x9f: {  	s4 =	ssub.s32 $0x0, s20;
	[sflag:s22] =	ssyncset.done $0x0  }
0xa0: {  	[sflag:s22] =	ssyncadd.s32 s4;
	_ =	sdelay $0x1  }
0xa1: {  	s23 =	simm.s32 $0x1B8B  }
0xa2: {  	_ =	swait.ge [sflag:s23], $0x1  }
0xa3: {  	[sflag:s23] =	ssyncset.done $0x0  }
0xa4: {  	s25 =	simm.s32 $0x1B8E;
	s24 =	sld [smem:$0x3FFE];
	[sflag:s23] =	ssyncadd.s32 $0xFFFFFFFF  }
0xa5: {  	s26 =	simm.s32 $execute0_lowered;
	[smem:$0x3FD2] =	sst s25  }
0xa6: {  	s5 =	sshll.u32 s26, $0x1;
	_ =	strace $0x8000004C;
	[dreg:$0x1] =	wrdreg $0xFFFFFFFF  }
0xa7: {  	s28 =	simm.s32 $_size_execute0_lowered;
	s3 =	sadd.s32 s3, s5;
	[dreg:$0x0] =	wrdreg $0x0  }
0xa8: {  	s5 =	sshll.u32 s28, $0x1;
	[dreg:$0x2] =	wrdreg s3  }
0xa9: {  	[dreg:$0x3] =	wrdreg s5  }
0xaa: {  	[dreg:$0x4] =	wrdreg $0xC0  }
0xab: {  	_ =	task [dreg:s7], $0x5FFFF  }
0xac: {  	[dreg:$0x1] =	wrdreg $0xFFFFFFFF  }
0xad: {  	[dreg:$0x0] =	wrdreg $0x60  }
0xae: {  	[dreg:$0x2] =	wrdreg s24  }
0xaf: {  	[dreg:$0x3] =	wrdreg s2  }
0xb0: {  	[dreg:$0x4] =	wrdreg $0x9  }
0xb1: {  	_ =	task.clear_ibuf [dreg:s7], $0x5FFFF;
	_ =	strace $0x9000004C  }
0xb2: {  	s29 =	simm.s32 $0x9;
	_ =	strace $0x8000004E  }
0xb3: {  	_ =	swait.ge [sflag:s29], $0x1  }
0xb4: {  	[sflag:s29] =	ssyncadd.s32 $0xFFFFFFFF  }
0xb5: {  	_ =	strace $0x9000004E  }
0xb6: {  	_ =	sfence  }
0xb7: {  	s30 =	sld [smem:$0x0];
	_ =	sdelay $0x2  }
0xb8: {  	s31 =	sshll.u32 s1, $0xD;
	s1 =	sshrl.u32 s1, $0x2  }
0xb9: {  	s3 =	sand.u32 $0x4000, s31;
	s1 =	sadd.s32 s1, s30  }
0xba: {  	s0 =	sor.u32 s3, s0;
	s1 =	sshll.u32 s1, $0x11  }
0xbb: {  	s0 =	sor.u32 s1, s0  }
0xbc: {  	s0 =	sadd.s32 $0x8F2B, s0  }
0xbd: {  	[sflag:s0] =	ssyncadd.remote.s32 $0x1  }
0xbe: {  	_ =	sfence.sel $0xFFFF  }
0xbf: {  	[dreg:$0x0] =	wrdreg $0xFFFFFFFF;
	(pc) =	sbr.abs _section_cstart, $3  }
0xc0: {  	[dreg:$0x1] =	wrdreg $0xFFFFFFFF  }
0xc1: {  	_ =	task.clear_ibuf [dreg:s7], $0x2FFFF;
	_ =	strace $0x9FFFFFFF  }
0xc2: {  	(tm) =	ssettm $0x7FFFFFFF  }
0xc3: {  	_ =	shalt  }
tec
execute0_lowered:
.L_overlay_start_1:
0x0: {  	(tag) =	ssettag $0x1  }
0x1: {  	s0 =	rddreg [dreg:$0x0];
	s6 =	stileid.u32  }
0x2: {  	s3 =	simm.s32 $0x0;
	s5 =	srdreg.scid;
	s29 =	simm.s32 $0x18800  }
0x3: {  	s30 =	simm.s32 $0x19800;
	s31 =	simm.s32 $0x1A800;
	s1 =	sshrl.u32 s6, $0x2  }
0x4: {  	[smem:$0x7FF] =	sst s3;
	s4 =	sadd.s32 $0xC4200, s0;
	s9 =	sand.u32 $0x1, s5  }
0x5: {  	s7 =	sshll.u32 s6, $0x1;
	s5 =	sadd.s32 $0x93400, s0;
	s6 =	sadd.s32 $0x62600, s0  }
0x6: {  	s2 =	smul.u32 $0x1880, s1;
	_ =	strace $0x8000004D;
	s8 =	sor.u32 s9, s7  }
0x7: {  	s7 =	sadd.s32 $0x31800, s0;
	s9 =	ssub.s32 $0x2, s9;
	s12 =	smul.u32 $0xC0, s1  }
0x8: {  	s1 =	sshll.u32 s1, $0x4;
	s10 =	smul.u32 $0x1880, s8;
	s11 =	sand.u32 $0x7, s8  }
0x9: {  	s8 =	sadd.s32 $0xA00, s0;
	s15 =	sshrl.u32 s9, $0x1;
	[dreg:$0x5] =	wrdreg s1  }
0xa: {  	s2 =	sadd.s32 s2, s0;
	s11 =	smul.u32 $0x30D40, s11;
	s17 =	sshrl.u32 s12, $0x2  }
0xb: {  	s9 =	ssub.s32 s9, s15;
	s2 =	sadd.s32 $0x127C00, s2;
	[dreg:$0x4] =	wrdreg s17  }
0xc: {  	s0 =	sadd.s32 s10, s0;
	s28 =	smax.u32 s9, $0x1;
	[dreg:$0x3] =	wrdreg s2  }
0xd: {  	s16 =	sshrl.u32 s11, $0x3;
	s0 =	sadd.s32 $0xF5000, s0;
	[dreg:$0x11] =	wrdreg s28  }
0xe: {  	s13 =	simm.s32 $0x1;
	s18 =	sadd.s32 s4, s16;
	[dreg:$0x10] =	wrdreg s0  }
0xf: {  	s14 =	simm.s32 $0xC400;
	s19 =	sadd.s32 s5, s16;
	[dreg:$0x6] =	wrdreg s18  }
0x10: {  	s12 =	simm.s32 $0x1CF10;
	s20 =	sadd.s32 s6, s16;
	[dreg:$0x7] =	wrdreg s19  }
0x11: {  	s15 =	simm.s32 $0x2;
	s22 =	sadd.s32 s7, s16;
	[dreg:$0x8] =	wrdreg s20  }
0x12: {  	s21 =	sadd.s32 $0xFA, s16;
	s2 =	sadd.s32 s8, s16;
	[dreg:$0x9] =	wrdreg s22  }
0x13: {  	s9 =	simm.s32 $0x1BF70;
	[dreg:$0xa] =	wrdreg s2;
	s23 =	sadd.s32 s4, s21  }
0x14: {  	s0 =	simm.s32 $0x1B7A0;
	s24 =	sadd.s32 s5, s21;
	[dreg:$0xb] =	wrdreg s23  }
0x15: {  	s16 =	simm.s32 $0x0;
	s25 =	sadd.s32 s6, s21;
	[dreg:$0xc] =	wrdreg s24  }
0x16: {  	s26 =	sadd.s32 s7, s21;
	s1 =	sadd.s32 s8, s21;
	[dreg:$0xd] =	wrdreg s25  }
0x17: {  	s22 =	sadd.s32 $0xFA0, s11;
	s18 =	simm.s32 $0x3;
	[dreg:$0xe] =	wrdreg s26  }
0x18: {  	s2 =	simm.s32 $0x18FD0;
	[dreg:$0xf] =	wrdreg s1;
	s23 =	sadd.s32 $0x1770, s11  }
0x19: {  	v0 =	vimm.f32 $0.0e+00;
	s1 =	simm.s32 $0x1AFD0;
	s26 =	simm.s32 $0x19FD0;
	s11 =	simm.s32 $0x1C740  }
.LBB2_1:
0x1a: {  	s10 =	rddreg [dreg:$0x1];
	s17 =	simm.s32 $0x1D700  }
0x1b: {  	[tilespmem:s17], [sflag:$0x3] =	stream.linear.gather [hbm4b:s10+s3], $0x100, $0x38;
	[tilespmem:$0x1D800] =	vst v63  }
0x1c: {  	_ =	swait.ge [sflag:s18], $0x100  }
0x1d: {  	[sflag:s18] =	ssyncset.done $0x0  }
0x1e: {  	s28 =	rddreg [dreg:$0x3];
	[sflag:s18] =	ssyncadd.s32 $0xFFFFFF00  }
0x1f: {  	[tilespmem:s3], [sflag:$0x3] =	stream.linear.gather [hbm4b:s28+s3], $0xC400, $0x38;
	[tilespmem:$0x1D800] =	vst v63  }
0x20: {  	_ =	swait.ge [sflag:s18], $0xC400  }
0x21: {  	[sflag:s18] =	ssyncset.done $0x0  }
0x22: {  	s10 =	simm.s32 $0x40;
	s17 =	simm.s32 $0x0;
	[sflag:s18] =	ssyncadd.s32 $0xFFFF3C00  }
.LBB2_2:
0x23: {  	p0 =	sne.s32 s10, $0x30FC0;
	[tilespmem:s17+$0xC400] =	vst v0;
	s17 =	smov.u32 s10;
	s10 =	sadd.s32 $0x40, s10  }
.Ltmp0:
0x24: {  	(pc) =	sbr.rel @p0 .LBB2_2-.Ltmp0, $2  }
0x25: {  	_ =	sdelay $0x2  }
0x26: {  	s17 =	sshra.s32 s17, $0x2  }
0x27: {  	[tilespmem:s17+$0xC400] =	vst v0;
	s10 =	rddreg [dreg:$0x4]  }
0x28: {  	v3 =	vld [tilespmem:s10+$0x1D700]  }
0x29: {  	s21 =	rddreg [dreg:$0x5];
	v4 =	vld [tilespmem:s10+$0x1D710]  }
0x2a: {  	s17 =	simm.s32 $0x0;
	s24 =	rddreg [dreg:$0x6];
	v2 =	vld [tilespmem:s10+$0x1D720]  }
0x2b: {  	v1 =	vld [tilespmem:s21+$0x1D7C0];
	[tilespmem:s29], [sflag:$0x1] =	stream.linear.gather [hbm4b:s24+s17], $0x7D0, $0x38  }
0x2c: {  	s25 =	rddreg [dreg:$0x7]  }
0x2d: {  	[tilespmem:s30], [sflag:$0x1] =	stream.linear.gather [hbm4b:s25+s17], $0x7D0, $0x38;
	[tilespmem:$0x1D800] =	vst v63  }
0x2e: {  	s28 =	rddreg [dreg:$0x8]  }
0x2f: {  	[tilespmem:s31], [sflag:$0x1] =	stream.linear.gather [hbm4b:s28+s17], $0x7D0, $0x38;
	[tilespmem:$0x1D800] =	vst v63  }
0x30: {  	s18 =	rddreg [dreg:$0x9]  }
0x31: {  	[tilespmem:s1], [sflag:$0x1] =	stream.linear.gather [hbm4b:s18+s17], $0x7D0, $0x38;
	[tilespmem:$0x1D800] =	vst v63  }
0x32: {  	s19 =	rddreg [dreg:$0xa]  }
0x33: {  	[tilespmem:s0], [sflag:$0x1] =	stream.linear.gather [hbm4b:s19+s17], $0x7D0, $0x38;
	[tilespmem:$0x1D800] =	vst v63  }
0x34: {  	s20 =	rddreg [dreg:$0xb]  }
0x35: {  	[tilespmem:s2], [sflag:$0x2] =	stream.linear.gather [hbm4b:s20+s17], $0x7D0, $0x38;
	[tilespmem:$0x1D800] =	vst v63  }
0x36: {  	s21 =	rddreg [dreg:$0xc]  }
0x37: {  	[tilespmem:s26], [sflag:$0x2] =	stream.linear.gather [hbm4b:s21+s17], $0x7D0, $0x38;
	[tilespmem:$0x1D800] =	vst v63  }
0x38: {  	s24 =	rddreg [dreg:$0xd]  }
0x39: {  	[tilespmem:s9], [sflag:$0x2] =	stream.linear.gather [hbm4b:s24+s17], $0x7D0, $0x38;
	[tilespmem:$0x1D800] =	vst v63  }
0x3a: {  	s25 =	rddreg [dreg:$0xe]  }
0x3b: {  	[tilespmem:s11], [sflag:$0x2] =	stream.linear.gather [hbm4b:s25+s17], $0x7D0, $0x38;
	[tilespmem:$0x1D800] =	vst v63  }
0x3c: {  	s28 =	rddreg [dreg:$0xf];
	s18 =	simm.s32 $0x0  }
0x3d: {  	[tilespmem:s12], [sflag:$0x2] =	stream.linear.gather [hbm4b:s28+s17], $0x7D0, $0x38;
	[tilespmem:$0x1D800] =	vst v63  }
.LBB2_4:
0x3e: {  	_ =	swait.ge [sflag:s13], $0x7D0  }
0x3f: {  	[sflag:s13] =	ssyncset.done $0x0  }
0x40: {  	[sflag:s13] =	ssyncadd.s32 $0xFFFFF830  }
0x41: {  	_ =	swait.ge [sflag:s13], $0x7D0  }
0x42: {  	[sflag:s13] =	ssyncset.done $0x0  }
0x43: {  	[sflag:s13] =	ssyncadd.s32 $0xFFFFF830  }
0x44: {  	_ =	swait.ge [sflag:s13], $0x7D0  }
0x45: {  	[sflag:s13] =	ssyncset.done $0x0  }
0x46: {  	[sflag:s13] =	ssyncadd.s32 $0xFFFFF830  }
0x47: {  	_ =	swait.ge [sflag:s13], $0x7D0  }
0x48: {  	[sflag:s13] =	ssyncset.done $0x0  }
0x49: {  	[sflag:s13] =	ssyncadd.s32 $0xFFFFF830  }
0x4a: {  	_ =	swait.ge [sflag:s13], $0x7D0  }
0x4b: {  	[sflag:s13] =	ssyncset.done $0x0  }
0x4c: {  	s10 =	simm.s32 $0x1B7D0;
	[sflag:s13] =	ssyncadd.s32 $0xFFFFF830  }
0x4d: {  	s19 =	simm.s32 $0x18820;
	v5 =	vld [tilespmem:s10+$0xFFFFF060]  }
0x4e: {  	s20 =	sand.u32 $0x7C0, s17;
	v6 =	vld [tilespmem:s19+$0x10]  }
0x4f: {  	v7 =	vld [tilespmem:s20+$0x1B000]  }
0x50: {  	v8 =	vld [tilespmem:s10+$0xFFFFF800]  }
0x51: {  	v9 =	vld [tilespmem:s10+$0x0]  }
0x52: {  	v10 =	vld [tilespmem:s10+$0xFFFFF040]  }
0x53: {  	v11 =	vld [tilespmem:s10+$0xFFFFF810]  }
0x54: {  	v12 =	vld [tilespmem:s10+$0xFFFFF050]  }
0x55: {  	v13 =	vld [tilespmem:s10+$0xFFFFF820]  }
0x56: {  	v15 =	vld [tilespmem:s10+$0xFFFFFFE0];
	v5 =	vmul.f32 v5, v3;
	v7 =	vmul.f32 v7, v4  }
0x57: {  	s20 =	simm.s32 $0x19820;
	v16 =	vld [tilespmem:s10+$0xFFFFFFF0]  }
0x58: {  	v14 =	vld [tilespmem:s20+$0x10];
	v5 =	vadd.f32 v7, v5;
	v7 =	vmul.f32 v9, v2  }
0x59: {  	v9 =	vld [tilespmem:s10+$0xFFFFF030]  }
0x5a: {  	v6 =	vld.idx.msk [tilespmem:v6+s3+$0x0], $0xffff;
	v5 =	vadd.f32 v7, v5  }
0x5b: {  	v7 =	vld [tilespmem:s10+$0xFFFFFFD0]  }
0x5c: {  	v17 =	vld [tilespmem:s19+$0xFFFFFFE0];
	v8 =	vmul.f32 v8, v4;
	v5 =	vadd.f32 v5, v1  }
0x5d: {  	v18 =	vld [tilespmem:s19+$0xFFFFFFF0];
	v10 =	vmul.f32 v10, v3;
	v11 =	vmul.f32 v11, v4  }
0x5e: {  	v19 =	vld [tilespmem:s19+$0x0];
	v12 =	vmul.f32 v12, v3;
	v9 =	vmul.f32 v9, v3;
	v5 =	vmax.f32 v5, $0.0e+00  }
0x5f: {  	v13 =	vmul.f32 v13, v4;
	v10 =	vadd.f32 v11, v10;
	v5 =	vmul.f32 v5, v6  }
0x60: {  	v11 =	vmul.f32 v7, v2;
	v8 =	vadd.f32 v8, v9;
	v9 =	vmul.f32 v15, v2  }
0x61: {  	v6 =	vadd.f32 v13, v12;
	v12 =	vmul.f32 v16, v2;
	v7 =	vld [tilespmem:s20+$0xFFFFFFE0]  }
0x62: {  	[tilespmem:v14+s14+$0x0] =	vst.idx.add.f32.msk $0xffff, v5;
	v8 =	vadd.f32 v11, v8;
	v9 =	vadd.f32 v9, v10  }
0x63: {  	v5 =	vld [tilespmem:s20+$0xFFFFFFF0];
	v10 =	vadd.f32 v12, v6  }
0x64: {  	v11 =	vadd.f32 v8, v1;
	v13 =	vadd.f32 v9, v1;
	v8 =	vld.idx.msk [tilespmem:v17+s3+$0x0], $0xffff  }
0x65: {  	v14 =	vadd.f32 v10, v1;
	v9 =	vld.idx.msk [tilespmem:v18+s3+$0x0], $0xffff  }
0x66: {  	v10 =	vmax.f32 v13, $0.0e+00;
	v13 =	vld.idx.msk [tilespmem:v19+s3+$0x0], $0xffff  }
0x67: {  	s21 =	simm.s32 $0x0;
	s24 =	simm.s32 $0x1B810;
	s25 =	simm.s32 $0x0;
	v6 =	vld [tilespmem:s20+$0x0];
	v12 =	vmax.f32 v11, $0.0e+00;
	v11 =	vmax.f32 v14, $0.0e+00  }
.LBB2_5:
0x68: {  	v14 =	vld [tilespmem:s24+$0xFFFFF060];
	s19 =	sadd.s32 $0x40, s19;
	s25 =	sadd.s32 $0x40, s25  }
0x69: {  	s21 =	sadd.s32 $0x4, s21;
	v8 =	vmul.f32 v12, v8;
	s10 =	sand.u32 $0x7C0, s25;
	v15 =	vld [tilespmem:s19+$0x10]  }
0x6a: {  	p0 =	slt.u32 s21, $0x78;
	v16 =	vmul.f32 v10, v9;
	v12 =	vld [tilespmem:s10+$0x1B000]  }
0x6b: {  	v17 =	vmul.f32 v11, v13;
	v9 =	vld [tilespmem:s24+$0xFFFFF800]  }
0x6c: {  	v10 =	vld [tilespmem:s24+$0x0]  }
0x6d: {  	v11 =	vld [tilespmem:s24+$0xFFFFF040]  }
0x6e: {  	v13 =	vld [tilespmem:s24+$0xFFFFF810]  }
0x6f: {  	v14 =	vmul.f32 v14, v3;
	v18 =	vld [tilespmem:s24+$0xFFFFF050];
	v12 =	vmul.f32 v12, v4  }
0x70: {  	s20 =	sadd.s32 $0x40, s20;
	v9 =	vmul.f32 v9, v4;
	v19 =	vld [tilespmem:s24+$0xFFFFF820]  }
0x71: {  	v12 =	vadd.f32 v12, v14;
	v10 =	vmul.f32 v10, v2;
	v14 =	vld [tilespmem:s20+$0x10]  }
0x72: {  	v11 =	vmul.f32 v11, v3;
	v15 =	vld.idx.msk [tilespmem:v15+s3+$0x0], $0xffff  }
0x73: {  	v20 =	vld [tilespmem:s24+$0xFFFFF030];
	v13 =	vmul.f32 v13, v4;
	v10 =	vadd.f32 v10, v12  }
0x74: {  	v12 =	vld [tilespmem:s24+$0xFFFFFFD0];
	v18 =	vmul.f32 v18, v3  }
0x75: {  	v21 =	vld [tilespmem:s24+$0xFFFFFFE0];
	v11 =	vadd.f32 v13, v11;
	v13 =	vmul.f32 v19, v4;
	v10 =	vadd.f32 v10, v1  }
0x76: {  	v19 =	vld [tilespmem:s24+$0xFFFFFFF0]  }
0x77: {  	v22 =	vld [tilespmem:s19+$0xFFFFFFE0];
	v13 =	vadd.f32 v13, v18;
	v10 =	vmax.f32 v10, $0.0e+00  }
0x78: {  	v18 =	vmul.f32 v20, v3;
	v20 =	vld [tilespmem:s19+$0xFFFFFFF0];
	v10 =	vmul.f32 v10, v15  }
0x79: {  	v12 =	vmul.f32 v12, v2;
	v15 =	vld [tilespmem:s19+$0x0]  }
0x7a: {  	v9 =	vadd.f32 v9, v18;
	v18 =	vmul.f32 v21, v2;
	[tilespmem:v14+s14+$0x0] =	vst.idx.add.f32.msk $0xffff, v10  }
0x7b: {  	v14 =	vld [tilespmem:s20+$0xFFFFFFE0];
	v10 =	vmul.f32 v19, v2  }
0x7c: {  	v9 =	vadd.f32 v12, v9;
	v11 =	vadd.f32 v18, v11;
	v18 =	vld [tilespmem:s20+$0xFFFFFFF0]  }
0x7d: {  	v10 =	vadd.f32 v10, v13;
	v19 =	vld [tilespmem:s20+$0x0]  }
0x7e: {  	v9 =	vadd.f32 v9, v1;
	v11 =	vadd.f32 v11, v1;
	[tilespmem:v7+s14+$0x0] =	vst.idx.add.f32.msk $0xffff, v8  }
.Ltmp1:
0x7f: {  	v8 =	vld.idx.msk [tilespmem:v22+s3+$0x0], $0xffff;
	v13 =	vadd.f32 v10, v1;
	(pc) =	sbr.rel @p0 .LBB2_5-.Ltmp1, $4  }
0x80: {  	v12 =	vmax.f32 v9, $0.0e+00;
	v10 =	vmax.f32 v11, $0.0e+00;
	v9 =	vld.idx.msk [tilespmem:v20+s3+$0x0], $0xffff;
	v7 =	vmov v14  }
0x81: {  	v11 =	vmax.f32 v13, $0.0e+00;
	v13 =	vld.idx.msk [tilespmem:v15+s3+$0x0], $0xffff  }
0x82: {  	[tilespmem:v5+s14+$0x0] =	vst.idx.add.f32.msk $0xffff, v16;
	v5 =	vmov v18  }
0x83: {  	s24 =	sadd.s32 $0x40, s24;
	[tilespmem:v6+s14+$0x0] =	vst.idx.add.f32.msk $0xffff, v17;
	v6 =	vmov v19  }
0x84: {  	_ =	sdelay $0x1  }
0x85: {  	v8 =	vmul.f32 v12, v8  }
0x86: {  	v9 =	vmul.f32 v10, v9  }
0x87: {  	v10 =	vmul.f32 v11, v13;
	[tilespmem:v7+s14+$0x0] =	vst.idx.add.f32.msk $0xffff, v8  }
0x88: {  	[tilespmem:v5+s14+$0x0] =	vst.idx.add.f32.msk $0xffff, v9  }
0x89: {  	[tilespmem:v6+s14+$0x0] =	vst.idx.add.f32.msk $0xffff, v10  }
0x8a: {  	v5 =	vld [tilespmem:$0x1AFC0]  }
0x8b: {  	v6 =	vld [tilespmem:$0x1B790]  }
0x8c: {  	v7 =	vld [tilespmem:$0x18FC0]  }
0x8d: {  	v8 =	vld [tilespmem:$0x1BF60];
	_ =	sdelay $0x2  }
0x8e: {  	v5 =	vmul.f32 v5, v3;
	v6 =	vmul.f32 v6, v4;
	_ =	sdelay $0x1  }
0x8f: {  	v5 =	vadd.f32 v6, v5;
	v6 =	vmul.f32 v8, v2  }
0x90: {  	s20 =	simm.s32 $0x0;
	v8 =	vld [tilespmem:$0x19FC0]  }
0x91: {  	v5 =	vadd.f32 v6, v5;
	v6 =	vld.idx.msk [tilespmem:v7+s20+$0x0], $0xffff;
	_ =	sdelay $0x1  }
0x92: {  	v5 =	vadd.f32 v5, v1  }
0x93: {  	s19 =	smul.u32 $0xFA0, s18  }
0x94: {  	v5 =	vmax.f32 v5, $0.0e+00  }
0x95: {  	s10 =	sadd.s32 s19, s22;
	v5 =	vmul.f32 v5, v6  }
0x96: {  	s10 =	sshrl.u32 s10, $0x3  }
0x97: {  	s21 =	sadd.s32 s4, s10;
	[tilespmem:v8+s14+$0x0] =	vst.idx.add.f32.msk $0xffff, v5  }
0x98: {  	[tilespmem:s29], [sflag:$0x1] =	stream.linear.gather [hbm4b:s21+s20], $0x7D0, $0x38;
	[tilespmem:$0x1D800] =	vst v63  }
0x99: {  	s28 =	sadd.s32 s5, s10  }
0x9a: {  	[tilespmem:s30], [sflag:$0x1] =	stream.linear.gather [hbm4b:s28+s20], $0x7D0, $0x38;
	[tilespmem:$0x1D800] =	vst v63  }
0x9b: {  	s24 =	sadd.s32 s6, s10  }
0x9c: {  	[tilespmem:s31], [sflag:$0x1] =	stream.linear.gather [hbm4b:s24+s20], $0x7D0, $0x38;
	[tilespmem:$0x1D800] =	vst v63  }
0x9d: {  	s25 =	sadd.s32 s7, s10  }
0x9e: {  	[tilespmem:s1], [sflag:$0x1] =	stream.linear.gather [hbm4b:s25+s20], $0x7D0, $0x38;
	[tilespmem:$0x1D800] =	vst v63  }
0x9f: {  	s10 =	sadd.s32 s8, s10  }
0xa0: {  	[tilespmem:s0], [sflag:$0x1] =	stream.linear.gather [hbm4b:s10+s20], $0x7D0, $0x38;
	[tilespmem:$0x1D800] =	vst v63  }
0xa1: {  	_ =	swait.ge [sflag:s15], $0x7D0  }
0xa2: {  	[sflag:s15] =	ssyncset.done $0x0  }
0xa3: {  	[sflag:s15] =	ssyncadd.s32 $0xFFFFF830  }
0xa4: {  	_ =	swait.ge [sflag:s15], $0x7D0  }
0xa5: {  	[sflag:s15] =	ssyncset.done $0x0  }
0xa6: {  	[sflag:s15] =	ssyncadd.s32 $0xFFFFF830  }
0xa7: {  	_ =	swait.ge [sflag:s15], $0x7D0  }
0xa8: {  	[sflag:s15] =	ssyncset.done $0x0  }
0xa9: {  	[sflag:s15] =	ssyncadd.s32 $0xFFFFF830  }
0xaa: {  	_ =	swait.ge [sflag:s15], $0x7D0  }
0xab: {  	[sflag:s15] =	ssyncset.done $0x0  }
0xac: {  	[sflag:s15] =	ssyncadd.s32 $0xFFFFF830  }
0xad: {  	_ =	swait.ge [sflag:s15], $0x7D0  }
0xae: {  	[sflag:s15] =	ssyncset.done $0x0  }
0xaf: {  	s28 =	simm.s32 $0x1CF40;
	[sflag:s15] =	ssyncadd.s32 $0xFFFFF830  }
0xb0: {  	s21 =	simm.s32 $0x19000;
	v5 =	vld [tilespmem:s28+$0xFFFFF810]  }
0xb1: {  	s24 =	sand.u32 $0x7C0, s20;
	v6 =	vld [tilespmem:s21+$0xFFFFFFE0]  }
0xb2: {  	v7 =	vld [tilespmem:s24+$0x1BF80]  }
0xb3: {  	v8 =	vld [tilespmem:s28+$0xFFFFF800]  }
0xb4: {  	v9 =	vld [tilespmem:s28+$0xFFFFFFE0]  }
0xb5: {  	v10 =	vld [tilespmem:s28+$0xFFFFF050]  }
0xb6: {  	v11 =	vld [tilespmem:s28+$0xFFFFF820]  }
0xb7: {  	v12 =	vld [tilespmem:s28+$0xFFFFF060]  }
0xb8: {  	v13 =	vld [tilespmem:s28+$0xFFFFF830]  }
0xb9: {  	v15 =	vld [tilespmem:s28+$0xFFFFFFF0];
	v7 =	vmul.f32 v7, v3;
	v5 =	vmul.f32 v5, v4  }
0xba: {  	s24 =	simm.s32 $0x1A000;
	v16 =	vld [tilespmem:s28+$0x0]  }
0xbb: {  	v14 =	vld [tilespmem:s24+$0xFFFFFFE0];
	v5 =	vadd.f32 v5, v7;
	v7 =	vmul.f32 v9, v2  }
0xbc: {  	v9 =	vld [tilespmem:s28+$0xFFFFF030]  }
0xbd: {  	v6 =	vld.idx.msk [tilespmem:v6+s3+$0x0], $0xffff;
	v5 =	vadd.f32 v7, v5  }
0xbe: {  	v7 =	vld [tilespmem:s28+$0xFFFFFFD0]  }
0xbf: {  	v17 =	vld [tilespmem:s21+$0xFFFFFFD0];
	v10 =	vmul.f32 v10, v3;
	v11 =	vmul.f32 v11, v4;
	v5 =	vadd.f32 v5, v1  }
0xc0: {  	v18 =	vld [tilespmem:s21+$0xFFFFFFF0];
	v12 =	vmul.f32 v12, v3;
	v13 =	vmul.f32 v13, v4  }
0xc1: {  	v19 =	vld [tilespmem:s21+$0x0];
	v8 =	vmul.f32 v8, v4;
	v9 =	vmul.f32 v9, v3;
	v5 =	vmax.f32 v5, $0.0e+00  }
0xc2: {  	v10 =	vadd.f32 v11, v10;
	v5 =	vmul.f32 v5, v6;
	v6 =	vadd.f32 v13, v12  }
0xc3: {  	v11 =	vmul.f32 v7, v2;
	v8 =	vadd.f32 v8, v9;
	v9 =	vmul.f32 v16, v2  }
0xc4: {  	[tilespmem:v14+s14+$0x0] =	vst.idx.add.f32.msk $0xffff, v5;
	v5 =	vmul.f32 v15, v2  }
0xc5: {  	v7 =	vld [tilespmem:s24+$0xFFFFFFD0];
	v8 =	vadd.f32 v11, v8;
	v9 =	vadd.f32 v9, v6  }
0xc6: {  	v6 =	vld [tilespmem:s24+$0x0];
	v10 =	vadd.f32 v5, v10  }
0xc7: {  	v11 =	vadd.f32 v8, v1;
	v8 =	vld.idx.msk [tilespmem:v17+s3+$0x0], $0xffff;
	v13 =	vadd.f32 v9, v1  }
0xc8: {  	v9 =	vld.idx.msk [tilespmem:v18+s3+$0x0], $0xffff;
	v10 =	vadd.f32 v10, v1  }
0xc9: {  	v12 =	vmax.f32 v11, $0.0e+00;
	v11 =	vmax.f32 v13, $0.0e+00;
	v13 =	vld.idx.msk [tilespmem:v19+s3+$0x0], $0xffff  }
0xca: {  	s25 =	simm.s32 $0x0;
	s10 =	simm.s32 $0x1CF80;
	v5 =	vld [tilespmem:s24+$0xFFFFFFF0];
	v10 =	vmax.f32 v10, $0.0e+00  }
.LBB2_7:
0xcb: {  	v14 =	vld [tilespmem:s10+$0xFFFFF810];
	s21 =	sadd.s32 $0x40, s21;
	s20 =	sadd.s32 $0x40, s20  }
0xcc: {  	s25 =	sadd.s32 $0x4, s25;
	v8 =	vmul.f32 v12, v8;
	s28 =	sand.u32 $0x7C0, s20;
	v15 =	vld [tilespmem:s21+$0xFFFFFFE0]  }
0xcd: {  	p0 =	slt.u32 s25, $0x78;
	v16 =	vmul.f32 v10, v9;
	v12 =	vld [tilespmem:s28+$0x1BF80]  }
0xce: {  	v17 =	vmul.f32 v11, v13;
	v9 =	vld [tilespmem:s10+$0xFFFFF800]  }
0xcf: {  	v10 =	vld [tilespmem:s10+$0xFFFFFFE0]  }
0xd0: {  	v11 =	vld [tilespmem:s10+$0xFFFFF050]  }
0xd1: {  	v13 =	vld [tilespmem:s10+$0xFFFFF820]  }
0xd2: {  	v14 =	vmul.f32 v14, v4;
	v12 =	vmul.f32 v12, v3;
	v18 =	vld [tilespmem:s10+$0xFFFFF060]  }
0xd3: {  	s24 =	sadd.s32 $0x40, s24;
	v9 =	vmul.f32 v9, v4;
	v19 =	vld [tilespmem:s10+$0xFFFFF830]  }
0xd4: {  	v12 =	vadd.f32 v14, v12;
	v10 =	vmul.f32 v10, v2;
	v14 =	vld [tilespmem:s24+$0xFFFFFFE0]  }
0xd5: {  	v15 =	vld.idx.msk [tilespmem:v15+s3+$0x0], $0xffff;
	v11 =	vmul.f32 v11, v3  }
0xd6: {  	v20 =	vld [tilespmem:s10+$0xFFFFF030];
	v10 =	vadd.f32 v10, v12;
	v12 =	vmul.f32 v13, v4  }
0xd7: {  	v13 =	vld [tilespmem:s10+$0xFFFFFFD0];
	v18 =	vmul.f32 v18, v3  }
0xd8: {  	v10 =	vadd.f32 v10, v1;
	v21 =	vld [tilespmem:s10+$0xFFFFFFF0];
	v11 =	vadd.f32 v12, v11;
	v12 =	vmul.f32 v19, v4  }
0xd9: {  	v19 =	vld [tilespmem:s10+$0x0]  }
0xda: {  	v22 =	vld [tilespmem:s21+$0xFFFFFFD0];
	v10 =	vmax.f32 v10, $0.0e+00;
	v12 =	vadd.f32 v12, v18  }
0xdb: {  	v18 =	vmul.f32 v20, v3;
	v10 =	vmul.f32 v10, v15;
	v15 =	vld [tilespmem:s21+$0xFFFFFFF0]  }
0xdc: {  	v13 =	vmul.f32 v13, v2;
	v20 =	vld [tilespmem:s21+$0x0]  }
0xdd: {  	v9 =	vadd.f32 v9, v18;
	[tilespmem:v14+s14+$0x0] =	vst.idx.add.f32.msk $0xffff, v10;
	v10 =	vmul.f32 v21, v2  }
0xde: {  	v14 =	vld [tilespmem:s24+$0xFFFFFFD0];
	v18 =	vmul.f32 v19, v2  }
0xdf: {  	v9 =	vadd.f32 v13, v9;
	v10 =	vadd.f32 v10, v11;
	v19 =	vld [tilespmem:s24+$0xFFFFFFF0]  }
0xe0: {  	v11 =	vadd.f32 v18, v12;
	v18 =	vld [tilespmem:s24+$0x0]  }
0xe1: {  	v9 =	vadd.f32 v9, v1;
	v10 =	vadd.f32 v10, v1;
	[tilespmem:v7+s14+$0x0] =	vst.idx.add.f32.msk $0xffff, v8  }
.Ltmp2:
0xe2: {  	v8 =	vld.idx.msk [tilespmem:v22+s3+$0x0], $0xffff;
	v11 =	vadd.f32 v11, v1;
	(pc) =	sbr.rel @p0 .LBB2_7-.Ltmp2, $4  }
0xe3: {  	v12 =	vmax.f32 v9, $0.0e+00;
	v10 =	vmax.f32 v10, $0.0e+00;
	v9 =	vld.idx.msk [tilespmem:v15+s3+$0x0], $0xffff;
	v7 =	vmov v14  }
0xe4: {  	v11 =	vmax.f32 v11, $0.0e+00;
	v13 =	vld.idx.msk [tilespmem:v20+s3+$0x0], $0xffff  }
0xe5: {  	[tilespmem:v5+s14+$0x0] =	vst.idx.add.f32.msk $0xffff, v16;
	v5 =	vmov v19  }
0xe6: {  	s10 =	sadd.s32 $0x40, s10;
	[tilespmem:v6+s14+$0x0] =	vst.idx.add.f32.msk $0xffff, v17;
	v6 =	vmov v18  }
0xe7: {  	_ =	sdelay $0x1  }
0xe8: {  	v8 =	vmul.f32 v12, v8  }
0xe9: {  	v9 =	vmul.f32 v10, v9  }
0xea: {  	v62 =	vmul.f32 v11, v13;
	[tilespmem:v7+s14+$0x0] =	vst.idx.add.f32.msk $0xffff, v8  }
0xeb: {  	[tilespmem:v5+s14+$0x0] =	vst.idx.add.f32.msk $0xffff, v9  }
0xec: {  	[tilespmem:v6+s14+$0x0] =	vst.idx.add.f32.msk $0xffff, v62  }
0xed: {  	v5 =	vld [tilespmem:$0x1C730]  }
0xee: {  	v6 =	vld [tilespmem:$0x1CF00]  }
0xef: {  	v7 =	vld [tilespmem:$0x19790]  }
0xf0: {  	v8 =	vld [tilespmem:$0x1D6D0];
	_ =	sdelay $0x2  }
0xf1: {  	v5 =	vmul.f32 v5, v3;
	v6 =	vmul.f32 v6, v4;
	_ =	sdelay $0x1  }
0xf2: {  	v5 =	vadd.f32 v6, v5;
	v6 =	vmul.f32 v8, v2  }
0xf3: {  	v63 =	vld [tilespmem:$0x1A790]  }
0xf4: {  	v5 =	vadd.f32 v6, v5;
	v6 =	vld.idx.msk [tilespmem:v7+s3+$0x0], $0xffff;
	_ =	sdelay $0x1  }
0xf5: {  	v5 =	vadd.f32 v5, v1;
	_ =	sdelay $0x1  }
0xf6: {  	v5 =	vmax.f32 v5, $0.0e+00  }
0xf7: {  	s10 =	sadd.s32 s19, s23;
	v5 =	vmul.f32 v5, v6  }
0xf8: {  	s10 =	sshrl.u32 s10, $0x3  }
0xf9: {  	s21 =	sadd.s32 s4, s10;
	[tilespmem:v63+s14+$0x0] =	vst.idx.add.f32.msk $0xffff, v5  }
0xfa: {  	[tilespmem:s2], [sflag:$0x2] =	stream.linear.gather [hbm4b:s21+s3], $0x7D0, $0x38;
	[tilespmem:$0x1D800] =	vst v63  }
0xfb: {  	s18 =	sadd.s32 $0x1, s18;
	s24 =	sadd.s32 s5, s10  }
0xfc: {  	[tilespmem:s26], [sflag:$0x2] =	stream.linear.gather [hbm4b:s24+s3], $0x7D0, $0x38;
	[tilespmem:$0x1D800] =	vst v63  }
0xfd: {  	p0 =	sne.s32 s18, $0x31;
	s25 =	sadd.s32 s6, s10  }
0xfe: {  	[tilespmem:s9], [sflag:$0x2] =	stream.linear.gather [hbm4b:s25+s3], $0x7D0, $0x38;
	[tilespmem:$0x1D800] =	vst v63  }
.Ltmp3:
0xff: {  	_ = 	snop;
	(pc) =	sbr.rel @p0 .LBB2_4-.Ltmp3, $4  }
0x100: {  	s28 =	sadd.s32 s7, s10  }
0x101: {  	[tilespmem:s11], [sflag:$0x2] =	stream.linear.gather [hbm4b:s28+s3], $0x7D0, $0x38;
	[tilespmem:$0x1D800] =	vst v63  }
0x102: {  	s10 =	sadd.s32 s8, s10  }
0x103: {  	[tilespmem:s12], [sflag:$0x2] =	stream.linear.gather [hbm4b:s10+s3], $0x7D0, $0x38;
	[tilespmem:$0x1D800] =	vst v63  }
0x104: {  	_ =	swait.ge [sflag:s13], $0x7D0  }
0x105: {  	[sflag:s13] =	ssyncset.done $0x0  }
0x106: {  	[sflag:s13] =	ssyncadd.s32 $0xFFFFF830  }
0x107: {  	_ =	swait.ge [sflag:s13], $0x7D0  }
0x108: {  	[sflag:s13] =	ssyncset.done $0x0  }
0x109: {  	[sflag:s13] =	ssyncadd.s32 $0xFFFFF830  }
0x10a: {  	_ =	swait.ge [sflag:s13], $0x7D0  }
0x10b: {  	[sflag:s13] =	ssyncset.done $0x0  }
0x10c: {  	[sflag:s13] =	ssyncadd.s32 $0xFFFFF830  }
0x10d: {  	_ =	swait.ge [sflag:s13], $0x7D0  }
0x10e: {  	[sflag:s13] =	ssyncset.done $0x0  }
0x10f: {  	[sflag:s13] =	ssyncadd.s32 $0xFFFFF830  }
0x110: {  	_ =	swait.ge [sflag:s13], $0x7D0  }
0x111: {  	[sflag:s13] =	ssyncset.done $0x0  }
0x112: {  	s10 =	simm.s32 $0x1B7D0;
	[sflag:s13] =	ssyncadd.s32 $0xFFFFF830  }
0x113: {  	s17 =	simm.s32 $0x18820;
	s18 =	simm.s32 $0x0;
	v5 =	vld [tilespmem:s10+$0xFFFFF060]  }
0x114: {  	s19 =	sand.u32 $0x7C0, s18;
	v6 =	vld [tilespmem:s17+$0x10]  }
0x115: {  	v7 =	vld [tilespmem:s19+$0x1B000]  }
0x116: {  	v8 =	vld [tilespmem:s10+$0xFFFFF800]  }
0x117: {  	v9 =	vld [tilespmem:s10+$0x0]  }
0x118: {  	v10 =	vld [tilespmem:s10+$0xFFFFF040]  }
0x119: {  	v11 =	vld [tilespmem:s10+$0xFFFFF810]  }
0x11a: {  	v12 =	vld [tilespmem:s10+$0xFFFFF050]  }
0x11b: {  	v13 =	vld [tilespmem:s10+$0xFFFFF820]  }
0x11c: {  	v15 =	vld [tilespmem:s10+$0xFFFFFFE0];
	v5 =	vmul.f32 v5, v3;
	v7 =	vmul.f32 v7, v4  }
0x11d: {  	s19 =	simm.s32 $0x19820;
	v16 =	vld [tilespmem:s10+$0xFFFFFFF0]  }
0x11e: {  	v14 =	vld [tilespmem:s19+$0x10];
	v5 =	vadd.f32 v7, v5;
	v7 =	vmul.f32 v9, v2  }
0x11f: {  	v9 =	vld [tilespmem:s10+$0xFFFFF030]  }
0x120: {  	v6 =	vld.idx.msk [tilespmem:v6+s3+$0x0], $0xffff;
	v5 =	vadd.f32 v7, v5  }
0x121: {  	v7 =	vld [tilespmem:s10+$0xFFFFFFD0]  }
0x122: {  	v17 =	vld [tilespmem:s17+$0xFFFFFFE0];
	v8 =	vmul.f32 v8, v4;
	v5 =	vadd.f32 v5, v1  }
0x123: {  	v18 =	vld [tilespmem:s17+$0xFFFFFFF0];
	v10 =	vmul.f32 v10, v3;
	v11 =	vmul.f32 v11, v4  }
0x124: {  	v19 =	vld [tilespmem:s17+$0x0];
	v12 =	vmul.f32 v12, v3;
	v9 =	vmul.f32 v9, v3;
	v5 =	vmax.f32 v5, $0.0e+00  }
0x125: {  	v13 =	vmul.f32 v13, v4;
	v10 =	vadd.f32 v11, v10;
	v5 =	vmul.f32 v5, v6  }
0x126: {  	v11 =	vmul.f32 v7, v2;
	v8 =	vadd.f32 v8, v9;
	v9 =	vmul.f32 v15, v2  }
0x127: {  	v6 =	vadd.f32 v13, v12;
	v12 =	vmul.f32 v16, v2;
	v7 =	vld [tilespmem:s19+$0xFFFFFFE0]  }
0x128: {  	[tilespmem:v14+s14+$0x0] =	vst.idx.add.f32.msk $0xffff, v5;
	v8 =	vadd.f32 v11, v8;
	v9 =	vadd.f32 v9, v10  }
0x129: {  	v5 =	vld [tilespmem:s19+$0xFFFFFFF0];
	v10 =	vadd.f32 v12, v6  }
0x12a: {  	v11 =	vadd.f32 v8, v1;
	v13 =	vadd.f32 v9, v1;
	v8 =	vld.idx.msk [tilespmem:v17+s3+$0x0], $0xffff  }
0x12b: {  	v14 =	vadd.f32 v10, v1;
	v9 =	vld.idx.msk [tilespmem:v18+s3+$0x0], $0xffff  }
0x12c: {  	v10 =	vmax.f32 v13, $0.0e+00;
	v13 =	vld.idx.msk [tilespmem:v19+s3+$0x0], $0xffff  }
0x12d: {  	s20 =	simm.s32 $0x0;
	s10 =	simm.s32 $0x1B810;
	v6 =	vld [tilespmem:s19+$0x0];
	v12 =	vmax.f32 v11, $0.0e+00;
	v11 =	vmax.f32 v14, $0.0e+00  }
.LBB2_10:
0x12e: {  	v14 =	vld [tilespmem:s10+$0xFFFFF060];
	s17 =	sadd.s32 $0x40, s17;
	s18 =	sadd.s32 $0x40, s18  }
0x12f: {  	s20 =	sadd.s32 $0x4, s20;
	v8 =	vmul.f32 v12, v8;
	s21 =	sand.u32 $0x7C0, s18;
	v15 =	vld [tilespmem:s17+$0x10]  }
0x130: {  	p0 =	slt.u32 s20, $0x78;
	v16 =	vmul.f32 v10, v9;
	v12 =	vld [tilespmem:s21+$0x1B000]  }
0x131: {  	v17 =	vmul.f32 v11, v13;
	v9 =	vld [tilespmem:s10+$0xFFFFF800]  }
0x132: {  	v10 =	vld [tilespmem:s10+$0x0]  }
0x133: {  	v11 =	vld [tilespmem:s10+$0xFFFFF040]  }
0x134: {  	v13 =	vld [tilespmem:s10+$0xFFFFF810]  }
0x135: {  	v14 =	vmul.f32 v14, v3;
	v18 =	vld [tilespmem:s10+$0xFFFFF050];
	v12 =	vmul.f32 v12, v4  }
0x136: {  	s19 =	sadd.s32 $0x40, s19;
	v9 =	vmul.f32 v9, v4;
	v19 =	vld [tilespmem:s10+$0xFFFFF820]  }
0x137: {  	v12 =	vadd.f32 v12, v14;
	v10 =	vmul.f32 v10, v2;
	v14 =	vld [tilespmem:s19+$0x10]  }
0x138: {  	v11 =	vmul.f32 v11, v3;
	v15 =	vld.idx.msk [tilespmem:v15+s3+$0x0], $0xffff  }
0x139: {  	v20 =	vld [tilespmem:s10+$0xFFFFF030];
	v13 =	vmul.f32 v13, v4;
	v10 =	vadd.f32 v10, v12  }
0x13a: {  	v12 =	vld [tilespmem:s10+$0xFFFFFFD0];
	v18 =	vmul.f32 v18, v3  }
0x13b: {  	v21 =	vld [tilespmem:s10+$0xFFFFFFE0];
	v11 =	vadd.f32 v13, v11;
	v13 =	vmul.f32 v19, v4;
	v10 =	vadd.f32 v10, v1  }
0x13c: {  	v19 =	vld [tilespmem:s10+$0xFFFFFFF0]  }
0x13d: {  	v22 =	vld [tilespmem:s17+$0xFFFFFFE0];
	v13 =	vadd.f32 v13, v18;
	v10 =	vmax.f32 v10, $0.0e+00  }
0x13e: {  	v18 =	vmul.f32 v20, v3;
	v20 =	vld [tilespmem:s17+$0xFFFFFFF0];
	v10 =	vmul.f32 v10, v15  }
0x13f: {  	v12 =	vmul.f32 v12, v2;
	v15 =	vld [tilespmem:s17+$0x0]  }
0x140: {  	v9 =	vadd.f32 v9, v18;
	v18 =	vmul.f32 v21, v2;
	[tilespmem:v14+s14+$0x0] =	vst.idx.add.f32.msk $0xffff, v10  }
0x141: {  	v14 =	vld [tilespmem:s19+$0xFFFFFFE0];
	v10 =	vmul.f32 v19, v2  }
0x142: {  	v9 =	vadd.f32 v12, v9;
	v11 =	vadd.f32 v18, v11;
	v18 =	vld [tilespmem:s19+$0xFFFFFFF0]  }
0x143: {  	v10 =	vadd.f32 v10, v13;
	v19 =	vld [tilespmem:s19+$0x0]  }
0x144: {  	v9 =	vadd.f32 v9, v1;
	v11 =	vadd.f32 v11, v1;
	[tilespmem:v7+s14+$0x0] =	vst.idx.add.f32.msk $0xffff, v8  }
.Ltmp4:
0x145: {  	v8 =	vld.idx.msk [tilespmem:v22+s3+$0x0], $0xffff;
	v13 =	vadd.f32 v10, v1;
	(pc) =	sbr.rel @p0 .LBB2_10-.Ltmp4, $4  }
0x146: {  	v12 =	vmax.f32 v9, $0.0e+00;
	v10 =	vmax.f32 v11, $0.0e+00;
	v9 =	vld.idx.msk [tilespmem:v20+s3+$0x0], $0xffff;
	v7 =	vmov v14  }
0x147: {  	v11 =	vmax.f32 v13, $0.0e+00;
	v13 =	vld.idx.msk [tilespmem:v15+s3+$0x0], $0xffff  }
0x148: {  	[tilespmem:v5+s14+$0x0] =	vst.idx.add.f32.msk $0xffff, v16;
	v5 =	vmov v18  }
0x149: {  	s10 =	sadd.s32 $0x40, s10;
	[tilespmem:v6+s14+$0x0] =	vst.idx.add.f32.msk $0xffff, v17;
	v6 =	vmov v19  }
0x14a: {  	_ =	sdelay $0x1  }
0x14b: {  	v8 =	vmul.f32 v12, v8  }
0x14c: {  	v9 =	vmul.f32 v10, v9  }
0x14d: {  	v10 =	vmul.f32 v11, v13;
	[tilespmem:v7+s14+$0x0] =	vst.idx.add.f32.msk $0xffff, v8  }
0x14e: {  	[tilespmem:v5+s14+$0x0] =	vst.idx.add.f32.msk $0xffff, v9  }
0x14f: {  	[tilespmem:v6+s14+$0x0] =	vst.idx.add.f32.msk $0xffff, v10  }
0x150: {  	v5 =	vld [tilespmem:$0x1AFC0]  }
0x151: {  	v6 =	vld [tilespmem:$0x1B790]  }
0x152: {  	v7 =	vld [tilespmem:$0x18FC0]  }
0x153: {  	v8 =	vld [tilespmem:$0x1BF60];
	_ =	sdelay $0x2  }
0x154: {  	v5 =	vmul.f32 v5, v3;
	v6 =	vmul.f32 v6, v4;
	_ =	sdelay $0x1  }
0x155: {  	v5 =	vadd.f32 v6, v5;
	v6 =	vmul.f32 v8, v2  }
0x156: {  	s17 =	simm.s32 $0x0;
	v8 =	vld [tilespmem:$0x19FC0]  }
0x157: {  	v5 =	vadd.f32 v6, v5;
	v6 =	vld.idx.msk [tilespmem:v7+s17+$0x0], $0xffff;
	_ =	sdelay $0x1  }
0x158: {  	v5 =	vadd.f32 v5, v1;
	_ =	sdelay $0x1  }
0x159: {  	v5 =	vmax.f32 v5, $0.0e+00  }
0x15a: {  	v5 =	vmul.f32 v5, v6;
	_ =	sdelay $0x1  }
0x15b: {  	[tilespmem:v8+s14+$0x0] =	vst.idx.add.f32.msk $0xffff, v5  }
0x15c: {  	_ =	swait.ge [sflag:s15], $0x7D0  }
0x15d: {  	[sflag:s15] =	ssyncset.done $0x0  }
0x15e: {  	[sflag:s15] =	ssyncadd.s32 $0xFFFFF830  }
0x15f: {  	_ =	swait.ge [sflag:s15], $0x7D0  }
0x160: {  	[sflag:s15] =	ssyncset.done $0x0  }
0x161: {  	[sflag:s15] =	ssyncadd.s32 $0xFFFFF830  }
0x162: {  	_ =	swait.ge [sflag:s15], $0x7D0  }
0x163: {  	[sflag:s15] =	ssyncset.done $0x0  }
0x164: {  	[sflag:s15] =	ssyncadd.s32 $0xFFFFF830  }
0x165: {  	_ =	swait.ge [sflag:s15], $0x7D0  }
0x166: {  	[sflag:s15] =	ssyncset.done $0x0  }
0x167: {  	[sflag:s15] =	ssyncadd.s32 $0xFFFFF830  }
0x168: {  	_ =	swait.ge [sflag:s15], $0x7D0  }
0x169: {  	[sflag:s15] =	ssyncset.done $0x0  }
0x16a: {  	s10 =	simm.s32 $0x1CF40;
	[sflag:s15] =	ssyncadd.s32 $0xFFFFF830  }
0x16b: {  	s18 =	simm.s32 $0x19000;
	v5 =	vld [tilespmem:s10+$0xFFFFF810]  }
0x16c: {  	s19 =	sand.u32 $0x7C0, s17;
	v6 =	vld [tilespmem:s18+$0xFFFFFFE0]  }
0x16d: {  	v7 =	vld [tilespmem:s19+$0x1BF80]  }
0x16e: {  	v8 =	vld [tilespmem:s10+$0xFFFFF800]  }
0x16f: {  	v9 =	vld [tilespmem:s10+$0xFFFFFFE0]  }
0x170: {  	v10 =	vld [tilespmem:s10+$0xFFFFF050]  }
0x171: {  	v11 =	vld [tilespmem:s10+$0xFFFFF820]  }
0x172: {  	v12 =	vld [tilespmem:s10+$0xFFFFF060]  }
0x173: {  	v13 =	vld [tilespmem:s10+$0xFFFFF830]  }
0x174: {  	v15 =	vld [tilespmem:s10+$0xFFFFFFF0];
	v7 =	vmul.f32 v7, v3;
	v5 =	vmul.f32 v5, v4  }
0x175: {  	s19 =	simm.s32 $0x1A000;
	v16 =	vld [tilespmem:s10+$0x0]  }
0x176: {  	v14 =	vld [tilespmem:s19+$0xFFFFFFE0];
	v5 =	vadd.f32 v5, v7;
	v7 =	vmul.f32 v9, v2  }
0x177: {  	v9 =	vld [tilespmem:s10+$0xFFFFF030]  }
0x178: {  	v6 =	vld.idx.msk [tilespmem:v6+s3+$0x0], $0xffff;
	v5 =	vadd.f32 v7, v5  }
0x179: {  	v7 =	vld [tilespmem:s10+$0xFFFFFFD0]  }
0x17a: {  	v17 =	vld [tilespmem:s18+$0xFFFFFFD0];
	v10 =	vmul.f32 v10, v3;
	v11 =	vmul.f32 v11, v4;
	v5 =	vadd.f32 v5, v1  }
0x17b: {  	v18 =	vld [tilespmem:s18+$0xFFFFFFF0];
	v12 =	vmul.f32 v12, v3;
	v13 =	vmul.f32 v13, v4  }
0x17c: {  	v19 =	vld [tilespmem:s18+$0x0];
	v8 =	vmul.f32 v8, v4;
	v9 =	vmul.f32 v9, v3;
	v5 =	vmax.f32 v5, $0.0e+00  }
0x17d: {  	v10 =	vadd.f32 v11, v10;
	v5 =	vmul.f32 v5, v6;
	v6 =	vadd.f32 v13, v12  }
0x17e: {  	v11 =	vmul.f32 v7, v2;
	v8 =	vadd.f32 v8, v9;
	v9 =	vmul.f32 v16, v2  }
0x17f: {  	[tilespmem:v14+s14+$0x0] =	vst.idx.add.f32.msk $0xffff, v5;
	v5 =	vmul.f32 v15, v2  }
0x180: {  	v7 =	vld [tilespmem:s19+$0xFFFFFFD0];
	v8 =	vadd.f32 v11, v8;
	v9 =	vadd.f32 v9, v6  }
0x181: {  	v6 =	vld [tilespmem:s19+$0x0];
	v10 =	vadd.f32 v5, v10  }
0x182: {  	v11 =	vadd.f32 v8, v1;
	v8 =	vld.idx.msk [tilespmem:v17+s3+$0x0], $0xffff;
	v13 =	vadd.f32 v9, v1  }
0x183: {  	v9 =	vld.idx.msk [tilespmem:v18+s3+$0x0], $0xffff;
	v10 =	vadd.f32 v10, v1  }
0x184: {  	v12 =	vmax.f32 v11, $0.0e+00;
	v11 =	vmax.f32 v13, $0.0e+00;
	v13 =	vld.idx.msk [tilespmem:v19+s3+$0x0], $0xffff  }
0x185: {  	s20 =	simm.s32 $0x0;
	s10 =	simm.s32 $0x1CF80;
	v5 =	vld [tilespmem:s19+$0xFFFFFFF0];
	v10 =	vmax.f32 v10, $0.0e+00  }
.LBB2_12:
0x186: {  	v14 =	vld [tilespmem:s10+$0xFFFFF810];
	s18 =	sadd.s32 $0x40, s18;
	s17 =	sadd.s32 $0x40, s17  }
0x187: {  	s20 =	sadd.s32 $0x4, s20;
	v8 =	vmul.f32 v12, v8;
	s21 =	sand.u32 $0x7C0, s17;
	v15 =	vld [tilespmem:s18+$0xFFFFFFE0]  }
0x188: {  	p0 =	slt.u32 s20, $0x78;
	v16 =	vmul.f32 v10, v9;
	v12 =	vld [tilespmem:s21+$0x1BF80]  }
0x189: {  	v17 =	vmul.f32 v11, v13;
	v9 =	vld [tilespmem:s10+$0xFFFFF800]  }
0x18a: {  	v10 =	vld [tilespmem:s10+$0xFFFFFFE0]  }
0x18b: {  	v11 =	vld [tilespmem:s10+$0xFFFFF050]  }
0x18c: {  	v13 =	vld [tilespmem:s10+$0xFFFFF820]  }
0x18d: {  	v14 =	vmul.f32 v14, v4;
	v12 =	vmul.f32 v12, v3;
	v18 =	vld [tilespmem:s10+$0xFFFFF060]  }
0x18e: {  	s19 =	sadd.s32 $0x40, s19;
	v9 =	vmul.f32 v9, v4;
	v19 =	vld [tilespmem:s10+$0xFFFFF830]  }
0x18f: {  	v12 =	vadd.f32 v14, v12;
	v10 =	vmul.f32 v10, v2;
	v14 =	vld [tilespmem:s19+$0xFFFFFFE0]  }
0x190: {  	v15 =	vld.idx.msk [tilespmem:v15+s3+$0x0], $0xffff;
	v11 =	vmul.f32 v11, v3  }
0x191: {  	v20 =	vld [tilespmem:s10+$0xFFFFF030];
	v10 =	vadd.f32 v10, v12;
	v12 =	vmul.f32 v13, v4  }
0x192: {  	v13 =	vld [tilespmem:s10+$0xFFFFFFD0];
	v18 =	vmul.f32 v18, v3  }
0x193: {  	v10 =	vadd.f32 v10, v1;
	v21 =	vld [tilespmem:s10+$0xFFFFFFF0];
	v11 =	vadd.f32 v12, v11;
	v12 =	vmul.f32 v19, v4  }
0x194: {  	v19 =	vld [tilespmem:s10+$0x0]  }
0x195: {  	v22 =	vld [tilespmem:s18+$0xFFFFFFD0];
	v10 =	vmax.f32 v10, $0.0e+00;
	v12 =	vadd.f32 v12, v18  }
0x196: {  	v18 =	vmul.f32 v20, v3;
	v10 =	vmul.f32 v10, v15;
	v15 =	vld [tilespmem:s18+$0xFFFFFFF0]  }
0x197: {  	v13 =	vmul.f32 v13, v2;
	v20 =	vld [tilespmem:s18+$0x0]  }
0x198: {  	v9 =	vadd.f32 v9, v18;
	[tilespmem:v14+s14+$0x0] =	vst.idx.add.f32.msk $0xffff, v10;
	v10 =	vmul.f32 v21, v2  }
0x199: {  	v14 =	vld [tilespmem:s19+$0xFFFFFFD0];
	v18 =	vmul.f32 v19, v2  }
0x19a: {  	v9 =	vadd.f32 v13, v9;
	v10 =	vadd.f32 v10, v11;
	v19 =	vld [tilespmem:s19+$0xFFFFFFF0]  }
0x19b: {  	v11 =	vadd.f32 v18, v12;
	v18 =	vld [tilespmem:s19+$0x0]  }
0x19c: {  	v9 =	vadd.f32 v9, v1;
	v10 =	vadd.f32 v10, v1;
	[tilespmem:v7+s14+$0x0] =	vst.idx.add.f32.msk $0xffff, v8  }
.Ltmp5:
0x19d: {  	v8 =	vld.idx.msk [tilespmem:v22+s3+$0x0], $0xffff;
	v11 =	vadd.f32 v11, v1;
	(pc) =	sbr.rel @p0 .LBB2_12-.Ltmp5, $4  }
0x19e: {  	v12 =	vmax.f32 v9, $0.0e+00;
	v10 =	vmax.f32 v10, $0.0e+00;
	v9 =	vld.idx.msk [tilespmem:v15+s3+$0x0], $0xffff;
	v7 =	vmov v14  }
0x19f: {  	v11 =	vmax.f32 v11, $0.0e+00;
	v13 =	vld.idx.msk [tilespmem:v20+s3+$0x0], $0xffff  }
0x1a0: {  	[tilespmem:v5+s14+$0x0] =	vst.idx.add.f32.msk $0xffff, v16;
	v5 =	vmov v19  }
0x1a1: {  	s10 =	sadd.s32 $0x40, s10;
	[tilespmem:v6+s14+$0x0] =	vst.idx.add.f32.msk $0xffff, v17;
	v6 =	vmov v18  }
0x1a2: {  	_ =	sdelay $0x1  }
0x1a3: {  	v8 =	vmul.f32 v12, v8  }
0x1a4: {  	v9 =	vmul.f32 v10, v9  }
0x1a5: {  	v62 =	vmul.f32 v11, v13;
	[tilespmem:v7+s14+$0x0] =	vst.idx.add.f32.msk $0xffff, v8  }
0x1a6: {  	[tilespmem:v5+s14+$0x0] =	vst.idx.add.f32.msk $0xffff, v9  }
0x1a7: {  	[tilespmem:v6+s14+$0x0] =	vst.idx.add.f32.msk $0xffff, v62  }
0x1a8: {  	v5 =	vld [tilespmem:$0x1C730]  }
0x1a9: {  	v6 =	vld [tilespmem:$0x1CF00]  }
0x1aa: {  	v7 =	vld [tilespmem:$0x19790]  }
0x1ab: {  	v8 =	vld [tilespmem:$0x1D6D0];
	_ =	sdelay $0x2  }
0x1ac: {  	v3 =	vmul.f32 v5, v3;
	v4 =	vmul.f32 v6, v4;
	_ =	sdelay $0x1  }
0x1ad: {  	v2 =	vmul.f32 v8, v2;
	v3 =	vadd.f32 v4, v3  }
0x1ae: {  	v63 =	vld [tilespmem:$0x1A790]  }
0x1af: {  	v2 =	vadd.f32 v2, v3;
	v3 =	vld.idx.msk [tilespmem:v7+s3+$0x0], $0xffff;
	_ =	sdelay $0x1  }
0x1b0: {  	v1 =	vadd.f32 v2, v1;
	_ =	sdelay $0x1  }
0x1b1: {  	v1 =	vmax.f32 v1, $0.0e+00  }
0x1b2: {  	v1 =	vmul.f32 v1, v3;
	_ =	sdelay $0x1  }
0x1b3: {  	s18 =	simm.s32 $0x3;
	s10 =	rddreg [dreg:$0x10];
	[tilespmem:v63+s14+$0x0] =	vst.idx.add.f32.msk $0xffff, v1  }
0x1b4: {  	[hbm4b:s10+s3] =	stream.linear.scatter [tilespmem:s14], [sflag:$0x3], $0xC400, $0x38;
	[tilespmem:$0x1D800] =	vst v63  }
0x1b5: {  	_ =	swait.ge [sflag:s18], $0xC400  }
0x1b6: {  	s16 =	sadd.s32 $0x1, s16;
	s28 =	rddreg [dreg:$0x11]  }
0x1b7: {  	p0 =	sne.s32 s16, s28  }
.Ltmp6:
0x1b8: {  	_ = 	snop;
	(pc) =	sbr.rel @p0 .LBB2_1-.Ltmp6, $3  }
0x1b9: {  	_ =	sdelay $0x1  }
0x1ba: {  	[sflag:s18] =	ssyncset.done $0x0  }
0x1bb: {  	[sflag:s18] =	ssyncadd.s32 $0xFFFF3C00  }
0x1bc: {  	_ =	sfence.sel $0x180000  }
0x1bd: {  	[bflag:$0x0] =	sbarrier.arrive $0xFFFF  }
0x1be: {  	_ =	strace $0x9000004D  }
0x1bf: {  	s0 =	stileid.u32;
	[bflag:$0x2] =	sbarrier.arrive $0xFFFF  }
0x1c0: {  	p0 =	sne.s32 s0, $0x0;
	s0 =	rddreg [dreg:$0x2]  }
0x1c1: {  	s0 =	sadd.s32 @!p0 $0x100000, s0  }
0x1c2: {  	[sflag:s0] =	ssyncadd.tile.s32 @!p0 $0x1;
	_ =	shalt  }
.Lfunc_end2:
_tile_overlayer_lowered:
.L_overlay_start_2:
0x1c3: {  	(tag) =	ssettag $0x2  }
0x1c4: {  	s0 =	rddreg [dreg:$0x0];
	s2 =	stileid.u32  }
0x1c5: {  	s1 =	rddreg [dreg:$0x1];
	p0 =	sne.s32 s2, $0x0  }
0x1c6: {  	s3 =	rddreg [dreg:$0x2];
	[bflag:$0x3] =	sbarrier.arrive $0xFFFF;
	s2 =	simm.s32 @!p0 $0x1C03  }
0x1c7: {  	[timem:s3], [sflag:s2] =	dma.local @!p0 [hbm:s0], s1  }
0x1c8: {  	s0 =	simm.s32 @!p0 $0x3  }
0x1c9: {  	_ =	swait.ge @!p0 [sflag:s0], s1  }
0x1ca: {  	s1 =	ssub.s32 @!p0 $0x0, s1;
	[sflag:s0] =	ssyncset.done @!p0 $0x0  }
0x1cb: {  	[sflag:s0] =	ssyncadd.s32 @!p0 s1  }
0x1cc: {  	[bflag:$0x3] =	sbarrier.arrive $0xFFFF  }
0x1cd: {  	_ =	shalt  }

// kernel: kernel.15.cloned.1.call-start
scs
__scs_entry_jumppad:
0x0: {  	(pc) =	sbr.rel $0x88, $3  }
0x1: {  	(tag) =	ssettag $0x0;
	lr =	simm.s32 $0x1  }
0x2: {  	[smem:$0x3F96] =	sst lr;
	_ =	strace $0xD0000000  }
0x3: {  	_ = 	snop  }
0x4: {  	_ = 	snop  }
0x5: {  	_ = 	snop  }
0x6: {  	_ = 	snop  }
0x7: {  	_ = 	snop  }
__scs_overlays_trampoline_lowered:
0x8: {  	[smem:$0x3FA5] =	sst s0  }
0x9: {  	[smem:$0x3FA6] =	sst s1  }
0xa: {  	[smem:$0x3FA7] =	sst s2  }
0xb: {  	[smem:$0x3FA8] =	sst s3  }
0xc: {  	[smem:$0x3FA9] =	sst s4  }
0xd: {  	[smem:$0x3FAA] =	sst s5  }
0xe: {  	[smem:$0x3FAB] =	sst s6  }
0xf: {  	[smem:$0x3FAC] =	sst s7  }
0x10: {  	[smem:$0x3FAD] =	sst s8  }
0x11: {  	[smem:$0x3FAE] =	sst s9;
	s0 =	simm.s32 @!p0 $0x0  }
0x12: {  	s1 =	sld [smem:$0x3F94];
	s0 =	simm.s32 @p0 $0x1  }
0x13: {  	[smem:$0x3FAF] =	sst s0;
	s0 =	simm.s32 @!p1 $0x0  }
0x14: {  	s2 =	sld [smem:$0x3F93];
	s0 =	simm.s32 @p1 $0x1  }
0x15: {  	[smem:$0x3FB0] =	sst s0;
	s0 =	simm.s32 @!p2 $0x0  }
0x16: {  	s3 =	sld [smem:$0x3FDB];
	s0 =	simm.s32 @p2 $0x1  }
0x17: {  	s4 =	simm.s32 $0x1BF5;
	[smem:$0x3FB2] =	sst s0  }
0x18: {  	s0 =	sld [smem:$0x3F95];
	_ =	swait.ge [sflag:s4], $0x0  }
0x19: {  	s7 =	sld [smem:$0x3F96]  }
0x1a: {  	s8 =	sadd.s32 $0xFFFFE003, lr  }
0x1b: {  	s9 =	sadd.s32 $0xFFFFFEF7, lr;
	s5 =	simm.s32 $0xFFFFFFFF;
	p2 =	slt.u32 s8, $0xFFFFF086  }
0x1c: {  	p1 =	slt.u32 s9, $0xF7A;
	s5 =	simm.s32 @!p2 $0x0  }
0x1d: {  	s5 =	simm.s32 @p1 $0x1;
	p0 =	seq.s32 s7, s2  }
0x1e: {  	s7 =	smul.u32 @!p0 $0xF7A, s2;
	p2 =	seq.s32 @!p0 s5, $0x0  }
0x1f: {  	s9 =	smul.u32 $0xF7A, s1;
	s8 =	simm.s32 @!p0 $0x1BF5;
	p2 =	por !p2, p0  }
0x20: {  	[sflag:s8] =	ssyncset.s32 @!p0 $0xFFFFF086;
	s6 =	sadd.s32 @!p0 s3, s7;
	s7 =	simm.s32 @!p0 $0x108  }
0x21: {  	s3 =	sadd.s32 s3, s9;
	s6 =	sadd.s32 @!p0 $0x88, s6;
	s7 =	simm.s32 @p2 $0x1082  }
0x22: {  	[simem:s7], [sflag:s8] =	dma.local @!p0 [hbm:s6], $0xF7A  }
0x23: {  	s9 =	sor.u32 $0xD0000000, s2;
	s6 =	simm.s32 $0x108;
	_ =	swait.ge @!p0 [sflag:s8], $0x0  }
0x24: {  	s3 =	sadd.s32 $0x88, s3;
	s6 =	simm.s32 @!p1 $0x1082;
	[sflag:s4] =	ssyncset.s32 $0xFFFFF086  }
0x25: {  	[simem:s6], [sflag:s4] =	dma.local [hbm:s3], $0xF7A  }
0x26: {  	[smem:$0x3F96] =	sst s1;
	(tag) =	ssettag s2;
	_ =	strace s9  }
0x27: {  	s1 =	sld [smem:$0x3FA6]  }
0x28: {  	s2 =	sld [smem:$0x3FA7]  }
0x29: {  	s4 =	sld [smem:$0x3FA9]  }
0x2a: {  	p0 =	seq.s32 s5, $0x0;
	s5 =	sld [smem:$0x3FAA]  }
0x2b: {  	s6 =	sld [smem:$0x3FAB]  }
0x2c: {  	s7 =	sld [smem:$0x3FAC]  }
0x2d: {  	s3 =	simm.s32 $0x108;
	s8 =	sld [smem:$0x3FAD]  }
0x2e: {  	s3 =	simm.s32 @!p0 $0x1082;
	s9 =	sld [smem:$0x3FAE]  }
0x2f: {  	lr =	sadd.s32 s0, s3;
	s0 =	sld [smem:$0x3FA5]  }
0x30: {  	s3 =	sld [smem:$0x3FA8]  }
0x31: {  	[smem:$0x3FB1] =	sst s10  }
0x32: {  	s10 =	sld [smem:$0x3FAF];
	_ =	sdelay $0x3  }
0x33: {  	p0 =	seq.s32 s10, $0x1;
	s10 =	sld [smem:$0x3FB1];
	_ =	sdelay $0x3  }
0x34: {  	[smem:$0x3FB1] =	sst s10  }
0x35: {  	s10 =	sld [smem:$0x3FB0];
	_ =	sdelay $0x3  }
0x36: {  	p1 =	seq.s32 s10, $0x1;
	s10 =	sld [smem:$0x3FB1];
	_ =	sdelay $0x3  }
0x37: {  	[smem:$0x3FB1] =	sst s10  }
0x38: {  	s10 =	sld [smem:$0x3FB2]  }
0x39: {  	_ = 	snop;
	(pc) =	sbr.ind lr, $3  }
0x3a: {  	_ = 	snop  }
0x3b: {  	_ = 	snop  }
0x3c: {  	p2 =	seq.s32 s10, $0x1;
	s10 =	sld [smem:$0x3FB1]  }
0x3d: {  	_ =	shalt  }
0x3e: {  	_ =	shalt  }
0x3f: {  	_ =	shalt  }
0x40: {  	_ =	shalt  }
0x41: {  	_ =	shalt  }
0x42: {  	_ =	shalt  }
0x43: {  	_ =	shalt  }
0x44: {  	_ =	shalt  }
0x45: {  	_ =	shalt  }
0x46: {  	_ =	shalt  }
0x47: {  	_ =	shalt  }
0x48: {  	_ =	shalt  }
0x49: {  	_ =	shalt  }
0x4a: {  	_ =	shalt  }
0x4b: {  	_ =	shalt  }
0x4c: {  	_ =	shalt  }
0x4d: {  	_ =	shalt  }
0x4e: {  	_ =	shalt  }
0x4f: {  	_ =	shalt  }
0x50: {  	_ =	shalt  }
0x51: {  	_ =	shalt  }
0x52: {  	_ =	shalt  }
0x53: {  	_ =	shalt  }
0x54: {  	_ =	shalt  }
0x55: {  	_ =	shalt  }
0x56: {  	_ =	shalt  }
0x57: {  	_ =	shalt  }
0x58: {  	_ =	shalt  }
0x59: {  	_ =	shalt  }
0x5a: {  	_ =	shalt  }
0x5b: {  	_ =	shalt  }
0x5c: {  	_ =	shalt  }
0x5d: {  	_ =	shalt  }
0x5e: {  	_ =	shalt  }
0x5f: {  	_ =	shalt  }
0x60: {  	_ =	shalt  }
0x61: {  	_ =	shalt  }
0x62: {  	_ =	shalt  }
0x63: {  	_ =	shalt  }
0x64: {  	_ =	shalt  }
0x65: {  	_ =	shalt  }
0x66: {  	_ =	shalt  }
0x67: {  	_ =	shalt  }
0x68: {  	_ =	shalt  }
0x69: {  	_ =	shalt  }
0x6a: {  	_ =	shalt  }
0x6b: {  	_ =	shalt  }
0x6c: {  	_ =	shalt  }
0x6d: {  	_ =	shalt  }
0x6e: {  	_ =	shalt  }
0x6f: {  	_ =	shalt  }
0x70: {  	_ =	shalt  }
0x71: {  	_ =	shalt  }
0x72: {  	_ =	shalt  }
0x73: {  	_ =	shalt  }
0x74: {  	_ =	shalt  }
0x75: {  	_ =	shalt  }
0x76: {  	_ =	shalt  }
0x77: {  	_ =	shalt  }
0x78: {  	_ =	shalt  }
0x79: {  	_ =	shalt  }
0x7a: {  	_ =	shalt  }
0x7b: {  	_ =	shalt  }
0x7c: {  	_ =	shalt  }
0x7d: {  	_ =	shalt  }
0x7e: {  	_ =	shalt  }
0x7f: {  	_ =	shalt  }
0x80: {  	_ =	shalt  }
0x81: {  	_ =	shalt  }
0x82: {  	_ =	shalt  }
0x83: {  	_ =	shalt  }
0x84: {  	_ =	shalt  }
0x85: {  	_ =	shalt  }
0x86: {  	_ =	shalt  }
0x87: {  	_ =	shalt  }
.Lfunc_end0:
.L_simem_size_0:
called_computation.3_lowered:
.L_overlay_start_0:
0x88: {  	s2 =	sld [smem:$0x3FD9]  }
0x89: {  	s3 =	sld [smem:$0x3FFE];
	_ =	sdelay $0x1  }
0x8a: {  	s1 =	srdreg.scid  }
0x8b: {  	s0 =	sand.u32 $0x1, s1  }
0x8c: {  	s16 =	sshll.u32 s0, $0xA;
	s2 =	sadd.s32 s3, s2  }
0x8d: {  	s2 =	sadd.s32 s2, s16  }
0x8e: {  	[smem:$0x3FBD] =	sst s2  }
0x8f: {  	_ = 	snop  }
0x90: {  	(tm) =	ssettm $0x1  }
0x91: {  	s17 =	sld [smem:$0x3FFB];
	_ =	sdelay $0x3  }
0x92: {  	_ =	strace s17  }
0x93: {  	s2 =	sld [smem:$0x3FFC];
	_ =	sdelay $0x3  }
0x94: {  	_ =	strace s2  }
0x95: {  	s2 =	sld [smem:$0x3FFD];
	_ =	sdelay $0x3  }
0x96: {  	_ =	strace s2  }
0x97: {  	_ =	strace $0x8FFFFFFF  }
0x98: {  	s18 =	sld [smem:$0x3FDB];
	_ =	sdelay $0x1  }
0x99: {  	s19 =	simm.s32 $_scs_section_size  }
0x9a: {  	s4 =	simm.s32 $_size__tile_overlayer_lowered;
	s5 =	simm.s32 $_tile_overlayer_lowered  }
0x9b: {  	s22 =	simm.s32 $0x1BFF;
	s21 =	sshll.u32 s5, $0x1;
	s2 =	sadd.s32 s19, s18  }
0x9c: {  	s6 =	simm.s32 $0x0;
	s20 =	sshll.u32 s4, $0x1;
	s4 =	sadd.s32 s21, s2  }
0x9d: {  	[timem:s6], [sflag:s22] =	dma.local [hbm:s4], s20  }
0x9e: {  	_ =	swait.ge [sflag:s22], s20  }
0x9f: {  	s3 =	ssub.s32 $0x0, s20;
	[sflag:s22] =	ssyncset.done $0x0  }
0xa0: {  	[sflag:s22] =	ssyncadd.s32 s3;
	_ =	sdelay $0x1  }
0xa1: {  	s23 =	simm.s32 $0x1B8B  }
0xa2: {  	_ =	swait.ge [sflag:s23], $0x1  }
0xa3: {  	[sflag:s23] =	ssyncset.done $0x0  }
0xa4: {  	s25 =	simm.s32 $0x1B8E;
	s24 =	sld [smem:$0x3FFE];
	[sflag:s23] =	ssyncadd.s32 $0xFFFFFFFF  }
0xa5: {  	s26 =	simm.s32 $execute0_lowered;
	[smem:$0x3FD2] =	sst s25  }
0xa6: {  	s4 =	sshll.u32 s26, $0x1;
	_ =	strace $0x8000004F;
	[dreg:$0x1] =	wrdreg $0xFFFFFFFF  }
0xa7: {  	s28 =	simm.s32 $_size_execute0_lowered;
	s2 =	sadd.s32 s2, s4;
	[dreg:$0x0] =	wrdreg $0x0  }
0xa8: {  	s4 =	sshll.u32 s28, $0x1;
	[dreg:$0x2] =	wrdreg s2  }
0xa9: {  	[dreg:$0x3] =	wrdreg s4  }
0xaa: {  	[dreg:$0x4] =	wrdreg $0xC0  }
0xab: {  	_ =	task [dreg:s6], $0x5FFFF  }
0xac: {  	[dreg:$0x1] =	wrdreg $0xFFFFFFFF  }
0xad: {  	[dreg:$0x0] =	wrdreg $0x60  }
0xae: {  	[dreg:$0x2] =	wrdreg s24  }
0xaf: {  	[dreg:$0x3] =	wrdreg $0x9  }
0xb0: {  	_ =	task.clear_ibuf [dreg:s6], $0x4FFFF;
	_ =	strace $0x9000004F  }
0xb1: {  	s29 =	simm.s32 $0x9;
	_ =	strace $0x80000051  }
0xb2: {  	_ =	swait.ge [sflag:s29], $0x1  }
0xb3: {  	[sflag:s29] =	ssyncadd.s32 $0xFFFFFFFF  }
0xb4: {  	_ =	strace $0x90000051  }
0xb5: {  	_ =	sfence  }
0xb6: {  	s30 =	sld [smem:$0x0];
	_ =	sdelay $0x2  }
0xb7: {  	s31 =	sshll.u32 s1, $0xD;
	s1 =	sshrl.u32 s1, $0x2  }
0xb8: {  	s3 =	sand.u32 $0x4000, s31;
	s1 =	sadd.s32 s1, s30  }
0xb9: {  	s0 =	sor.u32 s3, s0;
	s1 =	sshll.u32 s1, $0x11  }
0xba: {  	s0 =	sor.u32 s1, s0  }
0xbb: {  	s0 =	sadd.s32 $0x8F2B, s0  }
0xbc: {  	[sflag:s0] =	ssyncadd.remote.s32 $0x1  }
0xbd: {  	_ =	sfence.sel $0xFFFF  }
0xbe: {  	[dreg:$0x0] =	wrdreg $0xFFFFFFFF;
	(pc) =	sbr.abs _section_cstart, $3  }
0xbf: {  	[dreg:$0x1] =	wrdreg $0xFFFFFFFF  }
0xc0: {  	_ =	task.clear_ibuf [dreg:s6], $0x2FFFF;
	_ =	strace $0x9FFFFFFF  }
0xc1: {  	(tm) =	ssettm $0x7FFFFFFF  }
tec
execute0_lowered:
.L_overlay_start_1:
0x0: {  	(tag) =	ssettag $0x1  }
0x1: {  	s0 =	srdreg.scid  }
0x2: {  	s2 =	stileid.u32;
	s1 =	rddreg [dreg:$0x0]  }
0x3: {  	s0 =	sand.u32 $0x1, s0;
	s3 =	sshll.u32 s2, $0x1;
	s2 =	simm.s32 $0x0  }
0x4: {  	s5 =	sadd.s32 $0xF5000, s1;
	s6 =	sadd.s32 $0x127C00, s1;
	s3 =	sor.u32 s0, s3  }
0x5: {  	[smem:$0x7FF] =	sst s2;
	s0 =	ssub.s32 $0x2, s0;
	s3 =	smul.u32 $0x620, s3  }
0x6: {  	s7 =	sadd.s32 $0x126000, s1;
	_ =	strace $0x80000050;
	s4 =	sshrl.u32 s0, $0x1  }
0x7: {  	[dreg:$0x2] =	wrdreg s7;
	s0 =	ssub.s32 s0, s4;
	s3 =	sshrl.u32 s3, $0x3  }
0x8: {  	s1 =	sadd.s32 s3, s1;
	s4 =	sadd.s32 s5, s3;
	s12 =	sadd.s32 $0x1880, s3  }
0x9: {  	s8 =	sadd.s32 $0x3100, s3;
	s14 =	sadd.s32 $0x4980, s3;
	s3 =	sadd.s32 s6, s3  }
0xa: {  	s9 =	sadd.s32 s5, s12;
	[dreg:$0x11] =	wrdreg s3  }
0xb: {  	s13 =	sadd.s32 s5, s8;
	[dreg:$0x3] =	wrdreg s9  }
0xc: {  	s5 =	sadd.s32 s5, s14;
	[dreg:$0x4] =	wrdreg s13  }
0xd: {  	s15 =	sadd.s32 $0x6200, s4;
	[dreg:$0x5] =	wrdreg s5  }
0xe: {  	s16 =	sadd.s32 $0x7A80, s4;
	[dreg:$0x6] =	wrdreg s15  }
0xf: {  	s17 =	sadd.s32 $0x9300, s4;
	[dreg:$0x7] =	wrdreg s16  }
0x10: {  	s18 =	sadd.s32 $0xAB80, s4;
	[dreg:$0x8] =	wrdreg s17  }
0x11: {  	s19 =	sadd.s32 $0xC400, s4;
	[dreg:$0x9] =	wrdreg s18  }
0x12: {  	s20 =	sadd.s32 $0xDC80, s4;
	s21 =	sadd.s32 $0xF500, s4;
	[dreg:$0xa] =	wrdreg s19  }
0x13: {  	s22 =	sadd.s32 $0x10D80, s4;
	s23 =	sadd.s32 $0x12600, s4;
	[dreg:$0xb] =	wrdreg s20  }
0x14: {  	s24 =	sadd.s32 $0x13E80, s4;
	s25 =	sadd.s32 $0x15700, s4;
	[dreg:$0xc] =	wrdreg s21  }
0x15: {  	s26 =	sadd.s32 s6, s12;
	s28 =	sadd.s32 $0x1A080, s4;
	[dreg:$0xd] =	wrdreg s22  }
0x16: {  	s29 =	sadd.s32 $0x1B900, s4;
	s30 =	sadd.s32 $0x1D180, s4;
	[dreg:$0xe] =	wrdreg s23  }
0x17: {  	s31 =	sadd.s32 $0x1EA00, s4;
	s3 =	sadd.s32 $0x23380, s4;
	[dreg:$0xf] =	wrdreg s24  }
0x18: {  	s7 =	sadd.s32 $0x27D00, s4;
	s10 =	sadd.s32 $0x2C680, s4;
	[dreg:$0x10] =	wrdreg s25  }
0x19: {  	s11 =	sadd.s32 $0x2DF00, s4;
	s12 =	sadd.s32 $0x2F780, s4;
	[dreg:$0x12] =	wrdreg s26  }
0x1a: {  	s21 =	sadd.s32 s6, s8;
	s22 =	sadd.s32 s6, s14;
	s23 =	sadd.s32 $0x16F80, s4  }
0x1b: {  	s24 =	sadd.s32 $0xA00, s1;
	s25 =	smax.u32 s0, $0x1;
	s26 =	sadd.s32 $0x18800, s4  }
0x1c: {  	s1 =	sadd.s32 $0x20280, s4;
	s0 =	sadd.s32 $0x21B00, s4;
	s5 =	sadd.s32 $0x24C00, s4  }
0x1d: {  	s6 =	sadd.s32 $0x26480, s4;
	s8 =	sadd.s32 $0x29580, s4;
	s9 =	sadd.s32 $0x2AE00, s4  }
0x1e: {  	s13 =	simm.s32 $0x1;
	s14 =	simm.s32 $0x2;
	s15 =	simm.s32 $0x0  }
.LBB2_1:
0x1f: {  	s16 =	rddreg [dreg:$0x2];
	s17 =	simm.s32 $0xE300  }
0x20: {  	[tilespmem:s17], [sflag:$0x1] =	stream.linear.gather [hbm4b:s16+s2], $0x80, $0x38;
	[tilespmem:$0xE380] =	vst v63  }
0x21: {  	_ = 	snop  }
0x22: {  	[tilespmem:s2], [sflag:$0x1] =	stream.linear.gather [hbm4b:s4+s2], $0x620, $0x38;
	[tilespmem:$0xE380] =	vst v63  }
0x23: {  	s19 =	rddreg [dreg:$0x3];
	s20 =	simm.s32 $0x620  }
0x24: {  	[tilespmem:s20], [sflag:$0x1] =	stream.linear.gather [hbm4b:s19+s2], $0x620, $0x38;
	[tilespmem:$0xE380] =	vst v63  }
0x25: {  	s18 =	simm.s32 $0xC40;
	s17 =	rddreg [dreg:$0x4]  }
0x26: {  	[tilespmem:s18], [sflag:$0x1] =	stream.linear.gather [hbm4b:s17+s2], $0x620, $0x38;
	[tilespmem:$0xE380] =	vst v63  }
0x27: {  	s19 =	rddreg [dreg:$0x5];
	s20 =	simm.s32 $0x1260  }
0x28: {  	[tilespmem:s20], [sflag:$0x1] =	stream.linear.gather [hbm4b:s19+s2], $0x620, $0x38;
	[tilespmem:$0xE380] =	vst v63  }
0x29: {  	s17 =	rddreg [dreg:$0x6];
	s18 =	simm.s32 $0x1880  }
0x2a: {  	[tilespmem:s18], [sflag:$0x1] =	stream.linear.gather [hbm4b:s17+s2], $0x620, $0x38;
	[tilespmem:$0xE380] =	vst v63  }
0x2b: {  	s19 =	rddreg [dreg:$0x7];
	s20 =	simm.s32 $0x1EA0  }
0x2c: {  	[tilespmem:s20], [sflag:$0x1] =	stream.linear.gather [hbm4b:s19+s2], $0x620, $0x38;
	[tilespmem:$0xE380] =	vst v63  }
0x2d: {  	s17 =	rddreg [dreg:$0x8];
	s18 =	simm.s32 $0x24C0  }
0x2e: {  	[tilespmem:s18], [sflag:$0x1] =	stream.linear.gather [hbm4b:s17+s2], $0x620, $0x38;
	[tilespmem:$0xE380] =	vst v63  }
0x2f: {  	s19 =	rddreg [dreg:$0x9];
	s20 =	simm.s32 $0x2AE0  }
0x30: {  	[tilespmem:s20], [sflag:$0x1] =	stream.linear.gather [hbm4b:s19+s2], $0x620, $0x38;
	[tilespmem:$0xE380] =	vst v63  }
0x31: {  	s17 =	rddreg [dreg:$0xa];
	s18 =	simm.s32 $0x3100  }
0x32: {  	[tilespmem:s18], [sflag:$0x1] =	stream.linear.gather [hbm4b:s17+s2], $0x620, $0x38;
	[tilespmem:$0xE380] =	vst v63  }
0x33: {  	s19 =	rddreg [dreg:$0xb];
	s20 =	simm.s32 $0x3720  }
0x34: {  	[tilespmem:s20], [sflag:$0x1] =	stream.linear.gather [hbm4b:s19+s2], $0x620, $0x38;
	[tilespmem:$0xE380] =	vst v63  }
0x35: {  	s17 =	rddreg [dreg:$0xc];
	s18 =	simm.s32 $0x3D40  }
0x36: {  	[tilespmem:s18], [sflag:$0x1] =	stream.linear.gather [hbm4b:s17+s2], $0x620, $0x38;
	[tilespmem:$0xE380] =	vst v63  }
0x37: {  	s19 =	rddreg [dreg:$0xd];
	s20 =	simm.s32 $0x4360  }
0x38: {  	[tilespmem:s20], [sflag:$0x1] =	stream.linear.gather [hbm4b:s19+s2], $0x620, $0x38;
	[tilespmem:$0xE380] =	vst v63  }
0x39: {  	s17 =	rddreg [dreg:$0xe];
	s18 =	simm.s32 $0x4980  }
0x3a: {  	[tilespmem:s18], [sflag:$0x1] =	stream.linear.gather [hbm4b:s17+s2], $0x620, $0x38;
	[tilespmem:$0xE380] =	vst v63  }
0x3b: {  	s19 =	rddreg [dreg:$0xf];
	s20 =	simm.s32 $0x4FA0  }
0x3c: {  	[tilespmem:s20], [sflag:$0x1] =	stream.linear.gather [hbm4b:s19+s2], $0x620, $0x38;
	[tilespmem:$0xE380] =	vst v63  }
0x3d: {  	s18 =	rddreg [dreg:$0x10];
	s19 =	simm.s32 $0x55C0  }
0x3e: {  	[tilespmem:s19], [sflag:$0x1] =	stream.linear.gather [hbm4b:s18+s2], $0x620, $0x38;
	[tilespmem:$0xE380] =	vst v63  }
0x3f: {  	s20 =	simm.s32 $0x5BE0  }
0x40: {  	[tilespmem:s20], [sflag:$0x1] =	stream.linear.gather [hbm4b:s23+s2], $0x620, $0x38;
	[tilespmem:$0xE380] =	vst v63  }
0x41: {  	s17 =	simm.s32 $0x6200  }
0x42: {  	[tilespmem:s17], [sflag:$0x1] =	stream.linear.gather [hbm4b:s26+s2], $0x620, $0x38;
	[tilespmem:$0xE380] =	vst v63  }
0x43: {  	s18 =	simm.s32 $0x6820  }
0x44: {  	[tilespmem:s18], [sflag:$0x1] =	stream.linear.gather [hbm4b:s28+s2], $0x620, $0x38;
	[tilespmem:$0xE380] =	vst v63  }
0x45: {  	s19 =	simm.s32 $0x6E40  }
0x46: {  	[tilespmem:s19], [sflag:$0x1] =	stream.linear.gather [hbm4b:s29+s2], $0x620, $0x38;
	[tilespmem:$0xE380] =	vst v63  }
0x47: {  	s20 =	simm.s32 $0x7460  }
0x48: {  	[tilespmem:s20], [sflag:$0x1] =	stream.linear.gather [hbm4b:s30+s2], $0x620, $0x38;
	[tilespmem:$0xE380] =	vst v63  }
0x49: {  	s17 =	simm.s32 $0x7A80  }
0x4a: {  	[tilespmem:s17], [sflag:$0x1] =	stream.linear.gather [hbm4b:s31+s2], $0x620, $0x38;
	[tilespmem:$0xE380] =	vst v63  }
0x4b: {  	s18 =	simm.s32 $0x80A0  }
0x4c: {  	[tilespmem:s18], [sflag:$0x1] =	stream.linear.gather [hbm4b:s1+s2], $0x620, $0x38;
	[tilespmem:$0xE380] =	vst v63  }
0x4d: {  	s19 =	simm.s32 $0x86C0  }
0x4e: {  	[tilespmem:s19], [sflag:$0x1] =	stream.linear.gather [hbm4b:s0+s2], $0x620, $0x38;
	[tilespmem:$0xE380] =	vst v63  }
0x4f: {  	s20 =	simm.s32 $0x8CE0  }
0x50: {  	[tilespmem:s20], [sflag:$0x1] =	stream.linear.gather [hbm4b:s3+s2], $0x620, $0x38;
	[tilespmem:$0xE380] =	vst v63  }
0x51: {  	s17 =	simm.s32 $0x9300  }
0x52: {  	[tilespmem:s17], [sflag:$0x1] =	stream.linear.gather [hbm4b:s5+s2], $0x620, $0x38;
	[tilespmem:$0xE380] =	vst v63  }
0x53: {  	s18 =	simm.s32 $0x9920  }
0x54: {  	[tilespmem:s18], [sflag:$0x1] =	stream.linear.gather [hbm4b:s6+s2], $0x620, $0x38;
	[tilespmem:$0xE380] =	vst v63  }
0x55: {  	s19 =	simm.s32 $0x9F40  }
0x56: {  	[tilespmem:s19], [sflag:$0x1] =	stream.linear.gather [hbm4b:s7+s2], $0x620, $0x38;
	[tilespmem:$0xE380] =	vst v63  }
0x57: {  	s20 =	simm.s32 $0xA560  }
0x58: {  	[tilespmem:s20], [sflag:$0x1] =	stream.linear.gather [hbm4b:s8+s2], $0x620, $0x38;
	[tilespmem:$0xE380] =	vst v63  }
0x59: {  	s17 =	simm.s32 $0xAB80  }
0x5a: {  	[tilespmem:s17], [sflag:$0x1] =	stream.linear.gather [hbm4b:s9+s2], $0x620, $0x38;
	[tilespmem:$0xE380] =	vst v63  }
0x5b: {  	s18 =	simm.s32 $0xB1A0  }
0x5c: {  	[tilespmem:s18], [sflag:$0x1] =	stream.linear.gather [hbm4b:s10+s2], $0x620, $0x38;
	[tilespmem:$0xE380] =	vst v63  }
0x5d: {  	s19 =	simm.s32 $0xB7C0  }
0x5e: {  	[tilespmem:s19], [sflag:$0x1] =	stream.linear.gather [hbm4b:s11+s2], $0x620, $0x38;
	[tilespmem:$0xE380] =	vst v63  }
0x5f: {  	s20 =	simm.s32 $0xBDE0  }
0x60: {  	[tilespmem:s20], [sflag:$0x1] =	stream.linear.gather [hbm4b:s12+s2], $0x620, $0x38;
	[tilespmem:$0xE380] =	vst v63  }
0x61: {  	s17 =	rddreg [dreg:$0x11];
	s18 =	simm.s32 $0xC400  }
0x62: {  	[tilespmem:s18], [sflag:$0x1] =	stream.linear.gather [hbm4b:s17+s2], $0x620, $0x38;
	[tilespmem:$0xE380] =	vst v63  }
0x63: {  	s19 =	rddreg [dreg:$0x12];
	s20 =	simm.s32 $0xCA20  }
0x64: {  	[tilespmem:s20], [sflag:$0x1] =	stream.linear.gather [hbm4b:s19+s2], $0x620, $0x38;
	[tilespmem:$0xE380] =	vst v63  }
0x65: {  	s18 =	simm.s32 $0xD040  }
0x66: {  	[tilespmem:s18], [sflag:$0x1] =	stream.linear.gather [hbm4b:s21+s2], $0x620, $0x38;
	[tilespmem:$0xE380] =	vst v63  }
0x67: {  	s19 =	simm.s32 $0xD660  }
0x68: {  	[tilespmem:s19], [sflag:$0x1] =	stream.linear.gather [hbm4b:s22+s2], $0x620, $0x38;
	[tilespmem:$0xE380] =	vst v63  }
0x69: {  	_ =	swait.ge [sflag:s13], $0x80  }
0x6a: {  	[sflag:s13] =	ssyncset.done $0x0  }
0x6b: {  	[sflag:s13] =	ssyncadd.s32 $0xFFFFFF80  }
0x6c: {  	_ =	swait.ge [sflag:s13], $0x620  }
0x6d: {  	[sflag:s13] =	ssyncset.done $0x0  }
0x6e: {  	[sflag:s13] =	ssyncadd.s32 $0xFFFFF9E0  }
0x6f: {  	_ =	swait.ge [sflag:s13], $0x620  }
0x70: {  	[sflag:s13] =	ssyncset.done $0x0  }
0x71: {  	[sflag:s13] =	ssyncadd.s32 $0xFFFFF9E0  }
0x72: {  	_ =	swait.ge [sflag:s13], $0x620  }
0x73: {  	[sflag:s13] =	ssyncset.done $0x0  }
0x74: {  	[sflag:s13] =	ssyncadd.s32 $0xFFFFF9E0  }
0x75: {  	_ =	swait.ge [sflag:s13], $0x620  }
0x76: {  	[sflag:s13] =	ssyncset.done $0x0  }
0x77: {  	[sflag:s13] =	ssyncadd.s32 $0xFFFFF9E0  }
0x78: {  	_ =	swait.ge [sflag:s13], $0x620  }
0x79: {  	[sflag:s13] =	ssyncset.done $0x0  }
0x7a: {  	[sflag:s13] =	ssyncadd.s32 $0xFFFFF9E0  }
0x7b: {  	_ =	swait.ge [sflag:s13], $0x620  }
0x7c: {  	[sflag:s13] =	ssyncset.done $0x0  }
0x7d: {  	[sflag:s13] =	ssyncadd.s32 $0xFFFFF9E0  }
0x7e: {  	_ =	swait.ge [sflag:s13], $0x620  }
0x7f: {  	[sflag:s13] =	ssyncset.done $0x0  }
0x80: {  	[sflag:s13] =	ssyncadd.s32 $0xFFFFF9E0  }
0x81: {  	_ =	swait.ge [sflag:s13], $0x620  }
0x82: {  	[sflag:s13] =	ssyncset.done $0x0  }
0x83: {  	[sflag:s13] =	ssyncadd.s32 $0xFFFFF9E0  }
0x84: {  	_ =	swait.ge [sflag:s13], $0x620  }
0x85: {  	[sflag:s13] =	ssyncset.done $0x0  }
0x86: {  	[sflag:s13] =	ssyncadd.s32 $0xFFFFF9E0  }
0x87: {  	_ =	swait.ge [sflag:s13], $0x620  }
0x88: {  	[sflag:s13] =	ssyncset.done $0x0  }
0x89: {  	[sflag:s13] =	ssyncadd.s32 $0xFFFFF9E0  }
0x8a: {  	_ =	swait.ge [sflag:s13], $0x620  }
0x8b: {  	[sflag:s13] =	ssyncset.done $0x0  }
0x8c: {  	[sflag:s13] =	ssyncadd.s32 $0xFFFFF9E0  }
0x8d: {  	_ =	swait.ge [sflag:s13], $0x620  }
0x8e: {  	[sflag:s13] =	ssyncset.done $0x0  }
0x8f: {  	[sflag:s13] =	ssyncadd.s32 $0xFFFFF9E0  }
0x90: {  	_ =	swait.ge [sflag:s13], $0x620  }
0x91: {  	[sflag:s13] =	ssyncset.done $0x0  }
0x92: {  	[sflag:s13] =	ssyncadd.s32 $0xFFFFF9E0  }
0x93: {  	_ =	swait.ge [sflag:s13], $0x620  }
0x94: {  	[sflag:s13] =	ssyncset.done $0x0  }
0x95: {  	[sflag:s13] =	ssyncadd.s32 $0xFFFFF9E0  }
0x96: {  	_ =	swait.ge [sflag:s13], $0x620  }
0x97: {  	[sflag:s13] =	ssyncset.done $0x0  }
0x98: {  	[sflag:s13] =	ssyncadd.s32 $0xFFFFF9E0  }
0x99: {  	_ =	swait.ge [sflag:s13], $0x620  }
0x9a: {  	[sflag:s13] =	ssyncset.done $0x0  }
0x9b: {  	[sflag:s13] =	ssyncadd.s32 $0xFFFFF9E0  }
0x9c: {  	_ =	swait.ge [sflag:s13], $0x620  }
0x9d: {  	[sflag:s13] =	ssyncset.done $0x0  }
0x9e: {  	[sflag:s13] =	ssyncadd.s32 $0xFFFFF9E0  }
0x9f: {  	_ =	swait.ge [sflag:s13], $0x620  }
0xa0: {  	[sflag:s13] =	ssyncset.done $0x0  }
0xa1: {  	[sflag:s13] =	ssyncadd.s32 $0xFFFFF9E0  }
0xa2: {  	_ =	swait.ge [sflag:s13], $0x620  }
0xa3: {  	[sflag:s13] =	ssyncset.done $0x0  }
0xa4: {  	[sflag:s13] =	ssyncadd.s32 $0xFFFFF9E0  }
0xa5: {  	_ =	swait.ge [sflag:s13], $0x620  }
0xa6: {  	[sflag:s13] =	ssyncset.done $0x0  }
0xa7: {  	[sflag:s13] =	ssyncadd.s32 $0xFFFFF9E0  }
0xa8: {  	_ =	swait.ge [sflag:s13], $0x620  }
0xa9: {  	[sflag:s13] =	ssyncset.done $0x0  }
0xaa: {  	[sflag:s13] =	ssyncadd.s32 $0xFFFFF9E0  }
0xab: {  	_ =	swait.ge [sflag:s13], $0x620  }
0xac: {  	[sflag:s13] =	ssyncset.done $0x0  }
0xad: {  	[sflag:s13] =	ssyncadd.s32 $0xFFFFF9E0  }
0xae: {  	_ =	swait.ge [sflag:s13], $0x620  }
0xaf: {  	[sflag:s13] =	ssyncset.done $0x0  }
0xb0: {  	[sflag:s13] =	ssyncadd.s32 $0xFFFFF9E0  }
0xb1: {  	_ =	swait.ge [sflag:s13], $0x620  }
0xb2: {  	[sflag:s13] =	ssyncset.done $0x0  }
0xb3: {  	[sflag:s13] =	ssyncadd.s32 $0xFFFFF9E0  }
0xb4: {  	_ =	swait.ge [sflag:s13], $0x620  }
0xb5: {  	[sflag:s13] =	ssyncset.done $0x0  }
0xb6: {  	[sflag:s13] =	ssyncadd.s32 $0xFFFFF9E0  }
0xb7: {  	_ =	swait.ge [sflag:s13], $0x620  }
0xb8: {  	[sflag:s13] =	ssyncset.done $0x0  }
0xb9: {  	[sflag:s13] =	ssyncadd.s32 $0xFFFFF9E0  }
0xba: {  	_ =	swait.ge [sflag:s13], $0x620  }
0xbb: {  	[sflag:s13] =	ssyncset.done $0x0  }
0xbc: {  	[sflag:s13] =	ssyncadd.s32 $0xFFFFF9E0  }
0xbd: {  	_ =	swait.ge [sflag:s13], $0x620  }
0xbe: {  	[sflag:s13] =	ssyncset.done $0x0  }
0xbf: {  	[sflag:s13] =	ssyncadd.s32 $0xFFFFF9E0  }
0xc0: {  	_ =	swait.ge [sflag:s13], $0x620  }
0xc1: {  	[sflag:s13] =	ssyncset.done $0x0  }
0xc2: {  	[sflag:s13] =	ssyncadd.s32 $0xFFFFF9E0  }
0xc3: {  	_ =	swait.ge [sflag:s13], $0x620  }
0xc4: {  	[sflag:s13] =	ssyncset.done $0x0  }
0xc5: {  	[sflag:s13] =	ssyncadd.s32 $0xFFFFF9E0  }
0xc6: {  	_ =	swait.ge [sflag:s13], $0x620  }
0xc7: {  	[sflag:s13] =	ssyncset.done $0x0  }
0xc8: {  	[sflag:s13] =	ssyncadd.s32 $0xFFFFF9E0  }
0xc9: {  	_ =	swait.ge [sflag:s13], $0x620  }
0xca: {  	[sflag:s13] =	ssyncset.done $0x0  }
0xcb: {  	[sflag:s13] =	ssyncadd.s32 $0xFFFFF9E0  }
0xcc: {  	_ =	swait.ge [sflag:s13], $0x620  }
0xcd: {  	[sflag:s13] =	ssyncset.done $0x0  }
0xce: {  	[sflag:s13] =	ssyncadd.s32 $0xFFFFF9E0  }
0xcf: {  	_ =	swait.ge [sflag:s13], $0x620  }
0xd0: {  	[sflag:s13] =	ssyncset.done $0x0  }
0xd1: {  	[sflag:s13] =	ssyncadd.s32 $0xFFFFF9E0  }
0xd2: {  	_ =	swait.ge [sflag:s13], $0x620  }
0xd3: {  	[sflag:s13] =	ssyncset.done $0x0  }
0xd4: {  	[sflag:s13] =	ssyncadd.s32 $0xFFFFF9E0  }
0xd5: {  	_ =	swait.ge [sflag:s13], $0x620  }
0xd6: {  	[sflag:s13] =	ssyncset.done $0x0  }
0xd7: {  	s16 =	simm.s32 $0x0;
	[sflag:s13] =	ssyncadd.s32 $0xFFFFF9E0  }
0xd8: {  	v0 =	vld [tilespmem:s16+$0x0];
	_ =	sdelay $0x1  }
0xd9: {  	v1 =	vld [tilespmem:s16+$0x620];
	_ =	sdelay $0x1  }
0xda: {  	v2 =	vld [tilespmem:s16+$0xC40]  }
0xdb: {  	v0 =	vadd.f32 $0.0e+00, v0  }
0xdc: {  	v3 =	vld [tilespmem:s16+$0x1260]  }
0xdd: {  	s20 =	sand.u32 $0x7F0, s2;
	v0 =	vadd.f32 v1, v0  }
0xde: {  	v1 =	vld [tilespmem:s20+$0x1880]  }
0xdf: {  	v0 =	vadd.f32 v2, v0  }
0xe0: {  	v2 =	vld [tilespmem:s16+$0x1EA0]  }
0xe1: {  	v0 =	vadd.f32 v3, v0  }
0xe2: {  	v3 =	vld [tilespmem:s16+$0x24C0]  }
0xe3: {  	v0 =	vadd.f32 v1, v0  }
0xe4: {  	v1 =	vld [tilespmem:s16+$0x2AE0]  }
0xe5: {  	v0 =	vadd.f32 v2, v0  }
0xe6: {  	v2 =	vld [tilespmem:s20+$0x3100]  }
0xe7: {  	v0 =	vadd.f32 v3, v0  }
0xe8: {  	v3 =	vld [tilespmem:s16+$0x3720]  }
0xe9: {  	v0 =	vadd.f32 v1, v0  }
0xea: {  	v1 =	vld [tilespmem:s16+$0x3D40]  }
0xeb: {  	v0 =	vadd.f32 v2, v0  }
0xec: {  	v2 =	vld [tilespmem:s16+$0x4360]  }
0xed: {  	v0 =	vadd.f32 v3, v0  }
0xee: {  	v3 =	vld [tilespmem:s20+$0x4980]  }
0xef: {  	v0 =	vadd.f32 v1, v0  }
0xf0: {  	v1 =	vld [tilespmem:s16+$0x4FA0]  }
0xf1: {  	v0 =	vadd.f32 v2, v0  }
0xf2: {  	v2 =	vld [tilespmem:s16+$0x55C0]  }
0xf3: {  	v0 =	vadd.f32 v3, v0  }
0xf4: {  	v3 =	vld [tilespmem:s16+$0x5BE0]  }
0xf5: {  	v0 =	vadd.f32 v1, v0  }
0xf6: {  	v1 =	vld [tilespmem:s20+$0x6200]  }
0xf7: {  	v0 =	vadd.f32 v2, v0  }
0xf8: {  	v2 =	vld [tilespmem:s16+$0x6820]  }
0xf9: {  	v0 =	vadd.f32 v3, v0  }
0xfa: {  	v3 =	vld [tilespmem:s16+$0x6E40]  }
0xfb: {  	v0 =	vadd.f32 v1, v0  }
0xfc: {  	v1 =	vld [tilespmem:s16+$0x7460]  }
0xfd: {  	v0 =	vadd.f32 v2, v0  }
0xfe: {  	v2 =	vld [tilespmem:s20+$0x7A80]  }
0xff: {  	v0 =	vadd.f32 v3, v0  }
0x100: {  	v3 =	vld [tilespmem:s16+$0x80A0]  }
0x101: {  	v0 =	vadd.f32 v1, v0  }
0x102: {  	v1 =	vld [tilespmem:s16+$0x86C0]  }
0x103: {  	v0 =	vadd.f32 v2, v0  }
0x104: {  	v2 =	vld [tilespmem:s16+$0x8CE0]  }
0x105: {  	v0 =	vadd.f32 v3, v0  }
0x106: {  	v3 =	vld [tilespmem:s20+$0x9300]  }
0x107: {  	v0 =	vadd.f32 v1, v0  }
0x108: {  	v1 =	vld [tilespmem:s16+$0x9920]  }
0x109: {  	v0 =	vadd.f32 v2, v0  }
0x10a: {  	v2 =	vld [tilespmem:s16+$0x9F40]  }
0x10b: {  	v0 =	vadd.f32 v3, v0  }
0x10c: {  	v3 =	vld [tilespmem:s16+$0xA560]  }
0x10d: {  	v0 =	vadd.f32 v1, v0  }
0x10e: {  	v1 =	vld [tilespmem:s20+$0xAB80]  }
0x10f: {  	v2 =	vadd.f32 v2, v0  }
0x110: {  	v4 =	vld [tilespmem:s16+$0xB1A0]  }
0x111: {  	v5 =	vld [tilespmem:s16+$0xBDE0];
	v2 =	vadd.f32 v3, v2  }
0x112: {  	v3 =	vld [tilespmem:s16+$0xB7C0]  }
0x113: {  	v6 =	vld [tilespmem:s16+$0xC400];
	v2 =	vadd.f32 v1, v2  }
0x114: {  	v0 =	vld [tilespmem:$0xE300]  }
0x115: {  	v7 =	vld [tilespmem:s16+$0xCA20];
	v4 =	vadd.f32 v4, v2  }
0x116: {  	v1 =	vld [tilespmem:$0xE310]  }
0x117: {  	v8 =	vld [tilespmem:s16+$0xD040];
	v4 =	vadd.f32 v3, v4  }
0x118: {  	v2 =	vld [tilespmem:$0xE320]  }
0x119: {  	v3 =	vld [tilespmem:$0xE330];
	v4 =	vadd.f32 v5, v4;
	v5 =	vmul.f32 v6, v0  }
0x11a: {  	v6 =	vld [tilespmem:s16+$0xD660]  }
0x11b: {  	v4 =	vadd.f32 v5, v4;
	v5 =	vmul.f32 v7, v1;
	_ =	sdelay $0x1  }
0x11c: {  	v7 =	vmul.f32 v8, v2;
	v5 =	vadd.f32 v5, v4  }
0x11d: {  	v4 =	vld [tilespmem:$0xE340]  }
0x11e: {  	v6 =	vmul.f32 v6, v3;
	v5 =	vadd.f32 v7, v5;
	_ =	sdelay $0x1  }
0x11f: {  	v5 =	vadd.f32 v6, v5;
	_ =	sdelay $0x1  }
0x120: {  	v5 =	vadd.f32 v5, v4;
	_ =	sdelay $0x1  }
0x121: {  	v5 =	vsub.f32 $0.0e+00, v5;
	_ =	sdelay $0x1  }
0x122: {  	v5 =	vmul.f32 $1.442695020e+00, v5;
	_ =	sdelay $0x1  }
0x123: {  	(erf) = vpow2.f32 v5;
	_ =	sdelay $0x8  }
0x124: {  	v5 =	vpop (erf)  }
0x125: {  	v5 =	vadd.f32 $1.000000000e+00, v5;
	_ =	sdelay $0x1  }
0x126: {  	(erf) = vrcp.f32 v5;
	_ =	sdelay $0x1  }
0x127: {  	s17 =	simm.s32 $0x0;
	s18 =	simm.s32 $0x80;
	s19 =	simm.s32 $0x10  }
.LBB2_2:
0x128: {  	p0 =	sne.s32 s18, $0x1840;
	v5 =	vld [tilespmem:s19+$0x0];
	_ =	sdelay $0x1  }
0x129: {  	v6 =	vld [tilespmem:s19+$0x620];
	_ =	sdelay $0x1  }
0x12a: {  	v7 =	vld [tilespmem:s19+$0xC40]  }
0x12b: {  	v5 =	vadd.f32 $0.0e+00, v5  }
0x12c: {  	s17 =	sadd.s32 $0x10, s17;
	v8 =	vld [tilespmem:s19+$0x1260];
	v9 =	vpop (erf)  }
0x12d: {  	s20 =	sand.u32 $0x7F0, s17;
	v5 =	vadd.f32 v6, v5;
	[tilespmem:s16+$0xDC80] =	vst v9;
	s16 =	smov.u32 s19  }
0x12e: {  	v6 =	vld [tilespmem:s20+$0x1880]  }
0x12f: {  	v5 =	vadd.f32 v7, v5  }
0x130: {  	v7 =	vld [tilespmem:s16+$0x1EA0]  }
0x131: {  	v5 =	vadd.f32 v8, v5  }
0x132: {  	v8 =	vld [tilespmem:s16+$0x24C0]  }
0x133: {  	v5 =	vadd.f32 v6, v5  }
0x134: {  	v6 =	vld [tilespmem:s16+$0x2AE0]  }
0x135: {  	v5 =	vadd.f32 v7, v5  }
0x136: {  	v7 =	vld [tilespmem:s20+$0x3100]  }
0x137: {  	v5 =	vadd.f32 v8, v5  }
0x138: {  	v8 =	vld [tilespmem:s16+$0x3720]  }
0x139: {  	v5 =	vadd.f32 v6, v5  }
0x13a: {  	v6 =	vld [tilespmem:s16+$0x3D40]  }
0x13b: {  	v5 =	vadd.f32 v7, v5  }
0x13c: {  	v7 =	vld [tilespmem:s16+$0x4360]  }
0x13d: {  	v5 =	vadd.f32 v8, v5  }
0x13e: {  	v8 =	vld [tilespmem:s20+$0x4980]  }
0x13f: {  	v5 =	vadd.f32 v6, v5  }
0x140: {  	v6 =	vld [tilespmem:s16+$0x4FA0]  }
0x141: {  	v5 =	vadd.f32 v7, v5  }
0x142: {  	v7 =	vld [tilespmem:s16+$0x55C0]  }
0x143: {  	v5 =	vadd.f32 v8, v5  }
0x144: {  	v8 =	vld [tilespmem:s16+$0x5BE0]  }
0x145: {  	v5 =	vadd.f32 v6, v5  }
0x146: {  	v6 =	vld [tilespmem:s20+$0x6200]  }
0x147: {  	v5 =	vadd.f32 v7, v5  }
0x148: {  	v7 =	vld [tilespmem:s16+$0x6820]  }
0x149: {  	v5 =	vadd.f32 v8, v5  }
0x14a: {  	v8 =	vld [tilespmem:s16+$0x6E40]  }
0x14b: {  	v5 =	vadd.f32 v6, v5  }
0x14c: {  	v6 =	vld [tilespmem:s16+$0x7460]  }
0x14d: {  	v5 =	vadd.f32 v7, v5  }
0x14e: {  	v7 =	vld [tilespmem:s20+$0x7A80]  }
0x14f: {  	v5 =	vadd.f32 v8, v5  }
0x150: {  	v8 =	vld [tilespmem:s16+$0x80A0]  }
0x151: {  	v5 =	vadd.f32 v6, v5  }
0x152: {  	v6 =	vld [tilespmem:s16+$0x86C0]  }
0x153: {  	v5 =	vadd.f32 v7, v5  }
0x154: {  	v7 =	vld [tilespmem:s16+$0x8CE0]  }
0x155: {  	v5 =	vadd.f32 v8, v5  }
0x156: {  	v8 =	vld [tilespmem:s20+$0x9300]  }
0x157: {  	v5 =	vadd.f32 v6, v5  }
0x158: {  	v6 =	vld [tilespmem:s16+$0x9920]  }
0x159: {  	v5 =	vadd.f32 v7, v5  }
0x15a: {  	v7 =	vld [tilespmem:s16+$0x9F40]  }
0x15b: {  	v5 =	vadd.f32 v8, v5  }
0x15c: {  	v8 =	vld [tilespmem:s16+$0xA560]  }
0x15d: {  	v5 =	vadd.f32 v6, v5  }
0x15e: {  	v6 =	vld [tilespmem:s20+$0xAB80]  }
0x15f: {  	v5 =	vadd.f32 v7, v5  }
0x160: {  	v7 =	vld [tilespmem:s16+$0xB1A0]  }
0x161: {  	v5 =	vadd.f32 v8, v5  }
0x162: {  	v8 =	vld [tilespmem:s16+$0xB7C0]  }
0x163: {  	v5 =	vadd.f32 v6, v5;
	v6 =	vld [tilespmem:s16+$0xBDE0]  }
0x164: {  	v9 =	vld [tilespmem:s16+$0xC400]  }
0x165: {  	v5 =	vadd.f32 v7, v5  }
0x166: {  	v7 =	vld [tilespmem:s16+$0xCA20]  }
0x167: {  	v5 =	vadd.f32 v8, v5  }
0x168: {  	v8 =	vld [tilespmem:s16+$0xD040]  }
0x169: {  	v5 =	vadd.f32 v6, v5;
	v6 =	vmul.f32 v9, v0  }
0x16a: {  	v9 =	vld [tilespmem:s16+$0xD660]  }
0x16b: {  	v5 =	vadd.f32 v6, v5;
	v6 =	vmul.f32 v7, v1;
	_ =	sdelay $0x1  }
0x16c: {  	v5 =	vadd.f32 v6, v5;
	v6 =	vmul.f32 v8, v2;
	_ =	sdelay $0x1  }
0x16d: {  	v5 =	vadd.f32 v6, v5;
	v6 =	vmul.f32 v9, v3;
	_ =	sdelay $0x1  }
0x16e: {  	v5 =	vadd.f32 v6, v5;
	_ =	sdelay $0x1  }
0x16f: {  	v5 =	vadd.f32 v5, v4;
	_ =	sdelay $0x1  }
0x170: {  	v5 =	vsub.f32 $0.0e+00, v5;
	_ =	sdelay $0x1  }
0x171: {  	v5 =	vmul.f32 $1.442695020e+00, v5;
	_ =	sdelay $0x1  }
0x172: {  	(erf) = vpow2.f32 v5;
	_ =	sdelay $0x8  }
0x173: {  	v5 =	vpop (erf)  }
.Ltmp0:
0x174: {  	v5 =	vadd.f32 $1.000000000e+00, v5;
	(pc) =	sbr.rel @p0 .LBB2_2-.Ltmp0, $3  }
0x175: {  	_ = 	snop  }
0x176: {  	(erf) = vrcp.f32 v5;
	_ =	sdelay $0x1  }
0x177: {  	s19 =	sshra.s32 s18, $0x2;
	s18 =	sadd.s32 $0x40, s18  }
0x178: {  	v5 =	vld [tilespmem:s19+$0x0];
	_ =	sdelay $0x1  }
0x179: {  	v6 =	vld [tilespmem:s19+$0x620];
	_ =	sdelay $0x1  }
0x17a: {  	v7 =	vld [tilespmem:s19+$0xC40]  }
0x17b: {  	v5 =	vadd.f32 $0.0e+00, v5  }
0x17c: {  	v8 =	vld [tilespmem:s19+$0x1260];
	s17 =	sadd.s32 $0x10, s17;
	v9 =	vpop (erf)  }
0x17d: {  	s17 =	sand.u32 $0x7F0, s17;
	v5 =	vadd.f32 v6, v5;
	[tilespmem:s16+$0xDC80] =	vst v9  }
0x17e: {  	v31 =	vld [tilespmem:s17+$0x1880]  }
0x17f: {  	v5 =	vadd.f32 v7, v5  }
0x180: {  	v32 =	vld [tilespmem:s19+$0x1EA0]  }
0x181: {  	v5 =	vadd.f32 v8, v5  }
0x182: {  	v33 =	vld [tilespmem:s19+$0x24C0]  }
0x183: {  	v5 =	vadd.f32 v31, v5  }
0x184: {  	v34 =	vld [tilespmem:s19+$0x2AE0]  }
0x185: {  	v5 =	vadd.f32 v32, v5  }
0x186: {  	v35 =	vld [tilespmem:s17+$0x3100]  }
0x187: {  	v5 =	vadd.f32 v33, v5  }
0x188: {  	v36 =	vld [tilespmem:s19+$0x3720]  }
0x189: {  	v5 =	vadd.f32 v34, v5  }
0x18a: {  	v37 =	vld [tilespmem:s19+$0x3D40]  }
0x18b: {  	v5 =	vadd.f32 v35, v5  }
0x18c: {  	v38 =	vld [tilespmem:s19+$0x4360]  }
0x18d: {  	v5 =	vadd.f32 v36, v5  }
0x18e: {  	v39 =	vld [tilespmem:s17+$0x4980]  }
0x18f: {  	v5 =	vadd.f32 v37, v5  }
0x190: {  	v40 =	vld [tilespmem:s19+$0x4FA0]  }
0x191: {  	v5 =	vadd.f32 v38, v5  }
0x192: {  	v41 =	vld [tilespmem:s19+$0x55C0]  }
0x193: {  	v5 =	vadd.f32 v39, v5  }
0x194: {  	v42 =	vld [tilespmem:s19+$0x5BE0]  }
0x195: {  	v5 =	vadd.f32 v40, v5  }
0x196: {  	v43 =	vld [tilespmem:s17+$0x6200]  }
0x197: {  	v5 =	vadd.f32 v41, v5  }
0x198: {  	v44 =	vld [tilespmem:s19+$0x6820]  }
0x199: {  	v5 =	vadd.f32 v42, v5  }
0x19a: {  	v45 =	vld [tilespmem:s19+$0x6E40]  }
0x19b: {  	v5 =	vadd.f32 v43, v5  }
0x19c: {  	v46 =	vld [tilespmem:s19+$0x7460]  }
0x19d: {  	v5 =	vadd.f32 v44, v5  }
0x19e: {  	v47 =	vld [tilespmem:s17+$0x7A80]  }
0x19f: {  	v5 =	vadd.f32 v45, v5  }
0x1a0: {  	v48 =	vld [tilespmem:s19+$0x80A0]  }
0x1a1: {  	v5 =	vadd.f32 v46, v5  }
0x1a2: {  	v49 =	vld [tilespmem:s19+$0x86C0]  }
0x1a3: {  	v5 =	vadd.f32 v47, v5  }
0x1a4: {  	v50 =	vld [tilespmem:s19+$0x8CE0]  }
0x1a5: {  	v5 =	vadd.f32 v48, v5  }
0x1a6: {  	v51 =	vld [tilespmem:s17+$0x9300]  }
0x1a7: {  	v5 =	vadd.f32 v49, v5  }
0x1a8: {  	v52 =	vld [tilespmem:s19+$0x9920]  }
0x1a9: {  	v5 =	vadd.f32 v50, v5  }
0x1aa: {  	v53 =	vld [tilespmem:s19+$0x9F40]  }
0x1ab: {  	v5 =	vadd.f32 v51, v5  }
0x1ac: {  	v54 =	vld [tilespmem:s19+$0xA560]  }
0x1ad: {  	v5 =	vadd.f32 v52, v5  }
0x1ae: {  	v55 =	vld [tilespmem:s17+$0xAB80]  }
0x1af: {  	v5 =	vadd.f32 v53, v5  }
0x1b0: {  	v56 =	vld [tilespmem:s19+$0xB1A0]  }
0x1b1: {  	v5 =	vadd.f32 v54, v5  }
0x1b2: {  	v57 =	vld [tilespmem:s19+$0xB7C0]  }
0x1b3: {  	v58 =	vld [tilespmem:s19+$0xBDE0];
	v5 =	vadd.f32 v55, v5  }
0x1b4: {  	v9 =	vld [tilespmem:s19+$0xC400]  }
0x1b5: {  	v5 =	vadd.f32 v56, v5  }
0x1b6: {  	v59 =	vld [tilespmem:s19+$0xCA20]  }
0x1b7: {  	v5 =	vadd.f32 v57, v5  }
0x1b8: {  	v60 =	vld [tilespmem:s19+$0xD040]  }
0x1b9: {  	v0 =	vmul.f32 v9, v0;
	v5 =	vadd.f32 v58, v5  }
0x1ba: {  	v61 =	vld [tilespmem:s19+$0xD660]  }
0x1bb: {  	v1 =	vmul.f32 v59, v1;
	v0 =	vadd.f32 v0, v5;
	_ =	sdelay $0x1  }
0x1bc: {  	v62 =	vmul.f32 v60, v2;
	v0 =	vadd.f32 v1, v0;
	_ =	sdelay $0x1  }
0x1bd: {  	v63 =	vmul.f32 v61, v3;
	v0 =	vadd.f32 v62, v0;
	_ =	sdelay $0x1  }
0x1be: {  	v0 =	vadd.f32 v63, v0;
	_ =	sdelay $0x1  }
0x1bf: {  	v0 =	vadd.f32 v0, v4;
	_ =	sdelay $0x1  }
0x1c0: {  	v0 =	vsub.f32 $0.0e+00, v0;
	_ =	sdelay $0x1  }
0x1c1: {  	v0 =	vmul.f32 $1.442695020e+00, v0;
	_ =	sdelay $0x1  }
0x1c2: {  	(erf) = vpow2.f32 v0;
	_ =	sdelay $0x8  }
0x1c3: {  	v0 =	vpop (erf)  }
0x1c4: {  	v0 =	vadd.f32 $1.000000000e+00, v0;
	_ =	sdelay $0x1  }
0x1c5: {  	(erf) = vrcp.f32 v0;
	_ =	sdelay $0x7  }
0x1c6: {  	s15 =	sadd.s32 $0x1, s15  }
0x1c7: {  	p0 =	sne.s32 s15, s25;
	v0 =	vpop (erf)  }
.Ltmp1:
0x1c8: {  	s20 =	simm.s32 $0xDC80;
	[tilespmem:s19+$0xDC80] =	vst v0;
	(pc) =	sbr.rel @p0 .LBB2_1-.Ltmp1, $4  }
0x1c9: {  	[hbm4b:s24+s2] =	stream.linear.scatter [tilespmem:s20], [sflag:$0x2], $0x620, $0x38;
	[tilespmem:$0xE380] =	vst v63  }
0x1ca: {  	_ =	swait.ge [sflag:s14], $0x620  }
0x1cb: {  	[sflag:s14] =	ssyncset.done $0x0  }
0x1cc: {  	[sflag:s14] =	ssyncadd.s32 $0xFFFFF9E0  }
0x1cd: {  	_ =	sfence.sel $0x180000  }
0x1ce: {  	[bflag:$0x0] =	sbarrier.arrive $0xFFFF  }
0x1cf: {  	_ =	strace $0x90000050  }
0x1d0: {  	s0 =	stileid.u32;
	[bflag:$0x2] =	sbarrier.arrive $0xFFFF  }
0x1d1: {  	p0 =	sne.s32 s0, $0x0;
	s0 =	rddreg [dreg:$0x1]  }
0x1d2: {  	s0 =	sadd.s32 @!p0 $0x100000, s0  }
0x1d3: {  	[sflag:s0] =	ssyncadd.tile.s32 @!p0 $0x1;
	_ =	shalt  }
.Lfunc_end2:
_tile_overlayer_lowered:
.L_overlay_start_2:
0x1d4: {  	(tag) =	ssettag $0x2  }
0x1d5: {  	s0 =	rddreg [dreg:$0x0];
	s2 =	stileid.u32  }
0x1d6: {  	s1 =	rddreg [dreg:$0x1];
	p0 =	sne.s32 s2, $0x0  }
0x1d7: {  	s3 =	rddreg [dreg:$0x2];
	[bflag:$0x3] =	sbarrier.arrive $0xFFFF;
	s2 =	simm.s32 @!p0 $0x1C02  }
0x1d8: {  	[timem:s3], [sflag:s2] =	dma.local @!p0 [hbm:s0], s1  }
0x1d9: {  	s0 =	simm.s32 @!p0 $0x2  }
0x1da: {  	_ =	swait.ge @!p0 [sflag:s0], s1  }
0x1db: {  	s1 =	ssub.s32 @!p0 $0x0, s1;
	[sflag:s0] =	ssyncset.done @!p0 $0x0  }
0x1dc: {  	[sflag:s0] =	ssyncadd.s32 @!p0 s1  }
0x1dd: {  	[bflag:$0x3] =	sbarrier.arrive $0xFFFF  }
0x1de: {  	_ =	shalt  }

// kernel: kernel.6.cloned.1.call-start
scs
__scs_entry_jumppad:
0x0: {  	(pc) =	sbr.rel $0x88, $3  }
0x1: {  	(tag) =	ssettag $0x0;
	lr =	simm.s32 $0x1  }
0x2: {  	[smem:$0x3F96] =	sst lr;
	_ =	strace $0xD0000000  }
0x3: {  	_ = 	snop  }
0x4: {  	_ = 	snop  }
0x5: {  	_ = 	snop  }
0x6: {  	_ = 	snop  }
0x7: {  	_ = 	snop  }
__scs_overlays_trampoline_lowered:
0x8: {  	[smem:$0x3FA5] =	sst s0  }
0x9: {  	[smem:$0x3FA6] =	sst s1  }
0xa: {  	[smem:$0x3FA7] =	sst s2  }
0xb: {  	[smem:$0x3FA8] =	sst s3  }
0xc: {  	[smem:$0x3FA9] =	sst s4  }
0xd: {  	[smem:$0x3FAA] =	sst s5  }
0xe: {  	[smem:$0x3FAB] =	sst s6  }
0xf: {  	[smem:$0x3FAC] =	sst s7  }
0x10: {  	[smem:$0x3FAD] =	sst s8  }
0x11: {  	[smem:$0x3FAE] =	sst s9;
	s0 =	simm.s32 @!p0 $0x0  }
0x12: {  	s1 =	sld [smem:$0x3F94];
	s0 =	simm.s32 @p0 $0x1  }
0x13: {  	[smem:$0x3FAF] =	sst s0;
	s0 =	simm.s32 @!p1 $0x0  }
0x14: {  	s2 =	sld [smem:$0x3F93];
	s0 =	simm.s32 @p1 $0x1  }
0x15: {  	[smem:$0x3FB0] =	sst s0;
	s0 =	simm.s32 @!p2 $0x0  }
0x16: {  	s3 =	sld [smem:$0x3FDB];
	s0 =	simm.s32 @p2 $0x1  }
0x17: {  	s4 =	simm.s32 $0x1BF5;
	[smem:$0x3FB2] =	sst s0  }
0x18: {  	s0 =	sld [smem:$0x3F95];
	_ =	swait.ge [sflag:s4], $0x0  }
0x19: {  	s7 =	sld [smem:$0x3F96]  }
0x1a: {  	s8 =	sadd.s32 $0xFFFFE003, lr  }
0x1b: {  	s9 =	sadd.s32 $0xFFFFFEF7, lr;
	s5 =	simm.s32 $0xFFFFFFFF;
	p2 =	slt.u32 s8, $0xFFFFF086  }
0x1c: {  	p1 =	slt.u32 s9, $0xF7A;
	s5 =	simm.s32 @!p2 $0x0  }
0x1d: {  	s5 =	simm.s32 @p1 $0x1;
	p0 =	seq.s32 s7, s2  }
0x1e: {  	s7 =	smul.u32 @!p0 $0xF7A, s2;
	p2 =	seq.s32 @!p0 s5, $0x0  }
0x1f: {  	s9 =	smul.u32 $0xF7A, s1;
	s8 =	simm.s32 @!p0 $0x1BF5;
	p2 =	por !p2, p0  }
0x20: {  	[sflag:s8] =	ssyncset.s32 @!p0 $0xFFFFF086;
	s6 =	sadd.s32 @!p0 s3, s7;
	s7 =	simm.s32 @!p0 $0x108  }
0x21: {  	s3 =	sadd.s32 s3, s9;
	s6 =	sadd.s32 @!p0 $0x88, s6;
	s7 =	simm.s32 @p2 $0x1082  }
0x22: {  	[simem:s7], [sflag:s8] =	dma.local @!p0 [hbm:s6], $0xF7A  }
0x23: {  	s9 =	sor.u32 $0xD0000000, s2;
	s6 =	simm.s32 $0x108;
	_ =	swait.ge @!p0 [sflag:s8], $0x0  }
0x24: {  	s3 =	sadd.s32 $0x88, s3;
	s6 =	simm.s32 @!p1 $0x1082;
	[sflag:s4] =	ssyncset.s32 $0xFFFFF086  }
0x25: {  	[simem:s6], [sflag:s4] =	dma.local [hbm:s3], $0xF7A  }
0x26: {  	[smem:$0x3F96] =	sst s1;
	(tag) =	ssettag s2;
	_ =	strace s9  }
0x27: {  	s1 =	sld [smem:$0x3FA6]  }
0x28: {  	s2 =	sld [smem:$0x3FA7]  }
0x29: {  	s4 =	sld [smem:$0x3FA9]  }
0x2a: {  	p0 =	seq.s32 s5, $0x0;
	s5 =	sld [smem:$0x3FAA]  }
0x2b: {  	s6 =	sld [smem:$0x3FAB]  }
0x2c: {  	s7 =	sld [smem:$0x3FAC]  }
0x2d: {  	s3 =	simm.s32 $0x108;
	s8 =	sld [smem:$0x3FAD]  }
0x2e: {  	s3 =	simm.s32 @!p0 $0x1082;
	s9 =	sld [smem:$0x3FAE]  }
0x2f: {  	lr =	sadd.s32 s0, s3;
	s0 =	sld [smem:$0x3FA5]  }
0x30: {  	s3 =	sld [smem:$0x3FA8]  }
0x31: {  	[smem:$0x3FB1] =	sst s10  }
0x32: {  	s10 =	sld [smem:$0x3FAF];
	_ =	sdelay $0x3  }
0x33: {  	p0 =	seq.s32 s10, $0x1;
	s10 =	sld [smem:$0x3FB1];
	_ =	sdelay $0x3  }
0x34: {  	[smem:$0x3FB1] =	sst s10  }
0x35: {  	s10 =	sld [smem:$0x3FB0];
	_ =	sdelay $0x3  }
0x36: {  	p1 =	seq.s32 s10, $0x1;
	s10 =	sld [smem:$0x3FB1];
	_ =	sdelay $0x3  }
0x37: {  	[smem:$0x3FB1] =	sst s10  }
0x38: {  	s10 =	sld [smem:$0x3FB2]  }
0x39: {  	_ = 	snop;
	(pc) =	sbr.ind lr, $3  }
0x3a: {  	_ = 	snop  }
0x3b: {  	_ = 	snop  }
0x3c: {  	p2 =	seq.s32 s10, $0x1;
	s10 =	sld [smem:$0x3FB1]  }
0x3d: {  	_ =	shalt  }
0x3e: {  	_ =	shalt  }
0x3f: {  	_ =	shalt  }
0x40: {  	_ =	shalt  }
0x41: {  	_ =	shalt  }
0x42: {  	_ =	shalt  }
0x43: {  	_ =	shalt  }
0x44: {  	_ =	shalt  }
0x45: {  	_ =	shalt  }
0x46: {  	_ =	shalt  }
0x47: {  	_ =	shalt  }
0x48: {  	_ =	shalt  }
0x49: {  	_ =	shalt  }
0x4a: {  	_ =	shalt  }
0x4b: {  	_ =	shalt  }
0x4c: {  	_ =	shalt  }
0x4d: {  	_ =	shalt  }
0x4e: {  	_ =	shalt  }
0x4f: {  	_ =	shalt  }
0x50: {  	_ =	shalt  }
0x51: {  	_ =	shalt  }
0x52: {  	_ =	shalt  }
0x53: {  	_ =	shalt  }
0x54: {  	_ =	shalt  }
0x55: {  	_ =	shalt  }
0x56: {  	_ =	shalt  }
0x57: {  	_ =	shalt  }
0x58: {  	_ =	shalt  }
0x59: {  	_ =	shalt  }
0x5a: {  	_ =	shalt  }
0x5b: {  	_ =	shalt  }
0x5c: {  	_ =	shalt  }
0x5d: {  	_ =	shalt  }
0x5e: {  	_ =	shalt  }
0x5f: {  	_ =	shalt  }
0x60: {  	_ =	shalt  }
0x61: {  	_ =	shalt  }
0x62: {  	_ =	shalt  }
0x63: {  	_ =	shalt  }
0x64: {  	_ =	shalt  }
0x65: {  	_ =	shalt  }
0x66: {  	_ =	shalt  }
0x67: {  	_ =	shalt  }
0x68: {  	_ =	shalt  }
0x69: {  	_ =	shalt  }
0x6a: {  	_ =	shalt  }
0x6b: {  	_ =	shalt  }
0x6c: {  	_ =	shalt  }
0x6d: {  	_ =	shalt  }
0x6e: {  	_ =	shalt  }
0x6f: {  	_ =	shalt  }
0x70: {  	_ =	shalt  }
0x71: {  	_ =	shalt  }
0x72: {  	_ =	shalt  }
0x73: {  	_ =	shalt  }
0x74: {  	_ =	shalt  }
0x75: {  	_ =	shalt  }
0x76: {  	_ =	shalt  }
0x77: {  	_ =	shalt  }
0x78: {  	_ =	shalt  }
0x79: {  	_ =	shalt  }
0x7a: {  	_ =	shalt  }
0x7b: {  	_ =	shalt  }
0x7c: {  	_ =	shalt  }
0x7d: {  	_ =	shalt  }
0x7e: {  	_ =	shalt  }
0x7f: {  	_ =	shalt  }
0x80: {  	_ =	shalt  }
0x81: {  	_ =	shalt  }
0x82: {  	_ =	shalt  }
0x83: {  	_ =	shalt  }
0x84: {  	_ =	shalt  }
0x85: {  	_ =	shalt  }
0x86: {  	_ =	shalt  }
0x87: {  	_ =	shalt  }
.Lfunc_end0:
.L_simem_size_0:
called_computation_lowered:
.L_overlay_start_0:
0x88: {  	s2 =	sld [smem:$0x3FD9]  }
0x89: {  	s3 =	sld [smem:$0x3FFE];
	_ =	sdelay $0x1  }
0x8a: {  	s1 =	srdreg.scid  }
0x8b: {  	s0 =	sand.u32 $0x1, s1  }
0x8c: {  	s17 =	sshll.u32 s0, $0xA;
	s2 =	sadd.s32 s3, s2  }
0x8d: {  	s2 =	sadd.s32 s2, s17  }
0x8e: {  	[smem:$0x3FBD] =	sst s2  }
0x8f: {  	_ = 	snop  }
0x90: {  	s2 =	sld [smem:$0x3FD0];
	(tm) =	ssettm $0x1  }
0x91: {  	s18 =	sld [smem:$0x3FFB];
	_ =	sdelay $0x3  }
0x92: {  	_ =	strace s18  }
0x93: {  	s3 =	sld [smem:$0x3FFC];
	_ =	sdelay $0x3  }
0x94: {  	_ =	strace s3  }
0x95: {  	s3 =	sld [smem:$0x3FFD];
	_ =	sdelay $0x3  }
0x96: {  	_ =	strace s3  }
0x97: {  	_ =	strace $0x8FFFFFFF  }
0x98: {  	s19 =	sld [smem:$0x3FDB];
	_ =	sdelay $0x1  }
0x99: {  	s4 =	simm.s32 $_scs_section_size  }
0x9a: {  	s5 =	simm.s32 $_size__tile_overlayer_lowered;
	s6 =	simm.s32 $_tile_overlayer_lowered  }
0x9b: {  	s22 =	simm.s32 $0x1BFF;
	s21 =	sshll.u32 s6, $0x1;
	s3 =	sadd.s32 s4, s19  }
0x9c: {  	s7 =	simm.s32 $0x0;
	s20 =	sshll.u32 s5, $0x1;
	s5 =	sadd.s32 s21, s3  }
0x9d: {  	[timem:s7], [sflag:s22] =	dma.local [hbm:s5], s20  }
0x9e: {  	_ =	swait.ge [sflag:s22], s20  }
0x9f: {  	s4 =	ssub.s32 $0x0, s20;
	[sflag:s22] =	ssyncset.done $0x0  }
0xa0: {  	[sflag:s22] =	ssyncadd.s32 s4;
	_ =	sdelay $0x1  }
0xa1: {  	s23 =	simm.s32 $0x1B8B  }
0xa2: {  	_ =	swait.ge [sflag:s23], $0x1  }
0xa3: {  	[sflag:s23] =	ssyncset.done $0x0  }
0xa4: {  	s25 =	simm.s32 $0x1B8E;
	s24 =	sld [smem:$0x3FFE];
	[sflag:s23] =	ssyncadd.s32 $0xFFFFFFFF  }
0xa5: {  	s26 =	simm.s32 $execute0_lowered;
	[smem:$0x3FD2] =	sst s25  }
0xa6: {  	s5 =	sshll.u32 s26, $0x1;
	_ =	strace $0x80000046;
	[dreg:$0x1] =	wrdreg $0xFFFFFFFF  }
0xa7: {  	s28 =	simm.s32 $_size_execute0_lowered;
	s3 =	sadd.s32 s3, s5;
	[dreg:$0x0] =	wrdreg $0x0  }
0xa8: {  	s5 =	sshll.u32 s28, $0x1;
	[dreg:$0x2] =	wrdreg s3  }
0xa9: {  	[dreg:$0x3] =	wrdreg s5  }
0xaa: {  	[dreg:$0x4] =	wrdreg $0xC0  }
0xab: {  	_ =	task [dreg:s7], $0x5FFFF  }
0xac: {  	[dreg:$0x1] =	wrdreg $0xFFFFFFFF  }
0xad: {  	[dreg:$0x0] =	wrdreg $0x60  }
0xae: {  	[dreg:$0x2] =	wrdreg s24  }
0xaf: {  	[dreg:$0x3] =	wrdreg s2  }
0xb0: {  	[dreg:$0x4] =	wrdreg $0x9  }
0xb1: {  	_ =	task.clear_ibuf [dreg:s7], $0x5FFFF;
	_ =	strace $0x90000046  }
0xb2: {  	s29 =	simm.s32 $0x9;
	_ =	strace $0x80000048  }
0xb3: {  	_ =	swait.ge [sflag:s29], $0x1  }
0xb4: {  	[sflag:s29] =	ssyncadd.s32 $0xFFFFFFFF  }
0xb5: {  	_ =	strace $0x90000048  }
0xb6: {  	_ =	sfence  }
0xb7: {  	s30 =	sld [smem:$0x0];
	_ =	sdelay $0x2  }
0xb8: {  	s31 =	sshll.u32 s1, $0xD;
	s1 =	sshrl.u32 s1, $0x2  }
0xb9: {  	s3 =	sand.u32 $0x4000, s31;
	s1 =	sadd.s32 s1, s30  }
0xba: {  	s0 =	sor.u32 s3, s0;
	s1 =	sshll.u32 s1, $0x11  }
0xbb: {  	s0 =	sor.u32 s1, s0  }
0xbc: {  	s0 =	sadd.s32 $0x8F2B, s0  }
0xbd: {  	[sflag:s0] =	ssyncadd.remote.s32 $0x1  }
0xbe: {  	_ =	sfence.sel $0xFFFF  }
0xbf: {  	[dreg:$0x0] =	wrdreg $0xFFFFFFFF;
	(pc) =	sbr.abs _section_cstart, $3  }
0xc0: {  	[dreg:$0x1] =	wrdreg $0xFFFFFFFF  }
0xc1: {  	_ =	task.clear_ibuf [dreg:s7], $0x2FFFF;
	_ =	strace $0x9FFFFFFF  }
0xc2: {  	(tm) =	ssettm $0x7FFFFFFF  }
0xc3: {  	_ =	shalt  }
tec
execute0_lowered:
.L_overlay_start_1:
0x0: {  	(tag) =	ssettag $0x1  }
0x1: {  	s0 =	rddreg [dreg:$0x0];
	s2 =	simm.s32 $0x0;
	s14 =	srdreg.scid  }
0x2: {  	s9 =	stileid.u32;
	s29 =	simm.s32 $0x18800;
	s30 =	simm.s32 $0x19800  }
0x3: {  	s31 =	simm.s32 $0x1A800;
	[smem:$0x7FF] =	sst s2;
	s1 =	sadd.s32 $0xF5000, s0  }
0x4: {  	s5 =	sadd.s32 $0xC4200, s0;
	s3 =	sshll.u32 s9, $0x1;
	s6 =	sadd.s32 $0x93400, s0  }
0x5: {  	s7 =	sadd.s32 $0x62600, s0;
	s8 =	sadd.s32 $0x31800, s0;
	s10 =	sshrl.u32 s9, $0x2  }
0x6: {  	s9 =	sadd.s32 $0xA00, s0;
	_ =	strace $0x80000047;
	[dreg:$0x3] =	wrdreg s1  }
0x7: {  	s1 =	sand.u32 $0x1, s14;
	s12 =	smul.u32 $0xC0, s10;
	s10 =	sshll.u32 s10, $0x4  }
0x8: {  	s3 =	sor.u32 s1, s3;
	s1 =	ssub.s32 $0x2, s1;
	[dreg:$0x5] =	wrdreg s10  }
0x9: {  	s4 =	smul.u32 $0x1880, s3;
	s3 =	sand.u32 $0x7, s3;
	s11 =	sshrl.u32 s1, $0x1  }
0xa: {  	s16 =	sshrl.u32 s12, $0x2;
	s3 =	smul.u32 $0x30D40, s3;
	s1 =	ssub.s32 s1, s11  }
0xb: {  	[dreg:$0x4] =	wrdreg s16;
	s0 =	sadd.s32 s4, s0;
	s28 =	smax.u32 s1, $0x1  }
0xc: {  	s15 =	sshrl.u32 s3, $0x3;
	s0 =	sadd.s32 $0xF6A00, s0;
	[dreg:$0x11] =	wrdreg s28  }
0xd: {  	s13 =	simm.s32 $0x1;
	s17 =	sadd.s32 s5, s15;
	[dreg:$0x10] =	wrdreg s0  }
0xe: {  	s14 =	simm.s32 $0xC400;
	s18 =	sadd.s32 s6, s15;
	[dreg:$0x6] =	wrdreg s17  }
0xf: {  	s12 =	simm.s32 $0x1CF10;
	s19 =	sadd.s32 s7, s15;
	[dreg:$0x7] =	wrdreg s18  }
0x10: {  	s11 =	simm.s32 $0x1C740;
	s21 =	sadd.s32 s8, s15;
	[dreg:$0x8] =	wrdreg s19  }
0x11: {  	s20 =	sadd.s32 $0xFA, s15;
	s4 =	sadd.s32 s9, s15;
	[dreg:$0x9] =	wrdreg s21  }
0x12: {  	s16 =	simm.s32 $0x0;
	[dreg:$0xa] =	wrdreg s4;
	s22 =	sadd.s32 s5, s20  }
0x13: {  	s1 =	simm.s32 $0x18FD0;
	s23 =	sadd.s32 s6, s20;
	[dreg:$0xb] =	wrdreg s22  }
0x14: {  	s0 =	simm.s32 $0x1AFD0;
	s24 =	sadd.s32 s7, s20;
	[dreg:$0xc] =	wrdreg s23  }
0x15: {  	s15 =	simm.s32 $0x2;
	s25 =	sadd.s32 s8, s20;
	[dreg:$0xd] =	wrdreg s24  }
0x16: {  	s26 =	sadd.s32 s9, s20;
	s18 =	simm.s32 $0x3;
	[dreg:$0xe] =	wrdreg s25  }
0x17: {  	s4 =	simm.s32 $0x1BF70;
	[dreg:$0xf] =	wrdreg s26;
	s22 =	sadd.s32 $0xFA0, s3  }
0x18: {  	v0 =	vimm.f32 $0.0e+00;
	s23 =	sadd.s32 $0x1770, s3;
	s3 =	simm.s32 $0x1B7A0;
	s26 =	simm.s32 $0x19FD0  }
.LBB2_1:
0x19: {  	s10 =	rddreg [dreg:$0x1];
	s17 =	simm.s32 $0x1D700  }
0x1a: {  	[tilespmem:s17], [sflag:$0x3] =	stream.linear.gather [hbm4b:s10+s2], $0x100, $0x38;
	[tilespmem:$0x1D800] =	vst v63  }
0x1b: {  	_ =	swait.ge [sflag:s18], $0x100  }
0x1c: {  	[sflag:s18] =	ssyncset.done $0x0  }
0x1d: {  	s28 =	rddreg [dreg:$0x3];
	[sflag:s18] =	ssyncadd.s32 $0xFFFFFF00  }
0x1e: {  	[tilespmem:s2], [sflag:$0x3] =	stream.linear.gather [hbm4b:s28+s2], $0xC400, $0x38;
	[tilespmem:$0x1D800] =	vst v63  }
0x1f: {  	_ =	swait.ge [sflag:s18], $0xC400  }
0x20: {  	[sflag:s18] =	ssyncset.done $0x0  }
0x21: {  	s10 =	simm.s32 $0x40;
	s17 =	simm.s32 $0x0;
	[sflag:s18] =	ssyncadd.s32 $0xFFFF3C00  }
.LBB2_2:
0x22: {  	p0 =	sne.s32 s10, $0x30FC0;
	[tilespmem:s17+$0xC400] =	vst v0;
	s17 =	smov.u32 s10;
	s10 =	sadd.s32 $0x40, s10  }
.Ltmp0:
0x23: {  	(pc) =	sbr.rel @p0 .LBB2_2-.Ltmp0, $2  }
0x24: {  	_ =	sdelay $0x2  }
0x25: {  	s17 =	sshra.s32 s17, $0x2  }
0x26: {  	[tilespmem:s17+$0xC400] =	vst v0;
	s10 =	rddreg [dreg:$0x4]  }
0x27: {  	v3 =	vld [tilespmem:s10+$0x1D700]  }
0x28: {  	s21 =	rddreg [dreg:$0x5];
	v4 =	vld [tilespmem:s10+$0x1D710]  }
0x29: {  	s17 =	simm.s32 $0x0;
	s24 =	rddreg [dreg:$0x6];
	v2 =	vld [tilespmem:s10+$0x1D720]  }
0x2a: {  	v1 =	vld [tilespmem:s21+$0x1D7C0];
	[tilespmem:s29], [sflag:$0x1] =	stream.linear.gather [hbm4b:s24+s17], $0x7D0, $0x38  }
0x2b: {  	s25 =	rddreg [dreg:$0x7]  }
0x2c: {  	[tilespmem:s30], [sflag:$0x1] =	stream.linear.gather [hbm4b:s25+s17], $0x7D0, $0x38;
	[tilespmem:$0x1D800] =	vst v63  }
0x2d: {  	s28 =	rddreg [dreg:$0x8]  }
0x2e: {  	[tilespmem:s31], [sflag:$0x1] =	stream.linear.gather [hbm4b:s28+s17], $0x7D0, $0x38;
	[tilespmem:$0x1D800] =	vst v63  }
0x2f: {  	s18 =	rddreg [dreg:$0x9]  }
0x30: {  	[tilespmem:s0], [sflag:$0x1] =	stream.linear.gather [hbm4b:s18+s17], $0x7D0, $0x38;
	[tilespmem:$0x1D800] =	vst v63  }
0x31: {  	s19 =	rddreg [dreg:$0xa]  }
0x32: {  	[tilespmem:s3], [sflag:$0x1] =	stream.linear.gather [hbm4b:s19+s17], $0x7D0, $0x38;
	[tilespmem:$0x1D800] =	vst v63  }
0x33: {  	s20 =	rddreg [dreg:$0xb]  }
0x34: {  	[tilespmem:s1], [sflag:$0x2] =	stream.linear.gather [hbm4b:s20+s17], $0x7D0, $0x38;
	[tilespmem:$0x1D800] =	vst v63  }
0x35: {  	s21 =	rddreg [dreg:$0xc]  }
0x36: {  	[tilespmem:s26], [sflag:$0x2] =	stream.linear.gather [hbm4b:s21+s17], $0x7D0, $0x38;
	[tilespmem:$0x1D800] =	vst v63  }
0x37: {  	s24 =	rddreg [dreg:$0xd]  }
0x38: {  	[tilespmem:s4], [sflag:$0x2] =	stream.linear.gather [hbm4b:s24+s17], $0x7D0, $0x38;
	[tilespmem:$0x1D800] =	vst v63  }
0x39: {  	s25 =	rddreg [dreg:$0xe]  }
0x3a: {  	[tilespmem:s11], [sflag:$0x2] =	stream.linear.gather [hbm4b:s25+s17], $0x7D0, $0x38;
	[tilespmem:$0x1D800] =	vst v63  }
0x3b: {  	s28 =	rddreg [dreg:$0xf];
	s18 =	simm.s32 $0x0  }
0x3c: {  	[tilespmem:s12], [sflag:$0x2] =	stream.linear.gather [hbm4b:s28+s17], $0x7D0, $0x38;
	[tilespmem:$0x1D800] =	vst v63  }
.LBB2_4:
0x3d: {  	_ =	swait.ge [sflag:s13], $0x7D0  }
0x3e: {  	[sflag:s13] =	ssyncset.done $0x0  }
0x3f: {  	[sflag:s13] =	ssyncadd.s32 $0xFFFFF830  }
0x40: {  	_ =	swait.ge [sflag:s13], $0x7D0  }
0x41: {  	[sflag:s13] =	ssyncset.done $0x0  }
0x42: {  	[sflag:s13] =	ssyncadd.s32 $0xFFFFF830  }
0x43: {  	_ =	swait.ge [sflag:s13], $0x7D0  }
0x44: {  	[sflag:s13] =	ssyncset.done $0x0  }
0x45: {  	[sflag:s13] =	ssyncadd.s32 $0xFFFFF830  }
0x46: {  	_ =	swait.ge [sflag:s13], $0x7D0  }
0x47: {  	[sflag:s13] =	ssyncset.done $0x0  }
0x48: {  	[sflag:s13] =	ssyncadd.s32 $0xFFFFF830  }
0x49: {  	_ =	swait.ge [sflag:s13], $0x7D0  }
0x4a: {  	[sflag:s13] =	ssyncset.done $0x0  }
0x4b: {  	s10 =	simm.s32 $0x1B7D0;
	[sflag:s13] =	ssyncadd.s32 $0xFFFFF830  }
0x4c: {  	s19 =	simm.s32 $0x18820;
	v5 =	vld [tilespmem:s10+$0xFFFFF060]  }
0x4d: {  	s20 =	sand.u32 $0x7C0, s17;
	v6 =	vld [tilespmem:s19+$0x10]  }
0x4e: {  	v7 =	vld [tilespmem:s20+$0x1B000]  }
0x4f: {  	v8 =	vld [tilespmem:s10+$0xFFFFF800]  }
0x50: {  	v9 =	vld [tilespmem:s10+$0x0]  }
0x51: {  	v10 =	vld [tilespmem:s10+$0xFFFFF040]  }
0x52: {  	v11 =	vld [tilespmem:s10+$0xFFFFF810]  }
0x53: {  	v12 =	vld [tilespmem:s10+$0xFFFFF050]  }
0x54: {  	v13 =	vld [tilespmem:s10+$0xFFFFF820]  }
0x55: {  	v15 =	vld [tilespmem:s10+$0xFFFFFFE0];
	v5 =	vmul.f32 v5, v3;
	v7 =	vmul.f32 v7, v4  }
0x56: {  	s20 =	simm.s32 $0x19820;
	v16 =	vld [tilespmem:s10+$0xFFFFFFF0]  }
0x57: {  	v14 =	vld [tilespmem:s20+$0x10];
	v5 =	vadd.f32 v7, v5;
	v7 =	vmul.f32 v9, v2  }
0x58: {  	v9 =	vld [tilespmem:s10+$0xFFFFF030]  }
0x59: {  	v6 =	vld.idx.msk [tilespmem:v6+s2+$0x0], $0xffff;
	v5 =	vadd.f32 v7, v5  }
0x5a: {  	v7 =	vld [tilespmem:s10+$0xFFFFFFD0]  }
0x5b: {  	v17 =	vld [tilespmem:s19+$0xFFFFFFE0];
	v8 =	vmul.f32 v8, v4;
	v5 =	vadd.f32 v5, v1  }
0x5c: {  	v18 =	vld [tilespmem:s19+$0xFFFFFFF0];
	v10 =	vmul.f32 v10, v3;
	v11 =	vmul.f32 v11, v4  }
0x5d: {  	v19 =	vld [tilespmem:s19+$0x0];
	v12 =	vmul.f32 v12, v3;
	v9 =	vmul.f32 v9, v3;
	v5 =	vmax.f32 v5, $0.0e+00  }
0x5e: {  	v13 =	vmul.f32 v13, v4;
	v10 =	vadd.f32 v11, v10;
	v5 =	vmul.f32 v5, v6  }
0x5f: {  	v11 =	vmul.f32 v7, v2;
	v8 =	vadd.f32 v8, v9;
	v9 =	vmul.f32 v15, v2  }
0x60: {  	v6 =	vadd.f32 v13, v12;
	v12 =	vmul.f32 v16, v2;
	v7 =	vld [tilespmem:s20+$0xFFFFFFE0]  }
0x61: {  	[tilespmem:v14+s14+$0x0] =	vst.idx.add.f32.msk $0xffff, v5;
	v8 =	vadd.f32 v11, v8;
	v9 =	vadd.f32 v9, v10  }
0x62: {  	v5 =	vld [tilespmem:s20+$0xFFFFFFF0];
	v10 =	vadd.f32 v12, v6  }
0x63: {  	v11 =	vadd.f32 v8, v1;
	v13 =	vadd.f32 v9, v1;
	v8 =	vld.idx.msk [tilespmem:v17+s2+$0x0], $0xffff  }
0x64: {  	v14 =	vadd.f32 v10, v1;
	v9 =	vld.idx.msk [tilespmem:v18+s2+$0x0], $0xffff  }
0x65: {  	v10 =	vmax.f32 v13, $0.0e+00;
	v13 =	vld.idx.msk [tilespmem:v19+s2+$0x0], $0xffff  }
0x66: {  	s21 =	simm.s32 $0x0;
	s24 =	simm.s32 $0x1B810;
	s25 =	simm.s32 $0x0;
	v6 =	vld [tilespmem:s20+$0x0];
	v12 =	vmax.f32 v11, $0.0e+00;
	v11 =	vmax.f32 v14, $0.0e+00  }
.LBB2_5:
0x67: {  	v14 =	vld [tilespmem:s24+$0xFFFFF060];
	s19 =	sadd.s32 $0x40, s19;
	s25 =	sadd.s32 $0x40, s25  }
0x68: {  	s21 =	sadd.s32 $0x4, s21;
	v8 =	vmul.f32 v12, v8;
	s10 =	sand.u32 $0x7C0, s25;
	v15 =	vld [tilespmem:s19+$0x10]  }
0x69: {  	p0 =	slt.u32 s21, $0x78;
	v16 =	vmul.f32 v10, v9;
	v12 =	vld [tilespmem:s10+$0x1B000]  }
0x6a: {  	v17 =	vmul.f32 v11, v13;
	v9 =	vld [tilespmem:s24+$0xFFFFF800]  }
0x6b: {  	v10 =	vld [tilespmem:s24+$0x0]  }
0x6c: {  	v11 =	vld [tilespmem:s24+$0xFFFFF040]  }
0x6d: {  	v13 =	vld [tilespmem:s24+$0xFFFFF810]  }
0x6e: {  	v14 =	vmul.f32 v14, v3;
	v18 =	vld [tilespmem:s24+$0xFFFFF050];
	v12 =	vmul.f32 v12, v4  }
0x6f: {  	s20 =	sadd.s32 $0x40, s20;
	v9 =	vmul.f32 v9, v4;
	v19 =	vld [tilespmem:s24+$0xFFFFF820]  }
0x70: {  	v12 =	vadd.f32 v12, v14;
	v10 =	vmul.f32 v10, v2;
	v14 =	vld [tilespmem:s20+$0x10]  }
0x71: {  	v11 =	vmul.f32 v11, v3;
	v15 =	vld.idx.msk [tilespmem:v15+s2+$0x0], $0xffff  }
0x72: {  	v20 =	vld [tilespmem:s24+$0xFFFFF030];
	v13 =	vmul.f32 v13, v4;
	v10 =	vadd.f32 v10, v12  }
0x73: {  	v12 =	vld [tilespmem:s24+$0xFFFFFFD0];
	v18 =	vmul.f32 v18, v3  }
0x74: {  	v21 =	vld [tilespmem:s24+$0xFFFFFFE0];
	v11 =	vadd.f32 v13, v11;
	v13 =	vmul.f32 v19, v4;
	v10 =	vadd.f32 v10, v1  }
0x75: {  	v19 =	vld [tilespmem:s24+$0xFFFFFFF0]  }
0x76: {  	v22 =	vld [tilespmem:s19+$0xFFFFFFE0];
	v13 =	vadd.f32 v13, v18;
	v10 =	vmax.f32 v10, $0.0e+00  }
0x77: {  	v18 =	vmul.f32 v20, v3;
	v20 =	vld [tilespmem:s19+$0xFFFFFFF0];
	v10 =	vmul.f32 v10, v15  }
0x78: {  	v12 =	vmul.f32 v12, v2;
	v15 =	vld [tilespmem:s19+$0x0]  }
0x79: {  	v9 =	vadd.f32 v9, v18;
	v18 =	vmul.f32 v21, v2;
	[tilespmem:v14+s14+$0x0] =	vst.idx.add.f32.msk $0xffff, v10  }
0x7a: {  	v14 =	vld [tilespmem:s20+$0xFFFFFFE0];
	v10 =	vmul.f32 v19, v2  }
0x7b: {  	v9 =	vadd.f32 v12, v9;
	v11 =	vadd.f32 v18, v11;
	v18 =	vld [tilespmem:s20+$0xFFFFFFF0]  }
0x7c: {  	v10 =	vadd.f32 v10, v13;
	v19 =	vld [tilespmem:s20+$0x0]  }
0x7d: {  	v9 =	vadd.f32 v9, v1;
	v11 =	vadd.f32 v11, v1;
	[tilespmem:v7+s14+$0x0] =	vst.idx.add.f32.msk $0xffff, v8  }
.Ltmp1:
0x7e: {  	v8 =	vld.idx.msk [tilespmem:v22+s2+$0x0], $0xffff;
	v13 =	vadd.f32 v10, v1;
	(pc) =	sbr.rel @p0 .LBB2_5-.Ltmp1, $4  }
0x7f: {  	v12 =	vmax.f32 v9, $0.0e+00;
	v10 =	vmax.f32 v11, $0.0e+00;
	v9 =	vld.idx.msk [tilespmem:v20+s2+$0x0], $0xffff;
	v7 =	vmov v14  }
0x80: {  	v11 =	vmax.f32 v13, $0.0e+00;
	v13 =	vld.idx.msk [tilespmem:v15+s2+$0x0], $0xffff  }
0x81: {  	[tilespmem:v5+s14+$0x0] =	vst.idx.add.f32.msk $0xffff, v16;
	v5 =	vmov v18  }
0x82: {  	s24 =	sadd.s32 $0x40, s24;
	[tilespmem:v6+s14+$0x0] =	vst.idx.add.f32.msk $0xffff, v17;
	v6 =	vmov v19  }
0x83: {  	_ =	sdelay $0x1  }
0x84: {  	v8 =	vmul.f32 v12, v8  }
0x85: {  	v9 =	vmul.f32 v10, v9  }
0x86: {  	v10 =	vmul.f32 v11, v13;
	[tilespmem:v7+s14+$0x0] =	vst.idx.add.f32.msk $0xffff, v8  }
0x87: {  	[tilespmem:v5+s14+$0x0] =	vst.idx.add.f32.msk $0xffff, v9  }
0x88: {  	[tilespmem:v6+s14+$0x0] =	vst.idx.add.f32.msk $0xffff, v10  }
0x89: {  	v5 =	vld [tilespmem:$0x1AFC0]  }
0x8a: {  	v6 =	vld [tilespmem:$0x1B790]  }
0x8b: {  	v7 =	vld [tilespmem:$0x18FC0]  }
0x8c: {  	v8 =	vld [tilespmem:$0x1BF60];
	_ =	sdelay $0x2  }
0x8d: {  	v5 =	vmul.f32 v5, v3;
	v6 =	vmul.f32 v6, v4;
	_ =	sdelay $0x1  }
0x8e: {  	v5 =	vadd.f32 v6, v5;
	v6 =	vmul.f32 v8, v2  }
0x8f: {  	s20 =	simm.s32 $0x0;
	v8 =	vld [tilespmem:$0x19FC0]  }
0x90: {  	v5 =	vadd.f32 v6, v5;
	v6 =	vld.idx.msk [tilespmem:v7+s20+$0x0], $0xffff;
	_ =	sdelay $0x1  }
0x91: {  	v5 =	vadd.f32 v5, v1  }
0x92: {  	s19 =	smul.u32 $0xFA0, s18  }
0x93: {  	v5 =	vmax.f32 v5, $0.0e+00  }
0x94: {  	s10 =	sadd.s32 s19, s22;
	v5 =	vmul.f32 v5, v6  }
0x95: {  	s10 =	sshrl.u32 s10, $0x3  }
0x96: {  	s21 =	sadd.s32 s5, s10;
	[tilespmem:v8+s14+$0x0] =	vst.idx.add.f32.msk $0xffff, v5  }
0x97: {  	[tilespmem:s29], [sflag:$0x1] =	stream.linear.gather [hbm4b:s21+s20], $0x7D0, $0x38;
	[tilespmem:$0x1D800] =	vst v63  }
0x98: {  	s28 =	sadd.s32 s6, s10  }
0x99: {  	[tilespmem:s30], [sflag:$0x1] =	stream.linear.gather [hbm4b:s28+s20], $0x7D0, $0x38;
	[tilespmem:$0x1D800] =	vst v63  }
0x9a: {  	s24 =	sadd.s32 s7, s10  }
0x9b: {  	[tilespmem:s31], [sflag:$0x1] =	stream.linear.gather [hbm4b:s24+s20], $0x7D0, $0x38;
	[tilespmem:$0x1D800] =	vst v63  }
0x9c: {  	s25 =	sadd.s32 s8, s10  }
0x9d: {  	[tilespmem:s0], [sflag:$0x1] =	stream.linear.gather [hbm4b:s25+s20], $0x7D0, $0x38;
	[tilespmem:$0x1D800] =	vst v63  }
0x9e: {  	s10 =	sadd.s32 s9, s10  }
0x9f: {  	[tilespmem:s3], [sflag:$0x1] =	stream.linear.gather [hbm4b:s10+s20], $0x7D0, $0x38;
	[tilespmem:$0x1D800] =	vst v63  }
0xa0: {  	_ =	swait.ge [sflag:s15], $0x7D0  }
0xa1: {  	[sflag:s15] =	ssyncset.done $0x0  }
0xa2: {  	[sflag:s15] =	ssyncadd.s32 $0xFFFFF830  }
0xa3: {  	_ =	swait.ge [sflag:s15], $0x7D0  }
0xa4: {  	[sflag:s15] =	ssyncset.done $0x0  }
0xa5: {  	[sflag:s15] =	ssyncadd.s32 $0xFFFFF830  }
0xa6: {  	_ =	swait.ge [sflag:s15], $0x7D0  }
0xa7: {  	[sflag:s15] =	ssyncset.done $0x0  }
0xa8: {  	[sflag:s15] =	ssyncadd.s32 $0xFFFFF830  }
0xa9: {  	_ =	swait.ge [sflag:s15], $0x7D0  }
0xaa: {  	[sflag:s15] =	ssyncset.done $0x0  }
0xab: {  	[sflag:s15] =	ssyncadd.s32 $0xFFFFF830  }
0xac: {  	_ =	swait.ge [sflag:s15], $0x7D0  }
0xad: {  	[sflag:s15] =	ssyncset.done $0x0  }
0xae: {  	s28 =	simm.s32 $0x1CF40;
	[sflag:s15] =	ssyncadd.s32 $0xFFFFF830  }
0xaf: {  	s21 =	simm.s32 $0x19000;
	v5 =	vld [tilespmem:s28+$0xFFFFF810]  }
0xb0: {  	s24 =	sand.u32 $0x7C0, s20;
	v6 =	vld [tilespmem:s21+$0xFFFFFFE0]  }
0xb1: {  	v7 =	vld [tilespmem:s24+$0x1BF80]  }
0xb2: {  	v8 =	vld [tilespmem:s28+$0xFFFFF800]  }
0xb3: {  	v9 =	vld [tilespmem:s28+$0xFFFFFFE0]  }
0xb4: {  	v10 =	vld [tilespmem:s28+$0xFFFFF050]  }
0xb5: {  	v11 =	vld [tilespmem:s28+$0xFFFFF820]  }
0xb6: {  	v12 =	vld [tilespmem:s28+$0xFFFFF060]  }
0xb7: {  	v13 =	vld [tilespmem:s28+$0xFFFFF830]  }
0xb8: {  	v15 =	vld [tilespmem:s28+$0xFFFFFFF0];
	v7 =	vmul.f32 v7, v3;
	v5 =	vmul.f32 v5, v4  }
0xb9: {  	s24 =	simm.s32 $0x1A000;
	v16 =	vld [tilespmem:s28+$0x0]  }
0xba: {  	v14 =	vld [tilespmem:s24+$0xFFFFFFE0];
	v5 =	vadd.f32 v5, v7;
	v7 =	vmul.f32 v9, v2  }
0xbb: {  	v9 =	vld [tilespmem:s28+$0xFFFFF030]  }
0xbc: {  	v6 =	vld.idx.msk [tilespmem:v6+s2+$0x0], $0xffff;
	v5 =	vadd.f32 v7, v5  }
0xbd: {  	v7 =	vld [tilespmem:s28+$0xFFFFFFD0]  }
0xbe: {  	v17 =	vld [tilespmem:s21+$0xFFFFFFD0];
	v10 =	vmul.f32 v10, v3;
	v11 =	vmul.f32 v11, v4;
	v5 =	vadd.f32 v5, v1  }
0xbf: {  	v18 =	vld [tilespmem:s21+$0xFFFFFFF0];
	v12 =	vmul.f32 v12, v3;
	v13 =	vmul.f32 v13, v4  }
0xc0: {  	v19 =	vld [tilespmem:s21+$0x0];
	v8 =	vmul.f32 v8, v4;
	v9 =	vmul.f32 v9, v3;
	v5 =	vmax.f32 v5, $0.0e+00  }
0xc1: {  	v10 =	vadd.f32 v11, v10;
	v5 =	vmul.f32 v5, v6;
	v6 =	vadd.f32 v13, v12  }
0xc2: {  	v11 =	vmul.f32 v7, v2;
	v8 =	vadd.f32 v8, v9;
	v9 =	vmul.f32 v16, v2  }
0xc3: {  	[tilespmem:v14+s14+$0x0] =	vst.idx.add.f32.msk $0xffff, v5;
	v5 =	vmul.f32 v15, v2  }
0xc4: {  	v7 =	vld [tilespmem:s24+$0xFFFFFFD0];
	v8 =	vadd.f32 v11, v8;
	v9 =	vadd.f32 v9, v6  }
0xc5: {  	v6 =	vld [tilespmem:s24+$0x0];
	v10 =	vadd.f32 v5, v10  }
0xc6: {  	v11 =	vadd.f32 v8, v1;
	v8 =	vld.idx.msk [tilespmem:v17+s2+$0x0], $0xffff;
	v13 =	vadd.f32 v9, v1  }
0xc7: {  	v9 =	vld.idx.msk [tilespmem:v18+s2+$0x0], $0xffff;
	v10 =	vadd.f32 v10, v1  }
0xc8: {  	v12 =	vmax.f32 v11, $0.0e+00;
	v11 =	vmax.f32 v13, $0.0e+00;
	v13 =	vld.idx.msk [tilespmem:v19+s2+$0x0], $0xffff  }
0xc9: {  	s25 =	simm.s32 $0x0;
	s10 =	simm.s32 $0x1CF80;
	v5 =	vld [tilespmem:s24+$0xFFFFFFF0];
	v10 =	vmax.f32 v10, $0.0e+00  }
.LBB2_7:
0xca: {  	v14 =	vld [tilespmem:s10+$0xFFFFF810];
	s21 =	sadd.s32 $0x40, s21;
	s20 =	sadd.s32 $0x40, s20  }
0xcb: {  	s25 =	sadd.s32 $0x4, s25;
	v8 =	vmul.f32 v12, v8;
	s28 =	sand.u32 $0x7C0, s20;
	v15 =	vld [tilespmem:s21+$0xFFFFFFE0]  }
0xcc: {  	p0 =	slt.u32 s25, $0x78;
	v16 =	vmul.f32 v10, v9;
	v12 =	vld [tilespmem:s28+$0x1BF80]  }
0xcd: {  	v17 =	vmul.f32 v11, v13;
	v9 =	vld [tilespmem:s10+$0xFFFFF800]  }
0xce: {  	v10 =	vld [tilespmem:s10+$0xFFFFFFE0]  }
0xcf: {  	v11 =	vld [tilespmem:s10+$0xFFFFF050]  }
0xd0: {  	v13 =	vld [tilespmem:s10+$0xFFFFF820]  }
0xd1: {  	v14 =	vmul.f32 v14, v4;
	v12 =	vmul.f32 v12, v3;
	v18 =	vld [tilespmem:s10+$0xFFFFF060]  }
0xd2: {  	s24 =	sadd.s32 $0x40, s24;
	v9 =	vmul.f32 v9, v4;
	v19 =	vld [tilespmem:s10+$0xFFFFF830]  }
0xd3: {  	v12 =	vadd.f32 v14, v12;
	v10 =	vmul.f32 v10, v2;
	v14 =	vld [tilespmem:s24+$0xFFFFFFE0]  }
0xd4: {  	v15 =	vld.idx.msk [tilespmem:v15+s2+$0x0], $0xffff;
	v11 =	vmul.f32 v11, v3  }
0xd5: {  	v20 =	vld [tilespmem:s10+$0xFFFFF030];
	v10 =	vadd.f32 v10, v12;
	v12 =	vmul.f32 v13, v4  }
0xd6: {  	v13 =	vld [tilespmem:s10+$0xFFFFFFD0];
	v18 =	vmul.f32 v18, v3  }
0xd7: {  	v10 =	vadd.f32 v10, v1;
	v21 =	vld [tilespmem:s10+$0xFFFFFFF0];
	v11 =	vadd.f32 v12, v11;
	v12 =	vmul.f32 v19, v4  }
0xd8: {  	v19 =	vld [tilespmem:s10+$0x0]  }
0xd9: {  	v22 =	vld [tilespmem:s21+$0xFFFFFFD0];
	v10 =	vmax.f32 v10, $0.0e+00;
	v12 =	vadd.f32 v12, v18  }
0xda: {  	v18 =	vmul.f32 v20, v3;
	v10 =	vmul.f32 v10, v15;
	v15 =	vld [tilespmem:s21+$0xFFFFFFF0]  }
0xdb: {  	v13 =	vmul.f32 v13, v2;
	v20 =	vld [tilespmem:s21+$0x0]  }
0xdc: {  	v9 =	vadd.f32 v9, v18;
	[tilespmem:v14+s14+$0x0] =	vst.idx.add.f32.msk $0xffff, v10;
	v10 =	vmul.f32 v21, v2  }
0xdd: {  	v14 =	vld [tilespmem:s24+$0xFFFFFFD0];
	v18 =	vmul.f32 v19, v2  }
0xde: {  	v9 =	vadd.f32 v13, v9;
	v10 =	vadd.f32 v10, v11;
	v19 =	vld [tilespmem:s24+$0xFFFFFFF0]  }
0xdf: {  	v11 =	vadd.f32 v18, v12;
	v18 =	vld [tilespmem:s24+$0x0]  }
0xe0: {  	v9 =	vadd.f32 v9, v1;
	v10 =	vadd.f32 v10, v1;
	[tilespmem:v7+s14+$0x0] =	vst.idx.add.f32.msk $0xffff, v8  }
.Ltmp2:
0xe1: {  	v8 =	vld.idx.msk [tilespmem:v22+s2+$0x0], $0xffff;
	v11 =	vadd.f32 v11, v1;
	(pc) =	sbr.rel @p0 .LBB2_7-.Ltmp2, $4  }
0xe2: {  	v12 =	vmax.f32 v9, $0.0e+00;
	v10 =	vmax.f32 v10, $0.0e+00;
	v9 =	vld.idx.msk [tilespmem:v15+s2+$0x0], $0xffff;
	v7 =	vmov v14  }
0xe3: {  	v11 =	vmax.f32 v11, $0.0e+00;
	v13 =	vld.idx.msk [tilespmem:v20+s2+$0x0], $0xffff  }
0xe4: {  	[tilespmem:v5+s14+$0x0] =	vst.idx.add.f32.msk $0xffff, v16;
	v5 =	vmov v19  }
0xe5: {  	s10 =	sadd.s32 $0x40, s10;
	[tilespmem:v6+s14+$0x0] =	vst.idx.add.f32.msk $0xffff, v17;
	v6 =	vmov v18  }
0xe6: {  	_ =	sdelay $0x1  }
0xe7: {  	v8 =	vmul.f32 v12, v8  }
0xe8: {  	v9 =	vmul.f32 v10, v9  }
0xe9: {  	v62 =	vmul.f32 v11, v13;
	[tilespmem:v7+s14+$0x0] =	vst.idx.add.f32.msk $0xffff, v8  }
0xea: {  	[tilespmem:v5+s14+$0x0] =	vst.idx.add.f32.msk $0xffff, v9  }
0xeb: {  	[tilespmem:v6+s14+$0x0] =	vst.idx.add.f32.msk $0xffff, v62  }
0xec: {  	v5 =	vld [tilespmem:$0x1C730]  }
0xed: {  	v6 =	vld [tilespmem:$0x1CF00]  }
0xee: {  	v7 =	vld [tilespmem:$0x19790]  }
0xef: {  	v8 =	vld [tilespmem:$0x1D6D0];
	_ =	sdelay $0x2  }
0xf0: {  	v5 =	vmul.f32 v5, v3;
	v6 =	vmul.f32 v6, v4;
	_ =	sdelay $0x1  }
0xf1: {  	v5 =	vadd.f32 v6, v5;
	v6 =	vmul.f32 v8, v2  }
0xf2: {  	v63 =	vld [tilespmem:$0x1A790]  }
0xf3: {  	v5 =	vadd.f32 v6, v5;
	v6 =	vld.idx.msk [tilespmem:v7+s2+$0x0], $0xffff;
	_ =	sdelay $0x1  }
0xf4: {  	v5 =	vadd.f32 v5, v1;
	_ =	sdelay $0x1  }
0xf5: {  	v5 =	vmax.f32 v5, $0.0e+00  }
0xf6: {  	s10 =	sadd.s32 s19, s23;
	v5 =	vmul.f32 v5, v6  }
0xf7: {  	s10 =	sshrl.u32 s10, $0x3  }
0xf8: {  	s21 =	sadd.s32 s5, s10;
	[tilespmem:v63+s14+$0x0] =	vst.idx.add.f32.msk $0xffff, v5  }
0xf9: {  	[tilespmem:s1], [sflag:$0x2] =	stream.linear.gather [hbm4b:s21+s2], $0x7D0, $0x38;
	[tilespmem:$0x1D800] =	vst v63  }
0xfa: {  	s18 =	sadd.s32 $0x1, s18;
	s24 =	sadd.s32 s6, s10  }
0xfb: {  	[tilespmem:s26], [sflag:$0x2] =	stream.linear.gather [hbm4b:s24+s2], $0x7D0, $0x38;
	[tilespmem:$0x1D800] =	vst v63  }
0xfc: {  	p0 =	sne.s32 s18, $0x31;
	s25 =	sadd.s32 s7, s10  }
0xfd: {  	[tilespmem:s4], [sflag:$0x2] =	stream.linear.gather [hbm4b:s25+s2], $0x7D0, $0x38;
	[tilespmem:$0x1D800] =	vst v63  }
.Ltmp3:
0xfe: {  	_ = 	snop;
	(pc) =	sbr.rel @p0 .LBB2_4-.Ltmp3, $4  }
0xff: {  	s28 =	sadd.s32 s8, s10  }
0x100: {  	[tilespmem:s11], [sflag:$0x2] =	stream.linear.gather [hbm4b:s28+s2], $0x7D0, $0x38;
	[tilespmem:$0x1D800] =	vst v63  }
0x101: {  	s10 =	sadd.s32 s9, s10  }
0x102: {  	[tilespmem:s12], [sflag:$0x2] =	stream.linear.gather [hbm4b:s10+s2], $0x7D0, $0x38;
	[tilespmem:$0x1D800] =	vst v63  }
0x103: {  	_ =	swait.ge [sflag:s13], $0x7D0  }
0x104: {  	[sflag:s13] =	ssyncset.done $0x0  }
0x105: {  	[sflag:s13] =	ssyncadd.s32 $0xFFFFF830  }
0x106: {  	_ =	swait.ge [sflag:s13], $0x7D0  }
0x107: {  	[sflag:s13] =	ssyncset.done $0x0  }
0x108: {  	[sflag:s13] =	ssyncadd.s32 $0xFFFFF830  }
0x109: {  	_ =	swait.ge [sflag:s13], $0x7D0  }
0x10a: {  	[sflag:s13] =	ssyncset.done $0x0  }
0x10b: {  	[sflag:s13] =	ssyncadd.s32 $0xFFFFF830  }
0x10c: {  	_ =	swait.ge [sflag:s13], $0x7D0  }
0x10d: {  	[sflag:s13] =	ssyncset.done $0x0  }
0x10e: {  	[sflag:s13] =	ssyncadd.s32 $0xFFFFF830  }
0x10f: {  	_ =	swait.ge [sflag:s13], $0x7D0  }
0x110: {  	[sflag:s13] =	ssyncset.done $0x0  }
0x111: {  	s10 =	simm.s32 $0x1B7D0;
	[sflag:s13] =	ssyncadd.s32 $0xFFFFF830  }
0x112: {  	s17 =	simm.s32 $0x18820;
	s18 =	simm.s32 $0x0;
	v5 =	vld [tilespmem:s10+$0xFFFFF060]  }
0x113: {  	s19 =	sand.u32 $0x7C0, s18;
	v6 =	vld [tilespmem:s17+$0x10]  }
0x114: {  	v7 =	vld [tilespmem:s19+$0x1B000]  }
0x115: {  	v8 =	vld [tilespmem:s10+$0xFFFFF800]  }
0x116: {  	v9 =	vld [tilespmem:s10+$0x0]  }
0x117: {  	v10 =	vld [tilespmem:s10+$0xFFFFF040]  }
0x118: {  	v11 =	vld [tilespmem:s10+$0xFFFFF810]  }
0x119: {  	v12 =	vld [tilespmem:s10+$0xFFFFF050]  }
0x11a: {  	v13 =	vld [tilespmem:s10+$0xFFFFF820]  }
0x11b: {  	v15 =	vld [tilespmem:s10+$0xFFFFFFE0];
	v5 =	vmul.f32 v5, v3;
	v7 =	vmul.f32 v7, v4  }
0x11c: {  	s19 =	simm.s32 $0x19820;
	v16 =	vld [tilespmem:s10+$0xFFFFFFF0]  }
0x11d: {  	v14 =	vld [tilespmem:s19+$0x10];
	v5 =	vadd.f32 v7, v5;
	v7 =	vmul.f32 v9, v2  }
0x11e: {  	v9 =	vld [tilespmem:s10+$0xFFFFF030]  }
0x11f: {  	v6 =	vld.idx.msk [tilespmem:v6+s2+$0x0], $0xffff;
	v5 =	vadd.f32 v7, v5  }
0x120: {  	v7 =	vld [tilespmem:s10+$0xFFFFFFD0]  }
0x121: {  	v17 =	vld [tilespmem:s17+$0xFFFFFFE0];
	v8 =	vmul.f32 v8, v4;
	v5 =	vadd.f32 v5, v1  }
0x122: {  	v18 =	vld [tilespmem:s17+$0xFFFFFFF0];
	v10 =	vmul.f32 v10, v3;
	v11 =	vmul.f32 v11, v4  }
0x123: {  	v19 =	vld [tilespmem:s17+$0x0];
	v12 =	vmul.f32 v12, v3;
	v9 =	vmul.f32 v9, v3;
	v5 =	vmax.f32 v5, $0.0e+00  }
0x124: {  	v13 =	vmul.f32 v13, v4;
	v10 =	vadd.f32 v11, v10;
	v5 =	vmul.f32 v5, v6  }
0x125: {  	v11 =	vmul.f32 v7, v2;
	v8 =	vadd.f32 v8, v9;
	v9 =	vmul.f32 v15, v2  }
0x126: {  	v6 =	vadd.f32 v13, v12;
	v12 =	vmul.f32 v16, v2;
	v7 =	vld [tilespmem:s19+$0xFFFFFFE0]  }
0x127: {  	[tilespmem:v14+s14+$0x0] =	vst.idx.add.f32.msk $0xffff, v5;
	v8 =	vadd.f32 v11, v8;
	v9 =	vadd.f32 v9, v10  }
0x128: {  	v5 =	vld [tilespmem:s19+$0xFFFFFFF0];
	v10 =	vadd.f32 v12, v6  }
0x129: {  	v11 =	vadd.f32 v8, v1;
	v13 =	vadd.f32 v9, v1;
	v8 =	vld.idx.msk [tilespmem:v17+s2+$0x0], $0xffff  }
0x12a: {  	v14 =	vadd.f32 v10, v1;
	v9 =	vld.idx.msk [tilespmem:v18+s2+$0x0], $0xffff  }
0x12b: {  	v10 =	vmax.f32 v13, $0.0e+00;
	v13 =	vld.idx.msk [tilespmem:v19+s2+$0x0], $0xffff  }
0x12c: {  	s20 =	simm.s32 $0x0;
	s10 =	simm.s32 $0x1B810;
	v6 =	vld [tilespmem:s19+$0x0];
	v12 =	vmax.f32 v11, $0.0e+00;
	v11 =	vmax.f32 v14, $0.0e+00  }
.LBB2_10:
0x12d: {  	v14 =	vld [tilespmem:s10+$0xFFFFF060];
	s17 =	sadd.s32 $0x40, s17;
	s18 =	sadd.s32 $0x40, s18  }
0x12e: {  	s20 =	sadd.s32 $0x4, s20;
	v8 =	vmul.f32 v12, v8;
	s21 =	sand.u32 $0x7C0, s18;
	v15 =	vld [tilespmem:s17+$0x10]  }
0x12f: {  	p0 =	slt.u32 s20, $0x78;
	v16 =	vmul.f32 v10, v9;
	v12 =	vld [tilespmem:s21+$0x1B000]  }
0x130: {  	v17 =	vmul.f32 v11, v13;
	v9 =	vld [tilespmem:s10+$0xFFFFF800]  }
0x131: {  	v10 =	vld [tilespmem:s10+$0x0]  }
0x132: {  	v11 =	vld [tilespmem:s10+$0xFFFFF040]  }
0x133: {  	v13 =	vld [tilespmem:s10+$0xFFFFF810]  }
0x134: {  	v14 =	vmul.f32 v14, v3;
	v18 =	vld [tilespmem:s10+$0xFFFFF050];
	v12 =	vmul.f32 v12, v4  }
0x135: {  	s19 =	sadd.s32 $0x40, s19;
	v9 =	vmul.f32 v9, v4;
	v19 =	vld [tilespmem:s10+$0xFFFFF820]  }
0x136: {  	v12 =	vadd.f32 v12, v14;
	v10 =	vmul.f32 v10, v2;
	v14 =	vld [tilespmem:s19+$0x10]  }
0x137: {  	v11 =	vmul.f32 v11, v3;
	v15 =	vld.idx.msk [tilespmem:v15+s2+$0x0], $0xffff  }
0x138: {  	v20 =	vld [tilespmem:s10+$0xFFFFF030];
	v13 =	vmul.f32 v13, v4;
	v10 =	vadd.f32 v10, v12  }
0x139: {  	v12 =	vld [tilespmem:s10+$0xFFFFFFD0];
	v18 =	vmul.f32 v18, v3  }
0x13a: {  	v21 =	vld [tilespmem:s10+$0xFFFFFFE0];
	v11 =	vadd.f32 v13, v11;
	v13 =	vmul.f32 v19, v4;
	v10 =	vadd.f32 v10, v1  }
0x13b: {  	v19 =	vld [tilespmem:s10+$0xFFFFFFF0]  }
0x13c: {  	v22 =	vld [tilespmem:s17+$0xFFFFFFE0];
	v13 =	vadd.f32 v13, v18;
	v10 =	vmax.f32 v10, $0.0e+00  }
0x13d: {  	v18 =	vmul.f32 v20, v3;
	v20 =	vld [tilespmem:s17+$0xFFFFFFF0];
	v10 =	vmul.f32 v10, v15  }
0x13e: {  	v12 =	vmul.f32 v12, v2;
	v15 =	vld [tilespmem:s17+$0x0]  }
0x13f: {  	v9 =	vadd.f32 v9, v18;
	v18 =	vmul.f32 v21, v2;
	[tilespmem:v14+s14+$0x0] =	vst.idx.add.f32.msk $0xffff, v10  }
0x140: {  	v14 =	vld [tilespmem:s19+$0xFFFFFFE0];
	v10 =	vmul.f32 v19, v2  }
0x141: {  	v9 =	vadd.f32 v12, v9;
	v11 =	vadd.f32 v18, v11;
	v18 =	vld [tilespmem:s19+$0xFFFFFFF0]  }
0x142: {  	v10 =	vadd.f32 v10, v13;
	v19 =	vld [tilespmem:s19+$0x0]  }
0x143: {  	v9 =	vadd.f32 v9, v1;
	v11 =	vadd.f32 v11, v1;
	[tilespmem:v7+s14+$0x0] =	vst.idx.add.f32.msk $0xffff, v8  }
.Ltmp4:
0x144: {  	v8 =	vld.idx.msk [tilespmem:v22+s2+$0x0], $0xffff;
	v13 =	vadd.f32 v10, v1;
	(pc) =	sbr.rel @p0 .LBB2_10-.Ltmp4, $4  }
0x145: {  	v12 =	vmax.f32 v9, $0.0e+00;
	v10 =	vmax.f32 v11, $0.0e+00;
	v9 =	vld.idx.msk [tilespmem:v20+s2+$0x0], $0xffff;
	v7 =	vmov v14  }
0x146: {  	v11 =	vmax.f32 v13, $0.0e+00;
	v13 =	vld.idx.msk [tilespmem:v15+s2+$0x0], $0xffff  }
0x147: {  	[tilespmem:v5+s14+$0x0] =	vst.idx.add.f32.msk $0xffff, v16;
	v5 =	vmov v18  }
0x148: {  	s10 =	sadd.s32 $0x40, s10;
	[tilespmem:v6+s14+$0x0] =	vst.idx.add.f32.msk $0xffff, v17;
	v6 =	vmov v19  }
0x149: {  	_ =	sdelay $0x1  }
0x14a: {  	v8 =	vmul.f32 v12, v8  }
0x14b: {  	v9 =	vmul.f32 v10, v9  }
0x14c: {  	v10 =	vmul.f32 v11, v13;
	[tilespmem:v7+s14+$0x0] =	vst.idx.add.f32.msk $0xffff, v8  }
0x14d: {  	[tilespmem:v5+s14+$0x0] =	vst.idx.add.f32.msk $0xffff, v9  }
0x14e: {  	[tilespmem:v6+s14+$0x0] =	vst.idx.add.f32.msk $0xffff, v10  }
0x14f: {  	v5 =	vld [tilespmem:$0x1AFC0]  }
0x150: {  	v6 =	vld [tilespmem:$0x1B790]  }
0x151: {  	v7 =	vld [tilespmem:$0x18FC0]  }
0x152: {  	v8 =	vld [tilespmem:$0x1BF60];
	_ =	sdelay $0x2  }
0x153: {  	v5 =	vmul.f32 v5, v3;
	v6 =	vmul.f32 v6, v4;
	_ =	sdelay $0x1  }
0x154: {  	v5 =	vadd.f32 v6, v5;
	v6 =	vmul.f32 v8, v2  }
0x155: {  	s17 =	simm.s32 $0x0;
	v8 =	vld [tilespmem:$0x19FC0]  }
0x156: {  	v5 =	vadd.f32 v6, v5;
	v6 =	vld.idx.msk [tilespmem:v7+s17+$0x0], $0xffff;
	_ =	sdelay $0x1  }
0x157: {  	v5 =	vadd.f32 v5, v1;
	_ =	sdelay $0x1  }
0x158: {  	v5 =	vmax.f32 v5, $0.0e+00  }
0x159: {  	v5 =	vmul.f32 v5, v6;
	_ =	sdelay $0x1  }
0x15a: {  	[tilespmem:v8+s14+$0x0] =	vst.idx.add.f32.msk $0xffff, v5  }
0x15b: {  	_ =	swait.ge [sflag:s15], $0x7D0  }
0x15c: {  	[sflag:s15] =	ssyncset.done $0x0  }
0x15d: {  	[sflag:s15] =	ssyncadd.s32 $0xFFFFF830  }
0x15e: {  	_ =	swait.ge [sflag:s15], $0x7D0  }
0x15f: {  	[sflag:s15] =	ssyncset.done $0x0  }
0x160: {  	[sflag:s15] =	ssyncadd.s32 $0xFFFFF830  }
0x161: {  	_ =	swait.ge [sflag:s15], $0x7D0  }
0x162: {  	[sflag:s15] =	ssyncset.done $0x0  }
0x163: {  	[sflag:s15] =	ssyncadd.s32 $0xFFFFF830  }
0x164: {  	_ =	swait.ge [sflag:s15], $0x7D0  }
0x165: {  	[sflag:s15] =	ssyncset.done $0x0  }
0x166: {  	[sflag:s15] =	ssyncadd.s32 $0xFFFFF830  }
0x167: {  	_ =	swait.ge [sflag:s15], $0x7D0  }
0x168: {  	[sflag:s15] =	ssyncset.done $0x0  }
0x169: {  	s10 =	simm.s32 $0x1CF40;
	[sflag:s15] =	ssyncadd.s32 $0xFFFFF830  }
0x16a: {  	s18 =	simm.s32 $0x19000;
	v5 =	vld [tilespmem:s10+$0xFFFFF810]  }
0x16b: {  	s19 =	sand.u32 $0x7C0, s17;
	v6 =	vld [tilespmem:s18+$0xFFFFFFE0]  }
0x16c: {  	v7 =	vld [tilespmem:s19+$0x1BF80]  }
0x16d: {  	v8 =	vld [tilespmem:s10+$0xFFFFF800]  }
0x16e: {  	v9 =	vld [tilespmem:s10+$0xFFFFFFE0]  }
0x16f: {  	v10 =	vld [tilespmem:s10+$0xFFFFF050]  }
0x170: {  	v11 =	vld [tilespmem:s10+$0xFFFFF820]  }
0x171: {  	v12 =	vld [tilespmem:s10+$0xFFFFF060]  }
0x172: {  	v13 =	vld [tilespmem:s10+$0xFFFFF830]  }
0x173: {  	v15 =	vld [tilespmem:s10+$0xFFFFFFF0];
	v7 =	vmul.f32 v7, v3;
	v5 =	vmul.f32 v5, v4  }
0x174: {  	s19 =	simm.s32 $0x1A000;
	v16 =	vld [tilespmem:s10+$0x0]  }
0x175: {  	v14 =	vld [tilespmem:s19+$0xFFFFFFE0];
	v5 =	vadd.f32 v5, v7;
	v7 =	vmul.f32 v9, v2  }
0x176: {  	v9 =	vld [tilespmem:s10+$0xFFFFF030]  }
0x177: {  	v6 =	vld.idx.msk [tilespmem:v6+s2+$0x0], $0xffff;
	v5 =	vadd.f32 v7, v5  }
0x178: {  	v7 =	vld [tilespmem:s10+$0xFFFFFFD0]  }
0x179: {  	v17 =	vld [tilespmem:s18+$0xFFFFFFD0];
	v10 =	vmul.f32 v10, v3;
	v11 =	vmul.f32 v11, v4;
	v5 =	vadd.f32 v5, v1  }
0x17a: {  	v18 =	vld [tilespmem:s18+$0xFFFFFFF0];
	v12 =	vmul.f32 v12, v3;
	v13 =	vmul.f32 v13, v4  }
0x17b: {  	v19 =	vld [tilespmem:s18+$0x0];
	v8 =	vmul.f32 v8, v4;
	v9 =	vmul.f32 v9, v3;
	v5 =	vmax.f32 v5, $0.0e+00  }
0x17c: {  	v10 =	vadd.f32 v11, v10;
	v5 =	vmul.f32 v5, v6;
	v6 =	vadd.f32 v13, v12  }
0x17d: {  	v11 =	vmul.f32 v7, v2;
	v8 =	vadd.f32 v8, v9;
	v9 =	vmul.f32 v16, v2  }
0x17e: {  	[tilespmem:v14+s14+$0x0] =	vst.idx.add.f32.msk $0xffff, v5;
	v5 =	vmul.f32 v15, v2  }
0x17f: {  	v7 =	vld [tilespmem:s19+$0xFFFFFFD0];
	v8 =	vadd.f32 v11, v8;
	v9 =	vadd.f32 v9, v6  }
0x180: {  	v6 =	vld [tilespmem:s19+$0x0];
	v10 =	vadd.f32 v5, v10  }
0x181: {  	v11 =	vadd.f32 v8, v1;
	v8 =	vld.idx.msk [tilespmem:v17+s2+$0x0], $0xffff;
	v13 =	vadd.f32 v9, v1  }
0x182: {  	v9 =	vld.idx.msk [tilespmem:v18+s2+$0x0], $0xffff;
	v10 =	vadd.f32 v10, v1  }
0x183: {  	v12 =	vmax.f32 v11, $0.0e+00;
	v11 =	vmax.f32 v13, $0.0e+00;
	v13 =	vld.idx.msk [tilespmem:v19+s2+$0x0], $0xffff  }
0x184: {  	s20 =	simm.s32 $0x0;
	s10 =	simm.s32 $0x1CF80;
	v5 =	vld [tilespmem:s19+$0xFFFFFFF0];
	v10 =	vmax.f32 v10, $0.0e+00  }
.LBB2_12:
0x185: {  	v14 =	vld [tilespmem:s10+$0xFFFFF810];
	s18 =	sadd.s32 $0x40, s18;
	s17 =	sadd.s32 $0x40, s17  }
0x186: {  	s20 =	sadd.s32 $0x4, s20;
	v8 =	vmul.f32 v12, v8;
	s21 =	sand.u32 $0x7C0, s17;
	v15 =	vld [tilespmem:s18+$0xFFFFFFE0]  }
0x187: {  	p0 =	slt.u32 s20, $0x78;
	v16 =	vmul.f32 v10, v9;
	v12 =	vld [tilespmem:s21+$0x1BF80]  }
0x188: {  	v17 =	vmul.f32 v11, v13;
	v9 =	vld [tilespmem:s10+$0xFFFFF800]  }
0x189: {  	v10 =	vld [tilespmem:s10+$0xFFFFFFE0]  }
0x18a: {  	v11 =	vld [tilespmem:s10+$0xFFFFF050]  }
0x18b: {  	v13 =	vld [tilespmem:s10+$0xFFFFF820]  }
0x18c: {  	v14 =	vmul.f32 v14, v4;
	v12 =	vmul.f32 v12, v3;
	v18 =	vld [tilespmem:s10+$0xFFFFF060]  }
0x18d: {  	s19 =	sadd.s32 $0x40, s19;
	v9 =	vmul.f32 v9, v4;
	v19 =	vld [tilespmem:s10+$0xFFFFF830]  }
0x18e: {  	v12 =	vadd.f32 v14, v12;
	v10 =	vmul.f32 v10, v2;
	v14 =	vld [tilespmem:s19+$0xFFFFFFE0]  }
0x18f: {  	v15 =	vld.idx.msk [tilespmem:v15+s2+$0x0], $0xffff;
	v11 =	vmul.f32 v11, v3  }
0x190: {  	v20 =	vld [tilespmem:s10+$0xFFFFF030];
	v10 =	vadd.f32 v10, v12;
	v12 =	vmul.f32 v13, v4  }
0x191: {  	v13 =	vld [tilespmem:s10+$0xFFFFFFD0];
	v18 =	vmul.f32 v18, v3  }
0x192: {  	v10 =	vadd.f32 v10, v1;
	v21 =	vld [tilespmem:s10+$0xFFFFFFF0];
	v11 =	vadd.f32 v12, v11;
	v12 =	vmul.f32 v19, v4  }
0x193: {  	v19 =	vld [tilespmem:s10+$0x0]  }
0x194: {  	v22 =	vld [tilespmem:s18+$0xFFFFFFD0];
	v10 =	vmax.f32 v10, $0.0e+00;
	v12 =	vadd.f32 v12, v18  }
0x195: {  	v18 =	vmul.f32 v20, v3;
	v10 =	vmul.f32 v10, v15;
	v15 =	vld [tilespmem:s18+$0xFFFFFFF0]  }
0x196: {  	v13 =	vmul.f32 v13, v2;
	v20 =	vld [tilespmem:s18+$0x0]  }
0x197: {  	v9 =	vadd.f32 v9, v18;
	[tilespmem:v14+s14+$0x0] =	vst.idx.add.f32.msk $0xffff, v10;
	v10 =	vmul.f32 v21, v2  }
0x198: {  	v14 =	vld [tilespmem:s19+$0xFFFFFFD0];
	v18 =	vmul.f32 v19, v2  }
0x199: {  	v9 =	vadd.f32 v13, v9;
	v10 =	vadd.f32 v10, v11;
	v19 =	vld [tilespmem:s19+$0xFFFFFFF0]  }
0x19a: {  	v11 =	vadd.f32 v18, v12;
	v18 =	vld [tilespmem:s19+$0x0]  }
0x19b: {  	v9 =	vadd.f32 v9, v1;
	v10 =	vadd.f32 v10, v1;
	[tilespmem:v7+s14+$0x0] =	vst.idx.add.f32.msk $0xffff, v8  }
.Ltmp5:
0x19c: {  	v8 =	vld.idx.msk [tilespmem:v22+s2+$0x0], $0xffff;
	v11 =	vadd.f32 v11, v1;
	(pc) =	sbr.rel @p0 .LBB2_12-.Ltmp5, $4  }
0x19d: {  	v12 =	vmax.f32 v9, $0.0e+00;
	v10 =	vmax.f32 v10, $0.0e+00;
	v9 =	vld.idx.msk [tilespmem:v15+s2+$0x0], $0xffff;
	v7 =	vmov v14  }
0x19e: {  	v11 =	vmax.f32 v11, $0.0e+00;
	v13 =	vld.idx.msk [tilespmem:v20+s2+$0x0], $0xffff  }
0x19f: {  	[tilespmem:v5+s14+$0x0] =	vst.idx.add.f32.msk $0xffff, v16;
	v5 =	vmov v19  }
0x1a0: {  	s10 =	sadd.s32 $0x40, s10;
	[tilespmem:v6+s14+$0x0] =	vst.idx.add.f32.msk $0xffff, v17;
	v6 =	vmov v18  }
0x1a1: {  	_ =	sdelay $0x1  }
0x1a2: {  	v8 =	vmul.f32 v12, v8  }
0x1a3: {  	v9 =	vmul.f32 v10, v9  }
0x1a4: {  	v62 =	vmul.f32 v11, v13;
	[tilespmem:v7+s14+$0x0] =	vst.idx.add.f32.msk $0xffff, v8  }
0x1a5: {  	[tilespmem:v5+s14+$0x0] =	vst.idx.add.f32.msk $0xffff, v9  }
0x1a6: {  	[tilespmem:v6+s14+$0x0] =	vst.idx.add.f32.msk $0xffff, v62  }
0x1a7: {  	v5 =	vld [tilespmem:$0x1C730]  }
0x1a8: {  	v6 =	vld [tilespmem:$0x1CF00]  }
0x1a9: {  	v7 =	vld [tilespmem:$0x19790]  }
0x1aa: {  	v8 =	vld [tilespmem:$0x1D6D0];
	_ =	sdelay $0x2  }
0x1ab: {  	v3 =	vmul.f32 v5, v3;
	v4 =	vmul.f32 v6, v4;
	_ =	sdelay $0x1  }
0x1ac: {  	v2 =	vmul.f32 v8, v2;
	v3 =	vadd.f32 v4, v3  }
0x1ad: {  	v63 =	vld [tilespmem:$0x1A790]  }
0x1ae: {  	v2 =	vadd.f32 v2, v3;
	v3 =	vld.idx.msk [tilespmem:v7+s2+$0x0], $0xffff;
	_ =	sdelay $0x1  }
0x1af: {  	v1 =	vadd.f32 v2, v1;
	_ =	sdelay $0x1  }
0x1b0: {  	v1 =	vmax.f32 v1, $0.0e+00  }
0x1b1: {  	v1 =	vmul.f32 v1, v3;
	_ =	sdelay $0x1  }
0x1b2: {  	s18 =	simm.s32 $0x3;
	s10 =	rddreg [dreg:$0x10];
	[tilespmem:v63+s14+$0x0] =	vst.idx.add.f32.msk $0xffff, v1  }
0x1b3: {  	[hbm4b:s10+s2] =	stream.linear.scatter [tilespmem:s14], [sflag:$0x3], $0xC400, $0x38;
	[tilespmem:$0x1D800] =	vst v63  }
0x1b4: {  	_ =	swait.ge [sflag:s18], $0xC400  }
0x1b5: {  	s16 =	sadd.s32 $0x1, s16;
	s28 =	rddreg [dreg:$0x11]  }
0x1b6: {  	p0 =	sne.s32 s16, s28  }
.Ltmp6:
0x1b7: {  	_ = 	snop;
	(pc) =	sbr.rel @p0 .LBB2_1-.Ltmp6, $3  }
0x1b8: {  	_ =	sdelay $0x1  }
0x1b9: {  	[sflag:s18] =	ssyncset.done $0x0  }
0x1ba: {  	[sflag:s18] =	ssyncadd.s32 $0xFFFF3C00  }
0x1bb: {  	_ =	sfence.sel $0x180000  }
0x1bc: {  	[bflag:$0x0] =	sbarrier.arrive $0xFFFF  }
0x1bd: {  	_ =	strace $0x90000047  }
0x1be: {  	s0 =	stileid.u32;
	[bflag:$0x2] =	sbarrier.arrive $0xFFFF  }
0x1bf: {  	p0 =	sne.s32 s0, $0x0;
	s0 =	rddreg [dreg:$0x2]  }
0x1c0: {  	s0 =	sadd.s32 @!p0 $0x100000, s0  }
0x1c1: {  	[sflag:s0] =	ssyncadd.tile.s32 @!p0 $0x1;
	_ =	shalt  }
.Lfunc_end2:
_tile_overlayer_lowered:
.L_overlay_start_2:
0x1c2: {  	(tag) =	ssettag $0x2  }
0x1c3: {  	s0 =	rddreg [dreg:$0x0];
	s2 =	stileid.u32  }
0x1c4: {  	s1 =	rddreg [dreg:$0x1];
	p0 =	sne.s32 s2, $0x0  }
0x1c5: {  	s3 =	rddreg [dreg:$0x2];
	[bflag:$0x3] =	sbarrier.arrive $0xFFFF;
	s2 =	simm.s32 @!p0 $0x1C03  }
0x1c6: {  	[timem:s3], [sflag:s2] =	dma.local @!p0 [hbm:s0], s1  }
0x1c7: {  	s0 =	simm.s32 @!p0 $0x3  }
0x1c8: {  	_ =	swait.ge @!p0 [sflag:s0], s1  }
0x1c9: {  	s1 =	ssub.s32 @!p0 $0x0, s1;
	[sflag:s0] =	ssyncset.done @!p0 $0x0  }
0x1ca: {  	[sflag:s0] =	ssyncadd.s32 @!p0 s1  }
0x1cb: {  	[bflag:$0x3] =	sbarrier.arrive $0xFFFF  }
0x1cc: {  	_ =	shalt  }

// kernel: kernel.9.cloned.1.call-start
scs
__scs_entry_jumppad:
0x0: {  	(pc) =	sbr.rel $0x88, $3  }
0x1: {  	(tag) =	ssettag $0x0;
	lr =	simm.s32 $0x1  }
0x2: {  	[smem:$0x3F96] =	sst lr;
	_ =	strace $0xD0000000  }
0x3: {  	_ = 	snop  }
0x4: {  	_ = 	snop  }
0x5: {  	_ = 	snop  }
0x6: {  	_ = 	snop  }
0x7: {  	_ = 	snop  }
__scs_overlays_trampoline_lowered:
0x8: {  	[smem:$0x3FA5] =	sst s0  }
0x9: {  	[smem:$0x3FA6] =	sst s1  }
0xa: {  	[smem:$0x3FA7] =	sst s2  }
0xb: {  	[smem:$0x3FA8] =	sst s3  }
0xc: {  	[smem:$0x3FA9] =	sst s4  }
0xd: {  	[smem:$0x3FAA] =	sst s5  }
0xe: {  	[smem:$0x3FAB] =	sst s6  }
0xf: {  	[smem:$0x3FAC] =	sst s7  }
0x10: {  	[smem:$0x3FAD] =	sst s8  }
0x11: {  	[smem:$0x3FAE] =	sst s9;
	s0 =	simm.s32 @!p0 $0x0  }
0x12: {  	s1 =	sld [smem:$0x3F94];
	s0 =	simm.s32 @p0 $0x1  }
0x13: {  	[smem:$0x3FAF] =	sst s0;
	s0 =	simm.s32 @!p1 $0x0  }
0x14: {  	s2 =	sld [smem:$0x3F93];
	s0 =	simm.s32 @p1 $0x1  }
0x15: {  	[smem:$0x3FB0] =	sst s0;
	s0 =	simm.s32 @!p2 $0x0  }
0x16: {  	s3 =	sld [smem:$0x3FDB];
	s0 =	simm.s32 @p2 $0x1  }
0x17: {  	s4 =	simm.s32 $0x1BF5;
	[smem:$0x3FB2] =	sst s0  }
0x18: {  	s0 =	sld [smem:$0x3F95];
	_ =	swait.ge [sflag:s4], $0x0  }
0x19: {  	s7 =	sld [smem:$0x3F96]  }
0x1a: {  	s8 =	sadd.s32 $0xFFFFE003, lr  }
0x1b: {  	s9 =	sadd.s32 $0xFFFFFEF7, lr;
	s5 =	simm.s32 $0xFFFFFFFF;
	p2 =	slt.u32 s8, $0xFFFFF086  }
0x1c: {  	p1 =	slt.u32 s9, $0xF7A;
	s5 =	simm.s32 @!p2 $0x0  }
0x1d: {  	s5 =	simm.s32 @p1 $0x1;
	p0 =	seq.s32 s7, s2  }
0x1e: {  	s7 =	smul.u32 @!p0 $0xF7A, s2;
	p2 =	seq.s32 @!p0 s5, $0x0  }
0x1f: {  	s9 =	smul.u32 $0xF7A, s1;
	s8 =	simm.s32 @!p0 $0x1BF5;
	p2 =	por !p2, p0  }
0x20: {  	[sflag:s8] =	ssyncset.s32 @!p0 $0xFFFFF086;
	s6 =	sadd.s32 @!p0 s3, s7;
	s7 =	simm.s32 @!p0 $0x108  }
0x21: {  	s3 =	sadd.s32 s3, s9;
	s6 =	sadd.s32 @!p0 $0x88, s6;
	s7 =	simm.s32 @p2 $0x1082  }
0x22: {  	[simem:s7], [sflag:s8] =	dma.local @!p0 [hbm:s6], $0xF7A  }
0x23: {  	s9 =	sor.u32 $0xD0000000, s2;
	s6 =	simm.s32 $0x108;
	_ =	swait.ge @!p0 [sflag:s8], $0x0  }
0x24: {  	s3 =	sadd.s32 $0x88, s3;
	s6 =	simm.s32 @!p1 $0x1082;
	[sflag:s4] =	ssyncset.s32 $0xFFFFF086  }
0x25: {  	[simem:s6], [sflag:s4] =	dma.local [hbm:s3], $0xF7A  }
0x26: {  	[smem:$0x3F96] =	sst s1;
	(tag) =	ssettag s2;
	_ =	strace s9  }
0x27: {  	s1 =	sld [smem:$0x3FA6]  }
0x28: {  	s2 =	sld [smem:$0x3FA7]  }
0x29: {  	s4 =	sld [smem:$0x3FA9]  }
0x2a: {  	p0 =	seq.s32 s5, $0x0;
	s5 =	sld [smem:$0x3FAA]  }
0x2b: {  	s6 =	sld [smem:$0x3FAB]  }
0x2c: {  	s7 =	sld [smem:$0x3FAC]  }
0x2d: {  	s3 =	simm.s32 $0x108;
	s8 =	sld [smem:$0x3FAD]  }
0x2e: {  	s3 =	simm.s32 @!p0 $0x1082;
	s9 =	sld [smem:$0x3FAE]  }
0x2f: {  	lr =	sadd.s32 s0, s3;
	s0 =	sld [smem:$0x3FA5]  }
0x30: {  	s3 =	sld [smem:$0x3FA8]  }
0x31: {  	[smem:$0x3FB1] =	sst s10  }
0x32: {  	s10 =	sld [smem:$0x3FAF];
	_ =	sdelay $0x3  }
0x33: {  	p0 =	seq.s32 s10, $0x1;
	s10 =	sld [smem:$0x3FB1];
	_ =	sdelay $0x3  }
0x34: {  	[smem:$0x3FB1] =	sst s10  }
0x35: {  	s10 =	sld [smem:$0x3FB0];
	_ =	sdelay $0x3  }
0x36: {  	p1 =	seq.s32 s10, $0x1;
	s10 =	sld [smem:$0x3FB1];
	_ =	sdelay $0x3  }
0x37: {  	[smem:$0x3FB1] =	sst s10  }
0x38: {  	s10 =	sld [smem:$0x3FB2]  }
0x39: {  	_ = 	snop;
	(pc) =	sbr.ind lr, $3  }
0x3a: {  	_ = 	snop  }
0x3b: {  	_ = 	snop  }
0x3c: {  	p2 =	seq.s32 s10, $0x1;
	s10 =	sld [smem:$0x3FB1]  }
0x3d: {  	_ =	shalt  }
0x3e: {  	_ =	shalt  }
0x3f: {  	_ =	shalt  }
0x40: {  	_ =	shalt  }
0x41: {  	_ =	shalt  }
0x42: {  	_ =	shalt  }
0x43: {  	_ =	shalt  }
0x44: {  	_ =	shalt  }
0x45: {  	_ =	shalt  }
0x46: {  	_ =	shalt  }
0x47: {  	_ =	shalt  }
0x48: {  	_ =	shalt  }
0x49: {  	_ =	shalt  }
0x4a: {  	_ =	shalt  }
0x4b: {  	_ =	shalt  }
0x4c: {  	_ =	shalt  }
0x4d: {  	_ =	shalt  }
0x4e: {  	_ =	shalt  }
0x4f: {  	_ =	shalt  }
0x50: {  	_ =	shalt  }
0x51: {  	_ =	shalt  }
0x52: {  	_ =	shalt  }
0x53: {  	_ =	shalt  }
0x54: {  	_ =	shalt  }
0x55: {  	_ =	shalt  }
0x56: {  	_ =	shalt  }
0x57: {  	_ =	shalt  }
0x58: {  	_ =	shalt  }
0x59: {  	_ =	shalt  }
0x5a: {  	_ =	shalt  }
0x5b: {  	_ =	shalt  }
0x5c: {  	_ =	shalt  }
0x5d: {  	_ =	shalt  }
0x5e: {  	_ =	shalt  }
0x5f: {  	_ =	shalt  }
0x60: {  	_ =	shalt  }
0x61: {  	_ =	shalt  }
0x62: {  	_ =	shalt  }
0x63: {  	_ =	shalt  }
0x64: {  	_ =	shalt  }
0x65: {  	_ =	shalt  }
0x66: {  	_ =	shalt  }
0x67: {  	_ =	shalt  }
0x68: {  	_ =	shalt  }
0x69: {  	_ =	shalt  }
0x6a: {  	_ =	shalt  }
0x6b: {  	_ =	shalt  }
0x6c: {  	_ =	shalt  }
0x6d: {  	_ =	shalt  }
0x6e: {  	_ =	shalt  }
0x6f: {  	_ =	shalt  }
0x70: {  	_ =	shalt  }
0x71: {  	_ =	shalt  }
0x72: {  	_ =	shalt  }
0x73: {  	_ =	shalt  }
0x74: {  	_ =	shalt  }
0x75: {  	_ =	shalt  }
0x76: {  	_ =	shalt  }
0x77: {  	_ =	shalt  }
0x78: {  	_ =	shalt  }
0x79: {  	_ =	shalt  }
0x7a: {  	_ =	shalt  }
0x7b: {  	_ =	shalt  }
0x7c: {  	_ =	shalt  }
0x7d: {  	_ =	shalt  }
0x7e: {  	_ =	shalt  }
0x7f: {  	_ =	shalt  }
0x80: {  	_ =	shalt  }
0x81: {  	_ =	shalt  }
0x82: {  	_ =	shalt  }
0x83: {  	_ =	shalt  }
0x84: {  	_ =	shalt  }
0x85: {  	_ =	shalt  }
0x86: {  	_ =	shalt  }
0x87: {  	_ =	shalt  }
.Lfunc_end0:
.L_simem_size_0:
called_computation.1_lowered:
.L_overlay_start_0:
0x88: {  	s2 =	sld [smem:$0x3FD9]  }
0x89: {  	s3 =	sld [smem:$0x3FFE];
	_ =	sdelay $0x1  }
0x8a: {  	s1 =	srdreg.scid  }
0x8b: {  	s0 =	sand.u32 $0x1, s1  }
0x8c: {  	s16 =	sshll.u32 s0, $0xA;
	s2 =	sadd.s32 s3, s2  }
0x8d: {  	s2 =	sadd.s32 s2, s16  }
0x8e: {  	[smem:$0x3FBD] =	sst s2  }
0x8f: {  	_ = 	snop  }
0x90: {  	(tm) =	ssettm $0x1  }
0x91: {  	s17 =	sld [smem:$0x3FFB];
	_ =	sdelay $0x3  }
0x92: {  	_ =	strace s17  }
0x93: {  	s2 =	sld [smem:$0x3FFC];
	_ =	sdelay $0x3  }
0x94: {  	_ =	strace s2  }
0x95: {  	s2 =	sld [smem:$0x3FFD];
	_ =	sdelay $0x3  }
0x96: {  	_ =	strace s2  }
0x97: {  	_ =	strace $0x8FFFFFFF  }
0x98: {  	s18 =	sld [smem:$0x3FDB];
	_ =	sdelay $0x1  }
0x99: {  	s19 =	simm.s32 $_scs_section_size  }
0x9a: {  	s4 =	simm.s32 $_size__tile_overlayer_lowered;
	s5 =	simm.s32 $_tile_overlayer_lowered  }
0x9b: {  	s22 =	simm.s32 $0x1BFF;
	s21 =	sshll.u32 s5, $0x1;
	s2 =	sadd.s32 s19, s18  }
0x9c: {  	s6 =	simm.s32 $0x0;
	s20 =	sshll.u32 s4, $0x1;
	s4 =	sadd.s32 s21, s2  }
0x9d: {  	[timem:s6], [sflag:s22] =	dma.local [hbm:s4], s20  }
0x9e: {  	_ =	swait.ge [sflag:s22], s20  }
0x9f: {  	s3 =	ssub.s32 $0x0, s20;
	[sflag:s22] =	ssyncset.done $0x0  }
0xa0: {  	[sflag:s22] =	ssyncadd.s32 s3;
	_ =	sdelay $0x1  }
0xa1: {  	s23 =	simm.s32 $0x1B8B  }
0xa2: {  	_ =	swait.ge [sflag:s23], $0x1  }
0xa3: {  	[sflag:s23] =	ssyncset.done $0x0  }
0xa4: {  	s25 =	simm.s32 $0x1B8E;
	s24 =	sld [smem:$0x3FFE];
	[sflag:s23] =	ssyncadd.s32 $0xFFFFFFFF  }
0xa5: {  	s26 =	simm.s32 $execute0_lowered;
	[smem:$0x3FD2] =	sst s25  }
0xa6: {  	s4 =	sshll.u32 s26, $0x1;
	_ =	strace $0x80000049;
	[dreg:$0x1] =	wrdreg $0xFFFFFFFF  }
0xa7: {  	s28 =	simm.s32 $_size_execute0_lowered;
	s2 =	sadd.s32 s2, s4;
	[dreg:$0x0] =	wrdreg $0x0  }
0xa8: {  	s4 =	sshll.u32 s28, $0x1;
	[dreg:$0x2] =	wrdreg s2  }
0xa9: {  	[dreg:$0x3] =	wrdreg s4  }
0xaa: {  	[dreg:$0x4] =	wrdreg $0xC0  }
0xab: {  	_ =	task [dreg:s6], $0x5FFFF  }
0xac: {  	[dreg:$0x1] =	wrdreg $0xFFFFFFFF  }
0xad: {  	[dreg:$0x0] =	wrdreg $0x60  }
0xae: {  	[dreg:$0x2] =	wrdreg s24  }
0xaf: {  	[dreg:$0x3] =	wrdreg $0x9  }
0xb0: {  	_ =	task.clear_ibuf [dreg:s6], $0x4FFFF;
	_ =	strace $0x90000049  }
0xb1: {  	s29 =	simm.s32 $0x9;
	_ =	strace $0x8000004B  }
0xb2: {  	_ =	swait.ge [sflag:s29], $0x1  }
0xb3: {  	[sflag:s29] =	ssyncadd.s32 $0xFFFFFFFF  }
0xb4: {  	_ =	strace $0x9000004B  }
0xb5: {  	_ =	sfence  }
0xb6: {  	s30 =	sld [smem:$0x0];
	_ =	sdelay $0x2  }
0xb7: {  	s31 =	sshll.u32 s1, $0xD;
	s1 =	sshrl.u32 s1, $0x2  }
0xb8: {  	s3 =	sand.u32 $0x4000, s31;
	s1 =	sadd.s32 s1, s30  }
0xb9: {  	s0 =	sor.u32 s3, s0;
	s1 =	sshll.u32 s1, $0x11  }
0xba: {  	s0 =	sor.u32 s1, s0  }
0xbb: {  	s0 =	sadd.s32 $0x8F2B, s0  }
0xbc: {  	[sflag:s0] =	ssyncadd.remote.s32 $0x1  }
0xbd: {  	_ =	sfence.sel $0xFFFF  }
0xbe: {  	[dreg:$0x0] =	wrdreg $0xFFFFFFFF;
	(pc) =	sbr.abs _section_cstart, $3  }
0xbf: {  	[dreg:$0x1] =	wrdreg $0xFFFFFFFF  }
0xc0: {  	_ =	task.clear_ibuf [dreg:s6], $0x2FFFF;
	_ =	strace $0x9FFFFFFF  }
0xc1: {  	(tm) =	ssettm $0x7FFFFFFF  }
tec
execute0_lowered:
.L_overlay_start_1:
0x0: {  	(tag) =	ssettag $0x1  }
0x1: {  	s0 =	srdreg.scid;
	s2 =	stileid.u32  }
0x2: {  	s0 =	sand.u32 $0x1, s0;
	s3 =	sshll.u32 s2, $0x1  }
0x3: {  	s3 =	sor.u32 s0, s3  }
0x4: {  	s1 =	rddreg [dreg:$0x0];
	s3 =	smul.u32 $0x620, s3  }
0x5: {  	s2 =	simm.s32 $0x0;
	s4 =	sadd.s32 $0xF6A00, s1;
	s6 =	sadd.s32 $0x127A00, s1  }
0x6: {  	[smem:$0x7FF] =	sst s2;
	s0 =	ssub.s32 $0x2, s0;
	s3 =	sshrl.u32 s3, $0x3  }
0x7: {  	_ =	strace $0x8000004A;
	[dreg:$0x2] =	wrdreg s6;
	s5 =	sadd.s32 s3, s1  }
0x8: {  	s10 =	sshrl.u32 s0, $0x1;
	s11 =	sadd.s32 $0x1880, s3;
	s5 =	sadd.s32 $0xF5000, s5  }
0x9: {  	s7 =	sadd.s32 $0x3100, s3;
	s8 =	sadd.s32 s4, s11;
	[dreg:$0x3] =	wrdreg s5  }
0xa: {  	s1 =	sadd.s32 $0x127C00, s1;
	s12 =	sadd.s32 s4, s7;
	[dreg:$0x4] =	wrdreg s8  }
0xb: {  	s0 =	ssub.s32 s0, s10;
	s25 =	sadd.s32 s1, s11;
	[dreg:$0x5] =	wrdreg s12  }
0xc: {  	s13 =	sadd.s32 $0x4980, s3;
	s26 =	sadd.s32 s1, s7;
	[dreg:$0x13] =	wrdreg s25  }
0xd: {  	s5 =	sadd.s32 s4, s3;
	s4 =	sadd.s32 s4, s13;
	[dreg:$0x14] =	wrdreg s26  }
0xe: {  	s3 =	sadd.s32 s1, s3;
	s25 =	smax.u32 s0, $0x1;
	[dreg:$0x6] =	wrdreg s4  }
0xf: {  	s14 =	sadd.s32 $0x6200, s5;
	s15 =	sadd.s32 $0x7A80, s5;
	s16 =	sadd.s32 $0x9300, s5  }
0x10: {  	s17 =	sadd.s32 $0xAB80, s5;
	s18 =	sadd.s32 $0xC400, s5;
	[dreg:$0x12] =	wrdreg s3  }
0x11: {  	s19 =	sadd.s32 $0xDC80, s5;
	s20 =	sadd.s32 $0xF500, s5;
	[dreg:$0x7] =	wrdreg s14  }
0x12: {  	s21 =	sadd.s32 $0x10D80, s5;
	s22 =	sadd.s32 $0x12600, s5;
	[dreg:$0x8] =	wrdreg s15  }
0x13: {  	s23 =	sadd.s32 $0x13E80, s5;
	s24 =	sadd.s32 $0x15700, s5;
	[dreg:$0x9] =	wrdreg s16  }
0x14: {  	s26 =	sadd.s32 $0x18800, s5;
	s28 =	sadd.s32 $0x1A080, s5;
	[dreg:$0xa] =	wrdreg s17  }
0x15: {  	s29 =	sadd.s32 $0x1B900, s5;
	s30 =	sadd.s32 $0x1D180, s5;
	[dreg:$0xb] =	wrdreg s18  }
0x16: {  	s31 =	sadd.s32 $0x1EA00, s5;
	s0 =	sadd.s32 $0x21B00, s5;
	[dreg:$0xc] =	wrdreg s19  }
0x17: {  	s3 =	sadd.s32 $0x23380, s5;
	s4 =	sadd.s32 $0x24C00, s5;
	[dreg:$0xd] =	wrdreg s20  }
0x18: {  	s6 =	sadd.s32 $0x26480, s5;
	s7 =	sadd.s32 $0x27D00, s5;
	[dreg:$0xe] =	wrdreg s21  }
0x19: {  	s8 =	sadd.s32 $0x29580, s5;
	s9 =	sadd.s32 $0x2AE00, s5;
	[dreg:$0xf] =	wrdreg s22  }
0x1a: {  	s10 =	sadd.s32 $0x2C680, s5;
	s11 =	sadd.s32 $0x2DF00, s5;
	[dreg:$0x10] =	wrdreg s23  }
0x1b: {  	s12 =	sadd.s32 $0x2F780, s5;
	[dreg:$0x11] =	wrdreg s24;
	s23 =	sadd.s32 s1, s13  }
0x1c: {  	s24 =	sadd.s32 $0x16F80, s5;
	s1 =	sadd.s32 $0x20280, s5;
	s13 =	simm.s32 $0x1  }
0x1d: {  	s14 =	simm.s32 $0xCA80;
	s15 =	simm.s32 $0x2;
	s16 =	simm.s32 $0x0  }
.LBB2_1:
0x1e: {  	s17 =	rddreg [dreg:$0x2];
	s18 =	simm.s32 $0xE300  }
0x1f: {  	[tilespmem:s18], [sflag:$0x1] =	stream.linear.gather [hbm4b:s17+s2], $0x80, $0x38;
	[tilespmem:$0xE380] =	vst v63  }
0x20: {  	s21 =	rddreg [dreg:$0x3];
	s17 =	simm.s32 $0xC400  }
0x21: {  	[tilespmem:s17], [sflag:$0x1] =	stream.linear.gather [hbm4b:s21+s2], $0x620, $0x38;
	[tilespmem:$0xE380] =	vst v63  }
0x22: {  	_ = 	snop  }
0x23: {  	[tilespmem:s2], [sflag:$0x1] =	stream.linear.gather [hbm4b:s5+s2], $0x620, $0x38;
	[tilespmem:$0xE380] =	vst v63  }
0x24: {  	s22 =	rddreg [dreg:$0x4];
	s19 =	simm.s32 $0x620  }
0x25: {  	[tilespmem:s19], [sflag:$0x1] =	stream.linear.gather [hbm4b:s22+s2], $0x620, $0x38;
	[tilespmem:$0xE380] =	vst v63  }
0x26: {  	s20 =	simm.s32 $0xC40;
	s19 =	rddreg [dreg:$0x5]  }
0x27: {  	[tilespmem:s20], [sflag:$0x1] =	stream.linear.gather [hbm4b:s19+s2], $0x620, $0x38;
	[tilespmem:$0xE380] =	vst v63  }
0x28: {  	s21 =	rddreg [dreg:$0x6];
	s22 =	simm.s32 $0x1260  }
0x29: {  	[tilespmem:s22], [sflag:$0x1] =	stream.linear.gather [hbm4b:s21+s2], $0x620, $0x38;
	[tilespmem:$0xE380] =	vst v63  }
0x2a: {  	s19 =	rddreg [dreg:$0x7];
	s20 =	simm.s32 $0x1880  }
0x2b: {  	[tilespmem:s20], [sflag:$0x1] =	stream.linear.gather [hbm4b:s19+s2], $0x620, $0x38;
	[tilespmem:$0xE380] =	vst v63  }
0x2c: {  	s18 =	simm.s32 $0x1EA0;
	s21 =	rddreg [dreg:$0x8]  }
0x2d: {  	[tilespmem:s18], [sflag:$0x1] =	stream.linear.gather [hbm4b:s21+s2], $0x620, $0x38;
	[tilespmem:$0xE380] =	vst v63  }
0x2e: {  	s22 =	rddreg [dreg:$0x9];
	s20 =	simm.s32 $0x24C0  }
0x2f: {  	[tilespmem:s20], [sflag:$0x1] =	stream.linear.gather [hbm4b:s22+s2], $0x620, $0x38;
	[tilespmem:$0xE380] =	vst v63  }
0x30: {  	s21 =	rddreg [dreg:$0xa];
	s22 =	simm.s32 $0x2AE0  }
0x31: {  	[tilespmem:s22], [sflag:$0x1] =	stream.linear.gather [hbm4b:s21+s2], $0x620, $0x38;
	[tilespmem:$0xE380] =	vst v63  }
0x32: {  	s21 =	rddreg [dreg:$0xb];
	s22 =	simm.s32 $0x3100  }
0x33: {  	[tilespmem:s22], [sflag:$0x1] =	stream.linear.gather [hbm4b:s21+s2], $0x620, $0x38;
	[tilespmem:$0xE380] =	vst v63  }
0x34: {  	s21 =	rddreg [dreg:$0xc];
	s22 =	simm.s32 $0x3720  }
0x35: {  	[tilespmem:s22], [sflag:$0x1] =	stream.linear.gather [hbm4b:s21+s2], $0x620, $0x38;
	[tilespmem:$0xE380] =	vst v63  }
0x36: {  	s21 =	rddreg [dreg:$0xd];
	s22 =	simm.s32 $0x3D40  }
0x37: {  	[tilespmem:s22], [sflag:$0x1] =	stream.linear.gather [hbm4b:s21+s2], $0x620, $0x38;
	[tilespmem:$0xE380] =	vst v63  }
0x38: {  	s21 =	rddreg [dreg:$0xe];
	s22 =	simm.s32 $0x4360  }
0x39: {  	[tilespmem:s22], [sflag:$0x1] =	stream.linear.gather [hbm4b:s21+s2], $0x620, $0x38;
	[tilespmem:$0xE380] =	vst v63  }
0x3a: {  	s21 =	rddreg [dreg:$0xf];
	s22 =	simm.s32 $0x4980  }
0x3b: {  	[tilespmem:s22], [sflag:$0x1] =	stream.linear.gather [hbm4b:s21+s2], $0x620, $0x38;
	[tilespmem:$0xE380] =	vst v63  }
0x3c: {  	s21 =	rddreg [dreg:$0x10];
	s22 =	simm.s32 $0x4FA0  }
0x3d: {  	[tilespmem:s22], [sflag:$0x1] =	stream.linear.gather [hbm4b:s21+s2], $0x620, $0x38;
	[tilespmem:$0xE380] =	vst v63  }
0x3e: {  	s21 =	rddreg [dreg:$0x11];
	s22 =	simm.s32 $0x55C0  }
0x3f: {  	[tilespmem:s22], [sflag:$0x1] =	stream.linear.gather [hbm4b:s21+s2], $0x620, $0x38;
	[tilespmem:$0xE380] =	vst v63  }
0x40: {  	s20 =	simm.s32 $0x5BE0  }
0x41: {  	[tilespmem:s20], [sflag:$0x1] =	stream.linear.gather [hbm4b:s24+s2], $0x620, $0x38;
	[tilespmem:$0xE380] =	vst v63  }
0x42: {  	s21 =	simm.s32 $0x6200  }
0x43: {  	[tilespmem:s21], [sflag:$0x1] =	stream.linear.gather [hbm4b:s26+s2], $0x620, $0x38;
	[tilespmem:$0xE380] =	vst v63  }
0x44: {  	s22 =	simm.s32 $0x6820  }
0x45: {  	[tilespmem:s22], [sflag:$0x1] =	stream.linear.gather [hbm4b:s28+s2], $0x620, $0x38;
	[tilespmem:$0xE380] =	vst v63  }
0x46: {  	s20 =	simm.s32 $0x6E40  }
0x47: {  	[tilespmem:s20], [sflag:$0x1] =	stream.linear.gather [hbm4b:s29+s2], $0x620, $0x38;
	[tilespmem:$0xE380] =	vst v63  }
0x48: {  	s21 =	simm.s32 $0x7460  }
0x49: {  	[tilespmem:s21], [sflag:$0x1] =	stream.linear.gather [hbm4b:s30+s2], $0x620, $0x38;
	[tilespmem:$0xE380] =	vst v63  }
0x4a: {  	s22 =	simm.s32 $0x7A80  }
0x4b: {  	[tilespmem:s22], [sflag:$0x1] =	stream.linear.gather [hbm4b:s31+s2], $0x620, $0x38;
	[tilespmem:$0xE380] =	vst v63  }
0x4c: {  	s20 =	simm.s32 $0x80A0  }
0x4d: {  	[tilespmem:s20], [sflag:$0x1] =	stream.linear.gather [hbm4b:s1+s2], $0x620, $0x38;
	[tilespmem:$0xE380] =	vst v63  }
0x4e: {  	s21 =	simm.s32 $0x86C0  }
0x4f: {  	[tilespmem:s21], [sflag:$0x1] =	stream.linear.gather [hbm4b:s0+s2], $0x620, $0x38;
	[tilespmem:$0xE380] =	vst v63  }
0x50: {  	s22 =	simm.s32 $0x8CE0  }
0x51: {  	[tilespmem:s22], [sflag:$0x1] =	stream.linear.gather [hbm4b:s3+s2], $0x620, $0x38;
	[tilespmem:$0xE380] =	vst v63  }
0x52: {  	s20 =	simm.s32 $0x9300  }
0x53: {  	[tilespmem:s20], [sflag:$0x1] =	stream.linear.gather [hbm4b:s4+s2], $0x620, $0x38;
	[tilespmem:$0xE380] =	vst v63  }
0x54: {  	s21 =	simm.s32 $0x9920  }
0x55: {  	[tilespmem:s21], [sflag:$0x1] =	stream.linear.gather [hbm4b:s6+s2], $0x620, $0x38;
	[tilespmem:$0xE380] =	vst v63  }
0x56: {  	s22 =	simm.s32 $0x9F40  }
0x57: {  	[tilespmem:s22], [sflag:$0x1] =	stream.linear.gather [hbm4b:s7+s2], $0x620, $0x38;
	[tilespmem:$0xE380] =	vst v63  }
0x58: {  	s20 =	simm.s32 $0xA560  }
0x59: {  	[tilespmem:s20], [sflag:$0x1] =	stream.linear.gather [hbm4b:s8+s2], $0x620, $0x38;
	[tilespmem:$0xE380] =	vst v63  }
0x5a: {  	s21 =	simm.s32 $0xAB80  }
0x5b: {  	[tilespmem:s21], [sflag:$0x1] =	stream.linear.gather [hbm4b:s9+s2], $0x620, $0x38;
	[tilespmem:$0xE380] =	vst v63  }
0x5c: {  	s22 =	simm.s32 $0xB1A0  }
0x5d: {  	[tilespmem:s22], [sflag:$0x1] =	stream.linear.gather [hbm4b:s10+s2], $0x620, $0x38;
	[tilespmem:$0xE380] =	vst v63  }
0x5e: {  	s20 =	simm.s32 $0xB7C0  }
0x5f: {  	[tilespmem:s20], [sflag:$0x1] =	stream.linear.gather [hbm4b:s11+s2], $0x620, $0x38;
	[tilespmem:$0xE380] =	vst v63  }
0x60: {  	s21 =	simm.s32 $0xBDE0  }
0x61: {  	[tilespmem:s21], [sflag:$0x1] =	stream.linear.gather [hbm4b:s12+s2], $0x620, $0x38;
	[tilespmem:$0xE380] =	vst v63  }
0x62: {  	_ =	swait.ge [sflag:s13], $0x80  }
0x63: {  	[sflag:s13] =	ssyncset.done $0x0  }
0x64: {  	[sflag:s13] =	ssyncadd.s32 $0xFFFFFF80  }
0x65: {  	_ =	swait.ge [sflag:s13], $0x620  }
0x66: {  	[sflag:s13] =	ssyncset.done $0x0  }
0x67: {  	[sflag:s13] =	ssyncadd.s32 $0xFFFFF9E0  }
0x68: {  	_ =	swait.ge [sflag:s13], $0x620  }
0x69: {  	[sflag:s13] =	ssyncset.done $0x0  }
0x6a: {  	[sflag:s13] =	ssyncadd.s32 $0xFFFFF9E0  }
0x6b: {  	_ =	swait.ge [sflag:s13], $0x620  }
0x6c: {  	[sflag:s13] =	ssyncset.done $0x0  }
0x6d: {  	[sflag:s13] =	ssyncadd.s32 $0xFFFFF9E0  }
0x6e: {  	_ =	swait.ge [sflag:s13], $0x620  }
0x6f: {  	[sflag:s13] =	ssyncset.done $0x0  }
0x70: {  	[sflag:s13] =	ssyncadd.s32 $0xFFFFF9E0  }
0x71: {  	_ =	swait.ge [sflag:s13], $0x620  }
0x72: {  	[sflag:s13] =	ssyncset.done $0x0  }
0x73: {  	[sflag:s13] =	ssyncadd.s32 $0xFFFFF9E0  }
0x74: {  	_ =	swait.ge [sflag:s13], $0x620  }
0x75: {  	[sflag:s13] =	ssyncset.done $0x0  }
0x76: {  	[sflag:s13] =	ssyncadd.s32 $0xFFFFF9E0  }
0x77: {  	_ =	swait.ge [sflag:s13], $0x620  }
0x78: {  	[sflag:s13] =	ssyncset.done $0x0  }
0x79: {  	[sflag:s13] =	ssyncadd.s32 $0xFFFFF9E0  }
0x7a: {  	_ =	swait.ge [sflag:s13], $0x620  }
0x7b: {  	[sflag:s13] =	ssyncset.done $0x0  }
0x7c: {  	[sflag:s13] =	ssyncadd.s32 $0xFFFFF9E0  }
0x7d: {  	_ =	swait.ge [sflag:s13], $0x620  }
0x7e: {  	[sflag:s13] =	ssyncset.done $0x0  }
0x7f: {  	[sflag:s13] =	ssyncadd.s32 $0xFFFFF9E0  }
0x80: {  	_ =	swait.ge [sflag:s13], $0x620  }
0x81: {  	[sflag:s13] =	ssyncset.done $0x0  }
0x82: {  	[sflag:s13] =	ssyncadd.s32 $0xFFFFF9E0  }
0x83: {  	_ =	swait.ge [sflag:s13], $0x620  }
0x84: {  	[sflag:s13] =	ssyncset.done $0x0  }
0x85: {  	[sflag:s13] =	ssyncadd.s32 $0xFFFFF9E0  }
0x86: {  	_ =	swait.ge [sflag:s13], $0x620  }
0x87: {  	[sflag:s13] =	ssyncset.done $0x0  }
0x88: {  	[sflag:s13] =	ssyncadd.s32 $0xFFFFF9E0  }
0x89: {  	_ =	swait.ge [sflag:s13], $0x620  }
0x8a: {  	[sflag:s13] =	ssyncset.done $0x0  }
0x8b: {  	[sflag:s13] =	ssyncadd.s32 $0xFFFFF9E0  }
0x8c: {  	_ =	swait.ge [sflag:s13], $0x620  }
0x8d: {  	[sflag:s13] =	ssyncset.done $0x0  }
0x8e: {  	[sflag:s13] =	ssyncadd.s32 $0xFFFFF9E0  }
0x8f: {  	_ =	swait.ge [sflag:s13], $0x620  }
0x90: {  	[sflag:s13] =	ssyncset.done $0x0  }
0x91: {  	[sflag:s13] =	ssyncadd.s32 $0xFFFFF9E0  }
0x92: {  	_ =	swait.ge [sflag:s13], $0x620  }
0x93: {  	[sflag:s13] =	ssyncset.done $0x0  }
0x94: {  	[sflag:s13] =	ssyncadd.s32 $0xFFFFF9E0  }
0x95: {  	_ =	swait.ge [sflag:s13], $0x620  }
0x96: {  	[sflag:s13] =	ssyncset.done $0x0  }
0x97: {  	[sflag:s13] =	ssyncadd.s32 $0xFFFFF9E0  }
0x98: {  	_ =	swait.ge [sflag:s13], $0x620  }
0x99: {  	[sflag:s13] =	ssyncset.done $0x0  }
0x9a: {  	[sflag:s13] =	ssyncadd.s32 $0xFFFFF9E0  }
0x9b: {  	_ =	swait.ge [sflag:s13], $0x620  }
0x9c: {  	[sflag:s13] =	ssyncset.done $0x0  }
0x9d: {  	[sflag:s13] =	ssyncadd.s32 $0xFFFFF9E0  }
0x9e: {  	_ =	swait.ge [sflag:s13], $0x620  }
0x9f: {  	[sflag:s13] =	ssyncset.done $0x0  }
0xa0: {  	[sflag:s13] =	ssyncadd.s32 $0xFFFFF9E0  }
0xa1: {  	_ =	swait.ge [sflag:s13], $0x620  }
0xa2: {  	[sflag:s13] =	ssyncset.done $0x0  }
0xa3: {  	[sflag:s13] =	ssyncadd.s32 $0xFFFFF9E0  }
0xa4: {  	_ =	swait.ge [sflag:s13], $0x620  }
0xa5: {  	[sflag:s13] =	ssyncset.done $0x0  }
0xa6: {  	[sflag:s13] =	ssyncadd.s32 $0xFFFFF9E0  }
0xa7: {  	_ =	swait.ge [sflag:s13], $0x620  }
0xa8: {  	[sflag:s13] =	ssyncset.done $0x0  }
0xa9: {  	[sflag:s13] =	ssyncadd.s32 $0xFFFFF9E0  }
0xaa: {  	_ =	swait.ge [sflag:s13], $0x620  }
0xab: {  	[sflag:s13] =	ssyncset.done $0x0  }
0xac: {  	[sflag:s13] =	ssyncadd.s32 $0xFFFFF9E0  }
0xad: {  	_ =	swait.ge [sflag:s13], $0x620  }
0xae: {  	[sflag:s13] =	ssyncset.done $0x0  }
0xaf: {  	[sflag:s13] =	ssyncadd.s32 $0xFFFFF9E0  }
0xb0: {  	_ =	swait.ge [sflag:s13], $0x620  }
0xb1: {  	[sflag:s13] =	ssyncset.done $0x0  }
0xb2: {  	[sflag:s13] =	ssyncadd.s32 $0xFFFFF9E0  }
0xb3: {  	_ =	swait.ge [sflag:s13], $0x620  }
0xb4: {  	[sflag:s13] =	ssyncset.done $0x0  }
0xb5: {  	[sflag:s13] =	ssyncadd.s32 $0xFFFFF9E0  }
0xb6: {  	_ =	swait.ge [sflag:s13], $0x620  }
0xb7: {  	[sflag:s13] =	ssyncset.done $0x0  }
0xb8: {  	[sflag:s13] =	ssyncadd.s32 $0xFFFFF9E0  }
0xb9: {  	_ =	swait.ge [sflag:s13], $0x620  }
0xba: {  	[sflag:s13] =	ssyncset.done $0x0  }
0xbb: {  	[sflag:s13] =	ssyncadd.s32 $0xFFFFF9E0  }
0xbc: {  	_ =	swait.ge [sflag:s13], $0x620  }
0xbd: {  	[sflag:s13] =	ssyncset.done $0x0  }
0xbe: {  	[sflag:s13] =	ssyncadd.s32 $0xFFFFF9E0  }
0xbf: {  	_ =	swait.ge [sflag:s13], $0x620  }
0xc0: {  	[sflag:s13] =	ssyncset.done $0x0  }
0xc1: {  	[sflag:s13] =	ssyncadd.s32 $0xFFFFF9E0  }
0xc2: {  	_ =	swait.ge [sflag:s13], $0x620  }
0xc3: {  	[sflag:s13] =	ssyncset.done $0x0  }
0xc4: {  	[sflag:s13] =	ssyncadd.s32 $0xFFFFF9E0  }
0xc5: {  	_ =	swait.ge [sflag:s13], $0x620  }
0xc6: {  	[sflag:s13] =	ssyncset.done $0x0  }
0xc7: {  	[sflag:s13] =	ssyncadd.s32 $0xFFFFF9E0  }
0xc8: {  	v0 =	vld [tilespmem:s18+$0xFFFFE160];
	_ =	sdelay $0x1  }
0xc9: {  	v1 =	vld [tilespmem:s18+$0xFFFFE780];
	_ =	sdelay $0x1  }
0xca: {  	v2 =	vld [tilespmem:s18+$0xFFFFEDA0]  }
0xcb: {  	v0 =	vadd.f32 $0.0e+00, v0  }
0xcc: {  	v3 =	vld [tilespmem:s18+$0xFFFFF3C0]  }
0xcd: {  	s22 =	sand.u32 $0x7F0, s2;
	v0 =	vadd.f32 v1, v0  }
0xce: {  	v1 =	vld [tilespmem:s22+$0x1880]  }
0xcf: {  	v2 =	vadd.f32 v2, v0  }
0xd0: {  	v4 =	vld [tilespmem:s18+$0x0]  }
0xd1: {  	v5 =	vld [tilespmem:s17+$0x0];
	v2 =	vadd.f32 v3, v2  }
0xd2: {  	v3 =	vld [tilespmem:s18+$0x620]  }
0xd3: {  	v0 =	vld [tilespmem:$0xE300];
	v1 =	vadd.f32 v1, v2  }
0xd4: {  	v2 =	vld [tilespmem:s18+$0xC40]  }
0xd5: {  	v1 =	vadd.f32 v4, v1;
	_ =	sdelay $0x1  }
0xd6: {  	v3 =	vadd.f32 v3, v1  }
0xd7: {  	v1 =	vld [tilespmem:$0xE340]  }
0xd8: {  	v2 =	vadd.f32 v2, v3;
	v3 =	vmul.f32 v5, v0;
	_ =	sdelay $0x1  }
0xd9: {  	v2 =	vadd.f32 v3, v2;
	_ =	sdelay $0x1  }
0xda: {  	v2 =	vadd.f32 v2, v1;
	_ =	sdelay $0x1  }
0xdb: {  	v2 =	vmax.f32 v2, $0.0e+00  }
0xdc: {  	s19 =	simm.s32 $0x1EB0;
	[tilespmem:s14+$0x0] =	vst v2  }
0xdd: {  	s20 =	simm.s32 $0x10;
	s21 =	simm.s32 $0x20;
	s18 =	simm.s32 $0xCA80;
	v2 =	vld [tilespmem:s19+$0xFFFFE160]  }
.LBB2_2:
0xde: {  	p0 =	sne.s32 s21, $0x610  }
0xdf: {  	v3 =	vld [tilespmem:s19+$0xFFFFE780];
	_ =	sdelay $0x1  }
0xe0: {  	v4 =	vld [tilespmem:s19+$0xFFFFEDA0]  }
0xe1: {  	v2 =	vadd.f32 $0.0e+00, v2  }
0xe2: {  	v5 =	vld [tilespmem:s19+$0xFFFFF3C0]  }
0xe3: {  	s22 =	sand.u32 $0x7F0, s20;
	s20 =	smov.u32 s21;
	v2 =	vadd.f32 v3, v2  }
0xe4: {  	v3 =	vld [tilespmem:s22+$0x1880]  }
0xe5: {  	v2 =	vadd.f32 v4, v2  }
0xe6: {  	v4 =	vld [tilespmem:s19+$0x0]  }
0xe7: {  	v2 =	vadd.f32 v5, v2  }
0xe8: {  	v5 =	vld [tilespmem:s19+$0x620]  }
0xe9: {  	s17 =	sadd.s32 $0x10, s17;
	v2 =	vadd.f32 v3, v2;
	v3 =	vld [tilespmem:s19+$0xC40]  }
0xea: {  	v6 =	vld [tilespmem:s17+$0x0]  }
0xeb: {  	v2 =	vadd.f32 v4, v2;
	_ =	sdelay $0x1  }
0xec: {  	v2 =	vadd.f32 v5, v2;
	_ =	sdelay $0x1  }
0xed: {  	v2 =	vadd.f32 v3, v2;
	v3 =	vmul.f32 v6, v0;
	_ =	sdelay $0x1  }
0xee: {  	v2 =	vadd.f32 v3, v2;
	_ =	sdelay $0x1  }
.Ltmp0:
0xef: {  	v2 =	vadd.f32 v2, v1;
	(pc) =	sbr.rel @p0 .LBB2_2-.Ltmp0, $4  }
0xf0: {  	_ = 	snop  }
0xf1: {  	s18 =	sadd.s32 $0x10, s18;
	v2 =	vmax.f32 v2, $0.0e+00  }
0xf2: {  	s19 =	sadd.s32 $0x10, s19;
	[tilespmem:s18+$0x0] =	vst v2  }
0xf3: {  	s21 =	sadd.s32 $0x10, s21;
	v2 =	vld [tilespmem:s19+$0xFFFFE160]  }
0xf4: {  	_ = 	snop  }
0xf5: {  	v3 =	vld [tilespmem:s19+$0xFFFFE780];
	_ =	sdelay $0x1  }
0xf6: {  	v4 =	vld [tilespmem:s19+$0xFFFFEDA0]  }
0xf7: {  	v2 =	vadd.f32 $0.0e+00, v2  }
0xf8: {  	v5 =	vld [tilespmem:s19+$0xFFFFF3C0]  }
0xf9: {  	s20 =	sand.u32 $0x7F0, s20;
	v2 =	vadd.f32 v3, v2  }
0xfa: {  	v3 =	vld [tilespmem:s20+$0x1880]  }
0xfb: {  	v2 =	vadd.f32 v4, v2  }
0xfc: {  	v62 =	vld [tilespmem:s19+$0x0]  }
0xfd: {  	v2 =	vadd.f32 v5, v2  }
0xfe: {  	v63 =	vld [tilespmem:s19+$0x620];
	s17 =	sadd.s32 $0x10, s17  }
0xff: {  	v6 =	vld [tilespmem:s17+$0x0];
	v2 =	vadd.f32 v3, v2  }
0x100: {  	v3 =	vld [tilespmem:s19+$0xC40]  }
0x101: {  	v2 =	vadd.f32 v62, v2;
	_ =	sdelay $0x1  }
0x102: {  	v2 =	vadd.f32 v63, v2;
	_ =	sdelay $0x1  }
0x103: {  	v0 =	vmul.f32 v6, v0;
	v2 =	vadd.f32 v3, v2;
	_ =	sdelay $0x1  }
0x104: {  	v0 =	vadd.f32 v0, v2;
	_ =	sdelay $0x1  }
0x105: {  	v0 =	vadd.f32 v0, v1;
	_ =	sdelay $0x1  }
0x106: {  	s21 =	sadd.s32 $0x10, s18;
	v0 =	vmax.f32 v0, $0.0e+00  }
0x107: {  	s22 =	rddreg [dreg:$0x12];
	s17 =	simm.s32 $0x0;
	[tilespmem:s21+$0x0] =	vst v0  }
0x108: {  	[hbm4b:s22+s17] =	stream.linear.scatter [tilespmem:s14], [sflag:$0x2], $0x620, $0x38;
	[tilespmem:$0xE380] =	vst v63  }
0x109: {  	_ =	swait.ge [sflag:s15], $0x620  }
0x10a: {  	[sflag:s15] =	ssyncset.done $0x0  }
0x10b: {  	[sflag:s15] =	ssyncadd.s32 $0xFFFFF9E0  }
0x10c: {  	v1 =	vld [tilespmem:$0xE310]  }
0x10d: {  	s18 =	simm.s32 $0x40;
	s20 =	sand.u32 $0x7F0, s17;
	s19 =	simm.s32 $0x0;
	v0 =	vld [tilespmem:$0xE350]  }
.LBB2_4:
0x10e: {  	p0 =	sne.s32 s18, $0x1840;
	v2 =	vld [tilespmem:s20+$0x3100]  }
0x10f: {  	s21 =	sshra.s32 s17, $0x2;
	s17 =	smov.u32 s18  }
0x110: {  	v3 =	vld [tilespmem:s21+$0x3720];
	_ =	sdelay $0x1  }
0x111: {  	v4 =	vld [tilespmem:s21+$0x3D40]  }
0x112: {  	v2 =	vadd.f32 $0.0e+00, v2  }
0x113: {  	v5 =	vld [tilespmem:s21+$0x4360]  }
0x114: {  	v2 =	vadd.f32 v3, v2  }
0x115: {  	v3 =	vld [tilespmem:s20+$0x4980]  }
0x116: {  	v2 =	vadd.f32 v4, v2  }
0x117: {  	v4 =	vld [tilespmem:s21+$0x4FA0]  }
0x118: {  	v2 =	vadd.f32 v5, v2  }
0x119: {  	v5 =	vld [tilespmem:s21+$0x55C0]  }
0x11a: {  	v2 =	vadd.f32 v3, v2;
	v3 =	vld [tilespmem:s21+$0x5BE0]  }
0x11b: {  	v6 =	vld [tilespmem:s21+$0xC400]  }
0x11c: {  	v2 =	vadd.f32 v4, v2;
	_ =	sdelay $0x1  }
0x11d: {  	v2 =	vadd.f32 v5, v2;
	_ =	sdelay $0x1  }
0x11e: {  	v2 =	vadd.f32 v3, v2;
	v3 =	vmul.f32 v6, v1;
	_ =	sdelay $0x1  }
0x11f: {  	v2 =	vadd.f32 v3, v2  }
.Ltmp1:
0x120: {  	(pc) =	sbr.rel @p0 .LBB2_4-.Ltmp1, $3  }
0x121: {  	v2 =	vadd.f32 v2, v0;
	_ =	sdelay $0x1  }
0x122: {  	s19 =	sadd.s32 $0x10, s19;
	v2 =	vmax.f32 v2, $0.0e+00  }
0x123: {  	s18 =	sadd.s32 $0x40, s18;
	s20 =	sand.u32 $0x7F0, s19;
	[tilespmem:s21+$0xD0A0] =	vst v2  }
0x124: {  	v2 =	vld [tilespmem:s20+$0x3100]  }
0x125: {  	s17 =	sshra.s32 s17, $0x2  }
0x126: {  	v3 =	vld [tilespmem:s17+$0x3720];
	_ =	sdelay $0x1  }
0x127: {  	v4 =	vld [tilespmem:s17+$0x3D40]  }
0x128: {  	v2 =	vadd.f32 $0.0e+00, v2  }
0x129: {  	v5 =	vld [tilespmem:s17+$0x4360]  }
0x12a: {  	v2 =	vadd.f32 v3, v2  }
0x12b: {  	v3 =	vld [tilespmem:s20+$0x4980]  }
0x12c: {  	v2 =	vadd.f32 v4, v2  }
0x12d: {  	v62 =	vld [tilespmem:s17+$0x4FA0]  }
0x12e: {  	v2 =	vadd.f32 v5, v2  }
0x12f: {  	v63 =	vld [tilespmem:s17+$0x55C0]  }
0x130: {  	v6 =	vld [tilespmem:s17+$0xC400];
	v2 =	vadd.f32 v3, v2  }
0x131: {  	v3 =	vld [tilespmem:s17+$0x5BE0]  }
0x132: {  	v2 =	vadd.f32 v62, v2;
	_ =	sdelay $0x1  }
0x133: {  	v2 =	vadd.f32 v63, v2;
	_ =	sdelay $0x1  }
0x134: {  	v1 =	vmul.f32 v6, v1;
	v2 =	vadd.f32 v3, v2;
	_ =	sdelay $0x1  }
0x135: {  	v1 =	vadd.f32 v1, v2;
	_ =	sdelay $0x1  }
0x136: {  	v0 =	vadd.f32 v1, v0;
	_ =	sdelay $0x1  }
0x137: {  	v0 =	vmax.f32 v0, $0.0e+00  }
0x138: {  	s18 =	rddreg [dreg:$0x13];
	s19 =	simm.s32 $0xD0A0;
	[tilespmem:s17+$0xD0A0] =	vst v0;
	s17 =	simm.s32 $0x0  }
0x139: {  	[hbm4b:s18+s17] =	stream.linear.scatter [tilespmem:s19], [sflag:$0x2], $0x620, $0x38;
	[tilespmem:$0xE380] =	vst v63  }
0x13a: {  	_ =	swait.ge [sflag:s15], $0x620  }
0x13b: {  	[sflag:s15] =	ssyncset.done $0x0  }
0x13c: {  	[sflag:s15] =	ssyncadd.s32 $0xFFFFF9E0  }
0x13d: {  	v1 =	vld [tilespmem:$0xE320]  }
0x13e: {  	s20 =	sand.u32 $0x7F0, s17;
	s18 =	simm.s32 $0x40;
	s19 =	simm.s32 $0x0;
	v0 =	vld [tilespmem:$0xE360]  }
.LBB2_6:
0x13f: {  	p0 =	sne.s32 s18, $0x1840;
	v2 =	vld [tilespmem:s20+$0x6200]  }
0x140: {  	s21 =	sshra.s32 s17, $0x2;
	s17 =	smov.u32 s18  }
0x141: {  	v3 =	vld [tilespmem:s21+$0x6820];
	_ =	sdelay $0x1  }
0x142: {  	v4 =	vld [tilespmem:s21+$0x6E40]  }
0x143: {  	v2 =	vadd.f32 $0.0e+00, v2  }
0x144: {  	v5 =	vld [tilespmem:s21+$0x7460]  }
0x145: {  	v2 =	vadd.f32 v3, v2  }
0x146: {  	v3 =	vld [tilespmem:s20+$0x7A80]  }
0x147: {  	v2 =	vadd.f32 v4, v2  }
0x148: {  	v4 =	vld [tilespmem:s21+$0x80A0]  }
0x149: {  	v2 =	vadd.f32 v5, v2  }
0x14a: {  	v5 =	vld [tilespmem:s21+$0x86C0]  }
0x14b: {  	v2 =	vadd.f32 v3, v2;
	v3 =	vld [tilespmem:s21+$0x8CE0]  }
0x14c: {  	v6 =	vld [tilespmem:s21+$0xC400]  }
0x14d: {  	v2 =	vadd.f32 v4, v2;
	_ =	sdelay $0x1  }
0x14e: {  	v2 =	vadd.f32 v5, v2;
	_ =	sdelay $0x1  }
0x14f: {  	v2 =	vadd.f32 v3, v2;
	v3 =	vmul.f32 v6, v1;
	_ =	sdelay $0x1  }
0x150: {  	v2 =	vadd.f32 v3, v2  }
.Ltmp2:
0x151: {  	(pc) =	sbr.rel @p0 .LBB2_6-.Ltmp2, $3  }
0x152: {  	v2 =	vadd.f32 v2, v0;
	_ =	sdelay $0x1  }
0x153: {  	s19 =	sadd.s32 $0x10, s19;
	v2 =	vmax.f32 v2, $0.0e+00  }
0x154: {  	s18 =	sadd.s32 $0x40, s18;
	s20 =	sand.u32 $0x7F0, s19;
	[tilespmem:s21+$0xD6C0] =	vst v2  }
0x155: {  	v2 =	vld [tilespmem:s20+$0x6200]  }
0x156: {  	s17 =	sshra.s32 s17, $0x2  }
0x157: {  	v3 =	vld [tilespmem:s17+$0x6820];
	_ =	sdelay $0x1  }
0x158: {  	v4 =	vld [tilespmem:s17+$0x6E40]  }
0x159: {  	v2 =	vadd.f32 $0.0e+00, v2  }
0x15a: {  	v5 =	vld [tilespmem:s17+$0x7460]  }
0x15b: {  	v2 =	vadd.f32 v3, v2  }
0x15c: {  	v3 =	vld [tilespmem:s20+$0x7A80]  }
0x15d: {  	v2 =	vadd.f32 v4, v2  }
0x15e: {  	v62 =	vld [tilespmem:s17+$0x80A0]  }
0x15f: {  	v2 =	vadd.f32 v5, v2  }
0x160: {  	v63 =	vld [tilespmem:s17+$0x86C0]  }
0x161: {  	v6 =	vld [tilespmem:s17+$0xC400];
	v2 =	vadd.f32 v3, v2  }
0x162: {  	v3 =	vld [tilespmem:s17+$0x8CE0]  }
0x163: {  	v2 =	vadd.f32 v62, v2;
	_ =	sdelay $0x1  }
0x164: {  	v2 =	vadd.f32 v63, v2;
	_ =	sdelay $0x1  }
0x165: {  	v1 =	vmul.f32 v6, v1;
	v2 =	vadd.f32 v3, v2;
	_ =	sdelay $0x1  }
0x166: {  	v1 =	vadd.f32 v1, v2;
	_ =	sdelay $0x1  }
0x167: {  	v0 =	vadd.f32 v1, v0;
	_ =	sdelay $0x1  }
0x168: {  	v0 =	vmax.f32 v0, $0.0e+00  }
0x169: {  	s18 =	rddreg [dreg:$0x14];
	s19 =	simm.s32 $0xD6C0;
	[tilespmem:s17+$0xD6C0] =	vst v0;
	s17 =	simm.s32 $0x0  }
0x16a: {  	[hbm4b:s18+s17] =	stream.linear.scatter [tilespmem:s19], [sflag:$0x2], $0x620, $0x38;
	[tilespmem:$0xE380] =	vst v63  }
0x16b: {  	_ =	swait.ge [sflag:s15], $0x620  }
0x16c: {  	[sflag:s15] =	ssyncset.done $0x0  }
0x16d: {  	[sflag:s15] =	ssyncadd.s32 $0xFFFFF9E0  }
0x16e: {  	v1 =	vld [tilespmem:$0xE330]  }
0x16f: {  	s20 =	sand.u32 $0x7F0, s17;
	s18 =	simm.s32 $0x40;
	s19 =	simm.s32 $0x0;
	v0 =	vld [tilespmem:$0xE370]  }
.LBB2_8:
0x170: {  	p0 =	sne.s32 s18, $0x1840;
	v2 =	vld [tilespmem:s20+$0x9300]  }
0x171: {  	s21 =	sshra.s32 s17, $0x2;
	s17 =	smov.u32 s18  }
0x172: {  	v3 =	vld [tilespmem:s21+$0x9920];
	_ =	sdelay $0x1  }
0x173: {  	v4 =	vld [tilespmem:s21+$0x9F40]  }
0x174: {  	v2 =	vadd.f32 $0.0e+00, v2  }
0x175: {  	v5 =	vld [tilespmem:s21+$0xA560]  }
0x176: {  	v2 =	vadd.f32 v3, v2  }
0x177: {  	v3 =	vld [tilespmem:s20+$0xAB80]  }
0x178: {  	v2 =	vadd.f32 v4, v2  }
0x179: {  	v4 =	vld [tilespmem:s21+$0xB1A0]  }
0x17a: {  	v2 =	vadd.f32 v5, v2  }
0x17b: {  	v5 =	vld [tilespmem:s21+$0xB7C0]  }
0x17c: {  	v2 =	vadd.f32 v3, v2;
	v3 =	vld [tilespmem:s21+$0xBDE0]  }
0x17d: {  	v6 =	vld [tilespmem:s21+$0xC400]  }
0x17e: {  	v2 =	vadd.f32 v4, v2;
	_ =	sdelay $0x1  }
0x17f: {  	v2 =	vadd.f32 v5, v2;
	_ =	sdelay $0x1  }
0x180: {  	v2 =	vadd.f32 v3, v2;
	v3 =	vmul.f32 v6, v1;
	_ =	sdelay $0x1  }
0x181: {  	v2 =	vadd.f32 v3, v2  }
.Ltmp3:
0x182: {  	(pc) =	sbr.rel @p0 .LBB2_8-.Ltmp3, $3  }
0x183: {  	v2 =	vadd.f32 v2, v0;
	_ =	sdelay $0x1  }
0x184: {  	s19 =	sadd.s32 $0x10, s19;
	v2 =	vmax.f32 v2, $0.0e+00  }
0x185: {  	s18 =	sadd.s32 $0x40, s18;
	s20 =	sand.u32 $0x7F0, s19;
	[tilespmem:s21+$0xDCE0] =	vst v2  }
0x186: {  	v2 =	vld [tilespmem:s20+$0x9300]  }
0x187: {  	s17 =	sshra.s32 s17, $0x2  }
0x188: {  	v3 =	vld [tilespmem:s17+$0x9920];
	_ =	sdelay $0x1  }
0x189: {  	v4 =	vld [tilespmem:s17+$0x9F40]  }
0x18a: {  	v2 =	vadd.f32 $0.0e+00, v2  }
0x18b: {  	v5 =	vld [tilespmem:s17+$0xA560]  }
0x18c: {  	v2 =	vadd.f32 v3, v2  }
0x18d: {  	v60 =	vld [tilespmem:s20+$0xAB80]  }
0x18e: {  	v2 =	vadd.f32 v4, v2  }
0x18f: {  	v61 =	vld [tilespmem:s17+$0xB1A0]  }
0x190: {  	v2 =	vadd.f32 v5, v2  }
0x191: {  	v62 =	vld [tilespmem:s17+$0xB7C0]  }
0x192: {  	v63 =	vld [tilespmem:s17+$0xBDE0];
	v2 =	vadd.f32 v60, v2  }
0x193: {  	v6 =	vld [tilespmem:s17+$0xC400]  }
0x194: {  	v2 =	vadd.f32 v61, v2;
	_ =	sdelay $0x1  }
0x195: {  	v2 =	vadd.f32 v62, v2;
	_ =	sdelay $0x1  }
0x196: {  	v1 =	vmul.f32 v6, v1;
	v2 =	vadd.f32 v63, v2;
	_ =	sdelay $0x1  }
0x197: {  	v1 =	vadd.f32 v1, v2;
	_ =	sdelay $0x1  }
0x198: {  	v0 =	vadd.f32 v1, v0  }
0x199: {  	s16 =	sadd.s32 $0x1, s16  }
0x19a: {  	p0 =	sne.s32 s16, s25;
	v0 =	vmax.f32 v0, $0.0e+00  }
.Ltmp4:
0x19b: {  	s22 =	simm.s32 $0xDCE0;
	[tilespmem:s17+$0xDCE0] =	vst v0;
	(pc) =	sbr.rel @p0 .LBB2_1-.Ltmp4, $4  }
0x19c: {  	[hbm4b:s23+s2] =	stream.linear.scatter [tilespmem:s22], [sflag:$0x2], $0x620, $0x38;
	[tilespmem:$0xE380] =	vst v63  }
0x19d: {  	_ =	swait.ge [sflag:s15], $0x620  }
0x19e: {  	[sflag:s15] =	ssyncset.done $0x0  }
0x19f: {  	[sflag:s15] =	ssyncadd.s32 $0xFFFFF9E0  }
0x1a0: {  	_ =	sfence.sel $0x180000  }
0x1a1: {  	[bflag:$0x0] =	sbarrier.arrive $0xFFFF  }
0x1a2: {  	_ =	strace $0x9000004A  }
0x1a3: {  	s0 =	stileid.u32;
	[bflag:$0x2] =	sbarrier.arrive $0xFFFF  }
0x1a4: {  	p0 =	sne.s32 s0, $0x0;
	s0 =	rddreg [dreg:$0x1]  }
0x1a5: {  	s0 =	sadd.s32 @!p0 $0x100000, s0  }
0x1a6: {  	[sflag:s0] =	ssyncadd.tile.s32 @!p0 $0x1;
	_ =	shalt  }
.Lfunc_end2:
_tile_overlayer_lowered:
.L_overlay_start_2:
0x1a7: {  	(tag) =	ssettag $0x2  }
0x1a8: {  	s0 =	rddreg [dreg:$0x0];
	s2 =	stileid.u32  }
0x1a9: {  	s1 =	rddreg [dreg:$0x1];
	p0 =	sne.s32 s2, $0x0  }
0x1aa: {  	s3 =	rddreg [dreg:$0x2];
	[bflag:$0x3] =	sbarrier.arrive $0xFFFF;
	s2 =	simm.s32 @!p0 $0x1C02  }
0x1ab: {  	[timem:s3], [sflag:s2] =	dma.local @!p0 [hbm:s0], s1  }
0x1ac: {  	s0 =	simm.s32 @!p0 $0x2  }
0x1ad: {  	_ =	swait.ge @!p0 [sflag:s0], s1  }
0x1ae: {  	s1 =	ssub.s32 @!p0 $0x0, s1;
	[sflag:s0] =	ssyncset.done @!p0 $0x0  }
0x1af: {  	[sflag:s0] =	ssyncadd.s32 @!p0 s1  }
0x1b0: {  	[bflag:$0x3] =	sbarrier.arrive $0xFFFF  }
0x1b1: {  	_ =	shalt  }

</sc_bundles>
